<compile_context>
chip_gen: v7x
topology: tpu7x:2x2x1
jax: 0.10.2.dev20260603
libtpu: 0.0.44.dev20260713+nightly
codegen_flags: <defaults>
</compile_context>

<pallas_src>
import functools

import jax
import jax.numpy as jnp
from jax import lax
from jax.experimental import pallas as pl
from jax.experimental.pallas import tpu as pltpu
from jax.experimental.pallas import tpu_sc as plsc

N = 10000
E = 320000
D = 128
DH = D // 2
NEG_SLOPE = 0.2

NC = 2
NS = 16
CHUNK = 128
NCHUNK = 160
EPW = CHUNK * NCHUNK
E_PAD = NS * EPW
N_PAD = 10240
ROWS_PER_TILE = N_PAD // NS


def _tc_pre(h, W_fc, W_attn):
    BN = 640
    grid = N_PAD // BN

    def body(h_ref, wfc_ref, wa_ref, z_ref, sl_ref, sr_ref):
        z = lax.dot_general(h_ref[...], wfc_ref[...],
                            (((1,), (1,)), ((), ())),
                            preferred_element_type=jnp.float32)
        z_ref[0] = z[:, :DH]
        z_ref[1] = z[:, DH:]
        wa = wa_ref[...]
        sl_ref[...] = lax.dot_general(z, wa[:, :D], (((1,), (1,)), ((), ())),
                                      preferred_element_type=jnp.float32)
        sr_ref[...] = lax.dot_general(z, wa[:, D:], (((1,), (1,)), ((), ())),
                                      preferred_element_type=jnp.float32)

    return pl.pallas_call(
        body,
        grid=(grid,),
        in_specs=[
            pl.BlockSpec((BN, D), lambda i: (i, 0)),
            pl.BlockSpec((D, D), lambda i: (0, 0)),
            pl.BlockSpec((1, 2 * D), lambda i: (0, 0)),
        ],
        out_specs=[
            pl.BlockSpec((NC, BN, DH), lambda i: (0, i, 0)),
            pl.BlockSpec((BN, 1), lambda i: (i, 0)),
            pl.BlockSpec((BN, 1), lambda i: (i, 0)),
        ],
        out_shape=[
            jax.ShapeDtypeStruct((NC, N_PAD, DH), jnp.float32),
            jax.ShapeDtypeStruct((N_PAD, 1), jnp.float32),
            jax.ShapeDtypeStruct((N_PAD, 1), jnp.float32),
        ],
    )(h, W_fc, W_attn)


def _sc_edge_pass(z_cols, sl_p, sr_p, c_arr, src_p, dst_p):
    mesh = plsc.VectorSubcoreMesh(core_axis_name="c", subcore_axis_name="s")

    @functools.partial(
        pl.kernel,
        out_type=[
            jax.ShapeDtypeStruct((NC, N_PAD, DH), jnp.float32),
            jax.ShapeDtypeStruct((NC, N_PAD), jnp.float32),
        ],
        mesh=mesh,
        compiler_params=pltpu.CompilerParams(use_tc_tiling_on_sc=False),
        scratch_types=[
            pltpu.VMEM((2, CHUNK), jnp.int32),
            pltpu.VMEM((2, CHUNK), jnp.int32),
            pltpu.VMEM((2, CHUNK), jnp.int32),
            pltpu.VMEM((2, CHUNK), jnp.float32),
            pltpu.VMEM((2, CHUNK), jnp.float32),
            pltpu.VMEM((2, CHUNK), jnp.float32),
            pltpu.VMEM((CHUNK, DH), jnp.float32),
            pltpu.VMEM((CHUNK, DH), jnp.float32),
            pltpu.VMEM((CHUNK, DH), jnp.float32),
            pltpu.VMEM((CHUNK, DH), jnp.float32),
            pltpu.VMEM((16,), jnp.float32),
            pltpu.VMEM_SHARED((N_PAD, DH), jnp.float32),
            pltpu.VMEM_SHARED((N_PAD, DH), jnp.float32),
            pltpu.VMEM_SHARED((N_PAD,), jnp.float32),
            pltpu.VMEM_SHARED((N_PAD,), jnp.float32),
            pltpu.VMEM_SHARED((N_PAD,), jnp.float32),
            pltpu.SemaphoreType.DMA,
            pltpu.SemaphoreType.DMA,
            pltpu.SemaphoreType.DMA,
            pltpu.SemaphoreType.DMA,
            pltpu.SemaphoreType.DMA,
            pltpu.SemaphoreType.DMA,
            pltpu.SemaphoreType.DMA,
            pltpu.SemaphoreType.DMA,
            pltpu.SemaphoreType.DMA,
            pltpu.SemaphoreType.DMA,
            pltpu.SemaphoreType.DMA,
            pltpu.SemaphoreType.DMA,
        ],
    )
    def k(z_hbm, sl_hbm, sr_hbm, c_hbm, src_hbm, dst_hbm,
          acc_out, den_out,
          src_c, dst_c, dst_s, slb, srb, wb, rin0, rin1, rout0, rout1,
          cbuf,
          ztab_sh, acc_sh, sl_sh, sr_sh, den_sh,
          l0, l1, a0, a1, b0, b1, g0, g1, s0, s1, u0, u1):
        cid = lax.axis_index("c")
        sid = lax.axis_index("s")
        base = sid * ROWS_PER_TILE
        rows = pl.ds(base, ROWS_PER_TILE)
        rin = (rin0, rin1)
        rout = (rout0, rout1)
        lsem = (l0, l1)
        asem = (a0, a1)
        bsem = (b0, b1)
        gsem = (g0, g1)
        ssem = (s0, s1)
        usem = (u0, u1)

        pltpu.sync_copy(z_hbm.at[cid, rows], ztab_sh.at[rows])
        pltpu.sync_copy(sl_hbm.at[rows], sl_sh.at[rows])
        pltpu.sync_copy(sr_hbm.at[rows], sr_sh.at[rows])
        pltpu.sync_copy(c_hbm, cbuf)

        zv = jnp.zeros((16,), jnp.float32)

        def zrow(r, c2):
            for g in range(DH // 16):
                rout0[r, pl.ds(g * 16, 16)] = zv
            return c2

        lax.fori_loop(0, CHUNK, zrow, 0)
        for g in range(CHUNK // 16):
            wb[0, pl.ds(g * 16, 16)] = zv
        for q in range(ROWS_PER_TILE // CHUNK):
            pltpu.sync_copy(rout0,
                            acc_sh.at[pl.ds(base + q * CHUNK, CHUNK)])

        for q in range(ROWS_PER_TILE // CHUNK):
            pltpu.sync_copy(wb.at[0],
                            den_sh.at[pl.ds(base + q * CHUNK, CHUNK)])

        plsc.subcore_barrier()
        cvec = cbuf[...]

        for t in range(2):
            pltpu.async_copy(src_hbm.at[sid, t], src_c.at[t], lsem[t])
            pltpu.async_copy(dst_hbm.at[sid, t], dst_c.at[t], lsem[t])
        pltpu.make_async_copy(src_hbm.at[sid, 0], src_c.at[0],
                              lsem[0]).wait()
        pltpu.make_async_copy(dst_hbm.at[sid, 0], dst_c.at[0],
                              lsem[0]).wait()
        pltpu.async_copy(sl_sh.at[src_c.at[0]], slb.at[0], asem[0])
        pltpu.async_copy(sr_sh.at[dst_c.at[0]], srb.at[0], bsem[0])
        pltpu.async_copy(ztab_sh.at[src_c.at[0]], rin[0], gsem[0])

        def pipe(jj, carry):
            for t in range(2):
                j = jj * 2 + t
                o = 1 - t

                @pl.when(j + 1 < NCHUNK)
                def _():
                    pltpu.make_async_copy(src_hbm.at[sid, j + 1],
                                          src_c.at[o], lsem[o]).wait()
                    pltpu.make_async_copy(dst_hbm.at[sid, j + 1],
                                          dst_c.at[o], lsem[o]).wait()
                    pltpu.async_copy(sl_sh.at[src_c.at[o]], slb.at[o],
                                     asem[o])
                    pltpu.async_copy(sr_sh.at[dst_c.at[o]], srb.at[o],
                                     bsem[o])
                    pltpu.async_copy(ztab_sh.at[src_c.at[o]], rin[o],
                                     gsem[o])

                idx_d = dst_c.at[t]
                pltpu.make_async_copy(sl_sh.at[src_c.at[t]], slb.at[t],
                                      asem[t]).wait()
                pltpu.make_async_copy(sr_sh.at[idx_d], srb.at[t],
                                      bsem[t]).wait()
                pltpu.make_async_copy(ztab_sh.at[src_c.at[t]], rin[t],
                                      gsem[t]).wait()

                idx_sc = dst_s.at[t]

                half = NCHUNK // 2
                mine = jnp.where(cid == 0, j < half, j >= half)
                prev_mine = jnp.where(cid == 0, j - 2 < half,
                                      j - 2 >= half)

                @pl.when(jnp.logical_and(jj >= 1, prev_mine))
                def _():
                    pltpu.make_async_copy(wb.at[t], den_sh.at[idx_sc],
                                          usem[t]).wait()

                @pl.when(jj >= 1)
                def _():
                    pltpu.make_async_copy(rout[t], acc_sh.at[idx_sc],
                                          ssem[t]).wait()

                for g in range(CHUNK // 16):
                    sl_ = pl.ds(g * 16, 16)
                    dst_s[t, sl_] = dst_c[t, sl_]

                @pl.when(j + 2 < NCHUNK)
                def _():
                    pltpu.async_copy(src_hbm.at[sid, j + 2], src_c.at[t],
                                     lsem[t])
                    pltpu.async_copy(dst_hbm.at[sid, j + 2], dst_c.at[t],
                                     lsem[t])

                for g in range(CHUNK // 16):
                    sl_ = pl.ds(g * 16, 16)
                    e = slb[t, sl_] + srb[t, sl_]
                    e = jnp.where(e > 0, e, NEG_SLOPE * e)
                    wb[t, sl_] = jnp.exp(e - cvec)

                @pl.when(mine)
                def _():
                    pltpu.async_copy(wb.at[t], den_sh.at[idx_sc], usem[t],
                                     add=True)

                def grp(g8, c2):
                    wvec = wb[t, pl.ds(g8 * 16, 16)]
                    for kk in range(16):
                        wi = wvec[kk]
                        row = g8 * 16 + kk
                        for g in range(DH // 16):
                            sl_ = pl.ds(g * 16, 16)
                            rout[t][row, sl_] = rin[t][row, sl_] * wi
                    return c2

                lax.fori_loop(0, CHUNK // 16, grp, 0)
                pltpu.async_copy(rout[t], acc_sh.at[idx_sc], ssem[t],
                                 add=True)
            return carry

        lax.fori_loop(0, NCHUNK // 2, pipe, 0)

        for t in range(2):
            @pl.when(cid == 1)
            def _():
                pltpu.make_async_copy(wb.at[t], den_sh.at[dst_s.at[0]],
                                      usem[t]).wait()

            pltpu.make_async_copy(rout[t], acc_sh.at[dst_s.at[0]],
                                  ssem[t]).wait()
        plsc.subcore_barrier()

        pltpu.sync_copy(acc_sh.at[rows], acc_out.at[cid, rows])

        pltpu.sync_copy(den_sh.at[rows], den_out.at[cid, rows])

    return k(z_cols, sl_p, sr_p, c_arr, src_p, dst_p)


def _tc_post(acc, den_col):
    BN = 400
    grid = N // BN

    def body(acc_ref, den_ref, out_ref):
        a = jnp.concatenate([acc_ref[0], acc_ref[1]], axis=1)
        out_ref[...] = a / den_ref[...]

    return pl.pallas_call(
        body,
        grid=(grid,),
        in_specs=[
            pl.BlockSpec((NC, BN, DH), lambda i: (0, i, 0)),
            pl.BlockSpec((BN, 1), lambda i: (i, 0)),
        ],
        out_specs=pl.BlockSpec((BN, D), lambda i: (i, 0)),
        out_shape=jax.ShapeDtypeStruct((N, D), jnp.float32),
    )(acc, den_col)


def kernel(h, edge_index, W_fc, W_attn):
    z_cols, sl, sr = _tc_pre(h, W_fc, W_attn)
    sl_f = sl[:, 0]
    sr_f = sr[:, 0]

    cmax = jnp.max(sl_f[:N]) + jnp.max(sr_f[:N])
    cmax = jnp.where(cmax > 0, cmax, NEG_SLOPE * cmax)
    c_arr = jnp.full((16,), cmax, jnp.float32)

    pad_idx = jnp.full((E_PAD - E,), N, jnp.int32)
    src_p = jnp.concatenate([edge_index[0], pad_idx]).reshape(NS, NCHUNK,
                                                              CHUNK)
    dst_p = jnp.concatenate([edge_index[1], pad_idx]).reshape(NS, NCHUNK,
                                                              CHUNK)

    acc, den = _sc_edge_pass(z_cols, sl_f, sr_f, c_arr, src_p, dst_p)
    den_col = (den[0] + den[1]).reshape(N_PAD, 1)
    return _tc_post(acc, den_col)

# --- scband reference (transcript-rebuilt; emitter-appended) ---
"""Pipeline reference for scband-gatlayer-3968549782111 (READ-ONLY COPY).

The authoritative reference and input builder live on the scoring server;
editing this copy changes nothing except your own understanding.
"""

import jax, jax.numpy as jnp
import numpy as np

N = 10000
E = 320000
D_IN = 128
D_OUT = 128
NEG_SLOPE = 0.2


def setup_inputs(seed: int = 0) -> dict:
    key = jax.random.key(seed)
    k1, k2, k3, k4 = jax.random.split(key, 4)
    h = jax.random.normal(k1, (N, D_IN), dtype=jnp.float32)
    edge_index = jax.random.randint(k2, (2, E), 0, N, dtype=jnp.int32)
    # learned params (fc: Linear(in_feats, out_feats, bias=False); attn: Linear(2*out_feats, 1, bias=False))
    W_fc = jax.random.normal(k3, (D_OUT, D_IN), dtype=jnp.float32) * 0.05
    W_attn = jax.random.normal(k4, (1, 2 * D_OUT), dtype=jnp.float32) * 0.05
    return {"h": h, "edge_index": edge_index, "W_fc": W_fc, "W_attn": W_attn}


def reference(h, edge_index, W_fc, W_attn):
    # dropout rates are 0.0 -> identity (eval-mode faithful)
    src = edge_index[0]
    dst = edge_index[1]
    # fc projection: z = h @ W_fc^T
    z = h @ W_fc.T  # [N, D_OUT]
    # edge_attention: concat src/dst z, linear attn, leaky_relu
    z_src = jnp.take(z, src, axis=0)  # gather [E, D_OUT]
    z_dst = jnp.take(z, dst, axis=0)  # gather [E, D_OUT]
    concat_z = jnp.concatenate([z_src, z_dst], axis=1)  # [E, 2*D_OUT]
    e = concat_z @ W_attn.T  # [E, 1]
    e = jnp.where(e > 0, e, NEG_SLOPE * e)  # leaky_relu
    e = e[:, 0]  # [E]
    # per-destination softmax over incoming edges (DGL reduce_func softmax over mailbox)
    e_max = jax.ops.segment_max(e, dst, num_segments=N)  # [N]
    e_exp = jnp.exp(e - jnp.take(e_max, dst, axis=0))  # [E]
    denom = jax.ops.segment_sum(e_exp, dst, num_segments=N)  # [N]
    alpha = e_exp / jnp.take(denom, dst, axis=0)  # [E]
    # weighted sum of source features per destination node (scatter-add)
    h_out = jax.ops.segment_sum(alpha[:, None] * z_src, dst, num_segments=N)  # [N, D_OUT]
    return h_out

if __name__ == "__main__":
    import jax
    _d = setup_inputs()
    print(jax.jit(kernel)(*tuple(_d.values())))

</pallas_src>

<mosaic_0001>
#map = affine_map<(d0, d1) -> (0, 0, 0)>
#map1 = affine_map<(d0, d1) -> (0)>
#map2 = affine_map<(d0, d1) -> (0, 0)>
module attributes {stable_mosaic.version = 14 : i64} {
  func.func @k(%arg0: i32, %arg1: i32, %arg2: memref<2x10240x64xf32, #tpu.memory_space<hbm>>, %arg3: memref<10240xf32, #tpu.memory_space<hbm>>, %arg4: memref<10240xf32, #tpu.memory_space<hbm>>, %arg5: memref<16xf32, #tpu.memory_space<hbm>>, %arg6: memref<16x160x128xi32, #tpu.memory_space<hbm>>, %arg7: memref<16x160x128xi32, #tpu.memory_space<hbm>>, %arg8: memref<2x10240x64xf32, #tpu.memory_space<hbm>>, %arg9: memref<2x10240xf32, #tpu.memory_space<hbm>>, %arg10: memref<2x128xi32, #tpu.memory_space<vmem>>, %arg11: memref<2x128xi32, #tpu.memory_space<vmem>>, %arg12: memref<2x128xi32, #tpu.memory_space<vmem>>, %arg13: memref<2x128xf32, #tpu.memory_space<vmem>>, %arg14: memref<2x128xf32, #tpu.memory_space<vmem>>, %arg15: memref<2x128xf32, #tpu.memory_space<vmem>>, %arg16: memref<128x64xf32, #tpu.memory_space<vmem>>, %arg17: memref<128x64xf32, #tpu.memory_space<vmem>>, %arg18: memref<128x64xf32, #tpu.memory_space<vmem>>, %arg19: memref<128x64xf32, #tpu.memory_space<vmem>>, %arg20: memref<16xf32, #tpu.memory_space<vmem>>, %arg21: memref<10240x64xf32, #tpu.memory_space<vmem_shared>>, %arg22: memref<10240x64xf32, #tpu.memory_space<vmem_shared>>, %arg23: memref<10240xf32, #tpu.memory_space<vmem_shared>>, %arg24: memref<10240xf32, #tpu.memory_space<vmem_shared>>, %arg25: memref<10240xf32, #tpu.memory_space<vmem_shared>>, %arg26: memref<!tpu.dma_semaphore, #tpu.memory_space<semaphore_mem>>, %arg27: memref<!tpu.dma_semaphore, #tpu.memory_space<semaphore_mem>>, %arg28: memref<!tpu.dma_semaphore, #tpu.memory_space<semaphore_mem>>, %arg29: memref<!tpu.dma_semaphore, #tpu.memory_space<semaphore_mem>>, %arg30: memref<!tpu.dma_semaphore, #tpu.memory_space<semaphore_mem>>, %arg31: memref<!tpu.dma_semaphore, #tpu.memory_space<semaphore_mem>>, %arg32: memref<!tpu.dma_semaphore, #tpu.memory_space<semaphore_mem>>, %arg33: memref<!tpu.dma_semaphore, #tpu.memory_space<semaphore_mem>>, %arg34: memref<!tpu.dma_semaphore, #tpu.memory_space<semaphore_mem>>, %arg35: memref<!tpu.dma_semaphore, #tpu.memory_space<semaphore_mem>>, %arg36: memref<!tpu.dma_semaphore, #tpu.memory_space<semaphore_mem>>, %arg37: memref<!tpu.dma_semaphore, #tpu.memory_space<semaphore_mem>>) attributes {dimension_semantics = [#tpu.dimension_semantics<core_parallel>, #tpu.dimension_semantics<subcore_parallel>], iteration_bounds = array<i64: 2, 16>, scalar_prefetch = 0 : i64, scratch_operands = 28 : i64, tpu.core_type = #tpu.core_type<sc_vector_subcore>, window_params = [{transform_indices = #map}, {transform_indices = #map1}, {transform_indices = #map1}, {transform_indices = #map1}, {transform_indices = #map}, {transform_indices = #map}, {transform_indices = #map}, {transform_indices = #map2}]} {
    %mul3A = arith.constant 640 : i32
    %mul3A_0 = arith.muli %arg1, %mul3A : i32
    "tpu.region"() ({
      %run_scoped3A_216 = tpu.sem_alloc : memref<!tpu.dma_semaphore, #tpu.memory_space<semaphore_mem>>
      %dma_start3A_217 = arith.constant 0 : i32
      %dma_start3A_218 = tpu.memref_slice %arg21[%mul3A_0, %dma_start3A_217] : memref<10240x64xf32, #tpu.memory_space<vmem_shared>> -> memref<640x64xf32, #tpu.memory_space<vmem_shared>>
      %dma_start3A_219 = arith.constant 0 : i32
      %dma_start3A_220 = tpu.memref_slice %arg2[%arg0, %mul3A_0, %dma_start3A_219] : memref<2x10240x64xf32, #tpu.memory_space<hbm>> -> memref<1x640x64xf32, #tpu.memory_space<hbm>>
      %dma_start3A_221 = tpu.memref_squeeze %dma_start3A_220 : memref<1x640x64xf32, #tpu.memory_space<hbm>> -> memref<640x64xf32, #tpu.memory_space<hbm>>
      tpu.enqueue_dma source(%dma_start3A_221 : memref<640x64xf32, #tpu.memory_space<hbm>>) target(%dma_start3A_218 : memref<640x64xf32, #tpu.memory_space<vmem_shared>>) target_semaphore(%run_scoped3A_216 : memref<!tpu.dma_semaphore, #tpu.memory_space<semaphore_mem>>)
      %dma_wait3A_222 = arith.constant 0 : i32
      %dma_wait3A_223 = tpu.memref_slice %arg21[%mul3A_0, %dma_wait3A_222] : memref<10240x64xf32, #tpu.memory_space<vmem_shared>> -> memref<640x64xf32, #tpu.memory_space<vmem_shared>>
      %dma_wait3A_224 = arith.constant 0 : i32
      %dma_wait3A_225 = tpu.memref_slice %arg2[%arg0, %mul3A_0, %dma_wait3A_224] : memref<2x10240x64xf32, #tpu.memory_space<hbm>> -> memref<1x640x64xf32, #tpu.memory_space<hbm>>
      %dma_wait3A_226 = tpu.memref_squeeze %dma_wait3A_225 : memref<1x640x64xf32, #tpu.memory_space<hbm>> -> memref<640x64xf32, #tpu.memory_space<hbm>>
      tpu.wait_dma2 semaphore(%run_scoped3A_216 : memref<!tpu.dma_semaphore, #tpu.memory_space<semaphore_mem>>) src(%dma_wait3A_226 : memref<640x64xf32, #tpu.memory_space<hbm>>) dst(%dma_wait3A_223 : memref<640x64xf32, #tpu.memory_space<vmem_shared>>)
      tpu.yield
    }) : () -> ()
    "tpu.region"() ({
      %run_scoped3A_216 = tpu.sem_alloc : memref<!tpu.dma_semaphore, #tpu.memory_space<semaphore_mem>>
      %dma_start3A_217 = tpu.memref_slice %arg23[%mul3A_0] : memref<10240xf32, #tpu.memory_space<vmem_shared>> -> memref<640xf32, #tpu.memory_space<vmem_shared>>
      %dma_start3A_218 = tpu.memref_slice %arg3[%mul3A_0] : memref<10240xf32, #tpu.memory_space<hbm>> -> memref<640xf32, #tpu.memory_space<hbm>>
      tpu.enqueue_dma source(%dma_start3A_218 : memref<640xf32, #tpu.memory_space<hbm>>) target(%dma_start3A_217 : memref<640xf32, #tpu.memory_space<vmem_shared>>) target_semaphore(%run_scoped3A_216 : memref<!tpu.dma_semaphore, #tpu.memory_space<semaphore_mem>>)
      %dma_wait3A_219 = tpu.memref_slice %arg23[%mul3A_0] : memref<10240xf32, #tpu.memory_space<vmem_shared>> -> memref<640xf32, #tpu.memory_space<vmem_shared>>
      %dma_wait3A_220 = tpu.memref_slice %arg3[%mul3A_0] : memref<10240xf32, #tpu.memory_space<hbm>> -> memref<640xf32, #tpu.memory_space<hbm>>
      tpu.wait_dma2 semaphore(%run_scoped3A_216 : memref<!tpu.dma_semaphore, #tpu.memory_space<semaphore_mem>>) src(%dma_wait3A_220 : memref<640xf32, #tpu.memory_space<hbm>>) dst(%dma_wait3A_219 : memref<640xf32, #tpu.memory_space<vmem_shared>>)
      tpu.yield
    }) : () -> ()
    "tpu.region"() ({
      %run_scoped3A_216 = tpu.sem_alloc : memref<!tpu.dma_semaphore, #tpu.memory_space<semaphore_mem>>
      %dma_start3A_217 = tpu.memref_slice %arg24[%mul3A_0] : memref<10240xf32, #tpu.memory_space<vmem_shared>> -> memref<640xf32, #tpu.memory_space<vmem_shared>>
      %dma_start3A_218 = tpu.memref_slice %arg4[%mul3A_0] : memref<10240xf32, #tpu.memory_space<hbm>> -> memref<640xf32, #tpu.memory_space<hbm>>
      tpu.enqueue_dma source(%dma_start3A_218 : memref<640xf32, #tpu.memory_space<hbm>>) target(%dma_start3A_217 : memref<640xf32, #tpu.memory_space<vmem_shared>>) target_semaphore(%run_scoped3A_216 : memref<!tpu.dma_semaphore, #tpu.memory_space<semaphore_mem>>)
      %dma_wait3A_219 = tpu.memref_slice %arg24[%mul3A_0] : memref<10240xf32, #tpu.memory_space<vmem_shared>> -> memref<640xf32, #tpu.memory_space<vmem_shared>>
      %dma_wait3A_220 = tpu.memref_slice %arg4[%mul3A_0] : memref<10240xf32, #tpu.memory_space<hbm>> -> memref<640xf32, #tpu.memory_space<hbm>>
      tpu.wait_dma2 semaphore(%run_scoped3A_216 : memref<!tpu.dma_semaphore, #tpu.memory_space<semaphore_mem>>) src(%dma_wait3A_220 : memref<640xf32, #tpu.memory_space<hbm>>) dst(%dma_wait3A_219 : memref<640xf32, #tpu.memory_space<vmem_shared>>)
      tpu.yield
    }) : () -> ()
    "tpu.region"() ({
      %run_scoped3A_216 = tpu.sem_alloc : memref<!tpu.dma_semaphore, #tpu.memory_space<semaphore_mem>>
      tpu.enqueue_dma source(%arg5 : memref<16xf32, #tpu.memory_space<hbm>>) target(%arg20 : memref<16xf32, #tpu.memory_space<vmem>>) target_semaphore(%run_scoped3A_216 : memref<!tpu.dma_semaphore, #tpu.memory_space<semaphore_mem>>)
      tpu.wait_dma2 semaphore(%run_scoped3A_216 : memref<!tpu.dma_semaphore, #tpu.memory_space<semaphore_mem>>) src(%arg5 : memref<16xf32, #tpu.memory_space<hbm>>) dst(%arg20 : memref<16xf32, #tpu.memory_space<vmem>>)
      tpu.yield
    }) : () -> ()
    %broadcast_in_dim3A = arith.constant 0.000000e+00 : f32
    %broadcast_in_dim3A_1 = vector.broadcast %broadcast_in_dim3A : f32 to vector<16xf32>
    %scan3A = arith.constant 0 : i32
    %scan3A_2 = arith.constant 0 : i32
    %scan3A_3 = arith.constant 128 : i32
    %scan3A_4 = arith.addi %scan3A_2, %scan3A_3 : i32
    %scan3A_5 = arith.constant 1 : i32
    scf.for %scan3A_216 = %scan3A_2 to %scan3A_4 step %scan3A_5  : i32 {
      %swap3A_217 = arith.index_cast %scan3A_216 : i32 to index
      %swap3A_218 = arith.constant 0 : index
      %swap3A_219 = tpu.vector_load %arg18[%swap3A_217, %swap3A_218] {strides = array<i32>} : memref<128x64xf32, #tpu.memory_space<vmem>>, vector<1x16xf32>,
      %swap3A_220 = vector.shape_cast %swap3A_219 : vector<1x16xf32> to vector<16xf32>
      %swap3A_221 = vector.shape_cast %broadcast_in_dim3A_1 : vector<16xf32> to vector<1x16xf32>
      tpu.vector_store %arg18[%swap3A_217, %swap3A_218], %swap3A_221 {strides = array<i32>} : memref<128x64xf32, #tpu.memory_space<vmem>>, vector<1x16xf32>,
      %swap3A_222 = arith.index_cast %scan3A_216 : i32 to index
      %swap3A_223 = arith.constant 16 : index
      %swap3A_224 = tpu.vector_load %arg18[%swap3A_222, %swap3A_223] {strides = array<i32>} : memref<128x64xf32, #tpu.memory_space<vmem>>, vector<1x16xf32>,
      %swap3A_225 = vector.shape_cast %swap3A_224 : vector<1x16xf32> to vector<16xf32>
      %swap3A_226 = vector.shape_cast %broadcast_in_dim3A_1 : vector<16xf32> to vector<1x16xf32>
      tpu.vector_store %arg18[%swap3A_222, %swap3A_223], %swap3A_226 {strides = array<i32>} : memref<128x64xf32, #tpu.memory_space<vmem>>, vector<1x16xf32>,
      %swap3A_227 = arith.index_cast %scan3A_216 : i32 to index
      %swap3A_228 = arith.constant 32 : index
      %swap3A_229 = tpu.vector_load %arg18[%swap3A_227, %swap3A_228] {strides = array<i32>} : memref<128x64xf32, #tpu.memory_space<vmem>>, vector<1x16xf32>,
      %swap3A_230 = vector.shape_cast %swap3A_229 : vector<1x16xf32> to vector<16xf32>
      %swap3A_231 = vector.shape_cast %broadcast_in_dim3A_1 : vector<16xf32> to vector<1x16xf32>
      tpu.vector_store %arg18[%swap3A_227, %swap3A_228], %swap3A_231 {strides = array<i32>} : memref<128x64xf32, #tpu.memory_space<vmem>>, vector<1x16xf32>,
      %swap3A_232 = arith.index_cast %scan3A_216 : i32 to index
      %swap3A_233 = arith.constant 48 : index
      %swap3A_234 = tpu.vector_load %arg18[%swap3A_232, %swap3A_233] {strides = array<i32>} : memref<128x64xf32, #tpu.memory_space<vmem>>, vector<1x16xf32>,
      %swap3A_235 = vector.shape_cast %swap3A_234 : vector<1x16xf32> to vector<16xf32>
      %swap3A_236 = vector.shape_cast %broadcast_in_dim3A_1 : vector<16xf32> to vector<1x16xf32>
      tpu.vector_store %arg18[%swap3A_232, %swap3A_233], %swap3A_236 {strides = array<i32>} : memref<128x64xf32, #tpu.memory_space<vmem>>, vector<1x16xf32>,
    }
    %scan3A_6 = arith.constant 128 : i32
    %swap3A = arith.constant 0 : i32
    %swap3A_7 = arith.index_cast %swap3A : i32 to index
    %swap3A_8 = arith.constant 0 : index
    %swap3A_9 = tpu.vector_load %arg15[%swap3A_7, %swap3A_8] {strides = array<i32>} : memref<2x128xf32, #tpu.memory_space<vmem>>, vector<1x16xf32>,
    %swap3A_10 = vector.shape_cast %swap3A_9 : vector<1x16xf32> to vector<16xf32>
    %swap3A_11 = vector.shape_cast %broadcast_in_dim3A_1 : vector<16xf32> to vector<1x16xf32>
    tpu.vector_store %arg15[%swap3A_7, %swap3A_8], %swap3A_11 {strides = array<i32>} : memref<2x128xf32, #tpu.memory_space<vmem>>, vector<1x16xf32>,
    %swap3A_12 = arith.constant 0 : i32
    %swap3A_13 = arith.index_cast %swap3A_12 : i32 to index
    %swap3A_14 = arith.constant 16 : index
    %swap3A_15 = tpu.vector_load %arg15[%swap3A_13, %swap3A_14] {strides = array<i32>} : memref<2x128xf32, #tpu.memory_space<vmem>>, vector<1x16xf32>,
    %swap3A_16 = vector.shape_cast %swap3A_15 : vector<1x16xf32> to vector<16xf32>
    %swap3A_17 = vector.shape_cast %broadcast_in_dim3A_1 : vector<16xf32> to vector<1x16xf32>
    tpu.vector_store %arg15[%swap3A_13, %swap3A_14], %swap3A_17 {strides = array<i32>} : memref<2x128xf32, #tpu.memory_space<vmem>>, vector<1x16xf32>,
    %swap3A_18 = arith.constant 0 : i32
    %swap3A_19 = arith.index_cast %swap3A_18 : i32 to index
    %swap3A_20 = arith.constant 32 : index
    %swap3A_21 = tpu.vector_load %arg15[%swap3A_19, %swap3A_20] {strides = array<i32>} : memref<2x128xf32, #tpu.memory_space<vmem>>, vector<1x16xf32>,
    %swap3A_22 = vector.shape_cast %swap3A_21 : vector<1x16xf32> to vector<16xf32>
    %swap3A_23 = vector.shape_cast %broadcast_in_dim3A_1 : vector<16xf32> to vector<1x16xf32>
    tpu.vector_store %arg15[%swap3A_19, %swap3A_20], %swap3A_23 {strides = array<i32>} : memref<2x128xf32, #tpu.memory_space<vmem>>, vector<1x16xf32>,
    %swap3A_24 = arith.constant 0 : i32
    %swap3A_25 = arith.index_cast %swap3A_24 : i32 to index
    %swap3A_26 = arith.constant 48 : index
    %swap3A_27 = tpu.vector_load %arg15[%swap3A_25, %swap3A_26] {strides = array<i32>} : memref<2x128xf32, #tpu.memory_space<vmem>>, vector<1x16xf32>,
    %swap3A_28 = vector.shape_cast %swap3A_27 : vector<1x16xf32> to vector<16xf32>
    %swap3A_29 = vector.shape_cast %broadcast_in_dim3A_1 : vector<16xf32> to vector<1x16xf32>
    tpu.vector_store %arg15[%swap3A_25, %swap3A_26], %swap3A_29 {strides = array<i32>} : memref<2x128xf32, #tpu.memory_space<vmem>>, vector<1x16xf32>,
    %swap3A_30 = arith.constant 0 : i32
    %swap3A_31 = arith.index_cast %swap3A_30 : i32 to index
    %swap3A_32 = arith.constant 64 : index
    %swap3A_33 = tpu.vector_load %arg15[%swap3A_31, %swap3A_32] {strides = array<i32>} : memref<2x128xf32, #tpu.memory_space<vmem>>, vector<1x16xf32>,
    %swap3A_34 = vector.shape_cast %swap3A_33 : vector<1x16xf32> to vector<16xf32>
    %swap3A_35 = vector.shape_cast %broadcast_in_dim3A_1 : vector<16xf32> to vector<1x16xf32>
    tpu.vector_store %arg15[%swap3A_31, %swap3A_32], %swap3A_35 {strides = array<i32>} : memref<2x128xf32, #tpu.memory_space<vmem>>, vector<1x16xf32>,
    %swap3A_36 = arith.constant 0 : i32
    %swap3A_37 = arith.index_cast %swap3A_36 : i32 to index
    %swap3A_38 = arith.constant 80 : index
    %swap3A_39 = tpu.vector_load %arg15[%swap3A_37, %swap3A_38] {strides = array<i32>} : memref<2x128xf32, #tpu.memory_space<vmem>>, vector<1x16xf32>,
    %swap3A_40 = vector.shape_cast %swap3A_39 : vector<1x16xf32> to vector<16xf32>
    %swap3A_41 = vector.shape_cast %broadcast_in_dim3A_1 : vector<16xf32> to vector<1x16xf32>
    tpu.vector_store %arg15[%swap3A_37, %swap3A_38], %swap3A_41 {strides = array<i32>} : memref<2x128xf32, #tpu.memory_space<vmem>>, vector<1x16xf32>,
    %swap3A_42 = arith.constant 0 : i32
    %swap3A_43 = arith.index_cast %swap3A_42 : i32 to index
    %swap3A_44 = arith.constant 96 : index
    %swap3A_45 = tpu.vector_load %arg15[%swap3A_43, %swap3A_44] {strides = array<i32>} : memref<2x128xf32, #tpu.memory_space<vmem>>, vector<1x16xf32>,
    %swap3A_46 = vector.shape_cast %swap3A_45 : vector<1x16xf32> to vector<16xf32>
    %swap3A_47 = vector.shape_cast %broadcast_in_dim3A_1 : vector<16xf32> to vector<1x16xf32>
    tpu.vector_store %arg15[%swap3A_43, %swap3A_44], %swap3A_47 {strides = array<i32>} : memref<2x128xf32, #tpu.memory_space<vmem>>, vector<1x16xf32>,
    %swap3A_48 = arith.constant 0 : i32
    %swap3A_49 = arith.index_cast %swap3A_48 : i32 to index
    %swap3A_50 = arith.constant 112 : index
    %swap3A_51 = tpu.vector_load %arg15[%swap3A_49, %swap3A_50] {strides = array<i32>} : memref<2x128xf32, #tpu.memory_space<vmem>>, vector<1x16xf32>,
    %swap3A_52 = vector.shape_cast %swap3A_51 : vector<1x16xf32> to vector<16xf32>
    %swap3A_53 = vector.shape_cast %broadcast_in_dim3A_1 : vector<16xf32> to vector<1x16xf32>
    tpu.vector_store %arg15[%swap3A_49, %swap3A_50], %swap3A_53 {strides = array<i32>} : memref<2x128xf32, #tpu.memory_space<vmem>>, vector<1x16xf32>,
    %add3A = arith.constant 0 : i32
    %add3A_54 = arith.addi %mul3A_0, %add3A : i32
    "tpu.region"() ({
      %run_scoped3A_216 = tpu.sem_alloc : memref<!tpu.dma_semaphore, #tpu.memory_space<semaphore_mem>>
      %dma_start3A_217 = arith.constant 0 : i32
      %dma_start3A_218 = tpu.memref_slice %arg22[%add3A_54, %dma_start3A_217] : memref<10240x64xf32, #tpu.memory_space<vmem_shared>> -> memref<128x64xf32, #tpu.memory_space<vmem_shared>>
      %dma_start3A_219 = arith.constant 0 : i32
      %dma_start3A_220 = tpu.memref_slice %arg22[%add3A_54, %dma_start3A_219] : memref<10240x64xf32, #tpu.memory_space<vmem_shared>> -> memref<128x64xf32, #tpu.memory_space<vmem_shared>>
      tpu.enqueue_dma source(%arg18 : memref<128x64xf32, #tpu.memory_space<vmem>>) target(%dma_start3A_220 : memref<128x64xf32, #tpu.memory_space<vmem_shared>>) target_semaphore(%run_scoped3A_216 : memref<!tpu.dma_semaphore, #tpu.memory_space<semaphore_mem>>)
      %dma_wait3A_221 = arith.constant 0 : i32
      %dma_wait3A_222 = tpu.memref_slice %arg22[%add3A_54, %dma_wait3A_221] : memref<10240x64xf32, #tpu.memory_space<vmem_shared>> -> memref<128x64xf32, #tpu.memory_space<vmem_shared>>
      %dma_wait3A_223 = arith.constant 0 : i32
      %dma_wait3A_224 = tpu.memref_slice %arg22[%add3A_54, %dma_wait3A_223] : memref<10240x64xf32, #tpu.memory_space<vmem_shared>> -> memref<128x64xf32, #tpu.memory_space<vmem_shared>>
      tpu.wait_dma2 semaphore(%run_scoped3A_216 : memref<!tpu.dma_semaphore, #tpu.memory_space<semaphore_mem>>) src(%arg18 : memref<128x64xf32, #tpu.memory_space<vmem>>) dst(%dma_wait3A_224 : memref<128x64xf32, #tpu.memory_space<vmem_shared>>)
      tpu.yield
    }) : () -> ()
    %add3A_55 = arith.constant 128 : i32
    %add3A_56 = arith.addi %mul3A_0, %add3A_55 : i32
    "tpu.region"() ({
      %run_scoped3A_216 = tpu.sem_alloc : memref<!tpu.dma_semaphore, #tpu.memory_space<semaphore_mem>>
      %dma_start3A_217 = arith.constant 0 : i32
      %dma_start3A_218 = tpu.memref_slice %arg22[%add3A_56, %dma_start3A_217] : memref<10240x64xf32, #tpu.memory_space<vmem_shared>> -> memref<128x64xf32, #tpu.memory_space<vmem_shared>>
      %dma_start3A_219 = arith.constant 0 : i32
      %dma_start3A_220 = tpu.memref_slice %arg22[%add3A_56, %dma_start3A_219] : memref<10240x64xf32, #tpu.memory_space<vmem_shared>> -> memref<128x64xf32, #tpu.memory_space<vmem_shared>>
      tpu.enqueue_dma source(%arg18 : memref<128x64xf32, #tpu.memory_space<vmem>>) target(%dma_start3A_220 : memref<128x64xf32, #tpu.memory_space<vmem_shared>>) target_semaphore(%run_scoped3A_216 : memref<!tpu.dma_semaphore, #tpu.memory_space<semaphore_mem>>)
      %dma_wait3A_221 = arith.constant 0 : i32
      %dma_wait3A_222 = tpu.memref_slice %arg22[%add3A_56, %dma_wait3A_221] : memref<10240x64xf32, #tpu.memory_space<vmem_shared>> -> memref<128x64xf32, #tpu.memory_space<vmem_shared>>
      %dma_wait3A_223 = arith.constant 0 : i32
      %dma_wait3A_224 = tpu.memref_slice %arg22[%add3A_56, %dma_wait3A_223] : memref<10240x64xf32, #tpu.memory_space<vmem_shared>> -> memref<128x64xf32, #tpu.memory_space<vmem_shared>>
      tpu.wait_dma2 semaphore(%run_scoped3A_216 : memref<!tpu.dma_semaphore, #tpu.memory_space<semaphore_mem>>) src(%arg18 : memref<128x64xf32, #tpu.memory_space<vmem>>) dst(%dma_wait3A_224 : memref<128x64xf32, #tpu.memory_space<vmem_shared>>)
      tpu.yield
    }) : () -> ()
    %add3A_57 = arith.constant 256 : i32
    %add3A_58 = arith.addi %mul3A_0, %add3A_57 : i32
    "tpu.region"() ({
      %run_scoped3A_216 = tpu.sem_alloc : memref<!tpu.dma_semaphore, #tpu.memory_space<semaphore_mem>>
      %dma_start3A_217 = arith.constant 0 : i32
      %dma_start3A_218 = tpu.memref_slice %arg22[%add3A_58, %dma_start3A_217] : memref<10240x64xf32, #tpu.memory_space<vmem_shared>> -> memref<128x64xf32, #tpu.memory_space<vmem_shared>>
      %dma_start3A_219 = arith.constant 0 : i32
      %dma_start3A_220 = tpu.memref_slice %arg22[%add3A_58, %dma_start3A_219] : memref<10240x64xf32, #tpu.memory_space<vmem_shared>> -> memref<128x64xf32, #tpu.memory_space<vmem_shared>>
      tpu.enqueue_dma source(%arg18 : memref<128x64xf32, #tpu.memory_space<vmem>>) target(%dma_start3A_220 : memref<128x64xf32, #tpu.memory_space<vmem_shared>>) target_semaphore(%run_scoped3A_216 : memref<!tpu.dma_semaphore, #tpu.memory_space<semaphore_mem>>)
      %dma_wait3A_221 = arith.constant 0 : i32
      %dma_wait3A_222 = tpu.memref_slice %arg22[%add3A_58, %dma_wait3A_221] : memref<10240x64xf32, #tpu.memory_space<vmem_shared>> -> memref<128x64xf32, #tpu.memory_space<vmem_shared>>
      %dma_wait3A_223 = arith.constant 0 : i32
      %dma_wait3A_224 = tpu.memref_slice %arg22[%add3A_58, %dma_wait3A_223] : memref<10240x64xf32, #tpu.memory_space<vmem_shared>> -> memref<128x64xf32, #tpu.memory_space<vmem_shared>>
      tpu.wait_dma2 semaphore(%run_scoped3A_216 : memref<!tpu.dma_semaphore, #tpu.memory_space<semaphore_mem>>) src(%arg18 : memref<128x64xf32, #tpu.memory_space<vmem>>) dst(%dma_wait3A_224 : memref<128x64xf32, #tpu.memory_space<vmem_shared>>)
      tpu.yield
    }) : () -> ()
    %add3A_59 = arith.constant 384 : i32
    %add3A_60 = arith.addi %mul3A_0, %add3A_59 : i32
    "tpu.region"() ({
      %run_scoped3A_216 = tpu.sem_alloc : memref<!tpu.dma_semaphore, #tpu.memory_space<semaphore_mem>>
      %dma_start3A_217 = arith.constant 0 : i32
      %dma_start3A_218 = tpu.memref_slice %arg22[%add3A_60, %dma_start3A_217] : memref<10240x64xf32, #tpu.memory_space<vmem_shared>> -> memref<128x64xf32, #tpu.memory_space<vmem_shared>>
      %dma_start3A_219 = arith.constant 0 : i32
      %dma_start3A_220 = tpu.memref_slice %arg22[%add3A_60, %dma_start3A_219] : memref<10240x64xf32, #tpu.memory_space<vmem_shared>> -> memref<128x64xf32, #tpu.memory_space<vmem_shared>>
      tpu.enqueue_dma source(%arg18 : memref<128x64xf32, #tpu.memory_space<vmem>>) target(%dma_start3A_220 : memref<128x64xf32, #tpu.memory_space<vmem_shared>>) target_semaphore(%run_scoped3A_216 : memref<!tpu.dma_semaphore, #tpu.memory_space<semaphore_mem>>)
      %dma_wait3A_221 = arith.constant 0 : i32
      %dma_wait3A_222 = tpu.memref_slice %arg22[%add3A_60, %dma_wait3A_221] : memref<10240x64xf32, #tpu.memory_space<vmem_shared>> -> memref<128x64xf32, #tpu.memory_space<vmem_shared>>
      %dma_wait3A_223 = arith.constant 0 : i32
      %dma_wait3A_224 = tpu.memref_slice %arg22[%add3A_60, %dma_wait3A_223] : memref<10240x64xf32, #tpu.memory_space<vmem_shared>> -> memref<128x64xf32, #tpu.memory_space<vmem_shared>>
      tpu.wait_dma2 semaphore(%run_scoped3A_216 : memref<!tpu.dma_semaphore, #tpu.memory_space<semaphore_mem>>) src(%arg18 : memref<128x64xf32, #tpu.memory_space<vmem>>) dst(%dma_wait3A_224 : memref<128x64xf32, #tpu.memory_space<vmem_shared>>)
      tpu.yield
    }) : () -> ()
    %add3A_61 = arith.constant 512 : i32
    %add3A_62 = arith.addi %mul3A_0, %add3A_61 : i32
    "tpu.region"() ({
      %run_scoped3A_216 = tpu.sem_alloc : memref<!tpu.dma_semaphore, #tpu.memory_space<semaphore_mem>>
      %dma_start3A_217 = arith.constant 0 : i32
      %dma_start3A_218 = tpu.memref_slice %arg22[%add3A_62, %dma_start3A_217] : memref<10240x64xf32, #tpu.memory_space<vmem_shared>> -> memref<128x64xf32, #tpu.memory_space<vmem_shared>>
      %dma_start3A_219 = arith.constant 0 : i32
      %dma_start3A_220 = tpu.memref_slice %arg22[%add3A_62, %dma_start3A_219] : memref<10240x64xf32, #tpu.memory_space<vmem_shared>> -> memref<128x64xf32, #tpu.memory_space<vmem_shared>>
      tpu.enqueue_dma source(%arg18 : memref<128x64xf32, #tpu.memory_space<vmem>>) target(%dma_start3A_220 : memref<128x64xf32, #tpu.memory_space<vmem_shared>>) target_semaphore(%run_scoped3A_216 : memref<!tpu.dma_semaphore, #tpu.memory_space<semaphore_mem>>)
      %dma_wait3A_221 = arith.constant 0 : i32
      %dma_wait3A_222 = tpu.memref_slice %arg22[%add3A_62, %dma_wait3A_221] : memref<10240x64xf32, #tpu.memory_space<vmem_shared>> -> memref<128x64xf32, #tpu.memory_space<vmem_shared>>
      %dma_wait3A_223 = arith.constant 0 : i32
      %dma_wait3A_224 = tpu.memref_slice %arg22[%add3A_62, %dma_wait3A_223] : memref<10240x64xf32, #tpu.memory_space<vmem_shared>> -> memref<128x64xf32, #tpu.memory_space<vmem_shared>>
      tpu.wait_dma2 semaphore(%run_scoped3A_216 : memref<!tpu.dma_semaphore, #tpu.memory_space<semaphore_mem>>) src(%arg18 : memref<128x64xf32, #tpu.memory_space<vmem>>) dst(%dma_wait3A_224 : memref<128x64xf32, #tpu.memory_space<vmem_shared>>)
      tpu.yield
    }) : () -> ()
    %add3A_63 = arith.constant 0 : i32
    %add3A_64 = arith.addi %mul3A_0, %add3A_63 : i32
    %run_scoped3A = arith.constant 0 : i32
    "tpu.region"() ({
      %run_scoped3A_216 = tpu.sem_alloc : memref<!tpu.dma_semaphore, #tpu.memory_space<semaphore_mem>>
      %dma_start3A_217 = arith.constant 0 : i32
      %dma_start3A_218 = tpu.memref_slice %arg15[%run_scoped3A, %dma_start3A_217] : memref<2x128xf32, #tpu.memory_space<vmem>> -> memref<1x128xf32, #tpu.memory_space<vmem>>
      %dma_start3A_219 = tpu.memref_squeeze %dma_start3A_218 : memref<1x128xf32, #tpu.memory_space<vmem>> -> memref<128xf32, #tpu.memory_space<vmem>>
      %dma_start3A_220 = tpu.memref_slice %arg25[%add3A_64] : memref<10240xf32, #tpu.memory_space<vmem_shared>> -> memref<128xf32, #tpu.memory_space<vmem_shared>>
      %dma_start3A_221 = tpu.memref_slice %arg25[%add3A_64] : memref<10240xf32, #tpu.memory_space<vmem_shared>> -> memref<128xf32, #tpu.memory_space<vmem_shared>>
      %dma_start3A_222 = arith.constant 0 : i32
      %dma_start3A_223 = tpu.memref_slice %arg15[%run_scoped3A, %dma_start3A_222] : memref<2x128xf32, #tpu.memory_space<vmem>> -> memref<1x128xf32, #tpu.memory_space<vmem>>
      %dma_start3A_224 = tpu.memref_squeeze %dma_start3A_223 : memref<1x128xf32, #tpu.memory_space<vmem>> -> memref<128xf32, #tpu.memory_space<vmem>>
      tpu.enqueue_dma source(%dma_start3A_224 : memref<128xf32, #tpu.memory_space<vmem>>) target(%dma_start3A_221 : memref<128xf32, #tpu.memory_space<vmem_shared>>) target_semaphore(%run_scoped3A_216 : memref<!tpu.dma_semaphore, #tpu.memory_space<semaphore_mem>>)
      %dma_wait3A_225 = arith.constant 0 : i32
      %dma_wait3A_226 = tpu.memref_slice %arg15[%run_scoped3A, %dma_wait3A_225] : memref<2x128xf32, #tpu.memory_space<vmem>> -> memref<1x128xf32, #tpu.memory_space<vmem>>
      %dma_wait3A_227 = tpu.memref_squeeze %dma_wait3A_226 : memref<1x128xf32, #tpu.memory_space<vmem>> -> memref<128xf32, #tpu.memory_space<vmem>>
      %dma_wait3A_228 = tpu.memref_slice %arg25[%add3A_64] : memref<10240xf32, #tpu.memory_space<vmem_shared>> -> memref<128xf32, #tpu.memory_space<vmem_shared>>
      %dma_wait3A_229 = tpu.memref_slice %arg25[%add3A_64] : memref<10240xf32, #tpu.memory_space<vmem_shared>> -> memref<128xf32, #tpu.memory_space<vmem_shared>>
      %dma_wait3A_230 = arith.constant 0 : i32
      %dma_wait3A_231 = tpu.memref_slice %arg15[%run_scoped3A, %dma_wait3A_230] : memref<2x128xf32, #tpu.memory_space<vmem>> -> memref<1x128xf32, #tpu.memory_space<vmem>>
      %dma_wait3A_232 = tpu.memref_squeeze %dma_wait3A_231 : memref<1x128xf32, #tpu.memory_space<vmem>> -> memref<128xf32, #tpu.memory_space<vmem>>
      tpu.wait_dma2 semaphore(%run_scoped3A_216 : memref<!tpu.dma_semaphore, #tpu.memory_space<semaphore_mem>>) src(%dma_wait3A_232 : memref<128xf32, #tpu.memory_space<vmem>>) dst(%dma_wait3A_229 : memref<128xf32, #tpu.memory_space<vmem_shared>>)
      tpu.yield
    }) : () -> ()
    %add3A_65 = arith.constant 128 : i32
    %add3A_66 = arith.addi %mul3A_0, %add3A_65 : i32
    %run_scoped3A_67 = arith.constant 0 : i32
    "tpu.region"() ({
      %run_scoped3A_216 = tpu.sem_alloc : memref<!tpu.dma_semaphore, #tpu.memory_space<semaphore_mem>>
      %dma_start3A_217 = arith.constant 0 : i32
      %dma_start3A_218 = tpu.memref_slice %arg15[%run_scoped3A_67, %dma_start3A_217] : memref<2x128xf32, #tpu.memory_space<vmem>> -> memref<1x128xf32, #tpu.memory_space<vmem>>
      %dma_start3A_219 = tpu.memref_squeeze %dma_start3A_218 : memref<1x128xf32, #tpu.memory_space<vmem>> -> memref<128xf32, #tpu.memory_space<vmem>>
      %dma_start3A_220 = tpu.memref_slice %arg25[%add3A_66] : memref<10240xf32, #tpu.memory_space<vmem_shared>> -> memref<128xf32, #tpu.memory_space<vmem_shared>>
      %dma_start3A_221 = tpu.memref_slice %arg25[%add3A_66] : memref<10240xf32, #tpu.memory_space<vmem_shared>> -> memref<128xf32, #tpu.memory_space<vmem_shared>>
      %dma_start3A_222 = arith.constant 0 : i32
      %dma_start3A_223 = tpu.memref_slice %arg15[%run_scoped3A_67, %dma_start3A_222] : memref<2x128xf32, #tpu.memory_space<vmem>> -> memref<1x128xf32, #tpu.memory_space<vmem>>
      %dma_start3A_224 = tpu.memref_squeeze %dma_start3A_223 : memref<1x128xf32, #tpu.memory_space<vmem>> -> memref<128xf32, #tpu.memory_space<vmem>>
      tpu.enqueue_dma source(%dma_start3A_224 : memref<128xf32, #tpu.memory_space<vmem>>) target(%dma_start3A_221 : memref<128xf32, #tpu.memory_space<vmem_shared>>) target_semaphore(%run_scoped3A_216 : memref<!tpu.dma_semaphore, #tpu.memory_space<semaphore_mem>>)
      %dma_wait3A_225 = arith.constant 0 : i32
      %dma_wait3A_226 = tpu.memref_slice %arg15[%run_scoped3A_67, %dma_wait3A_225] : memref<2x128xf32, #tpu.memory_space<vmem>> -> memref<1x128xf32, #tpu.memory_space<vmem>>
      %dma_wait3A_227 = tpu.memref_squeeze %dma_wait3A_226 : memref<1x128xf32, #tpu.memory_space<vmem>> -> memref<128xf32, #tpu.memory_space<vmem>>
      %dma_wait3A_228 = tpu.memref_slice %arg25[%add3A_66] : memref<10240xf32, #tpu.memory_space<vmem_shared>> -> memref<128xf32, #tpu.memory_space<vmem_shared>>
      %dma_wait3A_229 = tpu.memref_slice %arg25[%add3A_66] : memref<10240xf32, #tpu.memory_space<vmem_shared>> -> memref<128xf32, #tpu.memory_space<vmem_shared>>
      %dma_wait3A_230 = arith.constant 0 : i32
      %dma_wait3A_231 = tpu.memref_slice %arg15[%run_scoped3A_67, %dma_wait3A_230] : memref<2x128xf32, #tpu.memory_space<vmem>> -> memref<1x128xf32, #tpu.memory_space<vmem>>
      %dma_wait3A_232 = tpu.memref_squeeze %dma_wait3A_231 : memref<1x128xf32, #tpu.memory_space<vmem>> -> memref<128xf32, #tpu.memory_space<vmem>>
      tpu.wait_dma2 semaphore(%run_scoped3A_216 : memref<!tpu.dma_semaphore, #tpu.memory_space<semaphore_mem>>) src(%dma_wait3A_232 : memref<128xf32, #tpu.memory_space<vmem>>) dst(%dma_wait3A_229 : memref<128xf32, #tpu.memory_space<vmem_shared>>)
      tpu.yield
    }) : () -> ()
    %add3A_68 = arith.constant 256 : i32
    %add3A_69 = arith.addi %mul3A_0, %add3A_68 : i32
    %run_scoped3A_70 = arith.constant 0 : i32
    "tpu.region"() ({
      %run_scoped3A_216 = tpu.sem_alloc : memref<!tpu.dma_semaphore, #tpu.memory_space<semaphore_mem>>
      %dma_start3A_217 = arith.constant 0 : i32
      %dma_start3A_218 = tpu.memref_slice %arg15[%run_scoped3A_70, %dma_start3A_217] : memref<2x128xf32, #tpu.memory_space<vmem>> -> memref<1x128xf32, #tpu.memory_space<vmem>>
      %dma_start3A_219 = tpu.memref_squeeze %dma_start3A_218 : memref<1x128xf32, #tpu.memory_space<vmem>> -> memref<128xf32, #tpu.memory_space<vmem>>
      %dma_start3A_220 = tpu.memref_slice %arg25[%add3A_69] : memref<10240xf32, #tpu.memory_space<vmem_shared>> -> memref<128xf32, #tpu.memory_space<vmem_shared>>
      %dma_start3A_221 = tpu.memref_slice %arg25[%add3A_69] : memref<10240xf32, #tpu.memory_space<vmem_shared>> -> memref<128xf32, #tpu.memory_space<vmem_shared>>
      %dma_start3A_222 = arith.constant 0 : i32
      %dma_start3A_223 = tpu.memref_slice %arg15[%run_scoped3A_70, %dma_start3A_222] : memref<2x128xf32, #tpu.memory_space<vmem>> -> memref<1x128xf32, #tpu.memory_space<vmem>>
      %dma_start3A_224 = tpu.memref_squeeze %dma_start3A_223 : memref<1x128xf32, #tpu.memory_space<vmem>> -> memref<128xf32, #tpu.memory_space<vmem>>
      tpu.enqueue_dma source(%dma_start3A_224 : memref<128xf32, #tpu.memory_space<vmem>>) target(%dma_start3A_221 : memref<128xf32, #tpu.memory_space<vmem_shared>>) target_semaphore(%run_scoped3A_216 : memref<!tpu.dma_semaphore, #tpu.memory_space<semaphore_mem>>)
      %dma_wait3A_225 = arith.constant 0 : i32
      %dma_wait3A_226 = tpu.memref_slice %arg15[%run_scoped3A_70, %dma_wait3A_225] : memref<2x128xf32, #tpu.memory_space<vmem>> -> memref<1x128xf32, #tpu.memory_space<vmem>>
      %dma_wait3A_227 = tpu.memref_squeeze %dma_wait3A_226 : memref<1x128xf32, #tpu.memory_space<vmem>> -> memref<128xf32, #tpu.memory_space<vmem>>
      %dma_wait3A_228 = tpu.memref_slice %arg25[%add3A_69] : memref<10240xf32, #tpu.memory_space<vmem_shared>> -> memref<128xf32, #tpu.memory_space<vmem_shared>>
      %dma_wait3A_229 = tpu.memref_slice %arg25[%add3A_69] : memref<10240xf32, #tpu.memory_space<vmem_shared>> -> memref<128xf32, #tpu.memory_space<vmem_shared>>
      %dma_wait3A_230 = arith.constant 0 : i32
      %dma_wait3A_231 = tpu.memref_slice %arg15[%run_scoped3A_70, %dma_wait3A_230] : memref<2x128xf32, #tpu.memory_space<vmem>> -> memref<1x128xf32, #tpu.memory_space<vmem>>
      %dma_wait3A_232 = tpu.memref_squeeze %dma_wait3A_231 : memref<1x128xf32, #tpu.memory_space<vmem>> -> memref<128xf32, #tpu.memory_space<vmem>>
      tpu.wait_dma2 semaphore(%run_scoped3A_216 : memref<!tpu.dma_semaphore, #tpu.memory_space<semaphore_mem>>) src(%dma_wait3A_232 : memref<128xf32, #tpu.memory_space<vmem>>) dst(%dma_wait3A_229 : memref<128xf32, #tpu.memory_space<vmem_shared>>)
      tpu.yield
    }) : () -> ()
    %add3A_71 = arith.constant 384 : i32
    %add3A_72 = arith.addi %mul3A_0, %add3A_71 : i32
    %run_scoped3A_73 = arith.constant 0 : i32
    "tpu.region"() ({
      %run_scoped3A_216 = tpu.sem_alloc : memref<!tpu.dma_semaphore, #tpu.memory_space<semaphore_mem>>
      %dma_start3A_217 = arith.constant 0 : i32
      %dma_start3A_218 = tpu.memref_slice %arg15[%run_scoped3A_73, %dma_start3A_217] : memref<2x128xf32, #tpu.memory_space<vmem>> -> memref<1x128xf32, #tpu.memory_space<vmem>>
      %dma_start3A_219 = tpu.memref_squeeze %dma_start3A_218 : memref<1x128xf32, #tpu.memory_space<vmem>> -> memref<128xf32, #tpu.memory_space<vmem>>
      %dma_start3A_220 = tpu.memref_slice %arg25[%add3A_72] : memref<10240xf32, #tpu.memory_space<vmem_shared>> -> memref<128xf32, #tpu.memory_space<vmem_shared>>
      %dma_start3A_221 = tpu.memref_slice %arg25[%add3A_72] : memref<10240xf32, #tpu.memory_space<vmem_shared>> -> memref<128xf32, #tpu.memory_space<vmem_shared>>
      %dma_start3A_222 = arith.constant 0 : i32
      %dma_start3A_223 = tpu.memref_slice %arg15[%run_scoped3A_73, %dma_start3A_222] : memref<2x128xf32, #tpu.memory_space<vmem>> -> memref<1x128xf32, #tpu.memory_space<vmem>>
      %dma_start3A_224 = tpu.memref_squeeze %dma_start3A_223 : memref<1x128xf32, #tpu.memory_space<vmem>> -> memref<128xf32, #tpu.memory_space<vmem>>
      tpu.enqueue_dma source(%dma_start3A_224 : memref<128xf32, #tpu.memory_space<vmem>>) target(%dma_start3A_221 : memref<128xf32, #tpu.memory_space<vmem_shared>>) target_semaphore(%run_scoped3A_216 : memref<!tpu.dma_semaphore, #tpu.memory_space<semaphore_mem>>)
      %dma_wait3A_225 = arith.constant 0 : i32
      %dma_wait3A_226 = tpu.memref_slice %arg15[%run_scoped3A_73, %dma_wait3A_225] : memref<2x128xf32, #tpu.memory_space<vmem>> -> memref<1x128xf32, #tpu.memory_space<vmem>>
      %dma_wait3A_227 = tpu.memref_squeeze %dma_wait3A_226 : memref<1x128xf32, #tpu.memory_space<vmem>> -> memref<128xf32, #tpu.memory_space<vmem>>
      %dma_wait3A_228 = tpu.memref_slice %arg25[%add3A_72] : memref<10240xf32, #tpu.memory_space<vmem_shared>> -> memref<128xf32, #tpu.memory_space<vmem_shared>>
      %dma_wait3A_229 = tpu.memref_slice %arg25[%add3A_72] : memref<10240xf32, #tpu.memory_space<vmem_shared>> -> memref<128xf32, #tpu.memory_space<vmem_shared>>
      %dma_wait3A_230 = arith.constant 0 : i32
      %dma_wait3A_231 = tpu.memref_slice %arg15[%run_scoped3A_73, %dma_wait3A_230] : memref<2x128xf32, #tpu.memory_space<vmem>> -> memref<1x128xf32, #tpu.memory_space<vmem>>
      %dma_wait3A_232 = tpu.memref_squeeze %dma_wait3A_231 : memref<1x128xf32, #tpu.memory_space<vmem>> -> memref<128xf32, #tpu.memory_space<vmem>>
      tpu.wait_dma2 semaphore(%run_scoped3A_216 : memref<!tpu.dma_semaphore, #tpu.memory_space<semaphore_mem>>) src(%dma_wait3A_232 : memref<128xf32, #tpu.memory_space<vmem>>) dst(%dma_wait3A_229 : memref<128xf32, #tpu.memory_space<vmem_shared>>)
      tpu.yield
    }) : () -> ()
    %add3A_74 = arith.constant 512 : i32
    %add3A_75 = arith.addi %mul3A_0, %add3A_74 : i32
    %run_scoped3A_76 = arith.constant 0 : i32
    "tpu.region"() ({
      %run_scoped3A_216 = tpu.sem_alloc : memref<!tpu.dma_semaphore, #tpu.memory_space<semaphore_mem>>
      %dma_start3A_217 = arith.constant 0 : i32
      %dma_start3A_218 = tpu.memref_slice %arg15[%run_scoped3A_76, %dma_start3A_217] : memref<2x128xf32, #tpu.memory_space<vmem>> -> memref<1x128xf32, #tpu.memory_space<vmem>>
      %dma_start3A_219 = tpu.memref_squeeze %dma_start3A_218 : memref<1x128xf32, #tpu.memory_space<vmem>> -> memref<128xf32, #tpu.memory_space<vmem>>
      %dma_start3A_220 = tpu.memref_slice %arg25[%add3A_75] : memref<10240xf32, #tpu.memory_space<vmem_shared>> -> memref<128xf32, #tpu.memory_space<vmem_shared>>
      %dma_start3A_221 = tpu.memref_slice %arg25[%add3A_75] : memref<10240xf32, #tpu.memory_space<vmem_shared>> -> memref<128xf32, #tpu.memory_space<vmem_shared>>
      %dma_start3A_222 = arith.constant 0 : i32
      %dma_start3A_223 = tpu.memref_slice %arg15[%run_scoped3A_76, %dma_start3A_222] : memref<2x128xf32, #tpu.memory_space<vmem>> -> memref<1x128xf32, #tpu.memory_space<vmem>>
      %dma_start3A_224 = tpu.memref_squeeze %dma_start3A_223 : memref<1x128xf32, #tpu.memory_space<vmem>> -> memref<128xf32, #tpu.memory_space<vmem>>
      tpu.enqueue_dma source(%dma_start3A_224 : memref<128xf32, #tpu.memory_space<vmem>>) target(%dma_start3A_221 : memref<128xf32, #tpu.memory_space<vmem_shared>>) target_semaphore(%run_scoped3A_216 : memref<!tpu.dma_semaphore, #tpu.memory_space<semaphore_mem>>)
      %dma_wait3A_225 = arith.constant 0 : i32
      %dma_wait3A_226 = tpu.memref_slice %arg15[%run_scoped3A_76, %dma_wait3A_225] : memref<2x128xf32, #tpu.memory_space<vmem>> -> memref<1x128xf32, #tpu.memory_space<vmem>>
      %dma_wait3A_227 = tpu.memref_squeeze %dma_wait3A_226 : memref<1x128xf32, #tpu.memory_space<vmem>> -> memref<128xf32, #tpu.memory_space<vmem>>
      %dma_wait3A_228 = tpu.memref_slice %arg25[%add3A_75] : memref<10240xf32, #tpu.memory_space<vmem_shared>> -> memref<128xf32, #tpu.memory_space<vmem_shared>>
      %dma_wait3A_229 = tpu.memref_slice %arg25[%add3A_75] : memref<10240xf32, #tpu.memory_space<vmem_shared>> -> memref<128xf32, #tpu.memory_space<vmem_shared>>
      %dma_wait3A_230 = arith.constant 0 : i32
      %dma_wait3A_231 = tpu.memref_slice %arg15[%run_scoped3A_76, %dma_wait3A_230] : memref<2x128xf32, #tpu.memory_space<vmem>> -> memref<1x128xf32, #tpu.memory_space<vmem>>
      %dma_wait3A_232 = tpu.memref_squeeze %dma_wait3A_231 : memref<1x128xf32, #tpu.memory_space<vmem>> -> memref<128xf32, #tpu.memory_space<vmem>>
      tpu.wait_dma2 semaphore(%run_scoped3A_216 : memref<!tpu.dma_semaphore, #tpu.memory_space<semaphore_mem>>) src(%dma_wait3A_232 : memref<128xf32, #tpu.memory_space<vmem>>) dst(%dma_wait3A_229 : memref<128xf32, #tpu.memory_space<vmem_shared>>)
      tpu.yield
    }) : () -> ()
    %barrier3A = arith.constant 0 : index
    tpu.barrier barrier_id(%barrier3A)
    %get3A = arith.constant 0 : index
    %get3A_77 = tpu.vector_load %arg20[%get3A] {strides = array<i32>} : memref<16xf32, #tpu.memory_space<vmem>>, vector<16xf32>,
    %get3A_78 = vector.shape_cast %get3A_77 : vector<16xf32> to vector<16xf32>
    %dma_start3A = arith.constant 0 : i32
    %dma_start3A_79 = arith.constant 0 : i32
    %dma_start3A_80 = arith.constant 0 : i32
    %dma_start3A_81 = tpu.memref_slice %arg10[%dma_start3A_79, %dma_start3A_80] : memref<2x128xi32, #tpu.memory_space<vmem>> -> memref<1x128xi32, #tpu.memory_space<vmem>>
    %dma_start3A_82 = tpu.memref_squeeze %dma_start3A_81 : memref<1x128xi32, #tpu.memory_space<vmem>> -> memref<128xi32, #tpu.memory_space<vmem>>
    %dma_start3A_83 = arith.constant 0 : i32
    %dma_start3A_84 = tpu.memref_slice %arg6[%arg1, %dma_start3A, %dma_start3A_83] : memref<16x160x128xi32, #tpu.memory_space<hbm>> -> memref<1x1x128xi32, #tpu.memory_space<hbm>>
    %dma_start3A_85 = tpu.memref_squeeze %dma_start3A_84 : memref<1x1x128xi32, #tpu.memory_space<hbm>> -> memref<128xi32, #tpu.memory_space<hbm>>
    %dma_start3A_86 = arith.constant 0 : i32
    %dma_start3A_87 = tpu.memref_slice %arg10[%dma_start3A_79, %dma_start3A_86] : memref<2x128xi32, #tpu.memory_space<vmem>> -> memref<1x128xi32, #tpu.memory_space<vmem>>
    %dma_start3A_88 = tpu.memref_squeeze %dma_start3A_87 : memref<1x128xi32, #tpu.memory_space<vmem>> -> memref<128xi32, #tpu.memory_space<vmem>>
    %dma_start3A_89 = arith.constant 0 : i32
    %dma_start3A_90 = tpu.memref_slice %arg6[%arg1, %dma_start3A, %dma_start3A_89] : memref<16x160x128xi32, #tpu.memory_space<hbm>> -> memref<1x1x128xi32, #tpu.memory_space<hbm>>
    %dma_start3A_91 = tpu.memref_squeeze %dma_start3A_90 : memref<1x1x128xi32, #tpu.memory_space<hbm>> -> memref<128xi32, #tpu.memory_space<hbm>>
    tpu.enqueue_dma source(%dma_start3A_91 : memref<128xi32, #tpu.memory_space<hbm>>) target(%dma_start3A_88 : memref<128xi32, #tpu.memory_space<vmem>>) target_semaphore(%arg26 : memref<!tpu.dma_semaphore, #tpu.memory_space<semaphore_mem>>)
    %dma_start3A_92 = arith.constant 0 : i32
    %dma_start3A_93 = arith.constant 0 : i32
    %dma_start3A_94 = arith.constant 0 : i32
    %dma_start3A_95 = tpu.memref_slice %arg11[%dma_start3A_93, %dma_start3A_94] : memref<2x128xi32, #tpu.memory_space<vmem>> -> memref<1x128xi32, #tpu.memory_space<vmem>>
    %dma_start3A_96 = tpu.memref_squeeze %dma_start3A_95 : memref<1x128xi32, #tpu.memory_space<vmem>> -> memref<128xi32, #tpu.memory_space<vmem>>
    %dma_start3A_97 = arith.constant 0 : i32
    %dma_start3A_98 = tpu.memref_slice %arg7[%arg1, %dma_start3A_92, %dma_start3A_97] : memref<16x160x128xi32, #tpu.memory_space<hbm>> -> memref<1x1x128xi32, #tpu.memory_space<hbm>>
    %dma_start3A_99 = tpu.memref_squeeze %dma_start3A_98 : memref<1x1x128xi32, #tpu.memory_space<hbm>> -> memref<128xi32, #tpu.memory_space<hbm>>
    %dma_start3A_100 = arith.constant 0 : i32
    %dma_start3A_101 = tpu.memref_slice %arg11[%dma_start3A_93, %dma_start3A_100] : memref<2x128xi32, #tpu.memory_space<vmem>> -> memref<1x128xi32, #tpu.memory_space<vmem>>
    %dma_start3A_102 = tpu.memref_squeeze %dma_start3A_101 : memref<1x128xi32, #tpu.memory_space<vmem>> -> memref<128xi32, #tpu.memory_space<vmem>>
    %dma_start3A_103 = arith.constant 0 : i32
    %dma_start3A_104 = tpu.memref_slice %arg7[%arg1, %dma_start3A_92, %dma_start3A_103] : memref<16x160x128xi32, #tpu.memory_space<hbm>> -> memref<1x1x128xi32, #tpu.memory_space<hbm>>
    %dma_start3A_105 = tpu.memref_squeeze %dma_start3A_104 : memref<1x1x128xi32, #tpu.memory_space<hbm>> -> memref<128xi32, #tpu.memory_space<hbm>>
    tpu.enqueue_dma source(%dma_start3A_105 : memref<128xi32, #tpu.memory_space<hbm>>) target(%dma_start3A_102 : memref<128xi32, #tpu.memory_space<vmem>>) target_semaphore(%arg26 : memref<!tpu.dma_semaphore, #tpu.memory_space<semaphore_mem>>)
    %dma_start3A_106 = arith.constant 1 : i32
    %dma_start3A_107 = arith.constant 1 : i32
    %dma_start3A_108 = arith.constant 0 : i32
    %dma_start3A_109 = tpu.memref_slice %arg10[%dma_start3A_107, %dma_start3A_108] : memref<2x128xi32, #tpu.memory_space<vmem>> -> memref<1x128xi32, #tpu.memory_space<vmem>>
    %dma_start3A_110 = tpu.memref_squeeze %dma_start3A_109 : memref<1x128xi32, #tpu.memory_space<vmem>> -> memref<128xi32, #tpu.memory_space<vmem>>
    %dma_start3A_111 = arith.constant 0 : i32
    %dma_start3A_112 = tpu.memref_slice %arg6[%arg1, %dma_start3A_106, %dma_start3A_111] : memref<16x160x128xi32, #tpu.memory_space<hbm>> -> memref<1x1x128xi32, #tpu.memory_space<hbm>>
    %dma_start3A_113 = tpu.memref_squeeze %dma_start3A_112 : memref<1x1x128xi32, #tpu.memory_space<hbm>> -> memref<128xi32, #tpu.memory_space<hbm>>
    %dma_start3A_114 = arith.constant 0 : i32
    %dma_start3A_115 = tpu.memref_slice %arg10[%dma_start3A_107, %dma_start3A_114] : memref<2x128xi32, #tpu.memory_space<vmem>> -> memref<1x128xi32, #tpu.memory_space<vmem>>
    %dma_start3A_116 = tpu.memref_squeeze %dma_start3A_115 : memref<1x128xi32, #tpu.memory_space<vmem>> -> memref<128xi32, #tpu.memory_space<vmem>>
    %dma_start3A_117 = arith.constant 0 : i32
    %dma_start3A_118 = tpu.memref_slice %arg6[%arg1, %dma_start3A_106, %dma_start3A_117] : memref<16x160x128xi32, #tpu.memory_space<hbm>> -> memref<1x1x128xi32, #tpu.memory_space<hbm>>
    %dma_start3A_119 = tpu.memref_squeeze %dma_start3A_118 : memref<1x1x128xi32, #tpu.memory_space<hbm>> -> memref<128xi32, #tpu.memory_space<hbm>>
    tpu.enqueue_dma source(%dma_start3A_119 : memref<128xi32, #tpu.memory_space<hbm>>) target(%dma_start3A_116 : memref<128xi32, #tpu.memory_space<vmem>>) target_semaphore(%arg27 : memref<!tpu.dma_semaphore, #tpu.memory_space<semaphore_mem>>)
    %dma_start3A_120 = arith.constant 1 : i32
    %dma_start3A_121 = arith.constant 1 : i32
    %dma_start3A_122 = arith.constant 0 : i32
    %dma_start3A_123 = tpu.memref_slice %arg11[%dma_start3A_121, %dma_start3A_122] : memref<2x128xi32, #tpu.memory_space<vmem>> -> memref<1x128xi32, #tpu.memory_space<vmem>>
    %dma_start3A_124 = tpu.memref_squeeze %dma_start3A_123 : memref<1x128xi32, #tpu.memory_space<vmem>> -> memref<128xi32, #tpu.memory_space<vmem>>
    %dma_start3A_125 = arith.constant 0 : i32
    %dma_start3A_126 = tpu.memref_slice %arg7[%arg1, %dma_start3A_120, %dma_start3A_125] : memref<16x160x128xi32, #tpu.memory_space<hbm>> -> memref<1x1x128xi32, #tpu.memory_space<hbm>>
    %dma_start3A_127 = tpu.memref_squeeze %dma_start3A_126 : memref<1x1x128xi32, #tpu.memory_space<hbm>> -> memref<128xi32, #tpu.memory_space<hbm>>
    %dma_start3A_128 = arith.constant 0 : i32
    %dma_start3A_129 = tpu.memref_slice %arg11[%dma_start3A_121, %dma_start3A_128] : memref<2x128xi32, #tpu.memory_space<vmem>> -> memref<1x128xi32, #tpu.memory_space<vmem>>
    %dma_start3A_130 = tpu.memref_squeeze %dma_start3A_129 : memref<1x128xi32, #tpu.memory_space<vmem>> -> memref<128xi32, #tpu.memory_space<vmem>>
    %dma_start3A_131 = arith.constant 0 : i32
    %dma_start3A_132 = tpu.memref_slice %arg7[%arg1, %dma_start3A_120, %dma_start3A_131] : memref<16x160x128xi32, #tpu.memory_space<hbm>> -> memref<1x1x128xi32, #tpu.memory_space<hbm>>
    %dma_start3A_133 = tpu.memref_squeeze %dma_start3A_132 : memref<1x1x128xi32, #tpu.memory_space<hbm>> -> memref<128xi32, #tpu.memory_space<hbm>>
    tpu.enqueue_dma source(%dma_start3A_133 : memref<128xi32, #tpu.memory_space<hbm>>) target(%dma_start3A_130 : memref<128xi32, #tpu.memory_space<vmem>>) target_semaphore(%arg27 : memref<!tpu.dma_semaphore, #tpu.memory_space<semaphore_mem>>)
    %dma_wait3A = arith.constant 0 : i32
    %dma_wait3A_134 = arith.constant 0 : i32
    %dma_wait3A_135 = arith.constant 0 : i32
    %dma_wait3A_136 = tpu.memref_slice %arg10[%dma_wait3A_134, %dma_wait3A_135] : memref<2x128xi32, #tpu.memory_space<vmem>> -> memref<1x128xi32, #tpu.memory_space<vmem>>
    %dma_wait3A_137 = tpu.memref_squeeze %dma_wait3A_136 : memref<1x128xi32, #tpu.memory_space<vmem>> -> memref<128xi32, #tpu.memory_space<vmem>>
    %dma_wait3A_138 = arith.constant 0 : i32
    %dma_wait3A_139 = tpu.memref_slice %arg6[%arg1, %dma_wait3A, %dma_wait3A_138] : memref<16x160x128xi32, #tpu.memory_space<hbm>> -> memref<1x1x128xi32, #tpu.memory_space<hbm>>
    %dma_wait3A_140 = tpu.memref_squeeze %dma_wait3A_139 : memref<1x1x128xi32, #tpu.memory_space<hbm>> -> memref<128xi32, #tpu.memory_space<hbm>>
    %dma_wait3A_141 = arith.constant 0 : i32
    %dma_wait3A_142 = tpu.memref_slice %arg10[%dma_wait3A_134, %dma_wait3A_141] : memref<2x128xi32, #tpu.memory_space<vmem>> -> memref<1x128xi32, #tpu.memory_space<vmem>>
    %dma_wait3A_143 = tpu.memref_squeeze %dma_wait3A_142 : memref<1x128xi32, #tpu.memory_space<vmem>> -> memref<128xi32, #tpu.memory_space<vmem>>
    %dma_wait3A_144 = arith.constant 0 : i32
    %dma_wait3A_145 = tpu.memref_slice %arg6[%arg1, %dma_wait3A, %dma_wait3A_144] : memref<16x160x128xi32, #tpu.memory_space<hbm>> -> memref<1x1x128xi32, #tpu.memory_space<hbm>>
    %dma_wait3A_146 = tpu.memref_squeeze %dma_wait3A_145 : memref<1x1x128xi32, #tpu.memory_space<hbm>> -> memref<128xi32, #tpu.memory_space<hbm>>
    tpu.wait_dma2 semaphore(%arg26 : memref<!tpu.dma_semaphore, #tpu.memory_space<semaphore_mem>>) src(%dma_wait3A_146 : memref<128xi32, #tpu.memory_space<hbm>>) dst(%dma_wait3A_143 : memref<128xi32, #tpu.memory_space<vmem>>)
    %dma_wait3A_147 = arith.constant 0 : i32
    %dma_wait3A_148 = arith.constant 0 : i32
    %dma_wait3A_149 = arith.constant 0 : i32
    %dma_wait3A_150 = tpu.memref_slice %arg11[%dma_wait3A_148, %dma_wait3A_149] : memref<2x128xi32, #tpu.memory_space<vmem>> -> memref<1x128xi32, #tpu.memory_space<vmem>>
    %dma_wait3A_151 = tpu.memref_squeeze %dma_wait3A_150 : memref<1x128xi32, #tpu.memory_space<vmem>> -> memref<128xi32, #tpu.memory_space<vmem>>
    %dma_wait3A_152 = arith.constant 0 : i32
    %dma_wait3A_153 = tpu.memref_slice %arg7[%arg1, %dma_wait3A_147, %dma_wait3A_152] : memref<16x160x128xi32, #tpu.memory_space<hbm>> -> memref<1x1x128xi32, #tpu.memory_space<hbm>>
    %dma_wait3A_154 = tpu.memref_squeeze %dma_wait3A_153 : memref<1x1x128xi32, #tpu.memory_space<hbm>> -> memref<128xi32, #tpu.memory_space<hbm>>
    %dma_wait3A_155 = arith.constant 0 : i32
    %dma_wait3A_156 = tpu.memref_slice %arg11[%dma_wait3A_148, %dma_wait3A_155] : memref<2x128xi32, #tpu.memory_space<vmem>> -> memref<1x128xi32, #tpu.memory_space<vmem>>
    %dma_wait3A_157 = tpu.memref_squeeze %dma_wait3A_156 : memref<1x128xi32, #tpu.memory_space<vmem>> -> memref<128xi32, #tpu.memory_space<vmem>>
    %dma_wait3A_158 = arith.constant 0 : i32
    %dma_wait3A_159 = tpu.memref_slice %arg7[%arg1, %dma_wait3A_147, %dma_wait3A_158] : memref<16x160x128xi32, #tpu.memory_space<hbm>> -> memref<1x1x128xi32, #tpu.memory_space<hbm>>
    %dma_wait3A_160 = tpu.memref_squeeze %dma_wait3A_159 : memref<1x1x128xi32, #tpu.memory_space<hbm>> -> memref<128xi32, #tpu.memory_space<hbm>>
    tpu.wait_dma2 semaphore(%arg26 : memref<!tpu.dma_semaphore, #tpu.memory_space<semaphore_mem>>) src(%dma_wait3A_160 : memref<128xi32, #tpu.memory_space<hbm>>) dst(%dma_wait3A_157 : memref<128xi32, #tpu.memory_space<vmem>>)
    %dma_start3A_161 = arith.constant 0 : i32
    %dma_start3A_162 = arith.constant 0 : i32
    %dma_start3A_163 = arith.constant 0 : i32
    %dma_start3A_164 = tpu.memref_slice %arg13[%dma_start3A_162, %dma_start3A_163] : memref<2x128xf32, #tpu.memory_space<vmem>> -> memref<1x128xf32, #tpu.memory_space<vmem>>
    %dma_start3A_165 = tpu.memref_squeeze %dma_start3A_164 : memref<1x128xf32, #tpu.memory_space<vmem>> -> memref<128xf32, #tpu.memory_space<vmem>>
    %dma_start3A_166 = arith.constant 0 : i32
    %dma_start3A_167 = tpu.memref_slice %arg10[%dma_start3A_161, %dma_start3A_166] : memref<2x128xi32, #tpu.memory_space<vmem>> -> memref<1x128xi32, #tpu.memory_space<vmem>>
    %dma_start3A_168 = tpu.memref_squeeze %dma_start3A_167 : memref<1x128xi32, #tpu.memory_space<vmem>> -> memref<128xi32, #tpu.memory_space<vmem>>
    %dma_start3A_169 = arith.constant 0 : i32
    %dma_start3A_170 = tpu.memref_slice %arg23[%dma_start3A_169] : memref<10240xf32, #tpu.memory_space<vmem_shared>> -> memref<10240xf32, #tpu.memory_space<vmem_shared>>
    tpu.enqueue_indirect_dma source(%dma_start3A_170 : memref<10240xf32, #tpu.memory_space<vmem_shared>>) target(%dma_start3A_165 : memref<128xf32, #tpu.memory_space<vmem>>) offsets(%dma_start3A_168 : memref<128xi32, #tpu.memory_space<vmem>>) semaphore(%arg28 : memref<!tpu.dma_semaphore, #tpu.memory_space<semaphore_mem>>)
    %dma_start3A_171 = arith.constant 0 : i32
    %dma_start3A_172 = arith.constant 0 : i32
    %dma_start3A_173 = arith.constant 0 : i32
    %dma_start3A_174 = tpu.memref_slice %arg14[%dma_start3A_172, %dma_start3A_173] : memref<2x128xf32, #tpu.memory_space<vmem>> -> memref<1x128xf32, #tpu.memory_space<vmem>>
    %dma_start3A_175 = tpu.memref_squeeze %dma_start3A_174 : memref<1x128xf32, #tpu.memory_space<vmem>> -> memref<128xf32, #tpu.memory_space<vmem>>
    %dma_start3A_176 = arith.constant 0 : i32
    %dma_start3A_177 = tpu.memref_slice %arg11[%dma_start3A_171, %dma_start3A_176] : memref<2x128xi32, #tpu.memory_space<vmem>> -> memref<1x128xi32, #tpu.memory_space<vmem>>
    %dma_start3A_178 = tpu.memref_squeeze %dma_start3A_177 : memref<1x128xi32, #tpu.memory_space<vmem>> -> memref<128xi32, #tpu.memory_space<vmem>>
    %dma_start3A_179 = arith.constant 0 : i32
    %dma_start3A_180 = tpu.memref_slice %arg24[%dma_start3A_179] : memref<10240xf32, #tpu.memory_space<vmem_shared>> -> memref<10240xf32, #tpu.memory_space<vmem_shared>>
    tpu.enqueue_indirect_dma source(%dma_start3A_180 : memref<10240xf32, #tpu.memory_space<vmem_shared>>) target(%dma_start3A_175 : memref<128xf32, #tpu.memory_space<vmem>>) offsets(%dma_start3A_178 : memref<128xi32, #tpu.memory_space<vmem>>) semaphore(%arg30 : memref<!tpu.dma_semaphore, #tpu.memory_space<semaphore_mem>>)
    %dma_start3A_181 = arith.constant 0 : i32
    %dma_start3A_182 = arith.constant 0 : i32
    %dma_start3A_183 = tpu.memref_slice %arg10[%dma_start3A_181, %dma_start3A_182] : memref<2x128xi32, #tpu.memory_space<vmem>> -> memref<1x128xi32, #tpu.memory_space<vmem>>
    %dma_start3A_184 = tpu.memref_squeeze %dma_start3A_183 : memref<1x128xi32, #tpu.memory_space<vmem>> -> memref<128xi32, #tpu.memory_space<vmem>>
    %dma_start3A_185 = arith.constant 0 : i32
    %dma_start3A_186 = arith.constant 0 : i32
    %dma_start3A_187 = tpu.memref_slice %arg21[%dma_start3A_185, %dma_start3A_186] : memref<10240x64xf32, #tpu.memory_space<vmem_shared>> -> memref<10240x64xf32, #tpu.memory_space<vmem_shared>>
    tpu.enqueue_indirect_dma source(%dma_start3A_187 : memref<10240x64xf32, #tpu.memory_space<vmem_shared>>) target(%arg16 : memref<128x64xf32, #tpu.memory_space<vmem>>) offsets(%dma_start3A_184 : memref<128xi32, #tpu.memory_space<vmem>>) semaphore(%arg32 : memref<!tpu.dma_semaphore, #tpu.memory_space<semaphore_mem>>)
    %scan3A_188 = arith.constant 0 : i32
    %scan3A_189 = arith.constant 0 : i32
    %scan3A_190 = arith.constant 80 : i32
    %scan3A_191 = arith.addi %scan3A_189, %scan3A_190 : i32
    %scan3A_192 = arith.constant 1 : i32
    scf.for %scan3A_216 = %scan3A_189 to %scan3A_191 step %scan3A_192  : i32 {
      %mul3A_217 = arith.constant 2 : i32
      %mul3A_218 = arith.muli %scan3A_216, %mul3A_217 : i32
      %add3A_219 = arith.constant 0 : i32
      %add3A_220 = arith.addi %mul3A_218, %add3A_219 : i32
      %add3A_221 = arith.constant 1 : i32
      %add3A_222 = arith.addi %add3A_220, %add3A_221 : i32
      %lt3A = arith.constant 160 : i32
      %lt3A_223 = arith.cmpi slt, %add3A_222, %lt3A : i32
      %convert_element_type3A_224 = arith.extui %lt3A_223 : i1 to i32
      %cond3A_225 = arith.constant 0 : i32
      %cond3A_226 = arith.cmpi ne, %convert_element_type3A_224, %cond3A_225 : i32
      scf.if %cond3A_226 {
        %add3A_988 = arith.constant 1 : i32
        %add3A_989 = arith.addi %add3A_220, %add3A_988 : i32
        %dma_wait3A_990 = arith.constant 1 : i32
        %dma_wait3A_991 = arith.constant 0 : i32
        %dma_wait3A_992 = tpu.memref_slice %arg10[%dma_wait3A_990, %dma_wait3A_991] : memref<2x128xi32, #tpu.memory_space<vmem>> -> memref<1x128xi32, #tpu.memory_space<vmem>>
        %dma_wait3A_993 = tpu.memref_squeeze %dma_wait3A_992 : memref<1x128xi32, #tpu.memory_space<vmem>> -> memref<128xi32, #tpu.memory_space<vmem>>
        %dma_wait3A_994 = arith.constant 0 : i32
        %dma_wait3A_995 = tpu.memref_slice %arg6[%arg1, %add3A_989, %dma_wait3A_994] : memref<16x160x128xi32, #tpu.memory_space<hbm>> -> memref<1x1x128xi32, #tpu.memory_space<hbm>>
        %dma_wait3A_996 = tpu.memref_squeeze %dma_wait3A_995 : memref<1x1x128xi32, #tpu.memory_space<hbm>> -> memref<128xi32, #tpu.memory_space<hbm>>
        %dma_wait3A_997 = arith.constant 0 : i32
        %dma_wait3A_998 = tpu.memref_slice %arg10[%dma_wait3A_990, %dma_wait3A_997] : memref<2x128xi32, #tpu.memory_space<vmem>> -> memref<1x128xi32, #tpu.memory_space<vmem>>
        %dma_wait3A_999 = tpu.memref_squeeze %dma_wait3A_998 : memref<1x128xi32, #tpu.memory_space<vmem>> -> memref<128xi32, #tpu.memory_space<vmem>>
        %dma_wait3A_1000 = arith.constant 0 : i32
        %dma_wait3A_1001 = tpu.memref_slice %arg6[%arg1, %add3A_989, %dma_wait3A_1000] : memref<16x160x128xi32, #tpu.memory_space<hbm>> -> memref<1x1x128xi32, #tpu.memory_space<hbm>>
        %dma_wait3A_1002 = tpu.memref_squeeze %dma_wait3A_1001 : memref<1x1x128xi32, #tpu.memory_space<hbm>> -> memref<128xi32, #tpu.memory_space<hbm>>
        tpu.wait_dma2 semaphore(%arg27 : memref<!tpu.dma_semaphore, #tpu.memory_space<semaphore_mem>>) src(%dma_wait3A_1002 : memref<128xi32, #tpu.memory_space<hbm>>) dst(%dma_wait3A_999 : memref<128xi32, #tpu.memory_space<vmem>>)
        %add3A_1003 = arith.constant 1 : i32
        %add3A_1004 = arith.addi %add3A_220, %add3A_1003 : i32
        %dma_wait3A_1005 = arith.constant 1 : i32
        %dma_wait3A_1006 = arith.constant 0 : i32
        %dma_wait3A_1007 = tpu.memref_slice %arg11[%dma_wait3A_1005, %dma_wait3A_1006] : memref<2x128xi32, #tpu.memory_space<vmem>> -> memref<1x128xi32, #tpu.memory_space<vmem>>
        %dma_wait3A_1008 = tpu.memref_squeeze %dma_wait3A_1007 : memref<1x128xi32, #tpu.memory_space<vmem>> -> memref<128xi32, #tpu.memory_space<vmem>>
        %dma_wait3A_1009 = arith.constant 0 : i32
        %dma_wait3A_1010 = tpu.memref_slice %arg7[%arg1, %add3A_1004, %dma_wait3A_1009] : memref<16x160x128xi32, #tpu.memory_space<hbm>> -> memref<1x1x128xi32, #tpu.memory_space<hbm>>
        %dma_wait3A_1011 = tpu.memref_squeeze %dma_wait3A_1010 : memref<1x1x128xi32, #tpu.memory_space<hbm>> -> memref<128xi32, #tpu.memory_space<hbm>>
        %dma_wait3A_1012 = arith.constant 0 : i32
        %dma_wait3A_1013 = tpu.memref_slice %arg11[%dma_wait3A_1005, %dma_wait3A_1012] : memref<2x128xi32, #tpu.memory_space<vmem>> -> memref<1x128xi32, #tpu.memory_space<vmem>>
        %dma_wait3A_1014 = tpu.memref_squeeze %dma_wait3A_1013 : memref<1x128xi32, #tpu.memory_space<vmem>> -> memref<128xi32, #tpu.memory_space<vmem>>
        %dma_wait3A_1015 = arith.constant 0 : i32
        %dma_wait3A_1016 = tpu.memref_slice %arg7[%arg1, %add3A_1004, %dma_wait3A_1015] : memref<16x160x128xi32, #tpu.memory_space<hbm>> -> memref<1x1x128xi32, #tpu.memory_space<hbm>>
        %dma_wait3A_1017 = tpu.memref_squeeze %dma_wait3A_1016 : memref<1x1x128xi32, #tpu.memory_space<hbm>> -> memref<128xi32, #tpu.memory_space<hbm>>
        tpu.wait_dma2 semaphore(%arg27 : memref<!tpu.dma_semaphore, #tpu.memory_space<semaphore_mem>>) src(%dma_wait3A_1017 : memref<128xi32, #tpu.memory_space<hbm>>) dst(%dma_wait3A_1014 : memref<128xi32, #tpu.memory_space<vmem>>)
        %dma_start3A_1018 = arith.constant 1 : i32
        %dma_start3A_1019 = arith.constant 1 : i32
        %dma_start3A_1020 = arith.constant 0 : i32
        %dma_start3A_1021 = tpu.memref_slice %arg13[%dma_start3A_1019, %dma_start3A_1020] : memref<2x128xf32, #tpu.memory_space<vmem>> -> memref<1x128xf32, #tpu.memory_space<vmem>>
        %dma_start3A_1022 = tpu.memref_squeeze %dma_start3A_1021 : memref<1x128xf32, #tpu.memory_space<vmem>> -> memref<128xf32, #tpu.memory_space<vmem>>
        %dma_start3A_1023 = arith.constant 0 : i32
        %dma_start3A_1024 = tpu.memref_slice %arg10[%dma_start3A_1018, %dma_start3A_1023] : memref<2x128xi32, #tpu.memory_space<vmem>> -> memref<1x128xi32, #tpu.memory_space<vmem>>
        %dma_start3A_1025 = tpu.memref_squeeze %dma_start3A_1024 : memref<1x128xi32, #tpu.memory_space<vmem>> -> memref<128xi32, #tpu.memory_space<vmem>>
        %dma_start3A_1026 = arith.constant 0 : i32
        %dma_start3A_1027 = tpu.memref_slice %arg23[%dma_start3A_1026] : memref<10240xf32, #tpu.memory_space<vmem_shared>> -> memref<10240xf32, #tpu.memory_space<vmem_shared>>
        tpu.enqueue_indirect_dma source(%dma_start3A_1027 : memref<10240xf32, #tpu.memory_space<vmem_shared>>) target(%dma_start3A_1022 : memref<128xf32, #tpu.memory_space<vmem>>) offsets(%dma_start3A_1025 : memref<128xi32, #tpu.memory_space<vmem>>) semaphore(%arg29 : memref<!tpu.dma_semaphore, #tpu.memory_space<semaphore_mem>>)
        %dma_start3A_1028 = arith.constant 1 : i32
        %dma_start3A_1029 = arith.constant 1 : i32
        %dma_start3A_1030 = arith.constant 0 : i32
        %dma_start3A_1031 = tpu.memref_slice %arg14[%dma_start3A_1029, %dma_start3A_1030] : memref<2x128xf32, #tpu.memory_space<vmem>> -> memref<1x128xf32, #tpu.memory_space<vmem>>
        %dma_start3A_1032 = tpu.memref_squeeze %dma_start3A_1031 : memref<1x128xf32, #tpu.memory_space<vmem>> -> memref<128xf32, #tpu.memory_space<vmem>>
        %dma_start3A_1033 = arith.constant 0 : i32
        %dma_start3A_1034 = tpu.memref_slice %arg11[%dma_start3A_1028, %dma_start3A_1033] : memref<2x128xi32, #tpu.memory_space<vmem>> -> memref<1x128xi32, #tpu.memory_space<vmem>>
        %dma_start3A_1035 = tpu.memref_squeeze %dma_start3A_1034 : memref<1x128xi32, #tpu.memory_space<vmem>> -> memref<128xi32, #tpu.memory_space<vmem>>
        %dma_start3A_1036 = arith.constant 0 : i32
        %dma_start3A_1037 = tpu.memref_slice %arg24[%dma_start3A_1036] : memref<10240xf32, #tpu.memory_space<vmem_shared>> -> memref<10240xf32, #tpu.memory_space<vmem_shared>>
        tpu.enqueue_indirect_dma source(%dma_start3A_1037 : memref<10240xf32, #tpu.memory_space<vmem_shared>>) target(%dma_start3A_1032 : memref<128xf32, #tpu.memory_space<vmem>>) offsets(%dma_start3A_1035 : memref<128xi32, #tpu.memory_space<vmem>>) semaphore(%arg31 : memref<!tpu.dma_semaphore, #tpu.memory_space<semaphore_mem>>)
        %dma_start3A_1038 = arith.constant 1 : i32
        %dma_start3A_1039 = arith.constant 0 : i32
        %dma_start3A_1040 = tpu.memref_slice %arg10[%dma_start3A_1038, %dma_start3A_1039] : memref<2x128xi32, #tpu.memory_space<vmem>> -> memref<1x128xi32, #tpu.memory_space<vmem>>
        %dma_start3A_1041 = tpu.memref_squeeze %dma_start3A_1040 : memref<1x128xi32, #tpu.memory_space<vmem>> -> memref<128xi32, #tpu.memory_space<vmem>>
        %dma_start3A_1042 = arith.constant 0 : i32
        %dma_start3A_1043 = arith.constant 0 : i32
        %dma_start3A_1044 = tpu.memref_slice %arg21[%dma_start3A_1042, %dma_start3A_1043] : memref<10240x64xf32, #tpu.memory_space<vmem_shared>> -> memref<10240x64xf32, #tpu.memory_space<vmem_shared>>
        tpu.enqueue_indirect_dma source(%dma_start3A_1044 : memref<10240x64xf32, #tpu.memory_space<vmem_shared>>) target(%arg17 : memref<128x64xf32, #tpu.memory_space<vmem>>) offsets(%dma_start3A_1041 : memref<128xi32, #tpu.memory_space<vmem>>) semaphore(%arg33 : memref<!tpu.dma_semaphore, #tpu.memory_space<semaphore_mem>>)
      } else {
      }
      %dma_wait3A_227 = arith.constant 0 : i32
      %dma_wait3A_228 = arith.constant 0 : i32
      %dma_wait3A_229 = arith.constant 0 : i32
      %dma_wait3A_230 = tpu.memref_slice %arg13[%dma_wait3A_228, %dma_wait3A_229] : memref<2x128xf32, #tpu.memory_space<vmem>> -> memref<1x128xf32, #tpu.memory_space<vmem>>
      %dma_wait3A_231 = tpu.memref_squeeze %dma_wait3A_230 : memref<1x128xf32, #tpu.memory_space<vmem>> -> memref<128xf32, #tpu.memory_space<vmem>>
      %dma_wait3A_232 = arith.constant 0 : i32
      %dma_wait3A_233 = tpu.memref_slice %arg10[%dma_wait3A_227, %dma_wait3A_232] : memref<2x128xi32, #tpu.memory_space<vmem>> -> memref<1x128xi32, #tpu.memory_space<vmem>>
      %dma_wait3A_234 = tpu.memref_squeeze %dma_wait3A_233 : memref<1x128xi32, #tpu.memory_space<vmem>> -> memref<128xi32, #tpu.memory_space<vmem>>
      %dma_wait3A_235 = arith.constant 0 : i32
      %dma_wait3A_236 = tpu.memref_slice %arg23[%dma_wait3A_235] : memref<10240xf32, #tpu.memory_space<vmem_shared>> -> memref<10240xf32, #tpu.memory_space<vmem_shared>>
      tpu.wait_indirect_dma semaphore(%arg28 : memref<!tpu.dma_semaphore, #tpu.memory_space<semaphore_mem>>) src(%dma_wait3A_236 : memref<10240xf32, #tpu.memory_space<vmem_shared>>) dst(%dma_wait3A_231 : memref<128xf32, #tpu.memory_space<vmem>>)
      %dma_wait3A_237 = arith.constant 0 : i32
      %dma_wait3A_238 = arith.constant 0 : i32
      %dma_wait3A_239 = arith.constant 0 : i32
      %dma_wait3A_240 = tpu.memref_slice %arg14[%dma_wait3A_238, %dma_wait3A_239] : memref<2x128xf32, #tpu.memory_space<vmem>> -> memref<1x128xf32, #tpu.memory_space<vmem>>
      %dma_wait3A_241 = tpu.memref_squeeze %dma_wait3A_240 : memref<1x128xf32, #tpu.memory_space<vmem>> -> memref<128xf32, #tpu.memory_space<vmem>>
      %dma_wait3A_242 = arith.constant 0 : i32
      %dma_wait3A_243 = tpu.memref_slice %arg11[%dma_wait3A_237, %dma_wait3A_242] : memref<2x128xi32, #tpu.memory_space<vmem>> -> memref<1x128xi32, #tpu.memory_space<vmem>>
      %dma_wait3A_244 = tpu.memref_squeeze %dma_wait3A_243 : memref<1x128xi32, #tpu.memory_space<vmem>> -> memref<128xi32, #tpu.memory_space<vmem>>
      %dma_wait3A_245 = arith.constant 0 : i32
      %dma_wait3A_246 = tpu.memref_slice %arg24[%dma_wait3A_245] : memref<10240xf32, #tpu.memory_space<vmem_shared>> -> memref<10240xf32, #tpu.memory_space<vmem_shared>>
      tpu.wait_indirect_dma semaphore(%arg30 : memref<!tpu.dma_semaphore, #tpu.memory_space<semaphore_mem>>) src(%dma_wait3A_246 : memref<10240xf32, #tpu.memory_space<vmem_shared>>) dst(%dma_wait3A_241 : memref<128xf32, #tpu.memory_space<vmem>>)
      %dma_wait3A_247 = arith.constant 0 : i32
      %dma_wait3A_248 = arith.constant 0 : i32
      %dma_wait3A_249 = tpu.memref_slice %arg10[%dma_wait3A_247, %dma_wait3A_248] : memref<2x128xi32, #tpu.memory_space<vmem>> -> memref<1x128xi32, #tpu.memory_space<vmem>>
      %dma_wait3A_250 = tpu.memref_squeeze %dma_wait3A_249 : memref<1x128xi32, #tpu.memory_space<vmem>> -> memref<128xi32, #tpu.memory_space<vmem>>
      %dma_wait3A_251 = arith.constant 0 : i32
      %dma_wait3A_252 = arith.constant 0 : i32
      %dma_wait3A_253 = tpu.memref_slice %arg21[%dma_wait3A_251, %dma_wait3A_252] : memref<10240x64xf32, #tpu.memory_space<vmem_shared>> -> memref<10240x64xf32, #tpu.memory_space<vmem_shared>>
      tpu.wait_indirect_dma semaphore(%arg32 : memref<!tpu.dma_semaphore, #tpu.memory_space<semaphore_mem>>) src(%dma_wait3A_253 : memref<10240x64xf32, #tpu.memory_space<vmem_shared>>) dst(%arg16 : memref<128x64xf32, #tpu.memory_space<vmem>>)
      %eq3A_254 = arith.constant 0 : i32
      %eq3A_255 = arith.cmpi eq, %arg0, %eq3A_254 : i32
      %lt3A_256 = arith.constant 80 : i32
      %lt3A_257 = arith.cmpi slt, %add3A_220, %lt3A_256 : i32
      %ge3A = arith.constant 80 : i32
      %ge3A_258 = arith.cmpi sge, %add3A_220, %ge3A : i32
      %select_n3A = arith.select %eq3A_255, %lt3A_257, %ge3A_258 : i1
      %eq3A_259 = arith.constant 0 : i32
      %eq3A_260 = arith.cmpi eq, %arg0, %eq3A_259 : i32
      %sub3A = arith.constant 2 : i32
      %sub3A_261 = arith.subi %add3A_220, %sub3A : i32
      %lt3A_262 = arith.constant 80 : i32
      %lt3A_263 = arith.cmpi slt, %sub3A_261, %lt3A_262 : i32
      %sub3A_264 = arith.constant 2 : i32
      %sub3A_265 = arith.subi %add3A_220, %sub3A_264 : i32
      %ge3A_266 = arith.constant 80 : i32
      %ge3A_267 = arith.cmpi sge, %sub3A_265, %ge3A_266 : i32
      %select_n3A_268 = arith.select %eq3A_260, %lt3A_263, %ge3A_267 : i1
      %ge3A_269 = arith.constant 1 : i32
      %ge3A_270 = arith.cmpi sge, %scan3A_216, %ge3A_269 : i32
      %and3A = arith.andi %ge3A_270, %select_n3A_268 : i1
      %convert_element_type3A_271 = arith.extui %and3A : i1 to i32
      %cond3A_272 = arith.constant 0 : i32
      %cond3A_273 = arith.constant 0 : i32
      %cond3A_274 = arith.cmpi ne, %convert_element_type3A_271, %cond3A_273 : i32
      scf.if %cond3A_274 {
        %dma_wait3A_988 = arith.constant 0 : i32
        %dma_wait3A_989 = arith.constant 0 : i32
        %dma_wait3A_990 = tpu.memref_slice %arg15[%dma_wait3A_988, %dma_wait3A_989] : memref<2x128xf32, #tpu.memory_space<vmem>> -> memref<1x128xf32, #tpu.memory_space<vmem>>
        %dma_wait3A_991 = tpu.memref_squeeze %dma_wait3A_990 : memref<1x128xf32, #tpu.memory_space<vmem>> -> memref<128xf32, #tpu.memory_space<vmem>>
        %dma_wait3A_992 = arith.constant 0 : i32
        %dma_wait3A_993 = tpu.memref_slice %arg12[%cond3A_272, %dma_wait3A_992] : memref<2x128xi32, #tpu.memory_space<vmem>> -> memref<1x128xi32, #tpu.memory_space<vmem>>
        %dma_wait3A_994 = tpu.memref_squeeze %dma_wait3A_993 : memref<1x128xi32, #tpu.memory_space<vmem>> -> memref<128xi32, #tpu.memory_space<vmem>>
        %dma_wait3A_995 = arith.constant 0 : i32
        %dma_wait3A_996 = tpu.memref_slice %arg25[%dma_wait3A_995] : memref<10240xf32, #tpu.memory_space<vmem_shared>> -> memref<10240xf32, #tpu.memory_space<vmem_shared>>
        tpu.wait_indirect_dma semaphore(%arg36 : memref<!tpu.dma_semaphore, #tpu.memory_space<semaphore_mem>>) src(%dma_wait3A_991 : memref<128xf32, #tpu.memory_space<vmem>>) dst(%dma_wait3A_996 : memref<10240xf32, #tpu.memory_space<vmem_shared>>)
      } else {
      }
      %ge3A_275 = arith.constant 1 : i32
      %ge3A_276 = arith.cmpi sge, %scan3A_216, %ge3A_275 : i32
      %convert_element_type3A_277 = arith.extui %ge3A_276 : i1 to i32
      %cond3A_278 = arith.constant 0 : i32
      %cond3A_279 = arith.constant 0 : i32
      %cond3A_280 = arith.cmpi ne, %convert_element_type3A_277, %cond3A_279 : i32
      scf.if %cond3A_280 {
        %dma_wait3A_988 = arith.constant 0 : i32
        %dma_wait3A_989 = tpu.memref_slice %arg12[%cond3A_278, %dma_wait3A_988] : memref<2x128xi32, #tpu.memory_space<vmem>> -> memref<1x128xi32, #tpu.memory_space<vmem>>
        %dma_wait3A_990 = tpu.memref_squeeze %dma_wait3A_989 : memref<1x128xi32, #tpu.memory_space<vmem>> -> memref<128xi32, #tpu.memory_space<vmem>>
        %dma_wait3A_991 = arith.constant 0 : i32
        %dma_wait3A_992 = arith.constant 0 : i32
        %dma_wait3A_993 = tpu.memref_slice %arg22[%dma_wait3A_991, %dma_wait3A_992] : memref<10240x64xf32, #tpu.memory_space<vmem_shared>> -> memref<10240x64xf32, #tpu.memory_space<vmem_shared>>
        tpu.wait_indirect_dma semaphore(%arg34 : memref<!tpu.dma_semaphore, #tpu.memory_space<semaphore_mem>>) src(%arg18 : memref<128x64xf32, #tpu.memory_space<vmem>>) dst(%dma_wait3A_993 : memref<10240x64xf32, #tpu.memory_space<vmem_shared>>)
      } else {
      }
      %get3A_281 = arith.constant 0 : i32
      %get3A_282 = arith.index_cast %get3A_281 : i32 to index
      %get3A_283 = arith.constant 0 : index
      %get3A_284 = tpu.vector_load %arg11[%get3A_282, %get3A_283] {strides = array<i32>} : memref<2x128xi32, #tpu.memory_space<vmem>>, vector<1x16xi32>,
      %get3A_285 = vector.shape_cast %get3A_284 : vector<1x16xi32> to vector<16xi32>
      %swap3A_286 = arith.constant 0 : i32
      %swap3A_287 = arith.index_cast %swap3A_286 : i32 to index
      %swap3A_288 = arith.constant 0 : index
      %swap3A_289 = tpu.vector_load %arg12[%swap3A_287, %swap3A_288] {strides = array<i32>} : memref<2x128xi32, #tpu.memory_space<vmem>>, vector<1x16xi32>,
      %swap3A_290 = vector.shape_cast %swap3A_289 : vector<1x16xi32> to vector<16xi32>
      %swap3A_291 = vector.shape_cast %get3A_285 : vector<16xi32> to vector<1x16xi32>
      tpu.vector_store %arg12[%swap3A_287, %swap3A_288], %swap3A_291 {strides = array<i32>} : memref<2x128xi32, #tpu.memory_space<vmem>>, vector<1x16xi32>,
      %get3A_292 = arith.constant 0 : i32
      %get3A_293 = arith.index_cast %get3A_292 : i32 to index
      %get3A_294 = arith.constant 16 : index
      %get3A_295 = tpu.vector_load %arg11[%get3A_293, %get3A_294] {strides = array<i32>} : memref<2x128xi32, #tpu.memory_space<vmem>>, vector<1x16xi32>,
      %get3A_296 = vector.shape_cast %get3A_295 : vector<1x16xi32> to vector<16xi32>
      %swap3A_297 = arith.constant 0 : i32
      %swap3A_298 = arith.index_cast %swap3A_297 : i32 to index
      %swap3A_299 = arith.constant 16 : index
      %swap3A_300 = tpu.vector_load %arg12[%swap3A_298, %swap3A_299] {strides = array<i32>} : memref<2x128xi32, #tpu.memory_space<vmem>>, vector<1x16xi32>,
      %swap3A_301 = vector.shape_cast %swap3A_300 : vector<1x16xi32> to vector<16xi32>
      %swap3A_302 = vector.shape_cast %get3A_296 : vector<16xi32> to vector<1x16xi32>
      tpu.vector_store %arg12[%swap3A_298, %swap3A_299], %swap3A_302 {strides = array<i32>} : memref<2x128xi32, #tpu.memory_space<vmem>>, vector<1x16xi32>,
      %get3A_303 = arith.constant 0 : i32
      %get3A_304 = arith.index_cast %get3A_303 : i32 to index
      %get3A_305 = arith.constant 32 : index
      %get3A_306 = tpu.vector_load %arg11[%get3A_304, %get3A_305] {strides = array<i32>} : memref<2x128xi32, #tpu.memory_space<vmem>>, vector<1x16xi32>,
      %get3A_307 = vector.shape_cast %get3A_306 : vector<1x16xi32> to vector<16xi32>
      %swap3A_308 = arith.constant 0 : i32
      %swap3A_309 = arith.index_cast %swap3A_308 : i32 to index
      %swap3A_310 = arith.constant 32 : index
      %swap3A_311 = tpu.vector_load %arg12[%swap3A_309, %swap3A_310] {strides = array<i32>} : memref<2x128xi32, #tpu.memory_space<vmem>>, vector<1x16xi32>,
      %swap3A_312 = vector.shape_cast %swap3A_311 : vector<1x16xi32> to vector<16xi32>
      %swap3A_313 = vector.shape_cast %get3A_307 : vector<16xi32> to vector<1x16xi32>
      tpu.vector_store %arg12[%swap3A_309, %swap3A_310], %swap3A_313 {strides = array<i32>} : memref<2x128xi32, #tpu.memory_space<vmem>>, vector<1x16xi32>,
      %get3A_314 = arith.constant 0 : i32
      %get3A_315 = arith.index_cast %get3A_314 : i32 to index
      %get3A_316 = arith.constant 48 : index
      %get3A_317 = tpu.vector_load %arg11[%get3A_315, %get3A_316] {strides = array<i32>} : memref<2x128xi32, #tpu.memory_space<vmem>>, vector<1x16xi32>,
      %get3A_318 = vector.shape_cast %get3A_317 : vector<1x16xi32> to vector<16xi32>
      %swap3A_319 = arith.constant 0 : i32
      %swap3A_320 = arith.index_cast %swap3A_319 : i32 to index
      %swap3A_321 = arith.constant 48 : index
      %swap3A_322 = tpu.vector_load %arg12[%swap3A_320, %swap3A_321] {strides = array<i32>} : memref<2x128xi32, #tpu.memory_space<vmem>>, vector<1x16xi32>,
      %swap3A_323 = vector.shape_cast %swap3A_322 : vector<1x16xi32> to vector<16xi32>
      %swap3A_324 = vector.shape_cast %get3A_318 : vector<16xi32> to vector<1x16xi32>
      tpu.vector_store %arg12[%swap3A_320, %swap3A_321], %swap3A_324 {strides = array<i32>} : memref<2x128xi32, #tpu.memory_space<vmem>>, vector<1x16xi32>,
      %get3A_325 = arith.constant 0 : i32
      %get3A_326 = arith.index_cast %get3A_325 : i32 to index
      %get3A_327 = arith.constant 64 : index
      %get3A_328 = tpu.vector_load %arg11[%get3A_326, %get3A_327] {strides = array<i32>} : memref<2x128xi32, #tpu.memory_space<vmem>>, vector<1x16xi32>,
      %get3A_329 = vector.shape_cast %get3A_328 : vector<1x16xi32> to vector<16xi32>
      %swap3A_330 = arith.constant 0 : i32
      %swap3A_331 = arith.index_cast %swap3A_330 : i32 to index
      %swap3A_332 = arith.constant 64 : index
      %swap3A_333 = tpu.vector_load %arg12[%swap3A_331, %swap3A_332] {strides = array<i32>} : memref<2x128xi32, #tpu.memory_space<vmem>>, vector<1x16xi32>,
      %swap3A_334 = vector.shape_cast %swap3A_333 : vector<1x16xi32> to vector<16xi32>
      %swap3A_335 = vector.shape_cast %get3A_329 : vector<16xi32> to vector<1x16xi32>
      tpu.vector_store %arg12[%swap3A_331, %swap3A_332], %swap3A_335 {strides = array<i32>} : memref<2x128xi32, #tpu.memory_space<vmem>>, vector<1x16xi32>,
      %get3A_336 = arith.constant 0 : i32
      %get3A_337 = arith.index_cast %get3A_336 : i32 to index
      %get3A_338 = arith.constant 80 : index
      %get3A_339 = tpu.vector_load %arg11[%get3A_337, %get3A_338] {strides = array<i32>} : memref<2x128xi32, #tpu.memory_space<vmem>>, vector<1x16xi32>,
      %get3A_340 = vector.shape_cast %get3A_339 : vector<1x16xi32> to vector<16xi32>
      %swap3A_341 = arith.constant 0 : i32
      %swap3A_342 = arith.index_cast %swap3A_341 : i32 to index
      %swap3A_343 = arith.constant 80 : index
      %swap3A_344 = tpu.vector_load %arg12[%swap3A_342, %swap3A_343] {strides = array<i32>} : memref<2x128xi32, #tpu.memory_space<vmem>>, vector<1x16xi32>,
      %swap3A_345 = vector.shape_cast %swap3A_344 : vector<1x16xi32> to vector<16xi32>
      %swap3A_346 = vector.shape_cast %get3A_340 : vector<16xi32> to vector<1x16xi32>
      tpu.vector_store %arg12[%swap3A_342, %swap3A_343], %swap3A_346 {strides = array<i32>} : memref<2x128xi32, #tpu.memory_space<vmem>>, vector<1x16xi32>,
      %get3A_347 = arith.constant 0 : i32
      %get3A_348 = arith.index_cast %get3A_347 : i32 to index
      %get3A_349 = arith.constant 96 : index
      %get3A_350 = tpu.vector_load %arg11[%get3A_348, %get3A_349] {strides = array<i32>} : memref<2x128xi32, #tpu.memory_space<vmem>>, vector<1x16xi32>,
      %get3A_351 = vector.shape_cast %get3A_350 : vector<1x16xi32> to vector<16xi32>
      %swap3A_352 = arith.constant 0 : i32
      %swap3A_353 = arith.index_cast %swap3A_352 : i32 to index
      %swap3A_354 = arith.constant 96 : index
      %swap3A_355 = tpu.vector_load %arg12[%swap3A_353, %swap3A_354] {strides = array<i32>} : memref<2x128xi32, #tpu.memory_space<vmem>>, vector<1x16xi32>,
      %swap3A_356 = vector.shape_cast %swap3A_355 : vector<1x16xi32> to vector<16xi32>
      %swap3A_357 = vector.shape_cast %get3A_351 : vector<16xi32> to vector<1x16xi32>
      tpu.vector_store %arg12[%swap3A_353, %swap3A_354], %swap3A_357 {strides = array<i32>} : memref<2x128xi32, #tpu.memory_space<vmem>>, vector<1x16xi32>,
      %get3A_358 = arith.constant 0 : i32
      %get3A_359 = arith.index_cast %get3A_358 : i32 to index
      %get3A_360 = arith.constant 112 : index
      %get3A_361 = tpu.vector_load %arg11[%get3A_359, %get3A_360] {strides = array<i32>} : memref<2x128xi32, #tpu.memory_space<vmem>>, vector<1x16xi32>,
      %get3A_362 = vector.shape_cast %get3A_361 : vector<1x16xi32> to vector<16xi32>
      %swap3A_363 = arith.constant 0 : i32
      %swap3A_364 = arith.index_cast %swap3A_363 : i32 to index
      %swap3A_365 = arith.constant 112 : index
      %swap3A_366 = tpu.vector_load %arg12[%swap3A_364, %swap3A_365] {strides = array<i32>} : memref<2x128xi32, #tpu.memory_space<vmem>>, vector<1x16xi32>,
      %swap3A_367 = vector.shape_cast %swap3A_366 : vector<1x16xi32> to vector<16xi32>
      %swap3A_368 = vector.shape_cast %get3A_362 : vector<16xi32> to vector<1x16xi32>
      tpu.vector_store %arg12[%swap3A_364, %swap3A_365], %swap3A_368 {strides = array<i32>} : memref<2x128xi32, #tpu.memory_space<vmem>>, vector<1x16xi32>,
      %add3A_369 = arith.constant 2 : i32
      %add3A_370 = arith.addi %add3A_220, %add3A_369 : i32
      %lt3A_371 = arith.constant 160 : i32
      %lt3A_372 = arith.cmpi slt, %add3A_370, %lt3A_371 : i32
      %convert_element_type3A_373 = arith.extui %lt3A_372 : i1 to i32
      %cond3A_374 = arith.constant 0 : i32
      %cond3A_375 = arith.cmpi ne, %convert_element_type3A_373, %cond3A_374 : i32
      scf.if %cond3A_375 {
        %add3A_988 = arith.constant 2 : i32
        %add3A_989 = arith.addi %add3A_220, %add3A_988 : i32
        %dma_start3A_990 = arith.constant 0 : i32
        %dma_start3A_991 = arith.constant 0 : i32
        %dma_start3A_992 = tpu.memref_slice %arg10[%dma_start3A_990, %dma_start3A_991] : memref<2x128xi32, #tpu.memory_space<vmem>> -> memref<1x128xi32, #tpu.memory_space<vmem>>
        %dma_start3A_993 = tpu.memref_squeeze %dma_start3A_992 : memref<1x128xi32, #tpu.memory_space<vmem>> -> memref<128xi32, #tpu.memory_space<vmem>>
        %dma_start3A_994 = arith.constant 0 : i32
        %dma_start3A_995 = tpu.memref_slice %arg6[%arg1, %add3A_989, %dma_start3A_994] : memref<16x160x128xi32, #tpu.memory_space<hbm>> -> memref<1x1x128xi32, #tpu.memory_space<hbm>>
        %dma_start3A_996 = tpu.memref_squeeze %dma_start3A_995 : memref<1x1x128xi32, #tpu.memory_space<hbm>> -> memref<128xi32, #tpu.memory_space<hbm>>
        %dma_start3A_997 = arith.constant 0 : i32
        %dma_start3A_998 = tpu.memref_slice %arg10[%dma_start3A_990, %dma_start3A_997] : memref<2x128xi32, #tpu.memory_space<vmem>> -> memref<1x128xi32, #tpu.memory_space<vmem>>
        %dma_start3A_999 = tpu.memref_squeeze %dma_start3A_998 : memref<1x128xi32, #tpu.memory_space<vmem>> -> memref<128xi32, #tpu.memory_space<vmem>>
        %dma_start3A_1000 = arith.constant 0 : i32
        %dma_start3A_1001 = tpu.memref_slice %arg6[%arg1, %add3A_989, %dma_start3A_1000] : memref<16x160x128xi32, #tpu.memory_space<hbm>> -> memref<1x1x128xi32, #tpu.memory_space<hbm>>
        %dma_start3A_1002 = tpu.memref_squeeze %dma_start3A_1001 : memref<1x1x128xi32, #tpu.memory_space<hbm>> -> memref<128xi32, #tpu.memory_space<hbm>>
        tpu.enqueue_dma source(%dma_start3A_1002 : memref<128xi32, #tpu.memory_space<hbm>>) target(%dma_start3A_999 : memref<128xi32, #tpu.memory_space<vmem>>) target_semaphore(%arg26 : memref<!tpu.dma_semaphore, #tpu.memory_space<semaphore_mem>>)
        %add3A_1003 = arith.constant 2 : i32
        %add3A_1004 = arith.addi %add3A_220, %add3A_1003 : i32
        %dma_start3A_1005 = arith.constant 0 : i32
        %dma_start3A_1006 = arith.constant 0 : i32
        %dma_start3A_1007 = tpu.memref_slice %arg11[%dma_start3A_1005, %dma_start3A_1006] : memref<2x128xi32, #tpu.memory_space<vmem>> -> memref<1x128xi32, #tpu.memory_space<vmem>>
        %dma_start3A_1008 = tpu.memref_squeeze %dma_start3A_1007 : memref<1x128xi32, #tpu.memory_space<vmem>> -> memref<128xi32, #tpu.memory_space<vmem>>
        %dma_start3A_1009 = arith.constant 0 : i32
        %dma_start3A_1010 = tpu.memref_slice %arg7[%arg1, %add3A_1004, %dma_start3A_1009] : memref<16x160x128xi32, #tpu.memory_space<hbm>> -> memref<1x1x128xi32, #tpu.memory_space<hbm>>
        %dma_start3A_1011 = tpu.memref_squeeze %dma_start3A_1010 : memref<1x1x128xi32, #tpu.memory_space<hbm>> -> memref<128xi32, #tpu.memory_space<hbm>>
        %dma_start3A_1012 = arith.constant 0 : i32
        %dma_start3A_1013 = tpu.memref_slice %arg11[%dma_start3A_1005, %dma_start3A_1012] : memref<2x128xi32, #tpu.memory_space<vmem>> -> memref<1x128xi32, #tpu.memory_space<vmem>>
        %dma_start3A_1014 = tpu.memref_squeeze %dma_start3A_1013 : memref<1x128xi32, #tpu.memory_space<vmem>> -> memref<128xi32, #tpu.memory_space<vmem>>
        %dma_start3A_1015 = arith.constant 0 : i32
        %dma_start3A_1016 = tpu.memref_slice %arg7[%arg1, %add3A_1004, %dma_start3A_1015] : memref<16x160x128xi32, #tpu.memory_space<hbm>> -> memref<1x1x128xi32, #tpu.memory_space<hbm>>
        %dma_start3A_1017 = tpu.memref_squeeze %dma_start3A_1016 : memref<1x1x128xi32, #tpu.memory_space<hbm>> -> memref<128xi32, #tpu.memory_space<hbm>>
        tpu.enqueue_dma source(%dma_start3A_1017 : memref<128xi32, #tpu.memory_space<hbm>>) target(%dma_start3A_1014 : memref<128xi32, #tpu.memory_space<vmem>>) target_semaphore(%arg26 : memref<!tpu.dma_semaphore, #tpu.memory_space<semaphore_mem>>)
      } else {
      }
      %get3A_376 = arith.constant 0 : i32
      %get3A_377 = arith.index_cast %get3A_376 : i32 to index
      %get3A_378 = arith.constant 0 : index
      %get3A_379 = tpu.vector_load %arg13[%get3A_377, %get3A_378] {strides = array<i32>} : memref<2x128xf32, #tpu.memory_space<vmem>>, vector<1x16xf32>,
      %get3A_380 = vector.shape_cast %get3A_379 : vector<1x16xf32> to vector<16xf32>
      %get3A_381 = arith.constant 0 : i32
      %get3A_382 = arith.index_cast %get3A_381 : i32 to index
      %get3A_383 = arith.constant 0 : index
      %get3A_384 = tpu.vector_load %arg14[%get3A_382, %get3A_383] {strides = array<i32>} : memref<2x128xf32, #tpu.memory_space<vmem>>, vector<1x16xf32>,
      %get3A_385 = vector.shape_cast %get3A_384 : vector<1x16xf32> to vector<16xf32>
      %add3A_386 = arith.addf %get3A_380, %get3A_385 : vector<16xf32>
      %gt3A = arith.constant 0.000000e+00 : f32
      %gt3A_387 = vector.broadcast %gt3A : f32 to vector<16xf32>
      %gt3A_388 = arith.cmpf ogt, %add3A_386, %gt3A_387 : vector<16xf32>
      %mul3A_389 = arith.constant 2.000000e-01 : f32
      %mul3A_390 = vector.broadcast %mul3A_389 : f32 to vector<16xf32>
      %mul3A_391 = arith.mulf %mul3A_390, %add3A_386 : vector<16xf32>
      %select_n3A_392 = arith.select %gt3A_388, %add3A_386, %mul3A_391 : vector<16xi1>, vector<16xf32>
      %sub3A_393 = arith.subf %select_n3A_392, %get3A_78 : vector<16xf32>
      %exp3A = math.exp %sub3A_393 : vector<16xf32>
      %swap3A_394 = arith.constant 0 : i32
      %swap3A_395 = arith.index_cast %swap3A_394 : i32 to index
      %swap3A_396 = arith.constant 0 : index
      %swap3A_397 = tpu.vector_load %arg15[%swap3A_395, %swap3A_396] {strides = array<i32>} : memref<2x128xf32, #tpu.memory_space<vmem>>, vector<1x16xf32>,
      %swap3A_398 = vector.shape_cast %swap3A_397 : vector<1x16xf32> to vector<16xf32>
      %swap3A_399 = vector.shape_cast %exp3A : vector<16xf32> to vector<1x16xf32>
      tpu.vector_store %arg15[%swap3A_395, %swap3A_396], %swap3A_399 {strides = array<i32>} : memref<2x128xf32, #tpu.memory_space<vmem>>, vector<1x16xf32>,
      %get3A_400 = arith.constant 0 : i32
      %get3A_401 = arith.index_cast %get3A_400 : i32 to index
      %get3A_402 = arith.constant 16 : index
      %get3A_403 = tpu.vector_load %arg13[%get3A_401, %get3A_402] {strides = array<i32>} : memref<2x128xf32, #tpu.memory_space<vmem>>, vector<1x16xf32>,
      %get3A_404 = vector.shape_cast %get3A_403 : vector<1x16xf32> to vector<16xf32>
      %get3A_405 = arith.constant 0 : i32
      %get3A_406 = arith.index_cast %get3A_405 : i32 to index
      %get3A_407 = arith.constant 16 : index
      %get3A_408 = tpu.vector_load %arg14[%get3A_406, %get3A_407] {strides = array<i32>} : memref<2x128xf32, #tpu.memory_space<vmem>>, vector<1x16xf32>,
      %get3A_409 = vector.shape_cast %get3A_408 : vector<1x16xf32> to vector<16xf32>
      %add3A_410 = arith.addf %get3A_404, %get3A_409 : vector<16xf32>
      %gt3A_411 = arith.constant 0.000000e+00 : f32
      %gt3A_412 = vector.broadcast %gt3A_411 : f32 to vector<16xf32>
      %gt3A_413 = arith.cmpf ogt, %add3A_410, %gt3A_412 : vector<16xf32>
      %mul3A_414 = arith.constant 2.000000e-01 : f32
      %mul3A_415 = vector.broadcast %mul3A_414 : f32 to vector<16xf32>
      %mul3A_416 = arith.mulf %mul3A_415, %add3A_410 : vector<16xf32>
      %select_n3A_417 = arith.select %gt3A_413, %add3A_410, %mul3A_416 : vector<16xi1>, vector<16xf32>
      %sub3A_418 = arith.subf %select_n3A_417, %get3A_78 : vector<16xf32>
      %exp3A_419 = math.exp %sub3A_418 : vector<16xf32>
      %swap3A_420 = arith.constant 0 : i32
      %swap3A_421 = arith.index_cast %swap3A_420 : i32 to index
      %swap3A_422 = arith.constant 16 : index
      %swap3A_423 = tpu.vector_load %arg15[%swap3A_421, %swap3A_422] {strides = array<i32>} : memref<2x128xf32, #tpu.memory_space<vmem>>, vector<1x16xf32>,
      %swap3A_424 = vector.shape_cast %swap3A_423 : vector<1x16xf32> to vector<16xf32>
      %swap3A_425 = vector.shape_cast %exp3A_419 : vector<16xf32> to vector<1x16xf32>
      tpu.vector_store %arg15[%swap3A_421, %swap3A_422], %swap3A_425 {strides = array<i32>} : memref<2x128xf32, #tpu.memory_space<vmem>>, vector<1x16xf32>,
      %get3A_426 = arith.constant 0 : i32
      %get3A_427 = arith.index_cast %get3A_426 : i32 to index
      %get3A_428 = arith.constant 32 : index
      %get3A_429 = tpu.vector_load %arg13[%get3A_427, %get3A_428] {strides = array<i32>} : memref<2x128xf32, #tpu.memory_space<vmem>>, vector<1x16xf32>,
      %get3A_430 = vector.shape_cast %get3A_429 : vector<1x16xf32> to vector<16xf32>
      %get3A_431 = arith.constant 0 : i32
      %get3A_432 = arith.index_cast %get3A_431 : i32 to index
      %get3A_433 = arith.constant 32 : index
      %get3A_434 = tpu.vector_load %arg14[%get3A_432, %get3A_433] {strides = array<i32>} : memref<2x128xf32, #tpu.memory_space<vmem>>, vector<1x16xf32>,
      %get3A_435 = vector.shape_cast %get3A_434 : vector<1x16xf32> to vector<16xf32>
      %add3A_436 = arith.addf %get3A_430, %get3A_435 : vector<16xf32>
      %gt3A_437 = arith.constant 0.000000e+00 : f32
      %gt3A_438 = vector.broadcast %gt3A_437 : f32 to vector<16xf32>
      %gt3A_439 = arith.cmpf ogt, %add3A_436, %gt3A_438 : vector<16xf32>
      %mul3A_440 = arith.constant 2.000000e-01 : f32
      %mul3A_441 = vector.broadcast %mul3A_440 : f32 to vector<16xf32>
      %mul3A_442 = arith.mulf %mul3A_441, %add3A_436 : vector<16xf32>
      %select_n3A_443 = arith.select %gt3A_439, %add3A_436, %mul3A_442 : vector<16xi1>, vector<16xf32>
      %sub3A_444 = arith.subf %select_n3A_443, %get3A_78 : vector<16xf32>
      %exp3A_445 = math.exp %sub3A_444 : vector<16xf32>
      %swap3A_446 = arith.constant 0 : i32
      %swap3A_447 = arith.index_cast %swap3A_446 : i32 to index
      %swap3A_448 = arith.constant 32 : index
      %swap3A_449 = tpu.vector_load %arg15[%swap3A_447, %swap3A_448] {strides = array<i32>} : memref<2x128xf32, #tpu.memory_space<vmem>>, vector<1x16xf32>,
      %swap3A_450 = vector.shape_cast %swap3A_449 : vector<1x16xf32> to vector<16xf32>
      %swap3A_451 = vector.shape_cast %exp3A_445 : vector<16xf32> to vector<1x16xf32>
      tpu.vector_store %arg15[%swap3A_447, %swap3A_448], %swap3A_451 {strides = array<i32>} : memref<2x128xf32, #tpu.memory_space<vmem>>, vector<1x16xf32>,
      %get3A_452 = arith.constant 0 : i32
      %get3A_453 = arith.index_cast %get3A_452 : i32 to index
      %get3A_454 = arith.constant 48 : index
      %get3A_455 = tpu.vector_load %arg13[%get3A_453, %get3A_454] {strides = array<i32>} : memref<2x128xf32, #tpu.memory_space<vmem>>, vector<1x16xf32>,
      %get3A_456 = vector.shape_cast %get3A_455 : vector<1x16xf32> to vector<16xf32>
      %get3A_457 = arith.constant 0 : i32
      %get3A_458 = arith.index_cast %get3A_457 : i32 to index
      %get3A_459 = arith.constant 48 : index
      %get3A_460 = tpu.vector_load %arg14[%get3A_458, %get3A_459] {strides = array<i32>} : memref<2x128xf32, #tpu.memory_space<vmem>>, vector<1x16xf32>,
      %get3A_461 = vector.shape_cast %get3A_460 : vector<1x16xf32> to vector<16xf32>
      %add3A_462 = arith.addf %get3A_456, %get3A_461 : vector<16xf32>
      %gt3A_463 = arith.constant 0.000000e+00 : f32
      %gt3A_464 = vector.broadcast %gt3A_463 : f32 to vector<16xf32>
      %gt3A_465 = arith.cmpf ogt, %add3A_462, %gt3A_464 : vector<16xf32>
      %mul3A_466 = arith.constant 2.000000e-01 : f32
      %mul3A_467 = vector.broadcast %mul3A_466 : f32 to vector<16xf32>
      %mul3A_468 = arith.mulf %mul3A_467, %add3A_462 : vector<16xf32>
      %select_n3A_469 = arith.select %gt3A_465, %add3A_462, %mul3A_468 : vector<16xi1>, vector<16xf32>
      %sub3A_470 = arith.subf %select_n3A_469, %get3A_78 : vector<16xf32>
      %exp3A_471 = math.exp %sub3A_470 : vector<16xf32>
      %swap3A_472 = arith.constant 0 : i32
      %swap3A_473 = arith.index_cast %swap3A_472 : i32 to index
      %swap3A_474 = arith.constant 48 : index
      %swap3A_475 = tpu.vector_load %arg15[%swap3A_473, %swap3A_474] {strides = array<i32>} : memref<2x128xf32, #tpu.memory_space<vmem>>, vector<1x16xf32>,
      %swap3A_476 = vector.shape_cast %swap3A_475 : vector<1x16xf32> to vector<16xf32>
      %swap3A_477 = vector.shape_cast %exp3A_471 : vector<16xf32> to vector<1x16xf32>
      tpu.vector_store %arg15[%swap3A_473, %swap3A_474], %swap3A_477 {strides = array<i32>} : memref<2x128xf32, #tpu.memory_space<vmem>>, vector<1x16xf32>,
      %get3A_478 = arith.constant 0 : i32
      %get3A_479 = arith.index_cast %get3A_478 : i32 to index
      %get3A_480 = arith.constant 64 : index
      %get3A_481 = tpu.vector_load %arg13[%get3A_479, %get3A_480] {strides = array<i32>} : memref<2x128xf32, #tpu.memory_space<vmem>>, vector<1x16xf32>,
      %get3A_482 = vector.shape_cast %get3A_481 : vector<1x16xf32> to vector<16xf32>
      %get3A_483 = arith.constant 0 : i32
      %get3A_484 = arith.index_cast %get3A_483 : i32 to index
      %get3A_485 = arith.constant 64 : index
      %get3A_486 = tpu.vector_load %arg14[%get3A_484, %get3A_485] {strides = array<i32>} : memref<2x128xf32, #tpu.memory_space<vmem>>, vector<1x16xf32>,
      %get3A_487 = vector.shape_cast %get3A_486 : vector<1x16xf32> to vector<16xf32>
      %add3A_488 = arith.addf %get3A_482, %get3A_487 : vector<16xf32>
      %gt3A_489 = arith.constant 0.000000e+00 : f32
      %gt3A_490 = vector.broadcast %gt3A_489 : f32 to vector<16xf32>
      %gt3A_491 = arith.cmpf ogt, %add3A_488, %gt3A_490 : vector<16xf32>
      %mul3A_492 = arith.constant 2.000000e-01 : f32
      %mul3A_493 = vector.broadcast %mul3A_492 : f32 to vector<16xf32>
      %mul3A_494 = arith.mulf %mul3A_493, %add3A_488 : vector<16xf32>
      %select_n3A_495 = arith.select %gt3A_491, %add3A_488, %mul3A_494 : vector<16xi1>, vector<16xf32>
      %sub3A_496 = arith.subf %select_n3A_495, %get3A_78 : vector<16xf32>
      %exp3A_497 = math.exp %sub3A_496 : vector<16xf32>
      %swap3A_498 = arith.constant 0 : i32
      %swap3A_499 = arith.index_cast %swap3A_498 : i32 to index
      %swap3A_500 = arith.constant 64 : index
      %swap3A_501 = tpu.vector_load %arg15[%swap3A_499, %swap3A_500] {strides = array<i32>} : memref<2x128xf32, #tpu.memory_space<vmem>>, vector<1x16xf32>,
      %swap3A_502 = vector.shape_cast %swap3A_501 : vector<1x16xf32> to vector<16xf32>
      %swap3A_503 = vector.shape_cast %exp3A_497 : vector<16xf32> to vector<1x16xf32>
      tpu.vector_store %arg15[%swap3A_499, %swap3A_500], %swap3A_503 {strides = array<i32>} : memref<2x128xf32, #tpu.memory_space<vmem>>, vector<1x16xf32>,
      %get3A_504 = arith.constant 0 : i32
      %get3A_505 = arith.index_cast %get3A_504 : i32 to index
      %get3A_506 = arith.constant 80 : index
      %get3A_507 = tpu.vector_load %arg13[%get3A_505, %get3A_506] {strides = array<i32>} : memref<2x128xf32, #tpu.memory_space<vmem>>, vector<1x16xf32>,
      %get3A_508 = vector.shape_cast %get3A_507 : vector<1x16xf32> to vector<16xf32>
      %get3A_509 = arith.constant 0 : i32
      %get3A_510 = arith.index_cast %get3A_509 : i32 to index
      %get3A_511 = arith.constant 80 : index
      %get3A_512 = tpu.vector_load %arg14[%get3A_510, %get3A_511] {strides = array<i32>} : memref<2x128xf32, #tpu.memory_space<vmem>>, vector<1x16xf32>,
      %get3A_513 = vector.shape_cast %get3A_512 : vector<1x16xf32> to vector<16xf32>
      %add3A_514 = arith.addf %get3A_508, %get3A_513 : vector<16xf32>
      %gt3A_515 = arith.constant 0.000000e+00 : f32
      %gt3A_516 = vector.broadcast %gt3A_515 : f32 to vector<16xf32>
      %gt3A_517 = arith.cmpf ogt, %add3A_514, %gt3A_516 : vector<16xf32>
      %mul3A_518 = arith.constant 2.000000e-01 : f32
      %mul3A_519 = vector.broadcast %mul3A_518 : f32 to vector<16xf32>
      %mul3A_520 = arith.mulf %mul3A_519, %add3A_514 : vector<16xf32>
      %select_n3A_521 = arith.select %gt3A_517, %add3A_514, %mul3A_520 : vector<16xi1>, vector<16xf32>
      %sub3A_522 = arith.subf %select_n3A_521, %get3A_78 : vector<16xf32>
      %exp3A_523 = math.exp %sub3A_522 : vector<16xf32>
      %swap3A_524 = arith.constant 0 : i32
      %swap3A_525 = arith.index_cast %swap3A_524 : i32 to index
      %swap3A_526 = arith.constant 80 : index
      %swap3A_527 = tpu.vector_load %arg15[%swap3A_525, %swap3A_526] {strides = array<i32>} : memref<2x128xf32, #tpu.memory_space<vmem>>, vector<1x16xf32>,
      %swap3A_528 = vector.shape_cast %swap3A_527 : vector<1x16xf32> to vector<16xf32>
      %swap3A_529 = vector.shape_cast %exp3A_523 : vector<16xf32> to vector<1x16xf32>
      tpu.vector_store %arg15[%swap3A_525, %swap3A_526], %swap3A_529 {strides = array<i32>} : memref<2x128xf32, #tpu.memory_space<vmem>>, vector<1x16xf32>,
      %get3A_530 = arith.constant 0 : i32
      %get3A_531 = arith.index_cast %get3A_530 : i32 to index
      %get3A_532 = arith.constant 96 : index
      %get3A_533 = tpu.vector_load %arg13[%get3A_531, %get3A_532] {strides = array<i32>} : memref<2x128xf32, #tpu.memory_space<vmem>>, vector<1x16xf32>,
      %get3A_534 = vector.shape_cast %get3A_533 : vector<1x16xf32> to vector<16xf32>
      %get3A_535 = arith.constant 0 : i32
      %get3A_536 = arith.index_cast %get3A_535 : i32 to index
      %get3A_537 = arith.constant 96 : index
      %get3A_538 = tpu.vector_load %arg14[%get3A_536, %get3A_537] {strides = array<i32>} : memref<2x128xf32, #tpu.memory_space<vmem>>, vector<1x16xf32>,
      %get3A_539 = vector.shape_cast %get3A_538 : vector<1x16xf32> to vector<16xf32>
      %add3A_540 = arith.addf %get3A_534, %get3A_539 : vector<16xf32>
      %gt3A_541 = arith.constant 0.000000e+00 : f32
      %gt3A_542 = vector.broadcast %gt3A_541 : f32 to vector<16xf32>
      %gt3A_543 = arith.cmpf ogt, %add3A_540, %gt3A_542 : vector<16xf32>
      %mul3A_544 = arith.constant 2.000000e-01 : f32
      %mul3A_545 = vector.broadcast %mul3A_544 : f32 to vector<16xf32>
      %mul3A_546 = arith.mulf %mul3A_545, %add3A_540 : vector<16xf32>
      %select_n3A_547 = arith.select %gt3A_543, %add3A_540, %mul3A_546 : vector<16xi1>, vector<16xf32>
      %sub3A_548 = arith.subf %select_n3A_547, %get3A_78 : vector<16xf32>
      %exp3A_549 = math.exp %sub3A_548 : vector<16xf32>
      %swap3A_550 = arith.constant 0 : i32
      %swap3A_551 = arith.index_cast %swap3A_550 : i32 to index
      %swap3A_552 = arith.constant 96 : index
      %swap3A_553 = tpu.vector_load %arg15[%swap3A_551, %swap3A_552] {strides = array<i32>} : memref<2x128xf32, #tpu.memory_space<vmem>>, vector<1x16xf32>,
      %swap3A_554 = vector.shape_cast %swap3A_553 : vector<1x16xf32> to vector<16xf32>
      %swap3A_555 = vector.shape_cast %exp3A_549 : vector<16xf32> to vector<1x16xf32>
      tpu.vector_store %arg15[%swap3A_551, %swap3A_552], %swap3A_555 {strides = array<i32>} : memref<2x128xf32, #tpu.memory_space<vmem>>, vector<1x16xf32>,
      %get3A_556 = arith.constant 0 : i32
      %get3A_557 = arith.index_cast %get3A_556 : i32 to index
      %get3A_558 = arith.constant 112 : index
      %get3A_559 = tpu.vector_load %arg13[%get3A_557, %get3A_558] {strides = array<i32>} : memref<2x128xf32, #tpu.memory_space<vmem>>, vector<1x16xf32>,
      %get3A_560 = vector.shape_cast %get3A_559 : vector<1x16xf32> to vector<16xf32>
      %get3A_561 = arith.constant 0 : i32
      %get3A_562 = arith.index_cast %get3A_561 : i32 to index
      %get3A_563 = arith.constant 112 : index
      %get3A_564 = tpu.vector_load %arg14[%get3A_562, %get3A_563] {strides = array<i32>} : memref<2x128xf32, #tpu.memory_space<vmem>>, vector<1x16xf32>,
      %get3A_565 = vector.shape_cast %get3A_564 : vector<1x16xf32> to vector<16xf32>
      %add3A_566 = arith.addf %get3A_560, %get3A_565 : vector<16xf32>
      %gt3A_567 = arith.constant 0.000000e+00 : f32
      %gt3A_568 = vector.broadcast %gt3A_567 : f32 to vector<16xf32>
      %gt3A_569 = arith.cmpf ogt, %add3A_566, %gt3A_568 : vector<16xf32>
      %mul3A_570 = arith.constant 2.000000e-01 : f32
      %mul3A_571 = vector.broadcast %mul3A_570 : f32 to vector<16xf32>
      %mul3A_572 = arith.mulf %mul3A_571, %add3A_566 : vector<16xf32>
      %select_n3A_573 = arith.select %gt3A_569, %add3A_566, %mul3A_572 : vector<16xi1>, vector<16xf32>
      %sub3A_574 = arith.subf %select_n3A_573, %get3A_78 : vector<16xf32>
      %exp3A_575 = math.exp %sub3A_574 : vector<16xf32>
      %swap3A_576 = arith.constant 0 : i32
      %swap3A_577 = arith.index_cast %swap3A_576 : i32 to index
      %swap3A_578 = arith.constant 112 : index
      %swap3A_579 = tpu.vector_load %arg15[%swap3A_577, %swap3A_578] {strides = array<i32>} : memref<2x128xf32, #tpu.memory_space<vmem>>, vector<1x16xf32>,
      %swap3A_580 = vector.shape_cast %swap3A_579 : vector<1x16xf32> to vector<16xf32>
      %swap3A_581 = vector.shape_cast %exp3A_575 : vector<16xf32> to vector<1x16xf32>
      tpu.vector_store %arg15[%swap3A_577, %swap3A_578], %swap3A_581 {strides = array<i32>} : memref<2x128xf32, #tpu.memory_space<vmem>>, vector<1x16xf32>,
      %convert_element_type3A_582 = arith.extui %select_n3A : i1 to i32
      %cond3A_583 = arith.constant 0 : i32
      %cond3A_584 = arith.constant 0 : i32
      %cond3A_585 = arith.cmpi ne, %convert_element_type3A_582, %cond3A_584 : i32
      scf.if %cond3A_585 {
        %dma_start3A_988 = arith.constant 0 : i32
        %dma_start3A_989 = arith.constant 0 : i32
        %dma_start3A_990 = tpu.memref_slice %arg15[%dma_start3A_988, %dma_start3A_989] : memref<2x128xf32, #tpu.memory_space<vmem>> -> memref<1x128xf32, #tpu.memory_space<vmem>>
        %dma_start3A_991 = tpu.memref_squeeze %dma_start3A_990 : memref<1x128xf32, #tpu.memory_space<vmem>> -> memref<128xf32, #tpu.memory_space<vmem>>
        %dma_start3A_992 = arith.constant 0 : i32
        %dma_start3A_993 = tpu.memref_slice %arg12[%cond3A_583, %dma_start3A_992] : memref<2x128xi32, #tpu.memory_space<vmem>> -> memref<1x128xi32, #tpu.memory_space<vmem>>
        %dma_start3A_994 = tpu.memref_squeeze %dma_start3A_993 : memref<1x128xi32, #tpu.memory_space<vmem>> -> memref<128xi32, #tpu.memory_space<vmem>>
        %dma_start3A_995 = arith.constant 0 : i32
        %dma_start3A_996 = tpu.memref_slice %arg25[%dma_start3A_995] : memref<10240xf32, #tpu.memory_space<vmem_shared>> -> memref<10240xf32, #tpu.memory_space<vmem_shared>>
        tpu.enqueue_indirect_dma source(%dma_start3A_991 : memref<128xf32, #tpu.memory_space<vmem>>) target(%dma_start3A_996 : memref<10240xf32, #tpu.memory_space<vmem_shared>>) offsets(%dma_start3A_994 : memref<128xi32, #tpu.memory_space<vmem>>) semaphore(%arg36 : memref<!tpu.dma_semaphore, #tpu.memory_space<semaphore_mem>>) {add = true}
      } else {
      }
      %scan3A_586 = arith.constant 0 : i32
      %scan3A_587 = arith.constant 0 : i32
      %scan3A_588 = arith.constant 8 : i32
      %scan3A_589 = arith.addi %scan3A_587, %scan3A_588 : i32
      %scan3A_590 = arith.constant 1 : i32
      scf.for %scan3A_988 = %scan3A_587 to %scan3A_589 step %scan3A_590  : i32 {
        %mul3A_989 = arith.constant 16 : i32
        %mul3A_990 = arith.muli %scan3A_988, %mul3A_989 : i32
        %get3A_991 = arith.constant 0 : i32
        %get3A_992 = arith.index_cast %get3A_991 : i32 to index
        %get3A_993 = arith.index_cast %mul3A_990 : i32 to index
        %get3A_994 = tpu.vector_load %arg15[%get3A_992, %get3A_993] {strides = array<i32>} : memref<2x128xf32, #tpu.memory_space<vmem>>, vector<1x16xf32>,
        %get3A_995 = vector.shape_cast %get3A_994 : vector<1x16xf32> to vector<16xf32>
        %slice3A = vector.extract_strided_slice %get3A_995 {offsets = [0], sizes = [1], strides = [1]} : vector<16xf32> to vector<1xf32>
        %squeeze3A = vector.extract %slice3A[0] : f32 from vector<1xf32>
        %mul3A_996 = arith.constant 16 : i32
        %mul3A_997 = arith.muli %scan3A_988, %mul3A_996 : i32
        %add3A_998 = arith.constant 0 : i32
        %add3A_999 = arith.addi %mul3A_997, %add3A_998 : i32
        %get3A_1000 = arith.index_cast %add3A_999 : i32 to index
        %get3A_1001 = arith.constant 0 : index
        %get3A_1002 = tpu.vector_load %arg16[%get3A_1000, %get3A_1001] {strides = array<i32>} : memref<128x64xf32, #tpu.memory_space<vmem>>, vector<1x16xf32>,
        %get3A_1003 = vector.shape_cast %get3A_1002 : vector<1x16xf32> to vector<16xf32>
        %mul3A_1004 = vector.broadcast %squeeze3A : f32 to vector<16xf32>
        %mul3A_1005 = arith.mulf %get3A_1003, %mul3A_1004 : vector<16xf32>
        %swap3A_1006 = arith.index_cast %add3A_999 : i32 to index
        %swap3A_1007 = arith.constant 0 : index
        %swap3A_1008 = tpu.vector_load %arg18[%swap3A_1006, %swap3A_1007] {strides = array<i32>} : memref<128x64xf32, #tpu.memory_space<vmem>>, vector<1x16xf32>,
        %swap3A_1009 = vector.shape_cast %swap3A_1008 : vector<1x16xf32> to vector<16xf32>
        %swap3A_1010 = vector.shape_cast %mul3A_1005 : vector<16xf32> to vector<1x16xf32>
        tpu.vector_store %arg18[%swap3A_1006, %swap3A_1007], %swap3A_1010 {strides = array<i32>} : memref<128x64xf32, #tpu.memory_space<vmem>>, vector<1x16xf32>,
        %get3A_1011 = arith.index_cast %add3A_999 : i32 to index
        %get3A_1012 = arith.constant 16 : index
        %get3A_1013 = tpu.vector_load %arg16[%get3A_1011, %get3A_1012] {strides = array<i32>} : memref<128x64xf32, #tpu.memory_space<vmem>>, vector<1x16xf32>,
        %get3A_1014 = vector.shape_cast %get3A_1013 : vector<1x16xf32> to vector<16xf32>
        %mul3A_1015 = vector.broadcast %squeeze3A : f32 to vector<16xf32>
        %mul3A_1016 = arith.mulf %get3A_1014, %mul3A_1015 : vector<16xf32>
        %swap3A_1017 = arith.index_cast %add3A_999 : i32 to index
        %swap3A_1018 = arith.constant 16 : index
        %swap3A_1019 = tpu.vector_load %arg18[%swap3A_1017, %swap3A_1018] {strides = array<i32>} : memref<128x64xf32, #tpu.memory_space<vmem>>, vector<1x16xf32>,
        %swap3A_1020 = vector.shape_cast %swap3A_1019 : vector<1x16xf32> to vector<16xf32>
        %swap3A_1021 = vector.shape_cast %mul3A_1016 : vector<16xf32> to vector<1x16xf32>
        tpu.vector_store %arg18[%swap3A_1017, %swap3A_1018], %swap3A_1021 {strides = array<i32>} : memref<128x64xf32, #tpu.memory_space<vmem>>, vector<1x16xf32>,
        %get3A_1022 = arith.index_cast %add3A_999 : i32 to index
        %get3A_1023 = arith.constant 32 : index
        %get3A_1024 = tpu.vector_load %arg16[%get3A_1022, %get3A_1023] {strides = array<i32>} : memref<128x64xf32, #tpu.memory_space<vmem>>, vector<1x16xf32>,
        %get3A_1025 = vector.shape_cast %get3A_1024 : vector<1x16xf32> to vector<16xf32>
        %mul3A_1026 = vector.broadcast %squeeze3A : f32 to vector<16xf32>
        %mul3A_1027 = arith.mulf %get3A_1025, %mul3A_1026 : vector<16xf32>
        %swap3A_1028 = arith.index_cast %add3A_999 : i32 to index
        %swap3A_1029 = arith.constant 32 : index
        %swap3A_1030 = tpu.vector_load %arg18[%swap3A_1028, %swap3A_1029] {strides = array<i32>} : memref<128x64xf32, #tpu.memory_space<vmem>>, vector<1x16xf32>,
        %swap3A_1031 = vector.shape_cast %swap3A_1030 : vector<1x16xf32> to vector<16xf32>
        %swap3A_1032 = vector.shape_cast %mul3A_1027 : vector<16xf32> to vector<1x16xf32>
        tpu.vector_store %arg18[%swap3A_1028, %swap3A_1029], %swap3A_1032 {strides = array<i32>} : memref<128x64xf32, #tpu.memory_space<vmem>>, vector<1x16xf32>,
        %get3A_1033 = arith.index_cast %add3A_999 : i32 to index
        %get3A_1034 = arith.constant 48 : index
        %get3A_1035 = tpu.vector_load %arg16[%get3A_1033, %get3A_1034] {strides = array<i32>} : memref<128x64xf32, #tpu.memory_space<vmem>>, vector<1x16xf32>,
        %get3A_1036 = vector.shape_cast %get3A_1035 : vector<1x16xf32> to vector<16xf32>
        %mul3A_1037 = vector.broadcast %squeeze3A : f32 to vector<16xf32>
        %mul3A_1038 = arith.mulf %get3A_1036, %mul3A_1037 : vector<16xf32>
        %swap3A_1039 = arith.index_cast %add3A_999 : i32 to index
        %swap3A_1040 = arith.constant 48 : index
        %swap3A_1041 = tpu.vector_load %arg18[%swap3A_1039, %swap3A_1040] {strides = array<i32>} : memref<128x64xf32, #tpu.memory_space<vmem>>, vector<1x16xf32>,
        %swap3A_1042 = vector.shape_cast %swap3A_1041 : vector<1x16xf32> to vector<16xf32>
        %swap3A_1043 = vector.shape_cast %mul3A_1038 : vector<16xf32> to vector<1x16xf32>
        tpu.vector_store %arg18[%swap3A_1039, %swap3A_1040], %swap3A_1043 {strides = array<i32>} : memref<128x64xf32, #tpu.memory_space<vmem>>, vector<1x16xf32>,
        %slice3A_1044 = vector.extract_strided_slice %get3A_995 {offsets = [1], sizes = [1], strides = [1]} : vector<16xf32> to vector<1xf32>
        %squeeze3A_1045 = vector.extract %slice3A_1044[0] : f32 from vector<1xf32>
        %mul3A_1046 = arith.constant 16 : i32
        %mul3A_1047 = arith.muli %scan3A_988, %mul3A_1046 : i32
        %add3A_1048 = arith.constant 1 : i32
        %add3A_1049 = arith.addi %mul3A_1047, %add3A_1048 : i32
        %get3A_1050 = arith.index_cast %add3A_1049 : i32 to index
        %get3A_1051 = arith.constant 0 : index
        %get3A_1052 = tpu.vector_load %arg16[%get3A_1050, %get3A_1051] {strides = array<i32>} : memref<128x64xf32, #tpu.memory_space<vmem>>, vector<1x16xf32>,
        %get3A_1053 = vector.shape_cast %get3A_1052 : vector<1x16xf32> to vector<16xf32>
        %mul3A_1054 = vector.broadcast %squeeze3A_1045 : f32 to vector<16xf32>
        %mul3A_1055 = arith.mulf %get3A_1053, %mul3A_1054 : vector<16xf32>
        %swap3A_1056 = arith.index_cast %add3A_1049 : i32 to index
        %swap3A_1057 = arith.constant 0 : index
        %swap3A_1058 = tpu.vector_load %arg18[%swap3A_1056, %swap3A_1057] {strides = array<i32>} : memref<128x64xf32, #tpu.memory_space<vmem>>, vector<1x16xf32>,
        %swap3A_1059 = vector.shape_cast %swap3A_1058 : vector<1x16xf32> to vector<16xf32>
        %swap3A_1060 = vector.shape_cast %mul3A_1055 : vector<16xf32> to vector<1x16xf32>
        tpu.vector_store %arg18[%swap3A_1056, %swap3A_1057], %swap3A_1060 {strides = array<i32>} : memref<128x64xf32, #tpu.memory_space<vmem>>, vector<1x16xf32>,
        %get3A_1061 = arith.index_cast %add3A_1049 : i32 to index
        %get3A_1062 = arith.constant 16 : index
        %get3A_1063 = tpu.vector_load %arg16[%get3A_1061, %get3A_1062] {strides = array<i32>} : memref<128x64xf32, #tpu.memory_space<vmem>>, vector<1x16xf32>,
        %get3A_1064 = vector.shape_cast %get3A_1063 : vector<1x16xf32> to vector<16xf32>
        %mul3A_1065 = vector.broadcast %squeeze3A_1045 : f32 to vector<16xf32>
        %mul3A_1066 = arith.mulf %get3A_1064, %mul3A_1065 : vector<16xf32>
        %swap3A_1067 = arith.index_cast %add3A_1049 : i32 to index
        %swap3A_1068 = arith.constant 16 : index
        %swap3A_1069 = tpu.vector_load %arg18[%swap3A_1067, %swap3A_1068] {strides = array<i32>} : memref<128x64xf32, #tpu.memory_space<vmem>>, vector<1x16xf32>,
        %swap3A_1070 = vector.shape_cast %swap3A_1069 : vector<1x16xf32> to vector<16xf32>
        %swap3A_1071 = vector.shape_cast %mul3A_1066 : vector<16xf32> to vector<1x16xf32>
        tpu.vector_store %arg18[%swap3A_1067, %swap3A_1068], %swap3A_1071 {strides = array<i32>} : memref<128x64xf32, #tpu.memory_space<vmem>>, vector<1x16xf32>,
        %get3A_1072 = arith.index_cast %add3A_1049 : i32 to index
        %get3A_1073 = arith.constant 32 : index
        %get3A_1074 = tpu.vector_load %arg16[%get3A_1072, %get3A_1073] {strides = array<i32>} : memref<128x64xf32, #tpu.memory_space<vmem>>, vector<1x16xf32>,
        %get3A_1075 = vector.shape_cast %get3A_1074 : vector<1x16xf32> to vector<16xf32>
        %mul3A_1076 = vector.broadcast %squeeze3A_1045 : f32 to vector<16xf32>
        %mul3A_1077 = arith.mulf %get3A_1075, %mul3A_1076 : vector<16xf32>
        %swap3A_1078 = arith.index_cast %add3A_1049 : i32 to index
        %swap3A_1079 = arith.constant 32 : index
        %swap3A_1080 = tpu.vector_load %arg18[%swap3A_1078, %swap3A_1079] {strides = array<i32>} : memref<128x64xf32, #tpu.memory_space<vmem>>, vector<1x16xf32>,
        %swap3A_1081 = vector.shape_cast %swap3A_1080 : vector<1x16xf32> to vector<16xf32>
        %swap3A_1082 = vector.shape_cast %mul3A_1077 : vector<16xf32> to vector<1x16xf32>
        tpu.vector_store %arg18[%swap3A_1078, %swap3A_1079], %swap3A_1082 {strides = array<i32>} : memref<128x64xf32, #tpu.memory_space<vmem>>, vector<1x16xf32>,
        %get3A_1083 = arith.index_cast %add3A_1049 : i32 to index
        %get3A_1084 = arith.constant 48 : index
        %get3A_1085 = tpu.vector_load %arg16[%get3A_1083, %get3A_1084] {strides = array<i32>} : memref<128x64xf32, #tpu.memory_space<vmem>>, vector<1x16xf32>,
        %get3A_1086 = vector.shape_cast %get3A_1085 : vector<1x16xf32> to vector<16xf32>
        %mul3A_1087 = vector.broadcast %squeeze3A_1045 : f32 to vector<16xf32>
        %mul3A_1088 = arith.mulf %get3A_1086, %mul3A_1087 : vector<16xf32>
        %swap3A_1089 = arith.index_cast %add3A_1049 : i32 to index
        %swap3A_1090 = arith.constant 48 : index
        %swap3A_1091 = tpu.vector_load %arg18[%swap3A_1089, %swap3A_1090] {strides = array<i32>} : memref<128x64xf32, #tpu.memory_space<vmem>>, vector<1x16xf32>,
        %swap3A_1092 = vector.shape_cast %swap3A_1091 : vector<1x16xf32> to vector<16xf32>
        %swap3A_1093 = vector.shape_cast %mul3A_1088 : vector<16xf32> to vector<1x16xf32>
        tpu.vector_store %arg18[%swap3A_1089, %swap3A_1090], %swap3A_1093 {strides = array<i32>} : memref<128x64xf32, #tpu.memory_space<vmem>>, vector<1x16xf32>,
        %slice3A_1094 = vector.extract_strided_slice %get3A_995 {offsets = [2], sizes = [1], strides = [1]} : vector<16xf32> to vector<1xf32>
        %squeeze3A_1095 = vector.extract %slice3A_1094[0] : f32 from vector<1xf32>
        %mul3A_1096 = arith.constant 16 : i32
        %mul3A_1097 = arith.muli %scan3A_988, %mul3A_1096 : i32
        %add3A_1098 = arith.constant 2 : i32
        %add3A_1099 = arith.addi %mul3A_1097, %add3A_1098 : i32
        %get3A_1100 = arith.index_cast %add3A_1099 : i32 to index
        %get3A_1101 = arith.constant 0 : index
        %get3A_1102 = tpu.vector_load %arg16[%get3A_1100, %get3A_1101] {strides = array<i32>} : memref<128x64xf32, #tpu.memory_space<vmem>>, vector<1x16xf32>,
        %get3A_1103 = vector.shape_cast %get3A_1102 : vector<1x16xf32> to vector<16xf32>
        %mul3A_1104 = vector.broadcast %squeeze3A_1095 : f32 to vector<16xf32>
        %mul3A_1105 = arith.mulf %get3A_1103, %mul3A_1104 : vector<16xf32>
        %swap3A_1106 = arith.index_cast %add3A_1099 : i32 to index
        %swap3A_1107 = arith.constant 0 : index
        %swap3A_1108 = tpu.vector_load %arg18[%swap3A_1106, %swap3A_1107] {strides = array<i32>} : memref<128x64xf32, #tpu.memory_space<vmem>>, vector<1x16xf32>,
        %swap3A_1109 = vector.shape_cast %swap3A_1108 : vector<1x16xf32> to vector<16xf32>
        %swap3A_1110 = vector.shape_cast %mul3A_1105 : vector<16xf32> to vector<1x16xf32>
        tpu.vector_store %arg18[%swap3A_1106, %swap3A_1107], %swap3A_1110 {strides = array<i32>} : memref<128x64xf32, #tpu.memory_space<vmem>>, vector<1x16xf32>,
        %get3A_1111 = arith.index_cast %add3A_1099 : i32 to index
        %get3A_1112 = arith.constant 16 : index
        %get3A_1113 = tpu.vector_load %arg16[%get3A_1111, %get3A_1112] {strides = array<i32>} : memref<128x64xf32, #tpu.memory_space<vmem>>, vector<1x16xf32>,
        %get3A_1114 = vector.shape_cast %get3A_1113 : vector<1x16xf32> to vector<16xf32>
        %mul3A_1115 = vector.broadcast %squeeze3A_1095 : f32 to vector<16xf32>
        %mul3A_1116 = arith.mulf %get3A_1114, %mul3A_1115 : vector<16xf32>
        %swap3A_1117 = arith.index_cast %add3A_1099 : i32 to index
        %swap3A_1118 = arith.constant 16 : index
        %swap3A_1119 = tpu.vector_load %arg18[%swap3A_1117, %swap3A_1118] {strides = array<i32>} : memref<128x64xf32, #tpu.memory_space<vmem>>, vector<1x16xf32>,
        %swap3A_1120 = vector.shape_cast %swap3A_1119 : vector<1x16xf32> to vector<16xf32>
        %swap3A_1121 = vector.shape_cast %mul3A_1116 : vector<16xf32> to vector<1x16xf32>
        tpu.vector_store %arg18[%swap3A_1117, %swap3A_1118], %swap3A_1121 {strides = array<i32>} : memref<128x64xf32, #tpu.memory_space<vmem>>, vector<1x16xf32>,
        %get3A_1122 = arith.index_cast %add3A_1099 : i32 to index
        %get3A_1123 = arith.constant 32 : index
        %get3A_1124 = tpu.vector_load %arg16[%get3A_1122, %get3A_1123] {strides = array<i32>} : memref<128x64xf32, #tpu.memory_space<vmem>>, vector<1x16xf32>,
        %get3A_1125 = vector.shape_cast %get3A_1124 : vector<1x16xf32> to vector<16xf32>
        %mul3A_1126 = vector.broadcast %squeeze3A_1095 : f32 to vector<16xf32>
        %mul3A_1127 = arith.mulf %get3A_1125, %mul3A_1126 : vector<16xf32>
        %swap3A_1128 = arith.index_cast %add3A_1099 : i32 to index
        %swap3A_1129 = arith.constant 32 : index
        %swap3A_1130 = tpu.vector_load %arg18[%swap3A_1128, %swap3A_1129] {strides = array<i32>} : memref<128x64xf32, #tpu.memory_space<vmem>>, vector<1x16xf32>,
        %swap3A_1131 = vector.shape_cast %swap3A_1130 : vector<1x16xf32> to vector<16xf32>
        %swap3A_1132 = vector.shape_cast %mul3A_1127 : vector<16xf32> to vector<1x16xf32>
        tpu.vector_store %arg18[%swap3A_1128, %swap3A_1129], %swap3A_1132 {strides = array<i32>} : memref<128x64xf32, #tpu.memory_space<vmem>>, vector<1x16xf32>,
        %get3A_1133 = arith.index_cast %add3A_1099 : i32 to index
        %get3A_1134 = arith.constant 48 : index
        %get3A_1135 = tpu.vector_load %arg16[%get3A_1133, %get3A_1134] {strides = array<i32>} : memref<128x64xf32, #tpu.memory_space<vmem>>, vector<1x16xf32>,
        %get3A_1136 = vector.shape_cast %get3A_1135 : vector<1x16xf32> to vector<16xf32>
        %mul3A_1137 = vector.broadcast %squeeze3A_1095 : f32 to vector<16xf32>
        %mul3A_1138 = arith.mulf %get3A_1136, %mul3A_1137 : vector<16xf32>
        %swap3A_1139 = arith.index_cast %add3A_1099 : i32 to index
        %swap3A_1140 = arith.constant 48 : index
        %swap3A_1141 = tpu.vector_load %arg18[%swap3A_1139, %swap3A_1140] {strides = array<i32>} : memref<128x64xf32, #tpu.memory_space<vmem>>, vector<1x16xf32>,
        %swap3A_1142 = vector.shape_cast %swap3A_1141 : vector<1x16xf32> to vector<16xf32>
        %swap3A_1143 = vector.shape_cast %mul3A_1138 : vector<16xf32> to vector<1x16xf32>
        tpu.vector_store %arg18[%swap3A_1139, %swap3A_1140], %swap3A_1143 {strides = array<i32>} : memref<128x64xf32, #tpu.memory_space<vmem>>, vector<1x16xf32>,
        %slice3A_1144 = vector.extract_strided_slice %get3A_995 {offsets = [3], sizes = [1], strides = [1]} : vector<16xf32> to vector<1xf32>
        %squeeze3A_1145 = vector.extract %slice3A_1144[0] : f32 from vector<1xf32>
        %mul3A_1146 = arith.constant 16 : i32
        %mul3A_1147 = arith.muli %scan3A_988, %mul3A_1146 : i32
        %add3A_1148 = arith.constant 3 : i32
        %add3A_1149 = arith.addi %mul3A_1147, %add3A_1148 : i32
        %get3A_1150 = arith.index_cast %add3A_1149 : i32 to index
        %get3A_1151 = arith.constant 0 : index
        %get3A_1152 = tpu.vector_load %arg16[%get3A_1150, %get3A_1151] {strides = array<i32>} : memref<128x64xf32, #tpu.memory_space<vmem>>, vector<1x16xf32>,
        %get3A_1153 = vector.shape_cast %get3A_1152 : vector<1x16xf32> to vector<16xf32>
        %mul3A_1154 = vector.broadcast %squeeze3A_1145 : f32 to vector<16xf32>
        %mul3A_1155 = arith.mulf %get3A_1153, %mul3A_1154 : vector<16xf32>
        %swap3A_1156 = arith.index_cast %add3A_1149 : i32 to index
        %swap3A_1157 = arith.constant 0 : index
        %swap3A_1158 = tpu.vector_load %arg18[%swap3A_1156, %swap3A_1157] {strides = array<i32>} : memref<128x64xf32, #tpu.memory_space<vmem>>, vector<1x16xf32>,
        %swap3A_1159 = vector.shape_cast %swap3A_1158 : vector<1x16xf32> to vector<16xf32>
        %swap3A_1160 = vector.shape_cast %mul3A_1155 : vector<16xf32> to vector<1x16xf32>
        tpu.vector_store %arg18[%swap3A_1156, %swap3A_1157], %swap3A_1160 {strides = array<i32>} : memref<128x64xf32, #tpu.memory_space<vmem>>, vector<1x16xf32>,
        %get3A_1161 = arith.index_cast %add3A_1149 : i32 to index
        %get3A_1162 = arith.constant 16 : index
        %get3A_1163 = tpu.vector_load %arg16[%get3A_1161, %get3A_1162] {strides = array<i32>} : memref<128x64xf32, #tpu.memory_space<vmem>>, vector<1x16xf32>,
        %get3A_1164 = vector.shape_cast %get3A_1163 : vector<1x16xf32> to vector<16xf32>
        %mul3A_1165 = vector.broadcast %squeeze3A_1145 : f32 to vector<16xf32>
        %mul3A_1166 = arith.mulf %get3A_1164, %mul3A_1165 : vector<16xf32>
        %swap3A_1167 = arith.index_cast %add3A_1149 : i32 to index
        %swap3A_1168 = arith.constant 16 : index
        %swap3A_1169 = tpu.vector_load %arg18[%swap3A_1167, %swap3A_1168] {strides = array<i32>} : memref<128x64xf32, #tpu.memory_space<vmem>>, vector<1x16xf32>,
        %swap3A_1170 = vector.shape_cast %swap3A_1169 : vector<1x16xf32> to vector<16xf32>
        %swap3A_1171 = vector.shape_cast %mul3A_1166 : vector<16xf32> to vector<1x16xf32>
        tpu.vector_store %arg18[%swap3A_1167, %swap3A_1168], %swap3A_1171 {strides = array<i32>} : memref<128x64xf32, #tpu.memory_space<vmem>>, vector<1x16xf32>,
        %get3A_1172 = arith.index_cast %add3A_1149 : i32 to index
        %get3A_1173 = arith.constant 32 : index
        %get3A_1174 = tpu.vector_load %arg16[%get3A_1172, %get3A_1173] {strides = array<i32>} : memref<128x64xf32, #tpu.memory_space<vmem>>, vector<1x16xf32>,
        %get3A_1175 = vector.shape_cast %get3A_1174 : vector<1x16xf32> to vector<16xf32>
        %mul3A_1176 = vector.broadcast %squeeze3A_1145 : f32 to vector<16xf32>
        %mul3A_1177 = arith.mulf %get3A_1175, %mul3A_1176 : vector<16xf32>
        %swap3A_1178 = arith.index_cast %add3A_1149 : i32 to index
        %swap3A_1179 = arith.constant 32 : index
        %swap3A_1180 = tpu.vector_load %arg18[%swap3A_1178, %swap3A_1179] {strides = array<i32>} : memref<128x64xf32, #tpu.memory_space<vmem>>, vector<1x16xf32>,
        %swap3A_1181 = vector.shape_cast %swap3A_1180 : vector<1x16xf32> to vector<16xf32>
        %swap3A_1182 = vector.shape_cast %mul3A_1177 : vector<16xf32> to vector<1x16xf32>
        tpu.vector_store %arg18[%swap3A_1178, %swap3A_1179], %swap3A_1182 {strides = array<i32>} : memref<128x64xf32, #tpu.memory_space<vmem>>, vector<1x16xf32>,
        %get3A_1183 = arith.index_cast %add3A_1149 : i32 to index
        %get3A_1184 = arith.constant 48 : index
        %get3A_1185 = tpu.vector_load %arg16[%get3A_1183, %get3A_1184] {strides = array<i32>} : memref<128x64xf32, #tpu.memory_space<vmem>>, vector<1x16xf32>,
        %get3A_1186 = vector.shape_cast %get3A_1185 : vector<1x16xf32> to vector<16xf32>
        %mul3A_1187 = vector.broadcast %squeeze3A_1145 : f32 to vector<16xf32>
        %mul3A_1188 = arith.mulf %get3A_1186, %mul3A_1187 : vector<16xf32>
        %swap3A_1189 = arith.index_cast %add3A_1149 : i32 to index
        %swap3A_1190 = arith.constant 48 : index
        %swap3A_1191 = tpu.vector_load %arg18[%swap3A_1189, %swap3A_1190] {strides = array<i32>} : memref<128x64xf32, #tpu.memory_space<vmem>>, vector<1x16xf32>,
        %swap3A_1192 = vector.shape_cast %swap3A_1191 : vector<1x16xf32> to vector<16xf32>
        %swap3A_1193 = vector.shape_cast %mul3A_1188 : vector<16xf32> to vector<1x16xf32>
        tpu.vector_store %arg18[%swap3A_1189, %swap3A_1190], %swap3A_1193 {strides = array<i32>} : memref<128x64xf32, #tpu.memory_space<vmem>>, vector<1x16xf32>,
        %slice3A_1194 = vector.extract_strided_slice %get3A_995 {offsets = [4], sizes = [1], strides = [1]} : vector<16xf32> to vector<1xf32>
        %squeeze3A_1195 = vector.extract %slice3A_1194[0] : f32 from vector<1xf32>
        %mul3A_1196 = arith.constant 16 : i32
        %mul3A_1197 = arith.muli %scan3A_988, %mul3A_1196 : i32
        %add3A_1198 = arith.constant 4 : i32
        %add3A_1199 = arith.addi %mul3A_1197, %add3A_1198 : i32
        %get3A_1200 = arith.index_cast %add3A_1199 : i32 to index
        %get3A_1201 = arith.constant 0 : index
        %get3A_1202 = tpu.vector_load %arg16[%get3A_1200, %get3A_1201] {strides = array<i32>} : memref<128x64xf32, #tpu.memory_space<vmem>>, vector<1x16xf32>,
        %get3A_1203 = vector.shape_cast %get3A_1202 : vector<1x16xf32> to vector<16xf32>
        %mul3A_1204 = vector.broadcast %squeeze3A_1195 : f32 to vector<16xf32>
        %mul3A_1205 = arith.mulf %get3A_1203, %mul3A_1204 : vector<16xf32>
        %swap3A_1206 = arith.index_cast %add3A_1199 : i32 to index
        %swap3A_1207 = arith.constant 0 : index
        %swap3A_1208 = tpu.vector_load %arg18[%swap3A_1206, %swap3A_1207] {strides = array<i32>} : memref<128x64xf32, #tpu.memory_space<vmem>>, vector<1x16xf32>,
        %swap3A_1209 = vector.shape_cast %swap3A_1208 : vector<1x16xf32> to vector<16xf32>
        %swap3A_1210 = vector.shape_cast %mul3A_1205 : vector<16xf32> to vector<1x16xf32>
        tpu.vector_store %arg18[%swap3A_1206, %swap3A_1207], %swap3A_1210 {strides = array<i32>} : memref<128x64xf32, #tpu.memory_space<vmem>>, vector<1x16xf32>,
        %get3A_1211 = arith.index_cast %add3A_1199 : i32 to index
        %get3A_1212 = arith.constant 16 : index
        %get3A_1213 = tpu.vector_load %arg16[%get3A_1211, %get3A_1212] {strides = array<i32>} : memref<128x64xf32, #tpu.memory_space<vmem>>, vector<1x16xf32>,
        %get3A_1214 = vector.shape_cast %get3A_1213 : vector<1x16xf32> to vector<16xf32>
        %mul3A_1215 = vector.broadcast %squeeze3A_1195 : f32 to vector<16xf32>
        %mul3A_1216 = arith.mulf %get3A_1214, %mul3A_1215 : vector<16xf32>
        %swap3A_1217 = arith.index_cast %add3A_1199 : i32 to index
        %swap3A_1218 = arith.constant 16 : index
        %swap3A_1219 = tpu.vector_load %arg18[%swap3A_1217, %swap3A_1218] {strides = array<i32>} : memref<128x64xf32, #tpu.memory_space<vmem>>, vector<1x16xf32>,
        %swap3A_1220 = vector.shape_cast %swap3A_1219 : vector<1x16xf32> to vector<16xf32>
        %swap3A_1221 = vector.shape_cast %mul3A_1216 : vector<16xf32> to vector<1x16xf32>
        tpu.vector_store %arg18[%swap3A_1217, %swap3A_1218], %swap3A_1221 {strides = array<i32>} : memref<128x64xf32, #tpu.memory_space<vmem>>, vector<1x16xf32>,
        %get3A_1222 = arith.index_cast %add3A_1199 : i32 to index
        %get3A_1223 = arith.constant 32 : index
        %get3A_1224 = tpu.vector_load %arg16[%get3A_1222, %get3A_1223] {strides = array<i32>} : memref<128x64xf32, #tpu.memory_space<vmem>>, vector<1x16xf32>,
        %get3A_1225 = vector.shape_cast %get3A_1224 : vector<1x16xf32> to vector<16xf32>
        %mul3A_1226 = vector.broadcast %squeeze3A_1195 : f32 to vector<16xf32>
        %mul3A_1227 = arith.mulf %get3A_1225, %mul3A_1226 : vector<16xf32>
        %swap3A_1228 = arith.index_cast %add3A_1199 : i32 to index
        %swap3A_1229 = arith.constant 32 : index
        %swap3A_1230 = tpu.vector_load %arg18[%swap3A_1228, %swap3A_1229] {strides = array<i32>} : memref<128x64xf32, #tpu.memory_space<vmem>>, vector<1x16xf32>,
        %swap3A_1231 = vector.shape_cast %swap3A_1230 : vector<1x16xf32> to vector<16xf32>
        %swap3A_1232 = vector.shape_cast %mul3A_1227 : vector<16xf32> to vector<1x16xf32>
        tpu.vector_store %arg18[%swap3A_1228, %swap3A_1229], %swap3A_1232 {strides = array<i32>} : memref<128x64xf32, #tpu.memory_space<vmem>>, vector<1x16xf32>,
        %get3A_1233 = arith.index_cast %add3A_1199 : i32 to index
        %get3A_1234 = arith.constant 48 : index
        %get3A_1235 = tpu.vector_load %arg16[%get3A_1233, %get3A_1234] {strides = array<i32>} : memref<128x64xf32, #tpu.memory_space<vmem>>, vector<1x16xf32>,
        %get3A_1236 = vector.shape_cast %get3A_1235 : vector<1x16xf32> to vector<16xf32>
        %mul3A_1237 = vector.broadcast %squeeze3A_1195 : f32 to vector<16xf32>
        %mul3A_1238 = arith.mulf %get3A_1236, %mul3A_1237 : vector<16xf32>
        %swap3A_1239 = arith.index_cast %add3A_1199 : i32 to index
        %swap3A_1240 = arith.constant 48 : index
        %swap3A_1241 = tpu.vector_load %arg18[%swap3A_1239, %swap3A_1240] {strides = array<i32>} : memref<128x64xf32, #tpu.memory_space<vmem>>, vector<1x16xf32>,
        %swap3A_1242 = vector.shape_cast %swap3A_1241 : vector<1x16xf32> to vector<16xf32>
        %swap3A_1243 = vector.shape_cast %mul3A_1238 : vector<16xf32> to vector<1x16xf32>
        tpu.vector_store %arg18[%swap3A_1239, %swap3A_1240], %swap3A_1243 {strides = array<i32>} : memref<128x64xf32, #tpu.memory_space<vmem>>, vector<1x16xf32>,
        %slice3A_1244 = vector.extract_strided_slice %get3A_995 {offsets = [5], sizes = [1], strides = [1]} : vector<16xf32> to vector<1xf32>
        %squeeze3A_1245 = vector.extract %slice3A_1244[0] : f32 from vector<1xf32>
        %mul3A_1246 = arith.constant 16 : i32
        %mul3A_1247 = arith.muli %scan3A_988, %mul3A_1246 : i32
        %add3A_1248 = arith.constant 5 : i32
        %add3A_1249 = arith.addi %mul3A_1247, %add3A_1248 : i32
        %get3A_1250 = arith.index_cast %add3A_1249 : i32 to index
        %get3A_1251 = arith.constant 0 : index
        %get3A_1252 = tpu.vector_load %arg16[%get3A_1250, %get3A_1251] {strides = array<i32>} : memref<128x64xf32, #tpu.memory_space<vmem>>, vector<1x16xf32>,
        %get3A_1253 = vector.shape_cast %get3A_1252 : vector<1x16xf32> to vector<16xf32>
        %mul3A_1254 = vector.broadcast %squeeze3A_1245 : f32 to vector<16xf32>
        %mul3A_1255 = arith.mulf %get3A_1253, %mul3A_1254 : vector<16xf32>
        %swap3A_1256 = arith.index_cast %add3A_1249 : i32 to index
        %swap3A_1257 = arith.constant 0 : index
        %swap3A_1258 = tpu.vector_load %arg18[%swap3A_1256, %swap3A_1257] {strides = array<i32>} : memref<128x64xf32, #tpu.memory_space<vmem>>, vector<1x16xf32>,
        %swap3A_1259 = vector.shape_cast %swap3A_1258 : vector<1x16xf32> to vector<16xf32>
        %swap3A_1260 = vector.shape_cast %mul3A_1255 : vector<16xf32> to vector<1x16xf32>
        tpu.vector_store %arg18[%swap3A_1256, %swap3A_1257], %swap3A_1260 {strides = array<i32>} : memref<128x64xf32, #tpu.memory_space<vmem>>, vector<1x16xf32>,
        %get3A_1261 = arith.index_cast %add3A_1249 : i32 to index
        %get3A_1262 = arith.constant 16 : index
        %get3A_1263 = tpu.vector_load %arg16[%get3A_1261, %get3A_1262] {strides = array<i32>} : memref<128x64xf32, #tpu.memory_space<vmem>>, vector<1x16xf32>,
        %get3A_1264 = vector.shape_cast %get3A_1263 : vector<1x16xf32> to vector<16xf32>
        %mul3A_1265 = vector.broadcast %squeeze3A_1245 : f32 to vector<16xf32>
        %mul3A_1266 = arith.mulf %get3A_1264, %mul3A_1265 : vector<16xf32>
        %swap3A_1267 = arith.index_cast %add3A_1249 : i32 to index
        %swap3A_1268 = arith.constant 16 : index
        %swap3A_1269 = tpu.vector_load %arg18[%swap3A_1267, %swap3A_1268] {strides = array<i32>} : memref<128x64xf32, #tpu.memory_space<vmem>>, vector<1x16xf32>,
        %swap3A_1270 = vector.shape_cast %swap3A_1269 : vector<1x16xf32> to vector<16xf32>
        %swap3A_1271 = vector.shape_cast %mul3A_1266 : vector<16xf32> to vector<1x16xf32>
        tpu.vector_store %arg18[%swap3A_1267, %swap3A_1268], %swap3A_1271 {strides = array<i32>} : memref<128x64xf32, #tpu.memory_space<vmem>>, vector<1x16xf32>,
        %get3A_1272 = arith.index_cast %add3A_1249 : i32 to index
        %get3A_1273 = arith.constant 32 : index
        %get3A_1274 = tpu.vector_load %arg16[%get3A_1272, %get3A_1273] {strides = array<i32>} : memref<128x64xf32, #tpu.memory_space<vmem>>, vector<1x16xf32>,
        %get3A_1275 = vector.shape_cast %get3A_1274 : vector<1x16xf32> to vector<16xf32>
        %mul3A_1276 = vector.broadcast %squeeze3A_1245 : f32 to vector<16xf32>
        %mul3A_1277 = arith.mulf %get3A_1275, %mul3A_1276 : vector<16xf32>
        %swap3A_1278 = arith.index_cast %add3A_1249 : i32 to index
        %swap3A_1279 = arith.constant 32 : index
        %swap3A_1280 = tpu.vector_load %arg18[%swap3A_1278, %swap3A_1279] {strides = array<i32>} : memref<128x64xf32, #tpu.memory_space<vmem>>, vector<1x16xf32>,
        %swap3A_1281 = vector.shape_cast %swap3A_1280 : vector<1x16xf32> to vector<16xf32>
        %swap3A_1282 = vector.shape_cast %mul3A_1277 : vector<16xf32> to vector<1x16xf32>
        tpu.vector_store %arg18[%swap3A_1278, %swap3A_1279], %swap3A_1282 {strides = array<i32>} : memref<128x64xf32, #tpu.memory_space<vmem>>, vector<1x16xf32>,
        %get3A_1283 = arith.index_cast %add3A_1249 : i32 to index
        %get3A_1284 = arith.constant 48 : index
        %get3A_1285 = tpu.vector_load %arg16[%get3A_1283, %get3A_1284] {strides = array<i32>} : memref<128x64xf32, #tpu.memory_space<vmem>>, vector<1x16xf32>,
        %get3A_1286 = vector.shape_cast %get3A_1285 : vector<1x16xf32> to vector<16xf32>
        %mul3A_1287 = vector.broadcast %squeeze3A_1245 : f32 to vector<16xf32>
        %mul3A_1288 = arith.mulf %get3A_1286, %mul3A_1287 : vector<16xf32>
        %swap3A_1289 = arith.index_cast %add3A_1249 : i32 to index
        %swap3A_1290 = arith.constant 48 : index
        %swap3A_1291 = tpu.vector_load %arg18[%swap3A_1289, %swap3A_1290] {strides = array<i32>} : memref<128x64xf32, #tpu.memory_space<vmem>>, vector<1x16xf32>,
        %swap3A_1292 = vector.shape_cast %swap3A_1291 : vector<1x16xf32> to vector<16xf32>
        %swap3A_1293 = vector.shape_cast %mul3A_1288 : vector<16xf32> to vector<1x16xf32>
        tpu.vector_store %arg18[%swap3A_1289, %swap3A_1290], %swap3A_1293 {strides = array<i32>} : memref<128x64xf32, #tpu.memory_space<vmem>>, vector<1x16xf32>,
        %slice3A_1294 = vector.extract_strided_slice %get3A_995 {offsets = [6], sizes = [1], strides = [1]} : vector<16xf32> to vector<1xf32>
        %squeeze3A_1295 = vector.extract %slice3A_1294[0] : f32 from vector<1xf32>
        %mul3A_1296 = arith.constant 16 : i32
        %mul3A_1297 = arith.muli %scan3A_988, %mul3A_1296 : i32
        %add3A_1298 = arith.constant 6 : i32
        %add3A_1299 = arith.addi %mul3A_1297, %add3A_1298 : i32
        %get3A_1300 = arith.index_cast %add3A_1299 : i32 to index
        %get3A_1301 = arith.constant 0 : index
        %get3A_1302 = tpu.vector_load %arg16[%get3A_1300, %get3A_1301] {strides = array<i32>} : memref<128x64xf32, #tpu.memory_space<vmem>>, vector<1x16xf32>,
        %get3A_1303 = vector.shape_cast %get3A_1302 : vector<1x16xf32> to vector<16xf32>
        %mul3A_1304 = vector.broadcast %squeeze3A_1295 : f32 to vector<16xf32>
        %mul3A_1305 = arith.mulf %get3A_1303, %mul3A_1304 : vector<16xf32>
        %swap3A_1306 = arith.index_cast %add3A_1299 : i32 to index
        %swap3A_1307 = arith.constant 0 : index
        %swap3A_1308 = tpu.vector_load %arg18[%swap3A_1306, %swap3A_1307] {strides = array<i32>} : memref<128x64xf32, #tpu.memory_space<vmem>>, vector<1x16xf32>,
        %swap3A_1309 = vector.shape_cast %swap3A_1308 : vector<1x16xf32> to vector<16xf32>
        %swap3A_1310 = vector.shape_cast %mul3A_1305 : vector<16xf32> to vector<1x16xf32>
        tpu.vector_store %arg18[%swap3A_1306, %swap3A_1307], %swap3A_1310 {strides = array<i32>} : memref<128x64xf32, #tpu.memory_space<vmem>>, vector<1x16xf32>,
        %get3A_1311 = arith.index_cast %add3A_1299 : i32 to index
        %get3A_1312 = arith.constant 16 : index
        %get3A_1313 = tpu.vector_load %arg16[%get3A_1311, %get3A_1312] {strides = array<i32>} : memref<128x64xf32, #tpu.memory_space<vmem>>, vector<1x16xf32>,
        %get3A_1314 = vector.shape_cast %get3A_1313 : vector<1x16xf32> to vector<16xf32>
        %mul3A_1315 = vector.broadcast %squeeze3A_1295 : f32 to vector<16xf32>
        %mul3A_1316 = arith.mulf %get3A_1314, %mul3A_1315 : vector<16xf32>
        %swap3A_1317 = arith.index_cast %add3A_1299 : i32 to index
        %swap3A_1318 = arith.constant 16 : index
        %swap3A_1319 = tpu.vector_load %arg18[%swap3A_1317, %swap3A_1318] {strides = array<i32>} : memref<128x64xf32, #tpu.memory_space<vmem>>, vector<1x16xf32>,
        %swap3A_1320 = vector.shape_cast %swap3A_1319 : vector<1x16xf32> to vector<16xf32>
        %swap3A_1321 = vector.shape_cast %mul3A_1316 : vector<16xf32> to vector<1x16xf32>
        tpu.vector_store %arg18[%swap3A_1317, %swap3A_1318], %swap3A_1321 {strides = array<i32>} : memref<128x64xf32, #tpu.memory_space<vmem>>, vector<1x16xf32>,
        %get3A_1322 = arith.index_cast %add3A_1299 : i32 to index
        %get3A_1323 = arith.constant 32 : index
        %get3A_1324 = tpu.vector_load %arg16[%get3A_1322, %get3A_1323] {strides = array<i32>} : memref<128x64xf32, #tpu.memory_space<vmem>>, vector<1x16xf32>,
        %get3A_1325 = vector.shape_cast %get3A_1324 : vector<1x16xf32> to vector<16xf32>
        %mul3A_1326 = vector.broadcast %squeeze3A_1295 : f32 to vector<16xf32>
        %mul3A_1327 = arith.mulf %get3A_1325, %mul3A_1326 : vector<16xf32>
        %swap3A_1328 = arith.index_cast %add3A_1299 : i32 to index
        %swap3A_1329 = arith.constant 32 : index
        %swap3A_1330 = tpu.vector_load %arg18[%swap3A_1328, %swap3A_1329] {strides = array<i32>} : memref<128x64xf32, #tpu.memory_space<vmem>>, vector<1x16xf32>,
        %swap3A_1331 = vector.shape_cast %swap3A_1330 : vector<1x16xf32> to vector<16xf32>
        %swap3A_1332 = vector.shape_cast %mul3A_1327 : vector<16xf32> to vector<1x16xf32>
        tpu.vector_store %arg18[%swap3A_1328, %swap3A_1329], %swap3A_1332 {strides = array<i32>} : memref<128x64xf32, #tpu.memory_space<vmem>>, vector<1x16xf32>,
        %get3A_1333 = arith.index_cast %add3A_1299 : i32 to index
        %get3A_1334 = arith.constant 48 : index
        %get3A_1335 = tpu.vector_load %arg16[%get3A_1333, %get3A_1334] {strides = array<i32>} : memref<128x64xf32, #tpu.memory_space<vmem>>, vector<1x16xf32>,
        %get3A_1336 = vector.shape_cast %get3A_1335 : vector<1x16xf32> to vector<16xf32>
        %mul3A_1337 = vector.broadcast %squeeze3A_1295 : f32 to vector<16xf32>
        %mul3A_1338 = arith.mulf %get3A_1336, %mul3A_1337 : vector<16xf32>
        %swap3A_1339 = arith.index_cast %add3A_1299 : i32 to index
        %swap3A_1340 = arith.constant 48 : index
        %swap3A_1341 = tpu.vector_load %arg18[%swap3A_1339, %swap3A_1340] {strides = array<i32>} : memref<128x64xf32, #tpu.memory_space<vmem>>, vector<1x16xf32>,
        %swap3A_1342 = vector.shape_cast %swap3A_1341 : vector<1x16xf32> to vector<16xf32>
        %swap3A_1343 = vector.shape_cast %mul3A_1338 : vector<16xf32> to vector<1x16xf32>
        tpu.vector_store %arg18[%swap3A_1339, %swap3A_1340], %swap3A_1343 {strides = array<i32>} : memref<128x64xf32, #tpu.memory_space<vmem>>, vector<1x16xf32>,
        %slice3A_1344 = vector.extract_strided_slice %get3A_995 {offsets = [7], sizes = [1], strides = [1]} : vector<16xf32> to vector<1xf32>
        %squeeze3A_1345 = vector.extract %slice3A_1344[0] : f32 from vector<1xf32>
        %mul3A_1346 = arith.constant 16 : i32
        %mul3A_1347 = arith.muli %scan3A_988, %mul3A_1346 : i32
        %add3A_1348 = arith.constant 7 : i32
        %add3A_1349 = arith.addi %mul3A_1347, %add3A_1348 : i32
        %get3A_1350 = arith.index_cast %add3A_1349 : i32 to index
        %get3A_1351 = arith.constant 0 : index
        %get3A_1352 = tpu.vector_load %arg16[%get3A_1350, %get3A_1351] {strides = array<i32>} : memref<128x64xf32, #tpu.memory_space<vmem>>, vector<1x16xf32>,
        %get3A_1353 = vector.shape_cast %get3A_1352 : vector<1x16xf32> to vector<16xf32>
        %mul3A_1354 = vector.broadcast %squeeze3A_1345 : f32 to vector<16xf32>
        %mul3A_1355 = arith.mulf %get3A_1353, %mul3A_1354 : vector<16xf32>
        %swap3A_1356 = arith.index_cast %add3A_1349 : i32 to index
        %swap3A_1357 = arith.constant 0 : index
        %swap3A_1358 = tpu.vector_load %arg18[%swap3A_1356, %swap3A_1357] {strides = array<i32>} : memref<128x64xf32, #tpu.memory_space<vmem>>, vector<1x16xf32>,
        %swap3A_1359 = vector.shape_cast %swap3A_1358 : vector<1x16xf32> to vector<16xf32>
        %swap3A_1360 = vector.shape_cast %mul3A_1355 : vector<16xf32> to vector<1x16xf32>
        tpu.vector_store %arg18[%swap3A_1356, %swap3A_1357], %swap3A_1360 {strides = array<i32>} : memref<128x64xf32, #tpu.memory_space<vmem>>, vector<1x16xf32>,
        %get3A_1361 = arith.index_cast %add3A_1349 : i32 to index
        %get3A_1362 = arith.constant 16 : index
        %get3A_1363 = tpu.vector_load %arg16[%get3A_1361, %get3A_1362] {strides = array<i32>} : memref<128x64xf32, #tpu.memory_space<vmem>>, vector<1x16xf32>,
        %get3A_1364 = vector.shape_cast %get3A_1363 : vector<1x16xf32> to vector<16xf32>
        %mul3A_1365 = vector.broadcast %squeeze3A_1345 : f32 to vector<16xf32>
        %mul3A_1366 = arith.mulf %get3A_1364, %mul3A_1365 : vector<16xf32>
        %swap3A_1367 = arith.index_cast %add3A_1349 : i32 to index
        %swap3A_1368 = arith.constant 16 : index
        %swap3A_1369 = tpu.vector_load %arg18[%swap3A_1367, %swap3A_1368] {strides = array<i32>} : memref<128x64xf32, #tpu.memory_space<vmem>>, vector<1x16xf32>,
        %swap3A_1370 = vector.shape_cast %swap3A_1369 : vector<1x16xf32> to vector<16xf32>
        %swap3A_1371 = vector.shape_cast %mul3A_1366 : vector<16xf32> to vector<1x16xf32>
        tpu.vector_store %arg18[%swap3A_1367, %swap3A_1368], %swap3A_1371 {strides = array<i32>} : memref<128x64xf32, #tpu.memory_space<vmem>>, vector<1x16xf32>,
        %get3A_1372 = arith.index_cast %add3A_1349 : i32 to index
        %get3A_1373 = arith.constant 32 : index
        %get3A_1374 = tpu.vector_load %arg16[%get3A_1372, %get3A_1373] {strides = array<i32>} : memref<128x64xf32, #tpu.memory_space<vmem>>, vector<1x16xf32>,
        %get3A_1375 = vector.shape_cast %get3A_1374 : vector<1x16xf32> to vector<16xf32>
        %mul3A_1376 = vector.broadcast %squeeze3A_1345 : f32 to vector<16xf32>
        %mul3A_1377 = arith.mulf %get3A_1375, %mul3A_1376 : vector<16xf32>
        %swap3A_1378 = arith.index_cast %add3A_1349 : i32 to index
        %swap3A_1379 = arith.constant 32 : index
        %swap3A_1380 = tpu.vector_load %arg18[%swap3A_1378, %swap3A_1379] {strides = array<i32>} : memref<128x64xf32, #tpu.memory_space<vmem>>, vector<1x16xf32>,
        %swap3A_1381 = vector.shape_cast %swap3A_1380 : vector<1x16xf32> to vector<16xf32>
        %swap3A_1382 = vector.shape_cast %mul3A_1377 : vector<16xf32> to vector<1x16xf32>
        tpu.vector_store %arg18[%swap3A_1378, %swap3A_1379], %swap3A_1382 {strides = array<i32>} : memref<128x64xf32, #tpu.memory_space<vmem>>, vector<1x16xf32>,
        %get3A_1383 = arith.index_cast %add3A_1349 : i32 to index
        %get3A_1384 = arith.constant 48 : index
        %get3A_1385 = tpu.vector_load %arg16[%get3A_1383, %get3A_1384] {strides = array<i32>} : memref<128x64xf32, #tpu.memory_space<vmem>>, vector<1x16xf32>,
        %get3A_1386 = vector.shape_cast %get3A_1385 : vector<1x16xf32> to vector<16xf32>
        %mul3A_1387 = vector.broadcast %squeeze3A_1345 : f32 to vector<16xf32>
        %mul3A_1388 = arith.mulf %get3A_1386, %mul3A_1387 : vector<16xf32>
        %swap3A_1389 = arith.index_cast %add3A_1349 : i32 to index
        %swap3A_1390 = arith.constant 48 : index
        %swap3A_1391 = tpu.vector_load %arg18[%swap3A_1389, %swap3A_1390] {strides = array<i32>} : memref<128x64xf32, #tpu.memory_space<vmem>>, vector<1x16xf32>,
        %swap3A_1392 = vector.shape_cast %swap3A_1391 : vector<1x16xf32> to vector<16xf32>
        %swap3A_1393 = vector.shape_cast %mul3A_1388 : vector<16xf32> to vector<1x16xf32>
        tpu.vector_store %arg18[%swap3A_1389, %swap3A_1390], %swap3A_1393 {strides = array<i32>} : memref<128x64xf32, #tpu.memory_space<vmem>>, vector<1x16xf32>,
        %slice3A_1394 = vector.extract_strided_slice %get3A_995 {offsets = [8], sizes = [1], strides = [1]} : vector<16xf32> to vector<1xf32>
        %squeeze3A_1395 = vector.extract %slice3A_1394[0] : f32 from vector<1xf32>
        %mul3A_1396 = arith.constant 16 : i32
        %mul3A_1397 = arith.muli %scan3A_988, %mul3A_1396 : i32
        %add3A_1398 = arith.constant 8 : i32
        %add3A_1399 = arith.addi %mul3A_1397, %add3A_1398 : i32
        %get3A_1400 = arith.index_cast %add3A_1399 : i32 to index
        %get3A_1401 = arith.constant 0 : index
        %get3A_1402 = tpu.vector_load %arg16[%get3A_1400, %get3A_1401] {strides = array<i32>} : memref<128x64xf32, #tpu.memory_space<vmem>>, vector<1x16xf32>,
        %get3A_1403 = vector.shape_cast %get3A_1402 : vector<1x16xf32> to vector<16xf32>
        %mul3A_1404 = vector.broadcast %squeeze3A_1395 : f32 to vector<16xf32>
        %mul3A_1405 = arith.mulf %get3A_1403, %mul3A_1404 : vector<16xf32>
        %swap3A_1406 = arith.index_cast %add3A_1399 : i32 to index
        %swap3A_1407 = arith.constant 0 : index
        %swap3A_1408 = tpu.vector_load %arg18[%swap3A_1406, %swap3A_1407] {strides = array<i32>} : memref<128x64xf32, #tpu.memory_space<vmem>>, vector<1x16xf32>,
        %swap3A_1409 = vector.shape_cast %swap3A_1408 : vector<1x16xf32> to vector<16xf32>
        %swap3A_1410 = vector.shape_cast %mul3A_1405 : vector<16xf32> to vector<1x16xf32>
        tpu.vector_store %arg18[%swap3A_1406, %swap3A_1407], %swap3A_1410 {strides = array<i32>} : memref<128x64xf32, #tpu.memory_space<vmem>>, vector<1x16xf32>,
        %get3A_1411 = arith.index_cast %add3A_1399 : i32 to index
        %get3A_1412 = arith.constant 16 : index
        %get3A_1413 = tpu.vector_load %arg16[%get3A_1411, %get3A_1412] {strides = array<i32>} : memref<128x64xf32, #tpu.memory_space<vmem>>, vector<1x16xf32>,
        %get3A_1414 = vector.shape_cast %get3A_1413 : vector<1x16xf32> to vector<16xf32>
        %mul3A_1415 = vector.broadcast %squeeze3A_1395 : f32 to vector<16xf32>
        %mul3A_1416 = arith.mulf %get3A_1414, %mul3A_1415 : vector<16xf32>
        %swap3A_1417 = arith.index_cast %add3A_1399 : i32 to index
        %swap3A_1418 = arith.constant 16 : index
        %swap3A_1419 = tpu.vector_load %arg18[%swap3A_1417, %swap3A_1418] {strides = array<i32>} : memref<128x64xf32, #tpu.memory_space<vmem>>, vector<1x16xf32>,
        %swap3A_1420 = vector.shape_cast %swap3A_1419 : vector<1x16xf32> to vector<16xf32>
        %swap3A_1421 = vector.shape_cast %mul3A_1416 : vector<16xf32> to vector<1x16xf32>
        tpu.vector_store %arg18[%swap3A_1417, %swap3A_1418], %swap3A_1421 {strides = array<i32>} : memref<128x64xf32, #tpu.memory_space<vmem>>, vector<1x16xf32>,
        %get3A_1422 = arith.index_cast %add3A_1399 : i32 to index
        %get3A_1423 = arith.constant 32 : index
        %get3A_1424 = tpu.vector_load %arg16[%get3A_1422, %get3A_1423] {strides = array<i32>} : memref<128x64xf32, #tpu.memory_space<vmem>>, vector<1x16xf32>,
        %get3A_1425 = vector.shape_cast %get3A_1424 : vector<1x16xf32> to vector<16xf32>
        %mul3A_1426 = vector.broadcast %squeeze3A_1395 : f32 to vector<16xf32>
        %mul3A_1427 = arith.mulf %get3A_1425, %mul3A_1426 : vector<16xf32>
        %swap3A_1428 = arith.index_cast %add3A_1399 : i32 to index
        %swap3A_1429 = arith.constant 32 : index
        %swap3A_1430 = tpu.vector_load %arg18[%swap3A_1428, %swap3A_1429] {strides = array<i32>} : memref<128x64xf32, #tpu.memory_space<vmem>>, vector<1x16xf32>,
        %swap3A_1431 = vector.shape_cast %swap3A_1430 : vector<1x16xf32> to vector<16xf32>
        %swap3A_1432 = vector.shape_cast %mul3A_1427 : vector<16xf32> to vector<1x16xf32>
        tpu.vector_store %arg18[%swap3A_1428, %swap3A_1429], %swap3A_1432 {strides = array<i32>} : memref<128x64xf32, #tpu.memory_space<vmem>>, vector<1x16xf32>,
        %get3A_1433 = arith.index_cast %add3A_1399 : i32 to index
        %get3A_1434 = arith.constant 48 : index
        %get3A_1435 = tpu.vector_load %arg16[%get3A_1433, %get3A_1434] {strides = array<i32>} : memref<128x64xf32, #tpu.memory_space<vmem>>, vector<1x16xf32>,
        %get3A_1436 = vector.shape_cast %get3A_1435 : vector<1x16xf32> to vector<16xf32>
        %mul3A_1437 = vector.broadcast %squeeze3A_1395 : f32 to vector<16xf32>
        %mul3A_1438 = arith.mulf %get3A_1436, %mul3A_1437 : vector<16xf32>
        %swap3A_1439 = arith.index_cast %add3A_1399 : i32 to index
        %swap3A_1440 = arith.constant 48 : index
        %swap3A_1441 = tpu.vector_load %arg18[%swap3A_1439, %swap3A_1440] {strides = array<i32>} : memref<128x64xf32, #tpu.memory_space<vmem>>, vector<1x16xf32>,
        %swap3A_1442 = vector.shape_cast %swap3A_1441 : vector<1x16xf32> to vector<16xf32>
        %swap3A_1443 = vector.shape_cast %mul3A_1438 : vector<16xf32> to vector<1x16xf32>
        tpu.vector_store %arg18[%swap3A_1439, %swap3A_1440], %swap3A_1443 {strides = array<i32>} : memref<128x64xf32, #tpu.memory_space<vmem>>, vector<1x16xf32>,
        %slice3A_1444 = vector.extract_strided_slice %get3A_995 {offsets = [9], sizes = [1], strides = [1]} : vector<16xf32> to vector<1xf32>
        %squeeze3A_1445 = vector.extract %slice3A_1444[0] : f32 from vector<1xf32>
        %mul3A_1446 = arith.constant 16 : i32
        %mul3A_1447 = arith.muli %scan3A_988, %mul3A_1446 : i32
        %add3A_1448 = arith.constant 9 : i32
        %add3A_1449 = arith.addi %mul3A_1447, %add3A_1448 : i32
        %get3A_1450 = arith.index_cast %add3A_1449 : i32 to index
        %get3A_1451 = arith.constant 0 : index
        %get3A_1452 = tpu.vector_load %arg16[%get3A_1450, %get3A_1451] {strides = array<i32>} : memref<128x64xf32, #tpu.memory_space<vmem>>, vector<1x16xf32>,
        %get3A_1453 = vector.shape_cast %get3A_1452 : vector<1x16xf32> to vector<16xf32>
        %mul3A_1454 = vector.broadcast %squeeze3A_1445 : f32 to vector<16xf32>
        %mul3A_1455 = arith.mulf %get3A_1453, %mul3A_1454 : vector<16xf32>
        %swap3A_1456 = arith.index_cast %add3A_1449 : i32 to index
        %swap3A_1457 = arith.constant 0 : index
        %swap3A_1458 = tpu.vector_load %arg18[%swap3A_1456, %swap3A_1457] {strides = array<i32>} : memref<128x64xf32, #tpu.memory_space<vmem>>, vector<1x16xf32>,
        %swap3A_1459 = vector.shape_cast %swap3A_1458 : vector<1x16xf32> to vector<16xf32>
        %swap3A_1460 = vector.shape_cast %mul3A_1455 : vector<16xf32> to vector<1x16xf32>
        tpu.vector_store %arg18[%swap3A_1456, %swap3A_1457], %swap3A_1460 {strides = array<i32>} : memref<128x64xf32, #tpu.memory_space<vmem>>, vector<1x16xf32>,
        %get3A_1461 = arith.index_cast %add3A_1449 : i32 to index
        %get3A_1462 = arith.constant 16 : index
        %get3A_1463 = tpu.vector_load %arg16[%get3A_1461, %get3A_1462] {strides = array<i32>} : memref<128x64xf32, #tpu.memory_space<vmem>>, vector<1x16xf32>,
        %get3A_1464 = vector.shape_cast %get3A_1463 : vector<1x16xf32> to vector<16xf32>
        %mul3A_1465 = vector.broadcast %squeeze3A_1445 : f32 to vector<16xf32>
        %mul3A_1466 = arith.mulf %get3A_1464, %mul3A_1465 : vector<16xf32>
        %swap3A_1467 = arith.index_cast %add3A_1449 : i32 to index
        %swap3A_1468 = arith.constant 16 : index
        %swap3A_1469 = tpu.vector_load %arg18[%swap3A_1467, %swap3A_1468] {strides = array<i32>} : memref<128x64xf32, #tpu.memory_space<vmem>>, vector<1x16xf32>,
        %swap3A_1470 = vector.shape_cast %swap3A_1469 : vector<1x16xf32> to vector<16xf32>
        %swap3A_1471 = vector.shape_cast %mul3A_1466 : vector<16xf32> to vector<1x16xf32>
        tpu.vector_store %arg18[%swap3A_1467, %swap3A_1468], %swap3A_1471 {strides = array<i32>} : memref<128x64xf32, #tpu.memory_space<vmem>>, vector<1x16xf32>,
        %get3A_1472 = arith.index_cast %add3A_1449 : i32 to index
        %get3A_1473 = arith.constant 32 : index
        %get3A_1474 = tpu.vector_load %arg16[%get3A_1472, %get3A_1473] {strides = array<i32>} : memref<128x64xf32, #tpu.memory_space<vmem>>, vector<1x16xf32>,
        %get3A_1475 = vector.shape_cast %get3A_1474 : vector<1x16xf32> to vector<16xf32>
        %mul3A_1476 = vector.broadcast %squeeze3A_1445 : f32 to vector<16xf32>
        %mul3A_1477 = arith.mulf %get3A_1475, %mul3A_1476 : vector<16xf32>
        %swap3A_1478 = arith.index_cast %add3A_1449 : i32 to index
        %swap3A_1479 = arith.constant 32 : index
        %swap3A_1480 = tpu.vector_load %arg18[%swap3A_1478, %swap3A_1479] {strides = array<i32>} : memref<128x64xf32, #tpu.memory_space<vmem>>, vector<1x16xf32>,
        %swap3A_1481 = vector.shape_cast %swap3A_1480 : vector<1x16xf32> to vector<16xf32>
        %swap3A_1482 = vector.shape_cast %mul3A_1477 : vector<16xf32> to vector<1x16xf32>
        tpu.vector_store %arg18[%swap3A_1478, %swap3A_1479], %swap3A_1482 {strides = array<i32>} : memref<128x64xf32, #tpu.memory_space<vmem>>, vector<1x16xf32>,
        %get3A_1483 = arith.index_cast %add3A_1449 : i32 to index
        %get3A_1484 = arith.constant 48 : index
        %get3A_1485 = tpu.vector_load %arg16[%get3A_1483, %get3A_1484] {strides = array<i32>} : memref<128x64xf32, #tpu.memory_space<vmem>>, vector<1x16xf32>,
        %get3A_1486 = vector.shape_cast %get3A_1485 : vector<1x16xf32> to vector<16xf32>
        %mul3A_1487 = vector.broadcast %squeeze3A_1445 : f32 to vector<16xf32>
        %mul3A_1488 = arith.mulf %get3A_1486, %mul3A_1487 : vector<16xf32>
        %swap3A_1489 = arith.index_cast %add3A_1449 : i32 to index
        %swap3A_1490 = arith.constant 48 : index
        %swap3A_1491 = tpu.vector_load %arg18[%swap3A_1489, %swap3A_1490] {strides = array<i32>} : memref<128x64xf32, #tpu.memory_space<vmem>>, vector<1x16xf32>,
        %swap3A_1492 = vector.shape_cast %swap3A_1491 : vector<1x16xf32> to vector<16xf32>
        %swap3A_1493 = vector.shape_cast %mul3A_1488 : vector<16xf32> to vector<1x16xf32>
        tpu.vector_store %arg18[%swap3A_1489, %swap3A_1490], %swap3A_1493 {strides = array<i32>} : memref<128x64xf32, #tpu.memory_space<vmem>>, vector<1x16xf32>,
        %slice3A_1494 = vector.extract_strided_slice %get3A_995 {offsets = [10], sizes = [1], strides = [1]} : vector<16xf32> to vector<1xf32>
        %squeeze3A_1495 = vector.extract %slice3A_1494[0] : f32 from vector<1xf32>
        %mul3A_1496 = arith.constant 16 : i32
        %mul3A_1497 = arith.muli %scan3A_988, %mul3A_1496 : i32
        %add3A_1498 = arith.constant 10 : i32
        %add3A_1499 = arith.addi %mul3A_1497, %add3A_1498 : i32
        %get3A_1500 = arith.index_cast %add3A_1499 : i32 to index
        %get3A_1501 = arith.constant 0 : index
        %get3A_1502 = tpu.vector_load %arg16[%get3A_1500, %get3A_1501] {strides = array<i32>} : memref<128x64xf32, #tpu.memory_space<vmem>>, vector<1x16xf32>,
        %get3A_1503 = vector.shape_cast %get3A_1502 : vector<1x16xf32> to vector<16xf32>
        %mul3A_1504 = vector.broadcast %squeeze3A_1495 : f32 to vector<16xf32>
        %mul3A_1505 = arith.mulf %get3A_1503, %mul3A_1504 : vector<16xf32>
        %swap3A_1506 = arith.index_cast %add3A_1499 : i32 to index
        %swap3A_1507 = arith.constant 0 : index
        %swap3A_1508 = tpu.vector_load %arg18[%swap3A_1506, %swap3A_1507] {strides = array<i32>} : memref<128x64xf32, #tpu.memory_space<vmem>>, vector<1x16xf32>,
        %swap3A_1509 = vector.shape_cast %swap3A_1508 : vector<1x16xf32> to vector<16xf32>
        %swap3A_1510 = vector.shape_cast %mul3A_1505 : vector<16xf32> to vector<1x16xf32>
        tpu.vector_store %arg18[%swap3A_1506, %swap3A_1507], %swap3A_1510 {strides = array<i32>} : memref<128x64xf32, #tpu.memory_space<vmem>>, vector<1x16xf32>,
        %get3A_1511 = arith.index_cast %add3A_1499 : i32 to index
        %get3A_1512 = arith.constant 16 : index
        %get3A_1513 = tpu.vector_load %arg16[%get3A_1511, %get3A_1512] {strides = array<i32>} : memref<128x64xf32, #tpu.memory_space<vmem>>, vector<1x16xf32>,
        %get3A_1514 = vector.shape_cast %get3A_1513 : vector<1x16xf32> to vector<16xf32>
        %mul3A_1515 = vector.broadcast %squeeze3A_1495 : f32 to vector<16xf32>
        %mul3A_1516 = arith.mulf %get3A_1514, %mul3A_1515 : vector<16xf32>
        %swap3A_1517 = arith.index_cast %add3A_1499 : i32 to index
        %swap3A_1518 = arith.constant 16 : index
        %swap3A_1519 = tpu.vector_load %arg18[%swap3A_1517, %swap3A_1518] {strides = array<i32>} : memref<128x64xf32, #tpu.memory_space<vmem>>, vector<1x16xf32>,
        %swap3A_1520 = vector.shape_cast %swap3A_1519 : vector<1x16xf32> to vector<16xf32>
        %swap3A_1521 = vector.shape_cast %mul3A_1516 : vector<16xf32> to vector<1x16xf32>
        tpu.vector_store %arg18[%swap3A_1517, %swap3A_1518], %swap3A_1521 {strides = array<i32>} : memref<128x64xf32, #tpu.memory_space<vmem>>, vector<1x16xf32>,
        %get3A_1522 = arith.index_cast %add3A_1499 : i32 to index
        %get3A_1523 = arith.constant 32 : index
        %get3A_1524 = tpu.vector_load %arg16[%get3A_1522, %get3A_1523] {strides = array<i32>} : memref<128x64xf32, #tpu.memory_space<vmem>>, vector<1x16xf32>,
        %get3A_1525 = vector.shape_cast %get3A_1524 : vector<1x16xf32> to vector<16xf32>
        %mul3A_1526 = vector.broadcast %squeeze3A_1495 : f32 to vector<16xf32>
        %mul3A_1527 = arith.mulf %get3A_1525, %mul3A_1526 : vector<16xf32>
        %swap3A_1528 = arith.index_cast %add3A_1499 : i32 to index
        %swap3A_1529 = arith.constant 32 : index
        %swap3A_1530 = tpu.vector_load %arg18[%swap3A_1528, %swap3A_1529] {strides = array<i32>} : memref<128x64xf32, #tpu.memory_space<vmem>>, vector<1x16xf32>,
        %swap3A_1531 = vector.shape_cast %swap3A_1530 : vector<1x16xf32> to vector<16xf32>
        %swap3A_1532 = vector.shape_cast %mul3A_1527 : vector<16xf32> to vector<1x16xf32>
        tpu.vector_store %arg18[%swap3A_1528, %swap3A_1529], %swap3A_1532 {strides = array<i32>} : memref<128x64xf32, #tpu.memory_space<vmem>>, vector<1x16xf32>,
        %get3A_1533 = arith.index_cast %add3A_1499 : i32 to index
        %get3A_1534 = arith.constant 48 : index
        %get3A_1535 = tpu.vector_load %arg16[%get3A_1533, %get3A_1534] {strides = array<i32>} : memref<128x64xf32, #tpu.memory_space<vmem>>, vector<1x16xf32>,
        %get3A_1536 = vector.shape_cast %get3A_1535 : vector<1x16xf32> to vector<16xf32>
        %mul3A_1537 = vector.broadcast %squeeze3A_1495 : f32 to vector<16xf32>
        %mul3A_1538 = arith.mulf %get3A_1536, %mul3A_1537 : vector<16xf32>
        %swap3A_1539 = arith.index_cast %add3A_1499 : i32 to index
        %swap3A_1540 = arith.constant 48 : index
        %swap3A_1541 = tpu.vector_load %arg18[%swap3A_1539, %swap3A_1540] {strides = array<i32>} : memref<128x64xf32, #tpu.memory_space<vmem>>, vector<1x16xf32>,
        %swap3A_1542 = vector.shape_cast %swap3A_1541 : vector<1x16xf32> to vector<16xf32>
        %swap3A_1543 = vector.shape_cast %mul3A_1538 : vector<16xf32> to vector<1x16xf32>
        tpu.vector_store %arg18[%swap3A_1539, %swap3A_1540], %swap3A_1543 {strides = array<i32>} : memref<128x64xf32, #tpu.memory_space<vmem>>, vector<1x16xf32>,
        %slice3A_1544 = vector.extract_strided_slice %get3A_995 {offsets = [11], sizes = [1], strides = [1]} : vector<16xf32> to vector<1xf32>
        %squeeze3A_1545 = vector.extract %slice3A_1544[0] : f32 from vector<1xf32>
        %mul3A_1546 = arith.constant 16 : i32
        %mul3A_1547 = arith.muli %scan3A_988, %mul3A_1546 : i32
        %add3A_1548 = arith.constant 11 : i32
        %add3A_1549 = arith.addi %mul3A_1547, %add3A_1548 : i32
        %get3A_1550 = arith.index_cast %add3A_1549 : i32 to index
        %get3A_1551 = arith.constant 0 : index
        %get3A_1552 = tpu.vector_load %arg16[%get3A_1550, %get3A_1551] {strides = array<i32>} : memref<128x64xf32, #tpu.memory_space<vmem>>, vector<1x16xf32>,
        %get3A_1553 = vector.shape_cast %get3A_1552 : vector<1x16xf32> to vector<16xf32>
        %mul3A_1554 = vector.broadcast %squeeze3A_1545 : f32 to vector<16xf32>
        %mul3A_1555 = arith.mulf %get3A_1553, %mul3A_1554 : vector<16xf32>
        %swap3A_1556 = arith.index_cast %add3A_1549 : i32 to index
        %swap3A_1557 = arith.constant 0 : index
        %swap3A_1558 = tpu.vector_load %arg18[%swap3A_1556, %swap3A_1557] {strides = array<i32>} : memref<128x64xf32, #tpu.memory_space<vmem>>, vector<1x16xf32>,
        %swap3A_1559 = vector.shape_cast %swap3A_1558 : vector<1x16xf32> to vector<16xf32>
        %swap3A_1560 = vector.shape_cast %mul3A_1555 : vector<16xf32> to vector<1x16xf32>
        tpu.vector_store %arg18[%swap3A_1556, %swap3A_1557], %swap3A_1560 {strides = array<i32>} : memref<128x64xf32, #tpu.memory_space<vmem>>, vector<1x16xf32>,
        %get3A_1561 = arith.index_cast %add3A_1549 : i32 to index
        %get3A_1562 = arith.constant 16 : index
        %get3A_1563 = tpu.vector_load %arg16[%get3A_1561, %get3A_1562] {strides = array<i32>} : memref<128x64xf32, #tpu.memory_space<vmem>>, vector<1x16xf32>,
        %get3A_1564 = vector.shape_cast %get3A_1563 : vector<1x16xf32> to vector<16xf32>
        %mul3A_1565 = vector.broadcast %squeeze3A_1545 : f32 to vector<16xf32>
        %mul3A_1566 = arith.mulf %get3A_1564, %mul3A_1565 : vector<16xf32>
        %swap3A_1567 = arith.index_cast %add3A_1549 : i32 to index
        %swap3A_1568 = arith.constant 16 : index
        %swap3A_1569 = tpu.vector_load %arg18[%swap3A_1567, %swap3A_1568] {strides = array<i32>} : memref<128x64xf32, #tpu.memory_space<vmem>>, vector<1x16xf32>,
        %swap3A_1570 = vector.shape_cast %swap3A_1569 : vector<1x16xf32> to vector<16xf32>
        %swap3A_1571 = vector.shape_cast %mul3A_1566 : vector<16xf32> to vector<1x16xf32>
        tpu.vector_store %arg18[%swap3A_1567, %swap3A_1568], %swap3A_1571 {strides = array<i32>} : memref<128x64xf32, #tpu.memory_space<vmem>>, vector<1x16xf32>,
        %get3A_1572 = arith.index_cast %add3A_1549 : i32 to index
        %get3A_1573 = arith.constant 32 : index
        %get3A_1574 = tpu.vector_load %arg16[%get3A_1572, %get3A_1573] {strides = array<i32>} : memref<128x64xf32, #tpu.memory_space<vmem>>, vector<1x16xf32>,
        %get3A_1575 = vector.shape_cast %get3A_1574 : vector<1x16xf32> to vector<16xf32>
        %mul3A_1576 = vector.broadcast %squeeze3A_1545 : f32 to vector<16xf32>
        %mul3A_1577 = arith.mulf %get3A_1575, %mul3A_1576 : vector<16xf32>
        %swap3A_1578 = arith.index_cast %add3A_1549 : i32 to index
        %swap3A_1579 = arith.constant 32 : index
        %swap3A_1580 = tpu.vector_load %arg18[%swap3A_1578, %swap3A_1579] {strides = array<i32>} : memref<128x64xf32, #tpu.memory_space<vmem>>, vector<1x16xf32>,
        %swap3A_1581 = vector.shape_cast %swap3A_1580 : vector<1x16xf32> to vector<16xf32>
        %swap3A_1582 = vector.shape_cast %mul3A_1577 : vector<16xf32> to vector<1x16xf32>
        tpu.vector_store %arg18[%swap3A_1578, %swap3A_1579], %swap3A_1582 {strides = array<i32>} : memref<128x64xf32, #tpu.memory_space<vmem>>, vector<1x16xf32>,
        %get3A_1583 = arith.index_cast %add3A_1549 : i32 to index
        %get3A_1584 = arith.constant 48 : index
        %get3A_1585 = tpu.vector_load %arg16[%get3A_1583, %get3A_1584] {strides = array<i32>} : memref<128x64xf32, #tpu.memory_space<vmem>>, vector<1x16xf32>,
        %get3A_1586 = vector.shape_cast %get3A_1585 : vector<1x16xf32> to vector<16xf32>
        %mul3A_1587 = vector.broadcast %squeeze3A_1545 : f32 to vector<16xf32>
        %mul3A_1588 = arith.mulf %get3A_1586, %mul3A_1587 : vector<16xf32>
        %swap3A_1589 = arith.index_cast %add3A_1549 : i32 to index
        %swap3A_1590 = arith.constant 48 : index
        %swap3A_1591 = tpu.vector_load %arg18[%swap3A_1589, %swap3A_1590] {strides = array<i32>} : memref<128x64xf32, #tpu.memory_space<vmem>>, vector<1x16xf32>,
        %swap3A_1592 = vector.shape_cast %swap3A_1591 : vector<1x16xf32> to vector<16xf32>
        %swap3A_1593 = vector.shape_cast %mul3A_1588 : vector<16xf32> to vector<1x16xf32>
        tpu.vector_store %arg18[%swap3A_1589, %swap3A_1590], %swap3A_1593 {strides = array<i32>} : memref<128x64xf32, #tpu.memory_space<vmem>>, vector<1x16xf32>,
        %slice3A_1594 = vector.extract_strided_slice %get3A_995 {offsets = [12], sizes = [1], strides = [1]} : vector<16xf32> to vector<1xf32>
        %squeeze3A_1595 = vector.extract %slice3A_1594[0] : f32 from vector<1xf32>
        %mul3A_1596 = arith.constant 16 : i32
        %mul3A_1597 = arith.muli %scan3A_988, %mul3A_1596 : i32
        %add3A_1598 = arith.constant 12 : i32
        %add3A_1599 = arith.addi %mul3A_1597, %add3A_1598 : i32
        %get3A_1600 = arith.index_cast %add3A_1599 : i32 to index
        %get3A_1601 = arith.constant 0 : index
        %get3A_1602 = tpu.vector_load %arg16[%get3A_1600, %get3A_1601] {strides = array<i32>} : memref<128x64xf32, #tpu.memory_space<vmem>>, vector<1x16xf32>,
        %get3A_1603 = vector.shape_cast %get3A_1602 : vector<1x16xf32> to vector<16xf32>
        %mul3A_1604 = vector.broadcast %squeeze3A_1595 : f32 to vector<16xf32>
        %mul3A_1605 = arith.mulf %get3A_1603, %mul3A_1604 : vector<16xf32>
        %swap3A_1606 = arith.index_cast %add3A_1599 : i32 to index
        %swap3A_1607 = arith.constant 0 : index
        %swap3A_1608 = tpu.vector_load %arg18[%swap3A_1606, %swap3A_1607] {strides = array<i32>} : memref<128x64xf32, #tpu.memory_space<vmem>>, vector<1x16xf32>,
        %swap3A_1609 = vector.shape_cast %swap3A_1608 : vector<1x16xf32> to vector<16xf32>
        %swap3A_1610 = vector.shape_cast %mul3A_1605 : vector<16xf32> to vector<1x16xf32>
        tpu.vector_store %arg18[%swap3A_1606, %swap3A_1607], %swap3A_1610 {strides = array<i32>} : memref<128x64xf32, #tpu.memory_space<vmem>>, vector<1x16xf32>,
        %get3A_1611 = arith.index_cast %add3A_1599 : i32 to index
        %get3A_1612 = arith.constant 16 : index
        %get3A_1613 = tpu.vector_load %arg16[%get3A_1611, %get3A_1612] {strides = array<i32>} : memref<128x64xf32, #tpu.memory_space<vmem>>, vector<1x16xf32>,
        %get3A_1614 = vector.shape_cast %get3A_1613 : vector<1x16xf32> to vector<16xf32>
        %mul3A_1615 = vector.broadcast %squeeze3A_1595 : f32 to vector<16xf32>
        %mul3A_1616 = arith.mulf %get3A_1614, %mul3A_1615 : vector<16xf32>
        %swap3A_1617 = arith.index_cast %add3A_1599 : i32 to index
        %swap3A_1618 = arith.constant 16 : index
        %swap3A_1619 = tpu.vector_load %arg18[%swap3A_1617, %swap3A_1618] {strides = array<i32>} : memref<128x64xf32, #tpu.memory_space<vmem>>, vector<1x16xf32>,
        %swap3A_1620 = vector.shape_cast %swap3A_1619 : vector<1x16xf32> to vector<16xf32>
        %swap3A_1621 = vector.shape_cast %mul3A_1616 : vector<16xf32> to vector<1x16xf32>
        tpu.vector_store %arg18[%swap3A_1617, %swap3A_1618], %swap3A_1621 {strides = array<i32>} : memref<128x64xf32, #tpu.memory_space<vmem>>, vector<1x16xf32>,
        %get3A_1622 = arith.index_cast %add3A_1599 : i32 to index
        %get3A_1623 = arith.constant 32 : index
        %get3A_1624 = tpu.vector_load %arg16[%get3A_1622, %get3A_1623] {strides = array<i32>} : memref<128x64xf32, #tpu.memory_space<vmem>>, vector<1x16xf32>,
        %get3A_1625 = vector.shape_cast %get3A_1624 : vector<1x16xf32> to vector<16xf32>
        %mul3A_1626 = vector.broadcast %squeeze3A_1595 : f32 to vector<16xf32>
        %mul3A_1627 = arith.mulf %get3A_1625, %mul3A_1626 : vector<16xf32>
        %swap3A_1628 = arith.index_cast %add3A_1599 : i32 to index
        %swap3A_1629 = arith.constant 32 : index
        %swap3A_1630 = tpu.vector_load %arg18[%swap3A_1628, %swap3A_1629] {strides = array<i32>} : memref<128x64xf32, #tpu.memory_space<vmem>>, vector<1x16xf32>,
        %swap3A_1631 = vector.shape_cast %swap3A_1630 : vector<1x16xf32> to vector<16xf32>
        %swap3A_1632 = vector.shape_cast %mul3A_1627 : vector<16xf32> to vector<1x16xf32>
        tpu.vector_store %arg18[%swap3A_1628, %swap3A_1629], %swap3A_1632 {strides = array<i32>} : memref<128x64xf32, #tpu.memory_space<vmem>>, vector<1x16xf32>,
        %get3A_1633 = arith.index_cast %add3A_1599 : i32 to index
        %get3A_1634 = arith.constant 48 : index
        %get3A_1635 = tpu.vector_load %arg16[%get3A_1633, %get3A_1634] {strides = array<i32>} : memref<128x64xf32, #tpu.memory_space<vmem>>, vector<1x16xf32>,
        %get3A_1636 = vector.shape_cast %get3A_1635 : vector<1x16xf32> to vector<16xf32>
        %mul3A_1637 = vector.broadcast %squeeze3A_1595 : f32 to vector<16xf32>
        %mul3A_1638 = arith.mulf %get3A_1636, %mul3A_1637 : vector<16xf32>
        %swap3A_1639 = arith.index_cast %add3A_1599 : i32 to index
        %swap3A_1640 = arith.constant 48 : index
        %swap3A_1641 = tpu.vector_load %arg18[%swap3A_1639, %swap3A_1640] {strides = array<i32>} : memref<128x64xf32, #tpu.memory_space<vmem>>, vector<1x16xf32>,
        %swap3A_1642 = vector.shape_cast %swap3A_1641 : vector<1x16xf32> to vector<16xf32>
        %swap3A_1643 = vector.shape_cast %mul3A_1638 : vector<16xf32> to vector<1x16xf32>
        tpu.vector_store %arg18[%swap3A_1639, %swap3A_1640], %swap3A_1643 {strides = array<i32>} : memref<128x64xf32, #tpu.memory_space<vmem>>, vector<1x16xf32>,
        %slice3A_1644 = vector.extract_strided_slice %get3A_995 {offsets = [13], sizes = [1], strides = [1]} : vector<16xf32> to vector<1xf32>
        %squeeze3A_1645 = vector.extract %slice3A_1644[0] : f32 from vector<1xf32>
        %mul3A_1646 = arith.constant 16 : i32
        %mul3A_1647 = arith.muli %scan3A_988, %mul3A_1646 : i32
        %add3A_1648 = arith.constant 13 : i32
        %add3A_1649 = arith.addi %mul3A_1647, %add3A_1648 : i32
        %get3A_1650 = arith.index_cast %add3A_1649 : i32 to index
        %get3A_1651 = arith.constant 0 : index
        %get3A_1652 = tpu.vector_load %arg16[%get3A_1650, %get3A_1651] {strides = array<i32>} : memref<128x64xf32, #tpu.memory_space<vmem>>, vector<1x16xf32>,
        %get3A_1653 = vector.shape_cast %get3A_1652 : vector<1x16xf32> to vector<16xf32>
        %mul3A_1654 = vector.broadcast %squeeze3A_1645 : f32 to vector<16xf32>
        %mul3A_1655 = arith.mulf %get3A_1653, %mul3A_1654 : vector<16xf32>
        %swap3A_1656 = arith.index_cast %add3A_1649 : i32 to index
        %swap3A_1657 = arith.constant 0 : index
        %swap3A_1658 = tpu.vector_load %arg18[%swap3A_1656, %swap3A_1657] {strides = array<i32>} : memref<128x64xf32, #tpu.memory_space<vmem>>, vector<1x16xf32>,
        %swap3A_1659 = vector.shape_cast %swap3A_1658 : vector<1x16xf32> to vector<16xf32>
        %swap3A_1660 = vector.shape_cast %mul3A_1655 : vector<16xf32> to vector<1x16xf32>
        tpu.vector_store %arg18[%swap3A_1656, %swap3A_1657], %swap3A_1660 {strides = array<i32>} : memref<128x64xf32, #tpu.memory_space<vmem>>, vector<1x16xf32>,
        %get3A_1661 = arith.index_cast %add3A_1649 : i32 to index
        %get3A_1662 = arith.constant 16 : index
        %get3A_1663 = tpu.vector_load %arg16[%get3A_1661, %get3A_1662] {strides = array<i32>} : memref<128x64xf32, #tpu.memory_space<vmem>>, vector<1x16xf32>,
        %get3A_1664 = vector.shape_cast %get3A_1663 : vector<1x16xf32> to vector<16xf32>
        %mul3A_1665 = vector.broadcast %squeeze3A_1645 : f32 to vector<16xf32>
        %mul3A_1666 = arith.mulf %get3A_1664, %mul3A_1665 : vector<16xf32>
        %swap3A_1667 = arith.index_cast %add3A_1649 : i32 to index
        %swap3A_1668 = arith.constant 16 : index
        %swap3A_1669 = tpu.vector_load %arg18[%swap3A_1667, %swap3A_1668] {strides = array<i32>} : memref<128x64xf32, #tpu.memory_space<vmem>>, vector<1x16xf32>,
        %swap3A_1670 = vector.shape_cast %swap3A_1669 : vector<1x16xf32> to vector<16xf32>
        %swap3A_1671 = vector.shape_cast %mul3A_1666 : vector<16xf32> to vector<1x16xf32>
        tpu.vector_store %arg18[%swap3A_1667, %swap3A_1668], %swap3A_1671 {strides = array<i32>} : memref<128x64xf32, #tpu.memory_space<vmem>>, vector<1x16xf32>,
        %get3A_1672 = arith.index_cast %add3A_1649 : i32 to index
        %get3A_1673 = arith.constant 32 : index
        %get3A_1674 = tpu.vector_load %arg16[%get3A_1672, %get3A_1673] {strides = array<i32>} : memref<128x64xf32, #tpu.memory_space<vmem>>, vector<1x16xf32>,
        %get3A_1675 = vector.shape_cast %get3A_1674 : vector<1x16xf32> to vector<16xf32>
        %mul3A_1676 = vector.broadcast %squeeze3A_1645 : f32 to vector<16xf32>
        %mul3A_1677 = arith.mulf %get3A_1675, %mul3A_1676 : vector<16xf32>
        %swap3A_1678 = arith.index_cast %add3A_1649 : i32 to index
        %swap3A_1679 = arith.constant 32 : index
        %swap3A_1680 = tpu.vector_load %arg18[%swap3A_1678, %swap3A_1679] {strides = array<i32>} : memref<128x64xf32, #tpu.memory_space<vmem>>, vector<1x16xf32>,
        %swap3A_1681 = vector.shape_cast %swap3A_1680 : vector<1x16xf32> to vector<16xf32>
        %swap3A_1682 = vector.shape_cast %mul3A_1677 : vector<16xf32> to vector<1x16xf32>
        tpu.vector_store %arg18[%swap3A_1678, %swap3A_1679], %swap3A_1682 {strides = array<i32>} : memref<128x64xf32, #tpu.memory_space<vmem>>, vector<1x16xf32>,
        %get3A_1683 = arith.index_cast %add3A_1649 : i32 to index
        %get3A_1684 = arith.constant 48 : index
        %get3A_1685 = tpu.vector_load %arg16[%get3A_1683, %get3A_1684] {strides = array<i32>} : memref<128x64xf32, #tpu.memory_space<vmem>>, vector<1x16xf32>,
        %get3A_1686 = vector.shape_cast %get3A_1685 : vector<1x16xf32> to vector<16xf32>
        %mul3A_1687 = vector.broadcast %squeeze3A_1645 : f32 to vector<16xf32>
        %mul3A_1688 = arith.mulf %get3A_1686, %mul3A_1687 : vector<16xf32>
        %swap3A_1689 = arith.index_cast %add3A_1649 : i32 to index
        %swap3A_1690 = arith.constant 48 : index
        %swap3A_1691 = tpu.vector_load %arg18[%swap3A_1689, %swap3A_1690] {strides = array<i32>} : memref<128x64xf32, #tpu.memory_space<vmem>>, vector<1x16xf32>,
        %swap3A_1692 = vector.shape_cast %swap3A_1691 : vector<1x16xf32> to vector<16xf32>
        %swap3A_1693 = vector.shape_cast %mul3A_1688 : vector<16xf32> to vector<1x16xf32>
        tpu.vector_store %arg18[%swap3A_1689, %swap3A_1690], %swap3A_1693 {strides = array<i32>} : memref<128x64xf32, #tpu.memory_space<vmem>>, vector<1x16xf32>,
        %slice3A_1694 = vector.extract_strided_slice %get3A_995 {offsets = [14], sizes = [1], strides = [1]} : vector<16xf32> to vector<1xf32>
        %squeeze3A_1695 = vector.extract %slice3A_1694[0] : f32 from vector<1xf32>
        %mul3A_1696 = arith.constant 16 : i32
        %mul3A_1697 = arith.muli %scan3A_988, %mul3A_1696 : i32
        %add3A_1698 = arith.constant 14 : i32
        %add3A_1699 = arith.addi %mul3A_1697, %add3A_1698 : i32
        %get3A_1700 = arith.index_cast %add3A_1699 : i32 to index
        %get3A_1701 = arith.constant 0 : index
        %get3A_1702 = tpu.vector_load %arg16[%get3A_1700, %get3A_1701] {strides = array<i32>} : memref<128x64xf32, #tpu.memory_space<vmem>>, vector<1x16xf32>,
        %get3A_1703 = vector.shape_cast %get3A_1702 : vector<1x16xf32> to vector<16xf32>
        %mul3A_1704 = vector.broadcast %squeeze3A_1695 : f32 to vector<16xf32>
        %mul3A_1705 = arith.mulf %get3A_1703, %mul3A_1704 : vector<16xf32>
        %swap3A_1706 = arith.index_cast %add3A_1699 : i32 to index
        %swap3A_1707 = arith.constant 0 : index
        %swap3A_1708 = tpu.vector_load %arg18[%swap3A_1706, %swap3A_1707] {strides = array<i32>} : memref<128x64xf32, #tpu.memory_space<vmem>>, vector<1x16xf32>,
        %swap3A_1709 = vector.shape_cast %swap3A_1708 : vector<1x16xf32> to vector<16xf32>
        %swap3A_1710 = vector.shape_cast %mul3A_1705 : vector<16xf32> to vector<1x16xf32>
        tpu.vector_store %arg18[%swap3A_1706, %swap3A_1707], %swap3A_1710 {strides = array<i32>} : memref<128x64xf32, #tpu.memory_space<vmem>>, vector<1x16xf32>,
        %get3A_1711 = arith.index_cast %add3A_1699 : i32 to index
        %get3A_1712 = arith.constant 16 : index
        %get3A_1713 = tpu.vector_load %arg16[%get3A_1711, %get3A_1712] {strides = array<i32>} : memref<128x64xf32, #tpu.memory_space<vmem>>, vector<1x16xf32>,
        %get3A_1714 = vector.shape_cast %get3A_1713 : vector<1x16xf32> to vector<16xf32>
        %mul3A_1715 = vector.broadcast %squeeze3A_1695 : f32 to vector<16xf32>
        %mul3A_1716 = arith.mulf %get3A_1714, %mul3A_1715 : vector<16xf32>
        %swap3A_1717 = arith.index_cast %add3A_1699 : i32 to index
        %swap3A_1718 = arith.constant 16 : index
        %swap3A_1719 = tpu.vector_load %arg18[%swap3A_1717, %swap3A_1718] {strides = array<i32>} : memref<128x64xf32, #tpu.memory_space<vmem>>, vector<1x16xf32>,
        %swap3A_1720 = vector.shape_cast %swap3A_1719 : vector<1x16xf32> to vector<16xf32>
        %swap3A_1721 = vector.shape_cast %mul3A_1716 : vector<16xf32> to vector<1x16xf32>
        tpu.vector_store %arg18[%swap3A_1717, %swap3A_1718], %swap3A_1721 {strides = array<i32>} : memref<128x64xf32, #tpu.memory_space<vmem>>, vector<1x16xf32>,
        %get3A_1722 = arith.index_cast %add3A_1699 : i32 to index
        %get3A_1723 = arith.constant 32 : index
        %get3A_1724 = tpu.vector_load %arg16[%get3A_1722, %get3A_1723] {strides = array<i32>} : memref<128x64xf32, #tpu.memory_space<vmem>>, vector<1x16xf32>,
        %get3A_1725 = vector.shape_cast %get3A_1724 : vector<1x16xf32> to vector<16xf32>
        %mul3A_1726 = vector.broadcast %squeeze3A_1695 : f32 to vector<16xf32>
        %mul3A_1727 = arith.mulf %get3A_1725, %mul3A_1726 : vector<16xf32>
        %swap3A_1728 = arith.index_cast %add3A_1699 : i32 to index
        %swap3A_1729 = arith.constant 32 : index
        %swap3A_1730 = tpu.vector_load %arg18[%swap3A_1728, %swap3A_1729] {strides = array<i32>} : memref<128x64xf32, #tpu.memory_space<vmem>>, vector<1x16xf32>,
        %swap3A_1731 = vector.shape_cast %swap3A_1730 : vector<1x16xf32> to vector<16xf32>
        %swap3A_1732 = vector.shape_cast %mul3A_1727 : vector<16xf32> to vector<1x16xf32>
        tpu.vector_store %arg18[%swap3A_1728, %swap3A_1729], %swap3A_1732 {strides = array<i32>} : memref<128x64xf32, #tpu.memory_space<vmem>>, vector<1x16xf32>,
        %get3A_1733 = arith.index_cast %add3A_1699 : i32 to index
        %get3A_1734 = arith.constant 48 : index
        %get3A_1735 = tpu.vector_load %arg16[%get3A_1733, %get3A_1734] {strides = array<i32>} : memref<128x64xf32, #tpu.memory_space<vmem>>, vector<1x16xf32>,
        %get3A_1736 = vector.shape_cast %get3A_1735 : vector<1x16xf32> to vector<16xf32>
        %mul3A_1737 = vector.broadcast %squeeze3A_1695 : f32 to vector<16xf32>
        %mul3A_1738 = arith.mulf %get3A_1736, %mul3A_1737 : vector<16xf32>
        %swap3A_1739 = arith.index_cast %add3A_1699 : i32 to index
        %swap3A_1740 = arith.constant 48 : index
        %swap3A_1741 = tpu.vector_load %arg18[%swap3A_1739, %swap3A_1740] {strides = array<i32>} : memref<128x64xf32, #tpu.memory_space<vmem>>, vector<1x16xf32>,
        %swap3A_1742 = vector.shape_cast %swap3A_1741 : vector<1x16xf32> to vector<16xf32>
        %swap3A_1743 = vector.shape_cast %mul3A_1738 : vector<16xf32> to vector<1x16xf32>
        tpu.vector_store %arg18[%swap3A_1739, %swap3A_1740], %swap3A_1743 {strides = array<i32>} : memref<128x64xf32, #tpu.memory_space<vmem>>, vector<1x16xf32>,
        %slice3A_1744 = vector.extract_strided_slice %get3A_995 {offsets = [15], sizes = [1], strides = [1]} : vector<16xf32> to vector<1xf32>
        %squeeze3A_1745 = vector.extract %slice3A_1744[0] : f32 from vector<1xf32>
        %mul3A_1746 = arith.constant 16 : i32
        %mul3A_1747 = arith.muli %scan3A_988, %mul3A_1746 : i32
        %add3A_1748 = arith.constant 15 : i32
        %add3A_1749 = arith.addi %mul3A_1747, %add3A_1748 : i32
        %get3A_1750 = arith.index_cast %add3A_1749 : i32 to index
        %get3A_1751 = arith.constant 0 : index
        %get3A_1752 = tpu.vector_load %arg16[%get3A_1750, %get3A_1751] {strides = array<i32>} : memref<128x64xf32, #tpu.memory_space<vmem>>, vector<1x16xf32>,
        %get3A_1753 = vector.shape_cast %get3A_1752 : vector<1x16xf32> to vector<16xf32>
        %mul3A_1754 = vector.broadcast %squeeze3A_1745 : f32 to vector<16xf32>
        %mul3A_1755 = arith.mulf %get3A_1753, %mul3A_1754 : vector<16xf32>
        %swap3A_1756 = arith.index_cast %add3A_1749 : i32 to index
        %swap3A_1757 = arith.constant 0 : index
        %swap3A_1758 = tpu.vector_load %arg18[%swap3A_1756, %swap3A_1757] {strides = array<i32>} : memref<128x64xf32, #tpu.memory_space<vmem>>, vector<1x16xf32>,
        %swap3A_1759 = vector.shape_cast %swap3A_1758 : vector<1x16xf32> to vector<16xf32>
        %swap3A_1760 = vector.shape_cast %mul3A_1755 : vector<16xf32> to vector<1x16xf32>
        tpu.vector_store %arg18[%swap3A_1756, %swap3A_1757], %swap3A_1760 {strides = array<i32>} : memref<128x64xf32, #tpu.memory_space<vmem>>, vector<1x16xf32>,
        %get3A_1761 = arith.index_cast %add3A_1749 : i32 to index
        %get3A_1762 = arith.constant 16 : index
        %get3A_1763 = tpu.vector_load %arg16[%get3A_1761, %get3A_1762] {strides = array<i32>} : memref<128x64xf32, #tpu.memory_space<vmem>>, vector<1x16xf32>,
        %get3A_1764 = vector.shape_cast %get3A_1763 : vector<1x16xf32> to vector<16xf32>
        %mul3A_1765 = vector.broadcast %squeeze3A_1745 : f32 to vector<16xf32>
        %mul3A_1766 = arith.mulf %get3A_1764, %mul3A_1765 : vector<16xf32>
        %swap3A_1767 = arith.index_cast %add3A_1749 : i32 to index
        %swap3A_1768 = arith.constant 16 : index
        %swap3A_1769 = tpu.vector_load %arg18[%swap3A_1767, %swap3A_1768] {strides = array<i32>} : memref<128x64xf32, #tpu.memory_space<vmem>>, vector<1x16xf32>,
        %swap3A_1770 = vector.shape_cast %swap3A_1769 : vector<1x16xf32> to vector<16xf32>
        %swap3A_1771 = vector.shape_cast %mul3A_1766 : vector<16xf32> to vector<1x16xf32>
        tpu.vector_store %arg18[%swap3A_1767, %swap3A_1768], %swap3A_1771 {strides = array<i32>} : memref<128x64xf32, #tpu.memory_space<vmem>>, vector<1x16xf32>,
        %get3A_1772 = arith.index_cast %add3A_1749 : i32 to index
        %get3A_1773 = arith.constant 32 : index
        %get3A_1774 = tpu.vector_load %arg16[%get3A_1772, %get3A_1773] {strides = array<i32>} : memref<128x64xf32, #tpu.memory_space<vmem>>, vector<1x16xf32>,
        %get3A_1775 = vector.shape_cast %get3A_1774 : vector<1x16xf32> to vector<16xf32>
        %mul3A_1776 = vector.broadcast %squeeze3A_1745 : f32 to vector<16xf32>
        %mul3A_1777 = arith.mulf %get3A_1775, %mul3A_1776 : vector<16xf32>
        %swap3A_1778 = arith.index_cast %add3A_1749 : i32 to index
        %swap3A_1779 = arith.constant 32 : index
        %swap3A_1780 = tpu.vector_load %arg18[%swap3A_1778, %swap3A_1779] {strides = array<i32>} : memref<128x64xf32, #tpu.memory_space<vmem>>, vector<1x16xf32>,
        %swap3A_1781 = vector.shape_cast %swap3A_1780 : vector<1x16xf32> to vector<16xf32>
        %swap3A_1782 = vector.shape_cast %mul3A_1777 : vector<16xf32> to vector<1x16xf32>
        tpu.vector_store %arg18[%swap3A_1778, %swap3A_1779], %swap3A_1782 {strides = array<i32>} : memref<128x64xf32, #tpu.memory_space<vmem>>, vector<1x16xf32>,
        %get3A_1783 = arith.index_cast %add3A_1749 : i32 to index
        %get3A_1784 = arith.constant 48 : index
        %get3A_1785 = tpu.vector_load %arg16[%get3A_1783, %get3A_1784] {strides = array<i32>} : memref<128x64xf32, #tpu.memory_space<vmem>>, vector<1x16xf32>,
        %get3A_1786 = vector.shape_cast %get3A_1785 : vector<1x16xf32> to vector<16xf32>
        %mul3A_1787 = vector.broadcast %squeeze3A_1745 : f32 to vector<16xf32>
        %mul3A_1788 = arith.mulf %get3A_1786, %mul3A_1787 : vector<16xf32>
        %swap3A_1789 = arith.index_cast %add3A_1749 : i32 to index
        %swap3A_1790 = arith.constant 48 : index
        %swap3A_1791 = tpu.vector_load %arg18[%swap3A_1789, %swap3A_1790] {strides = array<i32>} : memref<128x64xf32, #tpu.memory_space<vmem>>, vector<1x16xf32>,
        %swap3A_1792 = vector.shape_cast %swap3A_1791 : vector<1x16xf32> to vector<16xf32>
        %swap3A_1793 = vector.shape_cast %mul3A_1788 : vector<16xf32> to vector<1x16xf32>
        tpu.vector_store %arg18[%swap3A_1789, %swap3A_1790], %swap3A_1793 {strides = array<i32>} : memref<128x64xf32, #tpu.memory_space<vmem>>, vector<1x16xf32>,
      }
      %scan3A_591 = arith.constant 8 : i32
      %dma_start3A_592 = arith.constant 0 : i32
      %dma_start3A_593 = arith.constant 0 : i32
      %dma_start3A_594 = tpu.memref_slice %arg12[%dma_start3A_592, %dma_start3A_593] : memref<2x128xi32, #tpu.memory_space<vmem>> -> memref<1x128xi32, #tpu.memory_space<vmem>>
      %dma_start3A_595 = tpu.memref_squeeze %dma_start3A_594 : memref<1x128xi32, #tpu.memory_space<vmem>> -> memref<128xi32, #tpu.memory_space<vmem>>
      %dma_start3A_596 = arith.constant 0 : i32
      %dma_start3A_597 = arith.constant 0 : i32
      %dma_start3A_598 = tpu.memref_slice %arg22[%dma_start3A_596, %dma_start3A_597] : memref<10240x64xf32, #tpu.memory_space<vmem_shared>> -> memref<10240x64xf32, #tpu.memory_space<vmem_shared>>
      tpu.enqueue_indirect_dma source(%arg18 : memref<128x64xf32, #tpu.memory_space<vmem>>) target(%dma_start3A_598 : memref<10240x64xf32, #tpu.memory_space<vmem_shared>>) offsets(%dma_start3A_595 : memref<128xi32, #tpu.memory_space<vmem>>) semaphore(%arg34 : memref<!tpu.dma_semaphore, #tpu.memory_space<semaphore_mem>>) {add = true}
      %mul3A_599 = arith.constant 2 : i32
      %mul3A_600 = arith.muli %scan3A_216, %mul3A_599 : i32
      %add3A_601 = arith.constant 1 : i32
      %add3A_602 = arith.addi %mul3A_600, %add3A_601 : i32
      %add3A_603 = arith.constant 1 : i32
      %add3A_604 = arith.addi %add3A_602, %add3A_603 : i32
      %lt3A_605 = arith.constant 160 : i32
      %lt3A_606 = arith.cmpi slt, %add3A_604, %lt3A_605 : i32
      %convert_element_type3A_607 = arith.extui %lt3A_606 : i1 to i32
      %cond3A_608 = arith.constant 0 : i32
      %cond3A_609 = arith.cmpi ne, %convert_element_type3A_607, %cond3A_608 : i32
      scf.if %cond3A_609 {
        %add3A_988 = arith.constant 1 : i32
        %add3A_989 = arith.addi %add3A_602, %add3A_988 : i32
        %dma_wait3A_990 = arith.constant 0 : i32
        %dma_wait3A_991 = arith.constant 0 : i32
        %dma_wait3A_992 = tpu.memref_slice %arg10[%dma_wait3A_990, %dma_wait3A_991] : memref<2x128xi32, #tpu.memory_space<vmem>> -> memref<1x128xi32, #tpu.memory_space<vmem>>
        %dma_wait3A_993 = tpu.memref_squeeze %dma_wait3A_992 : memref<1x128xi32, #tpu.memory_space<vmem>> -> memref<128xi32, #tpu.memory_space<vmem>>
        %dma_wait3A_994 = arith.constant 0 : i32
        %dma_wait3A_995 = tpu.memref_slice %arg6[%arg1, %add3A_989, %dma_wait3A_994] : memref<16x160x128xi32, #tpu.memory_space<hbm>> -> memref<1x1x128xi32, #tpu.memory_space<hbm>>
        %dma_wait3A_996 = tpu.memref_squeeze %dma_wait3A_995 : memref<1x1x128xi32, #tpu.memory_space<hbm>> -> memref<128xi32, #tpu.memory_space<hbm>>
        %dma_wait3A_997 = arith.constant 0 : i32
        %dma_wait3A_998 = tpu.memref_slice %arg10[%dma_wait3A_990, %dma_wait3A_997] : memref<2x128xi32, #tpu.memory_space<vmem>> -> memref<1x128xi32, #tpu.memory_space<vmem>>
        %dma_wait3A_999 = tpu.memref_squeeze %dma_wait3A_998 : memref<1x128xi32, #tpu.memory_space<vmem>> -> memref<128xi32, #tpu.memory_space<vmem>>
        %dma_wait3A_1000 = arith.constant 0 : i32
        %dma_wait3A_1001 = tpu.memref_slice %arg6[%arg1, %add3A_989, %dma_wait3A_1000] : memref<16x160x128xi32, #tpu.memory_space<hbm>> -> memref<1x1x128xi32, #tpu.memory_space<hbm>>
        %dma_wait3A_1002 = tpu.memref_squeeze %dma_wait3A_1001 : memref<1x1x128xi32, #tpu.memory_space<hbm>> -> memref<128xi32, #tpu.memory_space<hbm>>
        tpu.wait_dma2 semaphore(%arg26 : memref<!tpu.dma_semaphore, #tpu.memory_space<semaphore_mem>>) src(%dma_wait3A_1002 : memref<128xi32, #tpu.memory_space<hbm>>) dst(%dma_wait3A_999 : memref<128xi32, #tpu.memory_space<vmem>>)
        %add3A_1003 = arith.constant 1 : i32
        %add3A_1004 = arith.addi %add3A_602, %add3A_1003 : i32
        %dma_wait3A_1005 = arith.constant 0 : i32
        %dma_wait3A_1006 = arith.constant 0 : i32
        %dma_wait3A_1007 = tpu.memref_slice %arg11[%dma_wait3A_1005, %dma_wait3A_1006] : memref<2x128xi32, #tpu.memory_space<vmem>> -> memref<1x128xi32, #tpu.memory_space<vmem>>
        %dma_wait3A_1008 = tpu.memref_squeeze %dma_wait3A_1007 : memref<1x128xi32, #tpu.memory_space<vmem>> -> memref<128xi32, #tpu.memory_space<vmem>>
        %dma_wait3A_1009 = arith.constant 0 : i32
        %dma_wait3A_1010 = tpu.memref_slice %arg7[%arg1, %add3A_1004, %dma_wait3A_1009] : memref<16x160x128xi32, #tpu.memory_space<hbm>> -> memref<1x1x128xi32, #tpu.memory_space<hbm>>
        %dma_wait3A_1011 = tpu.memref_squeeze %dma_wait3A_1010 : memref<1x1x128xi32, #tpu.memory_space<hbm>> -> memref<128xi32, #tpu.memory_space<hbm>>
        %dma_wait3A_1012 = arith.constant 0 : i32
        %dma_wait3A_1013 = tpu.memref_slice %arg11[%dma_wait3A_1005, %dma_wait3A_1012] : memref<2x128xi32, #tpu.memory_space<vmem>> -> memref<1x128xi32, #tpu.memory_space<vmem>>
        %dma_wait3A_1014 = tpu.memref_squeeze %dma_wait3A_1013 : memref<1x128xi32, #tpu.memory_space<vmem>> -> memref<128xi32, #tpu.memory_space<vmem>>
        %dma_wait3A_1015 = arith.constant 0 : i32
        %dma_wait3A_1016 = tpu.memref_slice %arg7[%arg1, %add3A_1004, %dma_wait3A_1015] : memref<16x160x128xi32, #tpu.memory_space<hbm>> -> memref<1x1x128xi32, #tpu.memory_space<hbm>>
        %dma_wait3A_1017 = tpu.memref_squeeze %dma_wait3A_1016 : memref<1x1x128xi32, #tpu.memory_space<hbm>> -> memref<128xi32, #tpu.memory_space<hbm>>
        tpu.wait_dma2 semaphore(%arg26 : memref<!tpu.dma_semaphore, #tpu.memory_space<semaphore_mem>>) src(%dma_wait3A_1017 : memref<128xi32, #tpu.memory_space<hbm>>) dst(%dma_wait3A_1014 : memref<128xi32, #tpu.memory_space<vmem>>)
        %dma_start3A_1018 = arith.constant 0 : i32
        %dma_start3A_1019 = arith.constant 0 : i32
        %dma_start3A_1020 = arith.constant 0 : i32
        %dma_start3A_1021 = tpu.memref_slice %arg13[%dma_start3A_1019, %dma_start3A_1020] : memref<2x128xf32, #tpu.memory_space<vmem>> -> memref<1x128xf32, #tpu.memory_space<vmem>>
        %dma_start3A_1022 = tpu.memref_squeeze %dma_start3A_1021 : memref<1x128xf32, #tpu.memory_space<vmem>> -> memref<128xf32, #tpu.memory_space<vmem>>
        %dma_start3A_1023 = arith.constant 0 : i32
        %dma_start3A_1024 = tpu.memref_slice %arg10[%dma_start3A_1018, %dma_start3A_1023] : memref<2x128xi32, #tpu.memory_space<vmem>> -> memref<1x128xi32, #tpu.memory_space<vmem>>
        %dma_start3A_1025 = tpu.memref_squeeze %dma_start3A_1024 : memref<1x128xi32, #tpu.memory_space<vmem>> -> memref<128xi32, #tpu.memory_space<vmem>>
        %dma_start3A_1026 = arith.constant 0 : i32
        %dma_start3A_1027 = tpu.memref_slice %arg23[%dma_start3A_1026] : memref<10240xf32, #tpu.memory_space<vmem_shared>> -> memref<10240xf32, #tpu.memory_space<vmem_shared>>
        tpu.enqueue_indirect_dma source(%dma_start3A_1027 : memref<10240xf32, #tpu.memory_space<vmem_shared>>) target(%dma_start3A_1022 : memref<128xf32, #tpu.memory_space<vmem>>) offsets(%dma_start3A_1025 : memref<128xi32, #tpu.memory_space<vmem>>) semaphore(%arg28 : memref<!tpu.dma_semaphore, #tpu.memory_space<semaphore_mem>>)
        %dma_start3A_1028 = arith.constant 0 : i32
        %dma_start3A_1029 = arith.constant 0 : i32
        %dma_start3A_1030 = arith.constant 0 : i32
        %dma_start3A_1031 = tpu.memref_slice %arg14[%dma_start3A_1029, %dma_start3A_1030] : memref<2x128xf32, #tpu.memory_space<vmem>> -> memref<1x128xf32, #tpu.memory_space<vmem>>
        %dma_start3A_1032 = tpu.memref_squeeze %dma_start3A_1031 : memref<1x128xf32, #tpu.memory_space<vmem>> -> memref<128xf32, #tpu.memory_space<vmem>>
        %dma_start3A_1033 = arith.constant 0 : i32
        %dma_start3A_1034 = tpu.memref_slice %arg11[%dma_start3A_1028, %dma_start3A_1033] : memref<2x128xi32, #tpu.memory_space<vmem>> -> memref<1x128xi32, #tpu.memory_space<vmem>>
        %dma_start3A_1035 = tpu.memref_squeeze %dma_start3A_1034 : memref<1x128xi32, #tpu.memory_space<vmem>> -> memref<128xi32, #tpu.memory_space<vmem>>
        %dma_start3A_1036 = arith.constant 0 : i32
        %dma_start3A_1037 = tpu.memref_slice %arg24[%dma_start3A_1036] : memref<10240xf32, #tpu.memory_space<vmem_shared>> -> memref<10240xf32, #tpu.memory_space<vmem_shared>>
        tpu.enqueue_indirect_dma source(%dma_start3A_1037 : memref<10240xf32, #tpu.memory_space<vmem_shared>>) target(%dma_start3A_1032 : memref<128xf32, #tpu.memory_space<vmem>>) offsets(%dma_start3A_1035 : memref<128xi32, #tpu.memory_space<vmem>>) semaphore(%arg30 : memref<!tpu.dma_semaphore, #tpu.memory_space<semaphore_mem>>)
        %dma_start3A_1038 = arith.constant 0 : i32
        %dma_start3A_1039 = arith.constant 0 : i32
        %dma_start3A_1040 = tpu.memref_slice %arg10[%dma_start3A_1038, %dma_start3A_1039] : memref<2x128xi32, #tpu.memory_space<vmem>> -> memref<1x128xi32, #tpu.memory_space<vmem>>
        %dma_start3A_1041 = tpu.memref_squeeze %dma_start3A_1040 : memref<1x128xi32, #tpu.memory_space<vmem>> -> memref<128xi32, #tpu.memory_space<vmem>>
        %dma_start3A_1042 = arith.constant 0 : i32
        %dma_start3A_1043 = arith.constant 0 : i32
        %dma_start3A_1044 = tpu.memref_slice %arg21[%dma_start3A_1042, %dma_start3A_1043] : memref<10240x64xf32, #tpu.memory_space<vmem_shared>> -> memref<10240x64xf32, #tpu.memory_space<vmem_shared>>
        tpu.enqueue_indirect_dma source(%dma_start3A_1044 : memref<10240x64xf32, #tpu.memory_space<vmem_shared>>) target(%arg16 : memref<128x64xf32, #tpu.memory_space<vmem>>) offsets(%dma_start3A_1041 : memref<128xi32, #tpu.memory_space<vmem>>) semaphore(%arg32 : memref<!tpu.dma_semaphore, #tpu.memory_space<semaphore_mem>>)
      } else {
      }
      %dma_wait3A_610 = arith.constant 1 : i32
      %dma_wait3A_611 = arith.constant 1 : i32
      %dma_wait3A_612 = arith.constant 0 : i32
      %dma_wait3A_613 = tpu.memref_slice %arg13[%dma_wait3A_611, %dma_wait3A_612] : memref<2x128xf32, #tpu.memory_space<vmem>> -> memref<1x128xf32, #tpu.memory_space<vmem>>
      %dma_wait3A_614 = tpu.memref_squeeze %dma_wait3A_613 : memref<1x128xf32, #tpu.memory_space<vmem>> -> memref<128xf32, #tpu.memory_space<vmem>>
      %dma_wait3A_615 = arith.constant 0 : i32
      %dma_wait3A_616 = tpu.memref_slice %arg10[%dma_wait3A_610, %dma_wait3A_615] : memref<2x128xi32, #tpu.memory_space<vmem>> -> memref<1x128xi32, #tpu.memory_space<vmem>>
      %dma_wait3A_617 = tpu.memref_squeeze %dma_wait3A_616 : memref<1x128xi32, #tpu.memory_space<vmem>> -> memref<128xi32, #tpu.memory_space<vmem>>
      %dma_wait3A_618 = arith.constant 0 : i32
      %dma_wait3A_619 = tpu.memref_slice %arg23[%dma_wait3A_618] : memref<10240xf32, #tpu.memory_space<vmem_shared>> -> memref<10240xf32, #tpu.memory_space<vmem_shared>>
      tpu.wait_indirect_dma semaphore(%arg29 : memref<!tpu.dma_semaphore, #tpu.memory_space<semaphore_mem>>) src(%dma_wait3A_619 : memref<10240xf32, #tpu.memory_space<vmem_shared>>) dst(%dma_wait3A_614 : memref<128xf32, #tpu.memory_space<vmem>>)
      %dma_wait3A_620 = arith.constant 1 : i32
      %dma_wait3A_621 = arith.constant 1 : i32
      %dma_wait3A_622 = arith.constant 0 : i32
      %dma_wait3A_623 = tpu.memref_slice %arg14[%dma_wait3A_621, %dma_wait3A_622] : memref<2x128xf32, #tpu.memory_space<vmem>> -> memref<1x128xf32, #tpu.memory_space<vmem>>
      %dma_wait3A_624 = tpu.memref_squeeze %dma_wait3A_623 : memref<1x128xf32, #tpu.memory_space<vmem>> -> memref<128xf32, #tpu.memory_space<vmem>>
      %dma_wait3A_625 = arith.constant 0 : i32
      %dma_wait3A_626 = tpu.memref_slice %arg11[%dma_wait3A_620, %dma_wait3A_625] : memref<2x128xi32, #tpu.memory_space<vmem>> -> memref<1x128xi32, #tpu.memory_space<vmem>>
      %dma_wait3A_627 = tpu.memref_squeeze %dma_wait3A_626 : memref<1x128xi32, #tpu.memory_space<vmem>> -> memref<128xi32, #tpu.memory_space<vmem>>
      %dma_wait3A_628 = arith.constant 0 : i32
      %dma_wait3A_629 = tpu.memref_slice %arg24[%dma_wait3A_628] : memref<10240xf32, #tpu.memory_space<vmem_shared>> -> memref<10240xf32, #tpu.memory_space<vmem_shared>>
      tpu.wait_indirect_dma semaphore(%arg31 : memref<!tpu.dma_semaphore, #tpu.memory_space<semaphore_mem>>) src(%dma_wait3A_629 : memref<10240xf32, #tpu.memory_space<vmem_shared>>) dst(%dma_wait3A_624 : memref<128xf32, #tpu.memory_space<vmem>>)
      %dma_wait3A_630 = arith.constant 1 : i32
      %dma_wait3A_631 = arith.constant 0 : i32
      %dma_wait3A_632 = tpu.memref_slice %arg10[%dma_wait3A_630, %dma_wait3A_631] : memref<2x128xi32, #tpu.memory_space<vmem>> -> memref<1x128xi32, #tpu.memory_space<vmem>>
      %dma_wait3A_633 = tpu.memref_squeeze %dma_wait3A_632 : memref<1x128xi32, #tpu.memory_space<vmem>> -> memref<128xi32, #tpu.memory_space<vmem>>
      %dma_wait3A_634 = arith.constant 0 : i32
      %dma_wait3A_635 = arith.constant 0 : i32
      %dma_wait3A_636 = tpu.memref_slice %arg21[%dma_wait3A_634, %dma_wait3A_635] : memref<10240x64xf32, #tpu.memory_space<vmem_shared>> -> memref<10240x64xf32, #tpu.memory_space<vmem_shared>>
      tpu.wait_indirect_dma semaphore(%arg33 : memref<!tpu.dma_semaphore, #tpu.memory_space<semaphore_mem>>) src(%dma_wait3A_636 : memref<10240x64xf32, #tpu.memory_space<vmem_shared>>) dst(%arg17 : memref<128x64xf32, #tpu.memory_space<vmem>>)
      %eq3A_637 = arith.constant 0 : i32
      %eq3A_638 = arith.cmpi eq, %arg0, %eq3A_637 : i32
      %lt3A_639 = arith.constant 80 : i32
      %lt3A_640 = arith.cmpi slt, %add3A_602, %lt3A_639 : i32
      %ge3A_641 = arith.constant 80 : i32
      %ge3A_642 = arith.cmpi sge, %add3A_602, %ge3A_641 : i32
      %select_n3A_643 = arith.select %eq3A_638, %lt3A_640, %ge3A_642 : i1
      %eq3A_644 = arith.constant 0 : i32
      %eq3A_645 = arith.cmpi eq, %arg0, %eq3A_644 : i32
      %sub3A_646 = arith.constant 2 : i32
      %sub3A_647 = arith.subi %add3A_602, %sub3A_646 : i32
      %lt3A_648 = arith.constant 80 : i32
      %lt3A_649 = arith.cmpi slt, %sub3A_647, %lt3A_648 : i32
      %sub3A_650 = arith.constant 2 : i32
      %sub3A_651 = arith.subi %add3A_602, %sub3A_650 : i32
      %ge3A_652 = arith.constant 80 : i32
      %ge3A_653 = arith.cmpi sge, %sub3A_651, %ge3A_652 : i32
      %select_n3A_654 = arith.select %eq3A_645, %lt3A_649, %ge3A_653 : i1
      %ge3A_655 = arith.constant 1 : i32
      %ge3A_656 = arith.cmpi sge, %scan3A_216, %ge3A_655 : i32
      %and3A_657 = arith.andi %ge3A_656, %select_n3A_654 : i1
      %convert_element_type3A_658 = arith.extui %and3A_657 : i1 to i32
      %cond3A_659 = arith.constant 1 : i32
      %cond3A_660 = arith.constant 0 : i32
      %cond3A_661 = arith.cmpi ne, %convert_element_type3A_658, %cond3A_660 : i32
      scf.if %cond3A_661 {
        %dma_wait3A_988 = arith.constant 1 : i32
        %dma_wait3A_989 = arith.constant 0 : i32
        %dma_wait3A_990 = tpu.memref_slice %arg15[%dma_wait3A_988, %dma_wait3A_989] : memref<2x128xf32, #tpu.memory_space<vmem>> -> memref<1x128xf32, #tpu.memory_space<vmem>>
        %dma_wait3A_991 = tpu.memref_squeeze %dma_wait3A_990 : memref<1x128xf32, #tpu.memory_space<vmem>> -> memref<128xf32, #tpu.memory_space<vmem>>
        %dma_wait3A_992 = arith.constant 0 : i32
        %dma_wait3A_993 = tpu.memref_slice %arg12[%cond3A_659, %dma_wait3A_992] : memref<2x128xi32, #tpu.memory_space<vmem>> -> memref<1x128xi32, #tpu.memory_space<vmem>>
        %dma_wait3A_994 = tpu.memref_squeeze %dma_wait3A_993 : memref<1x128xi32, #tpu.memory_space<vmem>> -> memref<128xi32, #tpu.memory_space<vmem>>
        %dma_wait3A_995 = arith.constant 0 : i32
        %dma_wait3A_996 = tpu.memref_slice %arg25[%dma_wait3A_995] : memref<10240xf32, #tpu.memory_space<vmem_shared>> -> memref<10240xf32, #tpu.memory_space<vmem_shared>>
        tpu.wait_indirect_dma semaphore(%arg37 : memref<!tpu.dma_semaphore, #tpu.memory_space<semaphore_mem>>) src(%dma_wait3A_991 : memref<128xf32, #tpu.memory_space<vmem>>) dst(%dma_wait3A_996 : memref<10240xf32, #tpu.memory_space<vmem_shared>>)
      } else {
      }
      %ge3A_662 = arith.constant 1 : i32
      %ge3A_663 = arith.cmpi sge, %scan3A_216, %ge3A_662 : i32
      %convert_element_type3A_664 = arith.extui %ge3A_663 : i1 to i32
      %cond3A_665 = arith.constant 1 : i32
      %cond3A_666 = arith.constant 0 : i32
      %cond3A_667 = arith.cmpi ne, %convert_element_type3A_664, %cond3A_666 : i32
      scf.if %cond3A_667 {
        %dma_wait3A_988 = arith.constant 0 : i32
        %dma_wait3A_989 = tpu.memref_slice %arg12[%cond3A_665, %dma_wait3A_988] : memref<2x128xi32, #tpu.memory_space<vmem>> -> memref<1x128xi32, #tpu.memory_space<vmem>>
        %dma_wait3A_990 = tpu.memref_squeeze %dma_wait3A_989 : memref<1x128xi32, #tpu.memory_space<vmem>> -> memref<128xi32, #tpu.memory_space<vmem>>
        %dma_wait3A_991 = arith.constant 0 : i32
        %dma_wait3A_992 = arith.constant 0 : i32
        %dma_wait3A_993 = tpu.memref_slice %arg22[%dma_wait3A_991, %dma_wait3A_992] : memref<10240x64xf32, #tpu.memory_space<vmem_shared>> -> memref<10240x64xf32, #tpu.memory_space<vmem_shared>>
        tpu.wait_indirect_dma semaphore(%arg35 : memref<!tpu.dma_semaphore, #tpu.memory_space<semaphore_mem>>) src(%arg19 : memref<128x64xf32, #tpu.memory_space<vmem>>) dst(%dma_wait3A_993 : memref<10240x64xf32, #tpu.memory_space<vmem_shared>>)
      } else {
      }
      %get3A_668 = arith.constant 1 : i32
      %get3A_669 = arith.index_cast %get3A_668 : i32 to index
      %get3A_670 = arith.constant 0 : index
      %get3A_671 = tpu.vector_load %arg11[%get3A_669, %get3A_670] {strides = array<i32>} : memref<2x128xi32, #tpu.memory_space<vmem>>, vector<1x16xi32>,
      %get3A_672 = vector.shape_cast %get3A_671 : vector<1x16xi32> to vector<16xi32>
      %swap3A_673 = arith.constant 1 : i32
      %swap3A_674 = arith.index_cast %swap3A_673 : i32 to index
      %swap3A_675 = arith.constant 0 : index
      %swap3A_676 = tpu.vector_load %arg12[%swap3A_674, %swap3A_675] {strides = array<i32>} : memref<2x128xi32, #tpu.memory_space<vmem>>, vector<1x16xi32>,
      %swap3A_677 = vector.shape_cast %swap3A_676 : vector<1x16xi32> to vector<16xi32>
      %swap3A_678 = vector.shape_cast %get3A_672 : vector<16xi32> to vector<1x16xi32>
      tpu.vector_store %arg12[%swap3A_674, %swap3A_675], %swap3A_678 {strides = array<i32>} : memref<2x128xi32, #tpu.memory_space<vmem>>, vector<1x16xi32>,
      %get3A_679 = arith.constant 1 : i32
      %get3A_680 = arith.index_cast %get3A_679 : i32 to index
      %get3A_681 = arith.constant 16 : index
      %get3A_682 = tpu.vector_load %arg11[%get3A_680, %get3A_681] {strides = array<i32>} : memref<2x128xi32, #tpu.memory_space<vmem>>, vector<1x16xi32>,
      %get3A_683 = vector.shape_cast %get3A_682 : vector<1x16xi32> to vector<16xi32>
      %swap3A_684 = arith.constant 1 : i32
      %swap3A_685 = arith.index_cast %swap3A_684 : i32 to index
      %swap3A_686 = arith.constant 16 : index
      %swap3A_687 = tpu.vector_load %arg12[%swap3A_685, %swap3A_686] {strides = array<i32>} : memref<2x128xi32, #tpu.memory_space<vmem>>, vector<1x16xi32>,
      %swap3A_688 = vector.shape_cast %swap3A_687 : vector<1x16xi32> to vector<16xi32>
      %swap3A_689 = vector.shape_cast %get3A_683 : vector<16xi32> to vector<1x16xi32>
      tpu.vector_store %arg12[%swap3A_685, %swap3A_686], %swap3A_689 {strides = array<i32>} : memref<2x128xi32, #tpu.memory_space<vmem>>, vector<1x16xi32>,
      %get3A_690 = arith.constant 1 : i32
      %get3A_691 = arith.index_cast %get3A_690 : i32 to index
      %get3A_692 = arith.constant 32 : index
      %get3A_693 = tpu.vector_load %arg11[%get3A_691, %get3A_692] {strides = array<i32>} : memref<2x128xi32, #tpu.memory_space<vmem>>, vector<1x16xi32>,
      %get3A_694 = vector.shape_cast %get3A_693 : vector<1x16xi32> to vector<16xi32>
      %swap3A_695 = arith.constant 1 : i32
      %swap3A_696 = arith.index_cast %swap3A_695 : i32 to index
      %swap3A_697 = arith.constant 32 : index
      %swap3A_698 = tpu.vector_load %arg12[%swap3A_696, %swap3A_697] {strides = array<i32>} : memref<2x128xi32, #tpu.memory_space<vmem>>, vector<1x16xi32>,
      %swap3A_699 = vector.shape_cast %swap3A_698 : vector<1x16xi32> to vector<16xi32>
      %swap3A_700 = vector.shape_cast %get3A_694 : vector<16xi32> to vector<1x16xi32>
      tpu.vector_store %arg12[%swap3A_696, %swap3A_697], %swap3A_700 {strides = array<i32>} : memref<2x128xi32, #tpu.memory_space<vmem>>, vector<1x16xi32>,
      %get3A_701 = arith.constant 1 : i32
      %get3A_702 = arith.index_cast %get3A_701 : i32 to index
      %get3A_703 = arith.constant 48 : index
      %get3A_704 = tpu.vector_load %arg11[%get3A_702, %get3A_703] {strides = array<i32>} : memref<2x128xi32, #tpu.memory_space<vmem>>, vector<1x16xi32>,
      %get3A_705 = vector.shape_cast %get3A_704 : vector<1x16xi32> to vector<16xi32>
      %swap3A_706 = arith.constant 1 : i32
      %swap3A_707 = arith.index_cast %swap3A_706 : i32 to index
      %swap3A_708 = arith.constant 48 : index
      %swap3A_709 = tpu.vector_load %arg12[%swap3A_707, %swap3A_708] {strides = array<i32>} : memref<2x128xi32, #tpu.memory_space<vmem>>, vector<1x16xi32>,
      %swap3A_710 = vector.shape_cast %swap3A_709 : vector<1x16xi32> to vector<16xi32>
      %swap3A_711 = vector.shape_cast %get3A_705 : vector<16xi32> to vector<1x16xi32>
      tpu.vector_store %arg12[%swap3A_707, %swap3A_708], %swap3A_711 {strides = array<i32>} : memref<2x128xi32, #tpu.memory_space<vmem>>, vector<1x16xi32>,
      %get3A_712 = arith.constant 1 : i32
      %get3A_713 = arith.index_cast %get3A_712 : i32 to index
      %get3A_714 = arith.constant 64 : index
      %get3A_715 = tpu.vector_load %arg11[%get3A_713, %get3A_714] {strides = array<i32>} : memref<2x128xi32, #tpu.memory_space<vmem>>, vector<1x16xi32>,
      %get3A_716 = vector.shape_cast %get3A_715 : vector<1x16xi32> to vector<16xi32>
      %swap3A_717 = arith.constant 1 : i32
      %swap3A_718 = arith.index_cast %swap3A_717 : i32 to index
      %swap3A_719 = arith.constant 64 : index
      %swap3A_720 = tpu.vector_load %arg12[%swap3A_718, %swap3A_719] {strides = array<i32>} : memref<2x128xi32, #tpu.memory_space<vmem>>, vector<1x16xi32>,
      %swap3A_721 = vector.shape_cast %swap3A_720 : vector<1x16xi32> to vector<16xi32>
      %swap3A_722 = vector.shape_cast %get3A_716 : vector<16xi32> to vector<1x16xi32>
      tpu.vector_store %arg12[%swap3A_718, %swap3A_719], %swap3A_722 {strides = array<i32>} : memref<2x128xi32, #tpu.memory_space<vmem>>, vector<1x16xi32>,
      %get3A_723 = arith.constant 1 : i32
      %get3A_724 = arith.index_cast %get3A_723 : i32 to index
      %get3A_725 = arith.constant 80 : index
      %get3A_726 = tpu.vector_load %arg11[%get3A_724, %get3A_725] {strides = array<i32>} : memref<2x128xi32, #tpu.memory_space<vmem>>, vector<1x16xi32>,
      %get3A_727 = vector.shape_cast %get3A_726 : vector<1x16xi32> to vector<16xi32>
      %swap3A_728 = arith.constant 1 : i32
      %swap3A_729 = arith.index_cast %swap3A_728 : i32 to index
      %swap3A_730 = arith.constant 80 : index
      %swap3A_731 = tpu.vector_load %arg12[%swap3A_729, %swap3A_730] {strides = array<i32>} : memref<2x128xi32, #tpu.memory_space<vmem>>, vector<1x16xi32>,
      %swap3A_732 = vector.shape_cast %swap3A_731 : vector<1x16xi32> to vector<16xi32>
      %swap3A_733 = vector.shape_cast %get3A_727 : vector<16xi32> to vector<1x16xi32>
      tpu.vector_store %arg12[%swap3A_729, %swap3A_730], %swap3A_733 {strides = array<i32>} : memref<2x128xi32, #tpu.memory_space<vmem>>, vector<1x16xi32>,
      %get3A_734 = arith.constant 1 : i32
      %get3A_735 = arith.index_cast %get3A_734 : i32 to index
      %get3A_736 = arith.constant 96 : index
      %get3A_737 = tpu.vector_load %arg11[%get3A_735, %get3A_736] {strides = array<i32>} : memref<2x128xi32, #tpu.memory_space<vmem>>, vector<1x16xi32>,
      %get3A_738 = vector.shape_cast %get3A_737 : vector<1x16xi32> to vector<16xi32>
      %swap3A_739 = arith.constant 1 : i32
      %swap3A_740 = arith.index_cast %swap3A_739 : i32 to index
      %swap3A_741 = arith.constant 96 : index
      %swap3A_742 = tpu.vector_load %arg12[%swap3A_740, %swap3A_741] {strides = array<i32>} : memref<2x128xi32, #tpu.memory_space<vmem>>, vector<1x16xi32>,
      %swap3A_743 = vector.shape_cast %swap3A_742 : vector<1x16xi32> to vector<16xi32>
      %swap3A_744 = vector.shape_cast %get3A_738 : vector<16xi32> to vector<1x16xi32>
      tpu.vector_store %arg12[%swap3A_740, %swap3A_741], %swap3A_744 {strides = array<i32>} : memref<2x128xi32, #tpu.memory_space<vmem>>, vector<1x16xi32>,
      %get3A_745 = arith.constant 1 : i32
      %get3A_746 = arith.index_cast %get3A_745 : i32 to index
      %get3A_747 = arith.constant 112 : index
      %get3A_748 = tpu.vector_load %arg11[%get3A_746, %get3A_747] {strides = array<i32>} : memref<2x128xi32, #tpu.memory_space<vmem>>, vector<1x16xi32>,
      %get3A_749 = vector.shape_cast %get3A_748 : vector<1x16xi32> to vector<16xi32>
      %swap3A_750 = arith.constant 1 : i32
      %swap3A_751 = arith.index_cast %swap3A_750 : i32 to index
      %swap3A_752 = arith.constant 112 : index
      %swap3A_753 = tpu.vector_load %arg12[%swap3A_751, %swap3A_752] {strides = array<i32>} : memref<2x128xi32, #tpu.memory_space<vmem>>, vector<1x16xi32>,
      %swap3A_754 = vector.shape_cast %swap3A_753 : vector<1x16xi32> to vector<16xi32>
      %swap3A_755 = vector.shape_cast %get3A_749 : vector<16xi32> to vector<1x16xi32>
      tpu.vector_store %arg12[%swap3A_751, %swap3A_752], %swap3A_755 {strides = array<i32>} : memref<2x128xi32, #tpu.memory_space<vmem>>, vector<1x16xi32>,
      %add3A_756 = arith.constant 2 : i32
      %add3A_757 = arith.addi %add3A_602, %add3A_756 : i32
      %lt3A_758 = arith.constant 160 : i32
      %lt3A_759 = arith.cmpi slt, %add3A_757, %lt3A_758 : i32
      %convert_element_type3A_760 = arith.extui %lt3A_759 : i1 to i32
      %cond3A_761 = arith.constant 0 : i32
      %cond3A_762 = arith.cmpi ne, %convert_element_type3A_760, %cond3A_761 : i32
      scf.if %cond3A_762 {
        %add3A_988 = arith.constant 2 : i32
        %add3A_989 = arith.addi %add3A_602, %add3A_988 : i32
        %dma_start3A_990 = arith.constant 1 : i32
        %dma_start3A_991 = arith.constant 0 : i32
        %dma_start3A_992 = tpu.memref_slice %arg10[%dma_start3A_990, %dma_start3A_991] : memref<2x128xi32, #tpu.memory_space<vmem>> -> memref<1x128xi32, #tpu.memory_space<vmem>>
        %dma_start3A_993 = tpu.memref_squeeze %dma_start3A_992 : memref<1x128xi32, #tpu.memory_space<vmem>> -> memref<128xi32, #tpu.memory_space<vmem>>
        %dma_start3A_994 = arith.constant 0 : i32
        %dma_start3A_995 = tpu.memref_slice %arg6[%arg1, %add3A_989, %dma_start3A_994] : memref<16x160x128xi32, #tpu.memory_space<hbm>> -> memref<1x1x128xi32, #tpu.memory_space<hbm>>
        %dma_start3A_996 = tpu.memref_squeeze %dma_start3A_995 : memref<1x1x128xi32, #tpu.memory_space<hbm>> -> memref<128xi32, #tpu.memory_space<hbm>>
        %dma_start3A_997 = arith.constant 0 : i32
        %dma_start3A_998 = tpu.memref_slice %arg10[%dma_start3A_990, %dma_start3A_997] : memref<2x128xi32, #tpu.memory_space<vmem>> -> memref<1x128xi32, #tpu.memory_space<vmem>>
        %dma_start3A_999 = tpu.memref_squeeze %dma_start3A_998 : memref<1x128xi32, #tpu.memory_space<vmem>> -> memref<128xi32, #tpu.memory_space<vmem>>
        %dma_start3A_1000 = arith.constant 0 : i32
        %dma_start3A_1001 = tpu.memref_slice %arg6[%arg1, %add3A_989, %dma_start3A_1000] : memref<16x160x128xi32, #tpu.memory_space<hbm>> -> memref<1x1x128xi32, #tpu.memory_space<hbm>>
        %dma_start3A_1002 = tpu.memref_squeeze %dma_start3A_1001 : memref<1x1x128xi32, #tpu.memory_space<hbm>> -> memref<128xi32, #tpu.memory_space<hbm>>
        tpu.enqueue_dma source(%dma_start3A_1002 : memref<128xi32, #tpu.memory_space<hbm>>) target(%dma_start3A_999 : memref<128xi32, #tpu.memory_space<vmem>>) target_semaphore(%arg27 : memref<!tpu.dma_semaphore, #tpu.memory_space<semaphore_mem>>)
        %add3A_1003 = arith.constant 2 : i32
        %add3A_1004 = arith.addi %add3A_602, %add3A_1003 : i32
        %dma_start3A_1005 = arith.constant 1 : i32
        %dma_start3A_1006 = arith.constant 0 : i32
        %dma_start3A_1007 = tpu.memref_slice %arg11[%dma_start3A_1005, %dma_start3A_1006] : memref<2x128xi32, #tpu.memory_space<vmem>> -> memref<1x128xi32, #tpu.memory_space<vmem>>
        %dma_start3A_1008 = tpu.memref_squeeze %dma_start3A_1007 : memref<1x128xi32, #tpu.memory_space<vmem>> -> memref<128xi32, #tpu.memory_space<vmem>>
        %dma_start3A_1009 = arith.constant 0 : i32
        %dma_start3A_1010 = tpu.memref_slice %arg7[%arg1, %add3A_1004, %dma_start3A_1009] : memref<16x160x128xi32, #tpu.memory_space<hbm>> -> memref<1x1x128xi32, #tpu.memory_space<hbm>>
        %dma_start3A_1011 = tpu.memref_squeeze %dma_start3A_1010 : memref<1x1x128xi32, #tpu.memory_space<hbm>> -> memref<128xi32, #tpu.memory_space<hbm>>
        %dma_start3A_1012 = arith.constant 0 : i32
        %dma_start3A_1013 = tpu.memref_slice %arg11[%dma_start3A_1005, %dma_start3A_1012] : memref<2x128xi32, #tpu.memory_space<vmem>> -> memref<1x128xi32, #tpu.memory_space<vmem>>
        %dma_start3A_1014 = tpu.memref_squeeze %dma_start3A_1013 : memref<1x128xi32, #tpu.memory_space<vmem>> -> memref<128xi32, #tpu.memory_space<vmem>>
        %dma_start3A_1015 = arith.constant 0 : i32
        %dma_start3A_1016 = tpu.memref_slice %arg7[%arg1, %add3A_1004, %dma_start3A_1015] : memref<16x160x128xi32, #tpu.memory_space<hbm>> -> memref<1x1x128xi32, #tpu.memory_space<hbm>>
        %dma_start3A_1017 = tpu.memref_squeeze %dma_start3A_1016 : memref<1x1x128xi32, #tpu.memory_space<hbm>> -> memref<128xi32, #tpu.memory_space<hbm>>
        tpu.enqueue_dma source(%dma_start3A_1017 : memref<128xi32, #tpu.memory_space<hbm>>) target(%dma_start3A_1014 : memref<128xi32, #tpu.memory_space<vmem>>) target_semaphore(%arg27 : memref<!tpu.dma_semaphore, #tpu.memory_space<semaphore_mem>>)
      } else {
      }
      %get3A_763 = arith.constant 1 : i32
      %get3A_764 = arith.index_cast %get3A_763 : i32 to index
      %get3A_765 = arith.constant 0 : index
      %get3A_766 = tpu.vector_load %arg13[%get3A_764, %get3A_765] {strides = array<i32>} : memref<2x128xf32, #tpu.memory_space<vmem>>, vector<1x16xf32>,
      %get3A_767 = vector.shape_cast %get3A_766 : vector<1x16xf32> to vector<16xf32>
      %get3A_768 = arith.constant 1 : i32
      %get3A_769 = arith.index_cast %get3A_768 : i32 to index
      %get3A_770 = arith.constant 0 : index
      %get3A_771 = tpu.vector_load %arg14[%get3A_769, %get3A_770] {strides = array<i32>} : memref<2x128xf32, #tpu.memory_space<vmem>>, vector<1x16xf32>,
      %get3A_772 = vector.shape_cast %get3A_771 : vector<1x16xf32> to vector<16xf32>
      %add3A_773 = arith.addf %get3A_767, %get3A_772 : vector<16xf32>
      %gt3A_774 = arith.constant 0.000000e+00 : f32
      %gt3A_775 = vector.broadcast %gt3A_774 : f32 to vector<16xf32>
      %gt3A_776 = arith.cmpf ogt, %add3A_773, %gt3A_775 : vector<16xf32>
      %mul3A_777 = arith.constant 2.000000e-01 : f32
      %mul3A_778 = vector.broadcast %mul3A_777 : f32 to vector<16xf32>
      %mul3A_779 = arith.mulf %mul3A_778, %add3A_773 : vector<16xf32>
      %select_n3A_780 = arith.select %gt3A_776, %add3A_773, %mul3A_779 : vector<16xi1>, vector<16xf32>
      %sub3A_781 = arith.subf %select_n3A_780, %get3A_78 : vector<16xf32>
      %exp3A_782 = math.exp %sub3A_781 : vector<16xf32>
      %swap3A_783 = arith.constant 1 : i32
      %swap3A_784 = arith.index_cast %swap3A_783 : i32 to index
      %swap3A_785 = arith.constant 0 : index
      %swap3A_786 = tpu.vector_load %arg15[%swap3A_784, %swap3A_785] {strides = array<i32>} : memref<2x128xf32, #tpu.memory_space<vmem>>, vector<1x16xf32>,
      %swap3A_787 = vector.shape_cast %swap3A_786 : vector<1x16xf32> to vector<16xf32>
      %swap3A_788 = vector.shape_cast %exp3A_782 : vector<16xf32> to vector<1x16xf32>
      tpu.vector_store %arg15[%swap3A_784, %swap3A_785], %swap3A_788 {strides = array<i32>} : memref<2x128xf32, #tpu.memory_space<vmem>>, vector<1x16xf32>,
      %get3A_789 = arith.constant 1 : i32
      %get3A_790 = arith.index_cast %get3A_789 : i32 to index
      %get3A_791 = arith.constant 16 : index
      %get3A_792 = tpu.vector_load %arg13[%get3A_790, %get3A_791] {strides = array<i32>} : memref<2x128xf32, #tpu.memory_space<vmem>>, vector<1x16xf32>,
      %get3A_793 = vector.shape_cast %get3A_792 : vector<1x16xf32> to vector<16xf32>
      %get3A_794 = arith.constant 1 : i32
      %get3A_795 = arith.index_cast %get3A_794 : i32 to index
      %get3A_796 = arith.constant 16 : index
      %get3A_797 = tpu.vector_load %arg14[%get3A_795, %get3A_796] {strides = array<i32>} : memref<2x128xf32, #tpu.memory_space<vmem>>, vector<1x16xf32>,
      %get3A_798 = vector.shape_cast %get3A_797 : vector<1x16xf32> to vector<16xf32>
      %add3A_799 = arith.addf %get3A_793, %get3A_798 : vector<16xf32>
      %gt3A_800 = arith.constant 0.000000e+00 : f32
      %gt3A_801 = vector.broadcast %gt3A_800 : f32 to vector<16xf32>
      %gt3A_802 = arith.cmpf ogt, %add3A_799, %gt3A_801 : vector<16xf32>
      %mul3A_803 = arith.constant 2.000000e-01 : f32
      %mul3A_804 = vector.broadcast %mul3A_803 : f32 to vector<16xf32>
      %mul3A_805 = arith.mulf %mul3A_804, %add3A_799 : vector<16xf32>
      %select_n3A_806 = arith.select %gt3A_802, %add3A_799, %mul3A_805 : vector<16xi1>, vector<16xf32>
      %sub3A_807 = arith.subf %select_n3A_806, %get3A_78 : vector<16xf32>
      %exp3A_808 = math.exp %sub3A_807 : vector<16xf32>
      %swap3A_809 = arith.constant 1 : i32
      %swap3A_810 = arith.index_cast %swap3A_809 : i32 to index
      %swap3A_811 = arith.constant 16 : index
      %swap3A_812 = tpu.vector_load %arg15[%swap3A_810, %swap3A_811] {strides = array<i32>} : memref<2x128xf32, #tpu.memory_space<vmem>>, vector<1x16xf32>,
      %swap3A_813 = vector.shape_cast %swap3A_812 : vector<1x16xf32> to vector<16xf32>
      %swap3A_814 = vector.shape_cast %exp3A_808 : vector<16xf32> to vector<1x16xf32>
      tpu.vector_store %arg15[%swap3A_810, %swap3A_811], %swap3A_814 {strides = array<i32>} : memref<2x128xf32, #tpu.memory_space<vmem>>, vector<1x16xf32>,
      %get3A_815 = arith.constant 1 : i32
      %get3A_816 = arith.index_cast %get3A_815 : i32 to index
      %get3A_817 = arith.constant 32 : index
      %get3A_818 = tpu.vector_load %arg13[%get3A_816, %get3A_817] {strides = array<i32>} : memref<2x128xf32, #tpu.memory_space<vmem>>, vector<1x16xf32>,
      %get3A_819 = vector.shape_cast %get3A_818 : vector<1x16xf32> to vector<16xf32>
      %get3A_820 = arith.constant 1 : i32
      %get3A_821 = arith.index_cast %get3A_820 : i32 to index
      %get3A_822 = arith.constant 32 : index
      %get3A_823 = tpu.vector_load %arg14[%get3A_821, %get3A_822] {strides = array<i32>} : memref<2x128xf32, #tpu.memory_space<vmem>>, vector<1x16xf32>,
      %get3A_824 = vector.shape_cast %get3A_823 : vector<1x16xf32> to vector<16xf32>
      %add3A_825 = arith.addf %get3A_819, %get3A_824 : vector<16xf32>
      %gt3A_826 = arith.constant 0.000000e+00 : f32
      %gt3A_827 = vector.broadcast %gt3A_826 : f32 to vector<16xf32>
      %gt3A_828 = arith.cmpf ogt, %add3A_825, %gt3A_827 : vector<16xf32>
      %mul3A_829 = arith.constant 2.000000e-01 : f32
      %mul3A_830 = vector.broadcast %mul3A_829 : f32 to vector<16xf32>
      %mul3A_831 = arith.mulf %mul3A_830, %add3A_825 : vector<16xf32>
      %select_n3A_832 = arith.select %gt3A_828, %add3A_825, %mul3A_831 : vector<16xi1>, vector<16xf32>
      %sub3A_833 = arith.subf %select_n3A_832, %get3A_78 : vector<16xf32>
      %exp3A_834 = math.exp %sub3A_833 : vector<16xf32>
      %swap3A_835 = arith.constant 1 : i32
      %swap3A_836 = arith.index_cast %swap3A_835 : i32 to index
      %swap3A_837 = arith.constant 32 : index
      %swap3A_838 = tpu.vector_load %arg15[%swap3A_836, %swap3A_837] {strides = array<i32>} : memref<2x128xf32, #tpu.memory_space<vmem>>, vector<1x16xf32>,
      %swap3A_839 = vector.shape_cast %swap3A_838 : vector<1x16xf32> to vector<16xf32>
      %swap3A_840 = vector.shape_cast %exp3A_834 : vector<16xf32> to vector<1x16xf32>
      tpu.vector_store %arg15[%swap3A_836, %swap3A_837], %swap3A_840 {strides = array<i32>} : memref<2x128xf32, #tpu.memory_space<vmem>>, vector<1x16xf32>,
      %get3A_841 = arith.constant 1 : i32
      %get3A_842 = arith.index_cast %get3A_841 : i32 to index
      %get3A_843 = arith.constant 48 : index
      %get3A_844 = tpu.vector_load %arg13[%get3A_842, %get3A_843] {strides = array<i32>} : memref<2x128xf32, #tpu.memory_space<vmem>>, vector<1x16xf32>,
      %get3A_845 = vector.shape_cast %get3A_844 : vector<1x16xf32> to vector<16xf32>
      %get3A_846 = arith.constant 1 : i32
      %get3A_847 = arith.index_cast %get3A_846 : i32 to index
      %get3A_848 = arith.constant 48 : index
      %get3A_849 = tpu.vector_load %arg14[%get3A_847, %get3A_848] {strides = array<i32>} : memref<2x128xf32, #tpu.memory_space<vmem>>, vector<1x16xf32>,
      %get3A_850 = vector.shape_cast %get3A_849 : vector<1x16xf32> to vector<16xf32>
      %add3A_851 = arith.addf %get3A_845, %get3A_850 : vector<16xf32>
      %gt3A_852 = arith.constant 0.000000e+00 : f32
      %gt3A_853 = vector.broadcast %gt3A_852 : f32 to vector<16xf32>
      %gt3A_854 = arith.cmpf ogt, %add3A_851, %gt3A_853 : vector<16xf32>
      %mul3A_855 = arith.constant 2.000000e-01 : f32
      %mul3A_856 = vector.broadcast %mul3A_855 : f32 to vector<16xf32>
      %mul3A_857 = arith.mulf %mul3A_856, %add3A_851 : vector<16xf32>
      %select_n3A_858 = arith.select %gt3A_854, %add3A_851, %mul3A_857 : vector<16xi1>, vector<16xf32>
      %sub3A_859 = arith.subf %select_n3A_858, %get3A_78 : vector<16xf32>
      %exp3A_860 = math.exp %sub3A_859 : vector<16xf32>
      %swap3A_861 = arith.constant 1 : i32
      %swap3A_862 = arith.index_cast %swap3A_861 : i32 to index
      %swap3A_863 = arith.constant 48 : index
      %swap3A_864 = tpu.vector_load %arg15[%swap3A_862, %swap3A_863] {strides = array<i32>} : memref<2x128xf32, #tpu.memory_space<vmem>>, vector<1x16xf32>,
      %swap3A_865 = vector.shape_cast %swap3A_864 : vector<1x16xf32> to vector<16xf32>
      %swap3A_866 = vector.shape_cast %exp3A_860 : vector<16xf32> to vector<1x16xf32>
      tpu.vector_store %arg15[%swap3A_862, %swap3A_863], %swap3A_866 {strides = array<i32>} : memref<2x128xf32, #tpu.memory_space<vmem>>, vector<1x16xf32>,
      %get3A_867 = arith.constant 1 : i32
      %get3A_868 = arith.index_cast %get3A_867 : i32 to index
      %get3A_869 = arith.constant 64 : index
      %get3A_870 = tpu.vector_load %arg13[%get3A_868, %get3A_869] {strides = array<i32>} : memref<2x128xf32, #tpu.memory_space<vmem>>, vector<1x16xf32>,
      %get3A_871 = vector.shape_cast %get3A_870 : vector<1x16xf32> to vector<16xf32>
      %get3A_872 = arith.constant 1 : i32
      %get3A_873 = arith.index_cast %get3A_872 : i32 to index
      %get3A_874 = arith.constant 64 : index
      %get3A_875 = tpu.vector_load %arg14[%get3A_873, %get3A_874] {strides = array<i32>} : memref<2x128xf32, #tpu.memory_space<vmem>>, vector<1x16xf32>,
      %get3A_876 = vector.shape_cast %get3A_875 : vector<1x16xf32> to vector<16xf32>
      %add3A_877 = arith.addf %get3A_871, %get3A_876 : vector<16xf32>
      %gt3A_878 = arith.constant 0.000000e+00 : f32
      %gt3A_879 = vector.broadcast %gt3A_878 : f32 to vector<16xf32>
      %gt3A_880 = arith.cmpf ogt, %add3A_877, %gt3A_879 : vector<16xf32>
      %mul3A_881 = arith.constant 2.000000e-01 : f32
      %mul3A_882 = vector.broadcast %mul3A_881 : f32 to vector<16xf32>
      %mul3A_883 = arith.mulf %mul3A_882, %add3A_877 : vector<16xf32>
      %select_n3A_884 = arith.select %gt3A_880, %add3A_877, %mul3A_883 : vector<16xi1>, vector<16xf32>
      %sub3A_885 = arith.subf %select_n3A_884, %get3A_78 : vector<16xf32>
      %exp3A_886 = math.exp %sub3A_885 : vector<16xf32>
      %swap3A_887 = arith.constant 1 : i32
      %swap3A_888 = arith.index_cast %swap3A_887 : i32 to index
      %swap3A_889 = arith.constant 64 : index
      %swap3A_890 = tpu.vector_load %arg15[%swap3A_888, %swap3A_889] {strides = array<i32>} : memref<2x128xf32, #tpu.memory_space<vmem>>, vector<1x16xf32>,
      %swap3A_891 = vector.shape_cast %swap3A_890 : vector<1x16xf32> to vector<16xf32>
      %swap3A_892 = vector.shape_cast %exp3A_886 : vector<16xf32> to vector<1x16xf32>
      tpu.vector_store %arg15[%swap3A_888, %swap3A_889], %swap3A_892 {strides = array<i32>} : memref<2x128xf32, #tpu.memory_space<vmem>>, vector<1x16xf32>,
      %get3A_893 = arith.constant 1 : i32
      %get3A_894 = arith.index_cast %get3A_893 : i32 to index
      %get3A_895 = arith.constant 80 : index
      %get3A_896 = tpu.vector_load %arg13[%get3A_894, %get3A_895] {strides = array<i32>} : memref<2x128xf32, #tpu.memory_space<vmem>>, vector<1x16xf32>,
      %get3A_897 = vector.shape_cast %get3A_896 : vector<1x16xf32> to vector<16xf32>
      %get3A_898 = arith.constant 1 : i32
      %get3A_899 = arith.index_cast %get3A_898 : i32 to index
      %get3A_900 = arith.constant 80 : index
      %get3A_901 = tpu.vector_load %arg14[%get3A_899, %get3A_900] {strides = array<i32>} : memref<2x128xf32, #tpu.memory_space<vmem>>, vector<1x16xf32>,
      %get3A_902 = vector.shape_cast %get3A_901 : vector<1x16xf32> to vector<16xf32>
      %add3A_903 = arith.addf %get3A_897, %get3A_902 : vector<16xf32>
      %gt3A_904 = arith.constant 0.000000e+00 : f32
      %gt3A_905 = vector.broadcast %gt3A_904 : f32 to vector<16xf32>
      %gt3A_906 = arith.cmpf ogt, %add3A_903, %gt3A_905 : vector<16xf32>
      %mul3A_907 = arith.constant 2.000000e-01 : f32
      %mul3A_908 = vector.broadcast %mul3A_907 : f32 to vector<16xf32>
      %mul3A_909 = arith.mulf %mul3A_908, %add3A_903 : vector<16xf32>
      %select_n3A_910 = arith.select %gt3A_906, %add3A_903, %mul3A_909 : vector<16xi1>, vector<16xf32>
      %sub3A_911 = arith.subf %select_n3A_910, %get3A_78 : vector<16xf32>
      %exp3A_912 = math.exp %sub3A_911 : vector<16xf32>
      %swap3A_913 = arith.constant 1 : i32
      %swap3A_914 = arith.index_cast %swap3A_913 : i32 to index
      %swap3A_915 = arith.constant 80 : index
      %swap3A_916 = tpu.vector_load %arg15[%swap3A_914, %swap3A_915] {strides = array<i32>} : memref<2x128xf32, #tpu.memory_space<vmem>>, vector<1x16xf32>,
      %swap3A_917 = vector.shape_cast %swap3A_916 : vector<1x16xf32> to vector<16xf32>
      %swap3A_918 = vector.shape_cast %exp3A_912 : vector<16xf32> to vector<1x16xf32>
      tpu.vector_store %arg15[%swap3A_914, %swap3A_915], %swap3A_918 {strides = array<i32>} : memref<2x128xf32, #tpu.memory_space<vmem>>, vector<1x16xf32>,
      %get3A_919 = arith.constant 1 : i32
      %get3A_920 = arith.index_cast %get3A_919 : i32 to index
      %get3A_921 = arith.constant 96 : index
      %get3A_922 = tpu.vector_load %arg13[%get3A_920, %get3A_921] {strides = array<i32>} : memref<2x128xf32, #tpu.memory_space<vmem>>, vector<1x16xf32>,
      %get3A_923 = vector.shape_cast %get3A_922 : vector<1x16xf32> to vector<16xf32>
      %get3A_924 = arith.constant 1 : i32
      %get3A_925 = arith.index_cast %get3A_924 : i32 to index
      %get3A_926 = arith.constant 96 : index
      %get3A_927 = tpu.vector_load %arg14[%get3A_925, %get3A_926] {strides = array<i32>} : memref<2x128xf32, #tpu.memory_space<vmem>>, vector<1x16xf32>,
      %get3A_928 = vector.shape_cast %get3A_927 : vector<1x16xf32> to vector<16xf32>
      %add3A_929 = arith.addf %get3A_923, %get3A_928 : vector<16xf32>
      %gt3A_930 = arith.constant 0.000000e+00 : f32
      %gt3A_931 = vector.broadcast %gt3A_930 : f32 to vector<16xf32>
      %gt3A_932 = arith.cmpf ogt, %add3A_929, %gt3A_931 : vector<16xf32>
      %mul3A_933 = arith.constant 2.000000e-01 : f32
      %mul3A_934 = vector.broadcast %mul3A_933 : f32 to vector<16xf32>
      %mul3A_935 = arith.mulf %mul3A_934, %add3A_929 : vector<16xf32>
      %select_n3A_936 = arith.select %gt3A_932, %add3A_929, %mul3A_935 : vector<16xi1>, vector<16xf32>
      %sub3A_937 = arith.subf %select_n3A_936, %get3A_78 : vector<16xf32>
      %exp3A_938 = math.exp %sub3A_937 : vector<16xf32>
      %swap3A_939 = arith.constant 1 : i32
      %swap3A_940 = arith.index_cast %swap3A_939 : i32 to index
      %swap3A_941 = arith.constant 96 : index
      %swap3A_942 = tpu.vector_load %arg15[%swap3A_940, %swap3A_941] {strides = array<i32>} : memref<2x128xf32, #tpu.memory_space<vmem>>, vector<1x16xf32>,
      %swap3A_943 = vector.shape_cast %swap3A_942 : vector<1x16xf32> to vector<16xf32>
      %swap3A_944 = vector.shape_cast %exp3A_938 : vector<16xf32> to vector<1x16xf32>
      tpu.vector_store %arg15[%swap3A_940, %swap3A_941], %swap3A_944 {strides = array<i32>} : memref<2x128xf32, #tpu.memory_space<vmem>>, vector<1x16xf32>,
      %get3A_945 = arith.constant 1 : i32
      %get3A_946 = arith.index_cast %get3A_945 : i32 to index
      %get3A_947 = arith.constant 112 : index
      %get3A_948 = tpu.vector_load %arg13[%get3A_946, %get3A_947] {strides = array<i32>} : memref<2x128xf32, #tpu.memory_space<vmem>>, vector<1x16xf32>,
      %get3A_949 = vector.shape_cast %get3A_948 : vector<1x16xf32> to vector<16xf32>
      %get3A_950 = arith.constant 1 : i32
      %get3A_951 = arith.index_cast %get3A_950 : i32 to index
      %get3A_952 = arith.constant 112 : index
      %get3A_953 = tpu.vector_load %arg14[%get3A_951, %get3A_952] {strides = array<i32>} : memref<2x128xf32, #tpu.memory_space<vmem>>, vector<1x16xf32>,
      %get3A_954 = vector.shape_cast %get3A_953 : vector<1x16xf32> to vector<16xf32>
      %add3A_955 = arith.addf %get3A_949, %get3A_954 : vector<16xf32>
      %gt3A_956 = arith.constant 0.000000e+00 : f32
      %gt3A_957 = vector.broadcast %gt3A_956 : f32 to vector<16xf32>
      %gt3A_958 = arith.cmpf ogt, %add3A_955, %gt3A_957 : vector<16xf32>
      %mul3A_959 = arith.constant 2.000000e-01 : f32
      %mul3A_960 = vector.broadcast %mul3A_959 : f32 to vector<16xf32>
      %mul3A_961 = arith.mulf %mul3A_960, %add3A_955 : vector<16xf32>
      %select_n3A_962 = arith.select %gt3A_958, %add3A_955, %mul3A_961 : vector<16xi1>, vector<16xf32>
      %sub3A_963 = arith.subf %select_n3A_962, %get3A_78 : vector<16xf32>
      %exp3A_964 = math.exp %sub3A_963 : vector<16xf32>
      %swap3A_965 = arith.constant 1 : i32
      %swap3A_966 = arith.index_cast %swap3A_965 : i32 to index
      %swap3A_967 = arith.constant 112 : index
      %swap3A_968 = tpu.vector_load %arg15[%swap3A_966, %swap3A_967] {strides = array<i32>} : memref<2x128xf32, #tpu.memory_space<vmem>>, vector<1x16xf32>,
      %swap3A_969 = vector.shape_cast %swap3A_968 : vector<1x16xf32> to vector<16xf32>
      %swap3A_970 = vector.shape_cast %exp3A_964 : vector<16xf32> to vector<1x16xf32>
      tpu.vector_store %arg15[%swap3A_966, %swap3A_967], %swap3A_970 {strides = array<i32>} : memref<2x128xf32, #tpu.memory_space<vmem>>, vector<1x16xf32>,
      %convert_element_type3A_971 = arith.extui %select_n3A_643 : i1 to i32
      %cond3A_972 = arith.constant 1 : i32
      %cond3A_973 = arith.constant 0 : i32
      %cond3A_974 = arith.cmpi ne, %convert_element_type3A_971, %cond3A_973 : i32
      scf.if %cond3A_974 {
        %dma_start3A_988 = arith.constant 1 : i32
        %dma_start3A_989 = arith.constant 0 : i32
        %dma_start3A_990 = tpu.memref_slice %arg15[%dma_start3A_988, %dma_start3A_989] : memref<2x128xf32, #tpu.memory_space<vmem>> -> memref<1x128xf32, #tpu.memory_space<vmem>>
        %dma_start3A_991 = tpu.memref_squeeze %dma_start3A_990 : memref<1x128xf32, #tpu.memory_space<vmem>> -> memref<128xf32, #tpu.memory_space<vmem>>
        %dma_start3A_992 = arith.constant 0 : i32
        %dma_start3A_993 = tpu.memref_slice %arg12[%cond3A_972, %dma_start3A_992] : memref<2x128xi32, #tpu.memory_space<vmem>> -> memref<1x128xi32, #tpu.memory_space<vmem>>
        %dma_start3A_994 = tpu.memref_squeeze %dma_start3A_993 : memref<1x128xi32, #tpu.memory_space<vmem>> -> memref<128xi32, #tpu.memory_space<vmem>>
        %dma_start3A_995 = arith.constant 0 : i32
        %dma_start3A_996 = tpu.memref_slice %arg25[%dma_start3A_995] : memref<10240xf32, #tpu.memory_space<vmem_shared>> -> memref<10240xf32, #tpu.memory_space<vmem_shared>>
        tpu.enqueue_indirect_dma source(%dma_start3A_991 : memref<128xf32, #tpu.memory_space<vmem>>) target(%dma_start3A_996 : memref<10240xf32, #tpu.memory_space<vmem_shared>>) offsets(%dma_start3A_994 : memref<128xi32, #tpu.memory_space<vmem>>) semaphore(%arg37 : memref<!tpu.dma_semaphore, #tpu.memory_space<semaphore_mem>>) {add = true}
      } else {
      }
      %scan3A_975 = arith.constant 0 : i32
      %scan3A_976 = arith.constant 0 : i32
      %scan3A_977 = arith.constant 8 : i32
      %scan3A_978 = arith.addi %scan3A_976, %scan3A_977 : i32
      %scan3A_979 = arith.constant 1 : i32
      scf.for %scan3A_988 = %scan3A_976 to %scan3A_978 step %scan3A_979  : i32 {
        %mul3A_989 = arith.constant 16 : i32
        %mul3A_990 = arith.muli %scan3A_988, %mul3A_989 : i32
        %get3A_991 = arith.constant 1 : i32
        %get3A_992 = arith.index_cast %get3A_991 : i32 to index
        %get3A_993 = arith.index_cast %mul3A_990 : i32 to index
        %get3A_994 = tpu.vector_load %arg15[%get3A_992, %get3A_993] {strides = array<i32>} : memref<2x128xf32, #tpu.memory_space<vmem>>, vector<1x16xf32>,
        %get3A_995 = vector.shape_cast %get3A_994 : vector<1x16xf32> to vector<16xf32>
        %slice3A = vector.extract_strided_slice %get3A_995 {offsets = [0], sizes = [1], strides = [1]} : vector<16xf32> to vector<1xf32>
        %squeeze3A = vector.extract %slice3A[0] : f32 from vector<1xf32>
        %mul3A_996 = arith.constant 16 : i32
        %mul3A_997 = arith.muli %scan3A_988, %mul3A_996 : i32
        %add3A_998 = arith.constant 0 : i32
        %add3A_999 = arith.addi %mul3A_997, %add3A_998 : i32
        %get3A_1000 = arith.index_cast %add3A_999 : i32 to index
        %get3A_1001 = arith.constant 0 : index
        %get3A_1002 = tpu.vector_load %arg17[%get3A_1000, %get3A_1001] {strides = array<i32>} : memref<128x64xf32, #tpu.memory_space<vmem>>, vector<1x16xf32>,
        %get3A_1003 = vector.shape_cast %get3A_1002 : vector<1x16xf32> to vector<16xf32>
        %mul3A_1004 = vector.broadcast %squeeze3A : f32 to vector<16xf32>
        %mul3A_1005 = arith.mulf %get3A_1003, %mul3A_1004 : vector<16xf32>
        %swap3A_1006 = arith.index_cast %add3A_999 : i32 to index
        %swap3A_1007 = arith.constant 0 : index
        %swap3A_1008 = tpu.vector_load %arg19[%swap3A_1006, %swap3A_1007] {strides = array<i32>} : memref<128x64xf32, #tpu.memory_space<vmem>>, vector<1x16xf32>,
        %swap3A_1009 = vector.shape_cast %swap3A_1008 : vector<1x16xf32> to vector<16xf32>
        %swap3A_1010 = vector.shape_cast %mul3A_1005 : vector<16xf32> to vector<1x16xf32>
        tpu.vector_store %arg19[%swap3A_1006, %swap3A_1007], %swap3A_1010 {strides = array<i32>} : memref<128x64xf32, #tpu.memory_space<vmem>>, vector<1x16xf32>,
        %get3A_1011 = arith.index_cast %add3A_999 : i32 to index
        %get3A_1012 = arith.constant 16 : index
        %get3A_1013 = tpu.vector_load %arg17[%get3A_1011, %get3A_1012] {strides = array<i32>} : memref<128x64xf32, #tpu.memory_space<vmem>>, vector<1x16xf32>,
        %get3A_1014 = vector.shape_cast %get3A_1013 : vector<1x16xf32> to vector<16xf32>
        %mul3A_1015 = vector.broadcast %squeeze3A : f32 to vector<16xf32>
        %mul3A_1016 = arith.mulf %get3A_1014, %mul3A_1015 : vector<16xf32>
        %swap3A_1017 = arith.index_cast %add3A_999 : i32 to index
        %swap3A_1018 = arith.constant 16 : index
        %swap3A_1019 = tpu.vector_load %arg19[%swap3A_1017, %swap3A_1018] {strides = array<i32>} : memref<128x64xf32, #tpu.memory_space<vmem>>, vector<1x16xf32>,
        %swap3A_1020 = vector.shape_cast %swap3A_1019 : vector<1x16xf32> to vector<16xf32>
        %swap3A_1021 = vector.shape_cast %mul3A_1016 : vector<16xf32> to vector<1x16xf32>
        tpu.vector_store %arg19[%swap3A_1017, %swap3A_1018], %swap3A_1021 {strides = array<i32>} : memref<128x64xf32, #tpu.memory_space<vmem>>, vector<1x16xf32>,
        %get3A_1022 = arith.index_cast %add3A_999 : i32 to index
        %get3A_1023 = arith.constant 32 : index
        %get3A_1024 = tpu.vector_load %arg17[%get3A_1022, %get3A_1023] {strides = array<i32>} : memref<128x64xf32, #tpu.memory_space<vmem>>, vector<1x16xf32>,
        %get3A_1025 = vector.shape_cast %get3A_1024 : vector<1x16xf32> to vector<16xf32>
        %mul3A_1026 = vector.broadcast %squeeze3A : f32 to vector<16xf32>
        %mul3A_1027 = arith.mulf %get3A_1025, %mul3A_1026 : vector<16xf32>
        %swap3A_1028 = arith.index_cast %add3A_999 : i32 to index
        %swap3A_1029 = arith.constant 32 : index
        %swap3A_1030 = tpu.vector_load %arg19[%swap3A_1028, %swap3A_1029] {strides = array<i32>} : memref<128x64xf32, #tpu.memory_space<vmem>>, vector<1x16xf32>,
        %swap3A_1031 = vector.shape_cast %swap3A_1030 : vector<1x16xf32> to vector<16xf32>
        %swap3A_1032 = vector.shape_cast %mul3A_1027 : vector<16xf32> to vector<1x16xf32>
        tpu.vector_store %arg19[%swap3A_1028, %swap3A_1029], %swap3A_1032 {strides = array<i32>} : memref<128x64xf32, #tpu.memory_space<vmem>>, vector<1x16xf32>,
        %get3A_1033 = arith.index_cast %add3A_999 : i32 to index
        %get3A_1034 = arith.constant 48 : index
        %get3A_1035 = tpu.vector_load %arg17[%get3A_1033, %get3A_1034] {strides = array<i32>} : memref<128x64xf32, #tpu.memory_space<vmem>>, vector<1x16xf32>,
        %get3A_1036 = vector.shape_cast %get3A_1035 : vector<1x16xf32> to vector<16xf32>
        %mul3A_1037 = vector.broadcast %squeeze3A : f32 to vector<16xf32>
        %mul3A_1038 = arith.mulf %get3A_1036, %mul3A_1037 : vector<16xf32>
        %swap3A_1039 = arith.index_cast %add3A_999 : i32 to index
        %swap3A_1040 = arith.constant 48 : index
        %swap3A_1041 = tpu.vector_load %arg19[%swap3A_1039, %swap3A_1040] {strides = array<i32>} : memref<128x64xf32, #tpu.memory_space<vmem>>, vector<1x16xf32>,
        %swap3A_1042 = vector.shape_cast %swap3A_1041 : vector<1x16xf32> to vector<16xf32>
        %swap3A_1043 = vector.shape_cast %mul3A_1038 : vector<16xf32> to vector<1x16xf32>
        tpu.vector_store %arg19[%swap3A_1039, %swap3A_1040], %swap3A_1043 {strides = array<i32>} : memref<128x64xf32, #tpu.memory_space<vmem>>, vector<1x16xf32>,
        %slice3A_1044 = vector.extract_strided_slice %get3A_995 {offsets = [1], sizes = [1], strides = [1]} : vector<16xf32> to vector<1xf32>
        %squeeze3A_1045 = vector.extract %slice3A_1044[0] : f32 from vector<1xf32>
        %mul3A_1046 = arith.constant 16 : i32
        %mul3A_1047 = arith.muli %scan3A_988, %mul3A_1046 : i32
        %add3A_1048 = arith.constant 1 : i32
        %add3A_1049 = arith.addi %mul3A_1047, %add3A_1048 : i32
        %get3A_1050 = arith.index_cast %add3A_1049 : i32 to index
        %get3A_1051 = arith.constant 0 : index
        %get3A_1052 = tpu.vector_load %arg17[%get3A_1050, %get3A_1051] {strides = array<i32>} : memref<128x64xf32, #tpu.memory_space<vmem>>, vector<1x16xf32>,
        %get3A_1053 = vector.shape_cast %get3A_1052 : vector<1x16xf32> to vector<16xf32>
        %mul3A_1054 = vector.broadcast %squeeze3A_1045 : f32 to vector<16xf32>
        %mul3A_1055 = arith.mulf %get3A_1053, %mul3A_1054 : vector<16xf32>
        %swap3A_1056 = arith.index_cast %add3A_1049 : i32 to index
        %swap3A_1057 = arith.constant 0 : index
        %swap3A_1058 = tpu.vector_load %arg19[%swap3A_1056, %swap3A_1057] {strides = array<i32>} : memref<128x64xf32, #tpu.memory_space<vmem>>, vector<1x16xf32>,
        %swap3A_1059 = vector.shape_cast %swap3A_1058 : vector<1x16xf32> to vector<16xf32>
        %swap3A_1060 = vector.shape_cast %mul3A_1055 : vector<16xf32> to vector<1x16xf32>
        tpu.vector_store %arg19[%swap3A_1056, %swap3A_1057], %swap3A_1060 {strides = array<i32>} : memref<128x64xf32, #tpu.memory_space<vmem>>, vector<1x16xf32>,
        %get3A_1061 = arith.index_cast %add3A_1049 : i32 to index
        %get3A_1062 = arith.constant 16 : index
        %get3A_1063 = tpu.vector_load %arg17[%get3A_1061, %get3A_1062] {strides = array<i32>} : memref<128x64xf32, #tpu.memory_space<vmem>>, vector<1x16xf32>,
        %get3A_1064 = vector.shape_cast %get3A_1063 : vector<1x16xf32> to vector<16xf32>
        %mul3A_1065 = vector.broadcast %squeeze3A_1045 : f32 to vector<16xf32>
        %mul3A_1066 = arith.mulf %get3A_1064, %mul3A_1065 : vector<16xf32>
        %swap3A_1067 = arith.index_cast %add3A_1049 : i32 to index
        %swap3A_1068 = arith.constant 16 : index
        %swap3A_1069 = tpu.vector_load %arg19[%swap3A_1067, %swap3A_1068] {strides = array<i32>} : memref<128x64xf32, #tpu.memory_space<vmem>>, vector<1x16xf32>,
        %swap3A_1070 = vector.shape_cast %swap3A_1069 : vector<1x16xf32> to vector<16xf32>
        %swap3A_1071 = vector.shape_cast %mul3A_1066 : vector<16xf32> to vector<1x16xf32>
        tpu.vector_store %arg19[%swap3A_1067, %swap3A_1068], %swap3A_1071 {strides = array<i32>} : memref<128x64xf32, #tpu.memory_space<vmem>>, vector<1x16xf32>,
        %get3A_1072 = arith.index_cast %add3A_1049 : i32 to index
        %get3A_1073 = arith.constant 32 : index
        %get3A_1074 = tpu.vector_load %arg17[%get3A_1072, %get3A_1073] {strides = array<i32>} : memref<128x64xf32, #tpu.memory_space<vmem>>, vector<1x16xf32>,
        %get3A_1075 = vector.shape_cast %get3A_1074 : vector<1x16xf32> to vector<16xf32>
        %mul3A_1076 = vector.broadcast %squeeze3A_1045 : f32 to vector<16xf32>
        %mul3A_1077 = arith.mulf %get3A_1075, %mul3A_1076 : vector<16xf32>
        %swap3A_1078 = arith.index_cast %add3A_1049 : i32 to index
        %swap3A_1079 = arith.constant 32 : index
        %swap3A_1080 = tpu.vector_load %arg19[%swap3A_1078, %swap3A_1079] {strides = array<i32>} : memref<128x64xf32, #tpu.memory_space<vmem>>, vector<1x16xf32>,
        %swap3A_1081 = vector.shape_cast %swap3A_1080 : vector<1x16xf32> to vector<16xf32>
        %swap3A_1082 = vector.shape_cast %mul3A_1077 : vector<16xf32> to vector<1x16xf32>
        tpu.vector_store %arg19[%swap3A_1078, %swap3A_1079], %swap3A_1082 {strides = array<i32>} : memref<128x64xf32, #tpu.memory_space<vmem>>, vector<1x16xf32>,
        %get3A_1083 = arith.index_cast %add3A_1049 : i32 to index
        %get3A_1084 = arith.constant 48 : index
        %get3A_1085 = tpu.vector_load %arg17[%get3A_1083, %get3A_1084] {strides = array<i32>} : memref<128x64xf32, #tpu.memory_space<vmem>>, vector<1x16xf32>,
        %get3A_1086 = vector.shape_cast %get3A_1085 : vector<1x16xf32> to vector<16xf32>
        %mul3A_1087 = vector.broadcast %squeeze3A_1045 : f32 to vector<16xf32>
        %mul3A_1088 = arith.mulf %get3A_1086, %mul3A_1087 : vector<16xf32>
        %swap3A_1089 = arith.index_cast %add3A_1049 : i32 to index
        %swap3A_1090 = arith.constant 48 : index
        %swap3A_1091 = tpu.vector_load %arg19[%swap3A_1089, %swap3A_1090] {strides = array<i32>} : memref<128x64xf32, #tpu.memory_space<vmem>>, vector<1x16xf32>,
        %swap3A_1092 = vector.shape_cast %swap3A_1091 : vector<1x16xf32> to vector<16xf32>
        %swap3A_1093 = vector.shape_cast %mul3A_1088 : vector<16xf32> to vector<1x16xf32>
        tpu.vector_store %arg19[%swap3A_1089, %swap3A_1090], %swap3A_1093 {strides = array<i32>} : memref<128x64xf32, #tpu.memory_space<vmem>>, vector<1x16xf32>,
        %slice3A_1094 = vector.extract_strided_slice %get3A_995 {offsets = [2], sizes = [1], strides = [1]} : vector<16xf32> to vector<1xf32>
        %squeeze3A_1095 = vector.extract %slice3A_1094[0] : f32 from vector<1xf32>
        %mul3A_1096 = arith.constant 16 : i32
        %mul3A_1097 = arith.muli %scan3A_988, %mul3A_1096 : i32
        %add3A_1098 = arith.constant 2 : i32
        %add3A_1099 = arith.addi %mul3A_1097, %add3A_1098 : i32
        %get3A_1100 = arith.index_cast %add3A_1099 : i32 to index
        %get3A_1101 = arith.constant 0 : index
        %get3A_1102 = tpu.vector_load %arg17[%get3A_1100, %get3A_1101] {strides = array<i32>} : memref<128x64xf32, #tpu.memory_space<vmem>>, vector<1x16xf32>,
        %get3A_1103 = vector.shape_cast %get3A_1102 : vector<1x16xf32> to vector<16xf32>
        %mul3A_1104 = vector.broadcast %squeeze3A_1095 : f32 to vector<16xf32>
        %mul3A_1105 = arith.mulf %get3A_1103, %mul3A_1104 : vector<16xf32>
        %swap3A_1106 = arith.index_cast %add3A_1099 : i32 to index
        %swap3A_1107 = arith.constant 0 : index
        %swap3A_1108 = tpu.vector_load %arg19[%swap3A_1106, %swap3A_1107] {strides = array<i32>} : memref<128x64xf32, #tpu.memory_space<vmem>>, vector<1x16xf32>,
        %swap3A_1109 = vector.shape_cast %swap3A_1108 : vector<1x16xf32> to vector<16xf32>
        %swap3A_1110 = vector.shape_cast %mul3A_1105 : vector<16xf32> to vector<1x16xf32>
        tpu.vector_store %arg19[%swap3A_1106, %swap3A_1107], %swap3A_1110 {strides = array<i32>} : memref<128x64xf32, #tpu.memory_space<vmem>>, vector<1x16xf32>,
        %get3A_1111 = arith.index_cast %add3A_1099 : i32 to index
        %get3A_1112 = arith.constant 16 : index
        %get3A_1113 = tpu.vector_load %arg17[%get3A_1111, %get3A_1112] {strides = array<i32>} : memref<128x64xf32, #tpu.memory_space<vmem>>, vector<1x16xf32>,
        %get3A_1114 = vector.shape_cast %get3A_1113 : vector<1x16xf32> to vector<16xf32>
        %mul3A_1115 = vector.broadcast %squeeze3A_1095 : f32 to vector<16xf32>
        %mul3A_1116 = arith.mulf %get3A_1114, %mul3A_1115 : vector<16xf32>
        %swap3A_1117 = arith.index_cast %add3A_1099 : i32 to index
        %swap3A_1118 = arith.constant 16 : index
        %swap3A_1119 = tpu.vector_load %arg19[%swap3A_1117, %swap3A_1118] {strides = array<i32>} : memref<128x64xf32, #tpu.memory_space<vmem>>, vector<1x16xf32>,
        %swap3A_1120 = vector.shape_cast %swap3A_1119 : vector<1x16xf32> to vector<16xf32>
        %swap3A_1121 = vector.shape_cast %mul3A_1116 : vector<16xf32> to vector<1x16xf32>
        tpu.vector_store %arg19[%swap3A_1117, %swap3A_1118], %swap3A_1121 {strides = array<i32>} : memref<128x64xf32, #tpu.memory_space<vmem>>, vector<1x16xf32>,
        %get3A_1122 = arith.index_cast %add3A_1099 : i32 to index
        %get3A_1123 = arith.constant 32 : index
        %get3A_1124 = tpu.vector_load %arg17[%get3A_1122, %get3A_1123] {strides = array<i32>} : memref<128x64xf32, #tpu.memory_space<vmem>>, vector<1x16xf32>,
        %get3A_1125 = vector.shape_cast %get3A_1124 : vector<1x16xf32> to vector<16xf32>
        %mul3A_1126 = vector.broadcast %squeeze3A_1095 : f32 to vector<16xf32>
        %mul3A_1127 = arith.mulf %get3A_1125, %mul3A_1126 : vector<16xf32>
        %swap3A_1128 = arith.index_cast %add3A_1099 : i32 to index
        %swap3A_1129 = arith.constant 32 : index
        %swap3A_1130 = tpu.vector_load %arg19[%swap3A_1128, %swap3A_1129] {strides = array<i32>} : memref<128x64xf32, #tpu.memory_space<vmem>>, vector<1x16xf32>,
        %swap3A_1131 = vector.shape_cast %swap3A_1130 : vector<1x16xf32> to vector<16xf32>
        %swap3A_1132 = vector.shape_cast %mul3A_1127 : vector<16xf32> to vector<1x16xf32>
        tpu.vector_store %arg19[%swap3A_1128, %swap3A_1129], %swap3A_1132 {strides = array<i32>} : memref<128x64xf32, #tpu.memory_space<vmem>>, vector<1x16xf32>,
        %get3A_1133 = arith.index_cast %add3A_1099 : i32 to index
        %get3A_1134 = arith.constant 48 : index
        %get3A_1135 = tpu.vector_load %arg17[%get3A_1133, %get3A_1134] {strides = array<i32>} : memref<128x64xf32, #tpu.memory_space<vmem>>, vector<1x16xf32>,
        %get3A_1136 = vector.shape_cast %get3A_1135 : vector<1x16xf32> to vector<16xf32>
        %mul3A_1137 = vector.broadcast %squeeze3A_1095 : f32 to vector<16xf32>
        %mul3A_1138 = arith.mulf %get3A_1136, %mul3A_1137 : vector<16xf32>
        %swap3A_1139 = arith.index_cast %add3A_1099 : i32 to index
        %swap3A_1140 = arith.constant 48 : index
        %swap3A_1141 = tpu.vector_load %arg19[%swap3A_1139, %swap3A_1140] {strides = array<i32>} : memref<128x64xf32, #tpu.memory_space<vmem>>, vector<1x16xf32>,
        %swap3A_1142 = vector.shape_cast %swap3A_1141 : vector<1x16xf32> to vector<16xf32>
        %swap3A_1143 = vector.shape_cast %mul3A_1138 : vector<16xf32> to vector<1x16xf32>
        tpu.vector_store %arg19[%swap3A_1139, %swap3A_1140], %swap3A_1143 {strides = array<i32>} : memref<128x64xf32, #tpu.memory_space<vmem>>, vector<1x16xf32>,
        %slice3A_1144 = vector.extract_strided_slice %get3A_995 {offsets = [3], sizes = [1], strides = [1]} : vector<16xf32> to vector<1xf32>
        %squeeze3A_1145 = vector.extract %slice3A_1144[0] : f32 from vector<1xf32>
        %mul3A_1146 = arith.constant 16 : i32
        %mul3A_1147 = arith.muli %scan3A_988, %mul3A_1146 : i32
        %add3A_1148 = arith.constant 3 : i32
        %add3A_1149 = arith.addi %mul3A_1147, %add3A_1148 : i32
        %get3A_1150 = arith.index_cast %add3A_1149 : i32 to index
        %get3A_1151 = arith.constant 0 : index
        %get3A_1152 = tpu.vector_load %arg17[%get3A_1150, %get3A_1151] {strides = array<i32>} : memref<128x64xf32, #tpu.memory_space<vmem>>, vector<1x16xf32>,
        %get3A_1153 = vector.shape_cast %get3A_1152 : vector<1x16xf32> to vector<16xf32>
        %mul3A_1154 = vector.broadcast %squeeze3A_1145 : f32 to vector<16xf32>
        %mul3A_1155 = arith.mulf %get3A_1153, %mul3A_1154 : vector<16xf32>
        %swap3A_1156 = arith.index_cast %add3A_1149 : i32 to index
        %swap3A_1157 = arith.constant 0 : index
        %swap3A_1158 = tpu.vector_load %arg19[%swap3A_1156, %swap3A_1157] {strides = array<i32>} : memref<128x64xf32, #tpu.memory_space<vmem>>, vector<1x16xf32>,
        %swap3A_1159 = vector.shape_cast %swap3A_1158 : vector<1x16xf32> to vector<16xf32>
        %swap3A_1160 = vector.shape_cast %mul3A_1155 : vector<16xf32> to vector<1x16xf32>
        tpu.vector_store %arg19[%swap3A_1156, %swap3A_1157], %swap3A_1160 {strides = array<i32>} : memref<128x64xf32, #tpu.memory_space<vmem>>, vector<1x16xf32>,
        %get3A_1161 = arith.index_cast %add3A_1149 : i32 to index
        %get3A_1162 = arith.constant 16 : index
        %get3A_1163 = tpu.vector_load %arg17[%get3A_1161, %get3A_1162] {strides = array<i32>} : memref<128x64xf32, #tpu.memory_space<vmem>>, vector<1x16xf32>,
        %get3A_1164 = vector.shape_cast %get3A_1163 : vector<1x16xf32> to vector<16xf32>
        %mul3A_1165 = vector.broadcast %squeeze3A_1145 : f32 to vector<16xf32>
        %mul3A_1166 = arith.mulf %get3A_1164, %mul3A_1165 : vector<16xf32>
        %swap3A_1167 = arith.index_cast %add3A_1149 : i32 to index
        %swap3A_1168 = arith.constant 16 : index
        %swap3A_1169 = tpu.vector_load %arg19[%swap3A_1167, %swap3A_1168] {strides = array<i32>} : memref<128x64xf32, #tpu.memory_space<vmem>>, vector<1x16xf32>,
        %swap3A_1170 = vector.shape_cast %swap3A_1169 : vector<1x16xf32> to vector<16xf32>
        %swap3A_1171 = vector.shape_cast %mul3A_1166 : vector<16xf32> to vector<1x16xf32>
        tpu.vector_store %arg19[%swap3A_1167, %swap3A_1168], %swap3A_1171 {strides = array<i32>} : memref<128x64xf32, #tpu.memory_space<vmem>>, vector<1x16xf32>,
        %get3A_1172 = arith.index_cast %add3A_1149 : i32 to index
        %get3A_1173 = arith.constant 32 : index
        %get3A_1174 = tpu.vector_load %arg17[%get3A_1172, %get3A_1173] {strides = array<i32>} : memref<128x64xf32, #tpu.memory_space<vmem>>, vector<1x16xf32>,
        %get3A_1175 = vector.shape_cast %get3A_1174 : vector<1x16xf32> to vector<16xf32>
        %mul3A_1176 = vector.broadcast %squeeze3A_1145 : f32 to vector<16xf32>
        %mul3A_1177 = arith.mulf %get3A_1175, %mul3A_1176 : vector<16xf32>
        %swap3A_1178 = arith.index_cast %add3A_1149 : i32 to index
        %swap3A_1179 = arith.constant 32 : index
        %swap3A_1180 = tpu.vector_load %arg19[%swap3A_1178, %swap3A_1179] {strides = array<i32>} : memref<128x64xf32, #tpu.memory_space<vmem>>, vector<1x16xf32>,
        %swap3A_1181 = vector.shape_cast %swap3A_1180 : vector<1x16xf32> to vector<16xf32>
        %swap3A_1182 = vector.shape_cast %mul3A_1177 : vector<16xf32> to vector<1x16xf32>
        tpu.vector_store %arg19[%swap3A_1178, %swap3A_1179], %swap3A_1182 {strides = array<i32>} : memref<128x64xf32, #tpu.memory_space<vmem>>, vector<1x16xf32>,
        %get3A_1183 = arith.index_cast %add3A_1149 : i32 to index
        %get3A_1184 = arith.constant 48 : index
        %get3A_1185 = tpu.vector_load %arg17[%get3A_1183, %get3A_1184] {strides = array<i32>} : memref<128x64xf32, #tpu.memory_space<vmem>>, vector<1x16xf32>,
        %get3A_1186 = vector.shape_cast %get3A_1185 : vector<1x16xf32> to vector<16xf32>
        %mul3A_1187 = vector.broadcast %squeeze3A_1145 : f32 to vector<16xf32>
        %mul3A_1188 = arith.mulf %get3A_1186, %mul3A_1187 : vector<16xf32>
        %swap3A_1189 = arith.index_cast %add3A_1149 : i32 to index
        %swap3A_1190 = arith.constant 48 : index
        %swap3A_1191 = tpu.vector_load %arg19[%swap3A_1189, %swap3A_1190] {strides = array<i32>} : memref<128x64xf32, #tpu.memory_space<vmem>>, vector<1x16xf32>,
        %swap3A_1192 = vector.shape_cast %swap3A_1191 : vector<1x16xf32> to vector<16xf32>
        %swap3A_1193 = vector.shape_cast %mul3A_1188 : vector<16xf32> to vector<1x16xf32>
        tpu.vector_store %arg19[%swap3A_1189, %swap3A_1190], %swap3A_1193 {strides = array<i32>} : memref<128x64xf32, #tpu.memory_space<vmem>>, vector<1x16xf32>,
        %slice3A_1194 = vector.extract_strided_slice %get3A_995 {offsets = [4], sizes = [1], strides = [1]} : vector<16xf32> to vector<1xf32>
        %squeeze3A_1195 = vector.extract %slice3A_1194[0] : f32 from vector<1xf32>
        %mul3A_1196 = arith.constant 16 : i32
        %mul3A_1197 = arith.muli %scan3A_988, %mul3A_1196 : i32
        %add3A_1198 = arith.constant 4 : i32
        %add3A_1199 = arith.addi %mul3A_1197, %add3A_1198 : i32
        %get3A_1200 = arith.index_cast %add3A_1199 : i32 to index
        %get3A_1201 = arith.constant 0 : index
        %get3A_1202 = tpu.vector_load %arg17[%get3A_1200, %get3A_1201] {strides = array<i32>} : memref<128x64xf32, #tpu.memory_space<vmem>>, vector<1x16xf32>,
        %get3A_1203 = vector.shape_cast %get3A_1202 : vector<1x16xf32> to vector<16xf32>
        %mul3A_1204 = vector.broadcast %squeeze3A_1195 : f32 to vector<16xf32>
        %mul3A_1205 = arith.mulf %get3A_1203, %mul3A_1204 : vector<16xf32>
        %swap3A_1206 = arith.index_cast %add3A_1199 : i32 to index
        %swap3A_1207 = arith.constant 0 : index
        %swap3A_1208 = tpu.vector_load %arg19[%swap3A_1206, %swap3A_1207] {strides = array<i32>} : memref<128x64xf32, #tpu.memory_space<vmem>>, vector<1x16xf32>,
        %swap3A_1209 = vector.shape_cast %swap3A_1208 : vector<1x16xf32> to vector<16xf32>
        %swap3A_1210 = vector.shape_cast %mul3A_1205 : vector<16xf32> to vector<1x16xf32>
        tpu.vector_store %arg19[%swap3A_1206, %swap3A_1207], %swap3A_1210 {strides = array<i32>} : memref<128x64xf32, #tpu.memory_space<vmem>>, vector<1x16xf32>,
        %get3A_1211 = arith.index_cast %add3A_1199 : i32 to index
        %get3A_1212 = arith.constant 16 : index
        %get3A_1213 = tpu.vector_load %arg17[%get3A_1211, %get3A_1212] {strides = array<i32>} : memref<128x64xf32, #tpu.memory_space<vmem>>, vector<1x16xf32>,
        %get3A_1214 = vector.shape_cast %get3A_1213 : vector<1x16xf32> to vector<16xf32>
        %mul3A_1215 = vector.broadcast %squeeze3A_1195 : f32 to vector<16xf32>
        %mul3A_1216 = arith.mulf %get3A_1214, %mul3A_1215 : vector<16xf32>
        %swap3A_1217 = arith.index_cast %add3A_1199 : i32 to index
        %swap3A_1218 = arith.constant 16 : index
        %swap3A_1219 = tpu.vector_load %arg19[%swap3A_1217, %swap3A_1218] {strides = array<i32>} : memref<128x64xf32, #tpu.memory_space<vmem>>, vector<1x16xf32>,
        %swap3A_1220 = vector.shape_cast %swap3A_1219 : vector<1x16xf32> to vector<16xf32>
        %swap3A_1221 = vector.shape_cast %mul3A_1216 : vector<16xf32> to vector<1x16xf32>
        tpu.vector_store %arg19[%swap3A_1217, %swap3A_1218], %swap3A_1221 {strides = array<i32>} : memref<128x64xf32, #tpu.memory_space<vmem>>, vector<1x16xf32>,
        %get3A_1222 = arith.index_cast %add3A_1199 : i32 to index
        %get3A_1223 = arith.constant 32 : index
        %get3A_1224 = tpu.vector_load %arg17[%get3A_1222, %get3A_1223] {strides = array<i32>} : memref<128x64xf32, #tpu.memory_space<vmem>>, vector<1x16xf32>,
        %get3A_1225 = vector.shape_cast %get3A_1224 : vector<1x16xf32> to vector<16xf32>
        %mul3A_1226 = vector.broadcast %squeeze3A_1195 : f32 to vector<16xf32>
        %mul3A_1227 = arith.mulf %get3A_1225, %mul3A_1226 : vector<16xf32>
        %swap3A_1228 = arith.index_cast %add3A_1199 : i32 to index
        %swap3A_1229 = arith.constant 32 : index
        %swap3A_1230 = tpu.vector_load %arg19[%swap3A_1228, %swap3A_1229] {strides = array<i32>} : memref<128x64xf32, #tpu.memory_space<vmem>>, vector<1x16xf32>,
        %swap3A_1231 = vector.shape_cast %swap3A_1230 : vector<1x16xf32> to vector<16xf32>
        %swap3A_1232 = vector.shape_cast %mul3A_1227 : vector<16xf32> to vector<1x16xf32>
        tpu.vector_store %arg19[%swap3A_1228, %swap3A_1229], %swap3A_1232 {strides = array<i32>} : memref<128x64xf32, #tpu.memory_space<vmem>>, vector<1x16xf32>,
        %get3A_1233 = arith.index_cast %add3A_1199 : i32 to index
        %get3A_1234 = arith.constant 48 : index
        %get3A_1235 = tpu.vector_load %arg17[%get3A_1233, %get3A_1234] {strides = array<i32>} : memref<128x64xf32, #tpu.memory_space<vmem>>, vector<1x16xf32>,
        %get3A_1236 = vector.shape_cast %get3A_1235 : vector<1x16xf32> to vector<16xf32>
        %mul3A_1237 = vector.broadcast %squeeze3A_1195 : f32 to vector<16xf32>
        %mul3A_1238 = arith.mulf %get3A_1236, %mul3A_1237 : vector<16xf32>
        %swap3A_1239 = arith.index_cast %add3A_1199 : i32 to index
        %swap3A_1240 = arith.constant 48 : index
        %swap3A_1241 = tpu.vector_load %arg19[%swap3A_1239, %swap3A_1240] {strides = array<i32>} : memref<128x64xf32, #tpu.memory_space<vmem>>, vector<1x16xf32>,
        %swap3A_1242 = vector.shape_cast %swap3A_1241 : vector<1x16xf32> to vector<16xf32>
        %swap3A_1243 = vector.shape_cast %mul3A_1238 : vector<16xf32> to vector<1x16xf32>
        tpu.vector_store %arg19[%swap3A_1239, %swap3A_1240], %swap3A_1243 {strides = array<i32>} : memref<128x64xf32, #tpu.memory_space<vmem>>, vector<1x16xf32>,
        %slice3A_1244 = vector.extract_strided_slice %get3A_995 {offsets = [5], sizes = [1], strides = [1]} : vector<16xf32> to vector<1xf32>
        %squeeze3A_1245 = vector.extract %slice3A_1244[0] : f32 from vector<1xf32>
        %mul3A_1246 = arith.constant 16 : i32
        %mul3A_1247 = arith.muli %scan3A_988, %mul3A_1246 : i32
        %add3A_1248 = arith.constant 5 : i32
        %add3A_1249 = arith.addi %mul3A_1247, %add3A_1248 : i32
        %get3A_1250 = arith.index_cast %add3A_1249 : i32 to index
        %get3A_1251 = arith.constant 0 : index
        %get3A_1252 = tpu.vector_load %arg17[%get3A_1250, %get3A_1251] {strides = array<i32>} : memref<128x64xf32, #tpu.memory_space<vmem>>, vector<1x16xf32>,
        %get3A_1253 = vector.shape_cast %get3A_1252 : vector<1x16xf32> to vector<16xf32>
        %mul3A_1254 = vector.broadcast %squeeze3A_1245 : f32 to vector<16xf32>
        %mul3A_1255 = arith.mulf %get3A_1253, %mul3A_1254 : vector<16xf32>
        %swap3A_1256 = arith.index_cast %add3A_1249 : i32 to index
        %swap3A_1257 = arith.constant 0 : index
        %swap3A_1258 = tpu.vector_load %arg19[%swap3A_1256, %swap3A_1257] {strides = array<i32>} : memref<128x64xf32, #tpu.memory_space<vmem>>, vector<1x16xf32>,
        %swap3A_1259 = vector.shape_cast %swap3A_1258 : vector<1x16xf32> to vector<16xf32>
        %swap3A_1260 = vector.shape_cast %mul3A_1255 : vector<16xf32> to vector<1x16xf32>
        tpu.vector_store %arg19[%swap3A_1256, %swap3A_1257], %swap3A_1260 {strides = array<i32>} : memref<128x64xf32, #tpu.memory_space<vmem>>, vector<1x16xf32>,
        %get3A_1261 = arith.index_cast %add3A_1249 : i32 to index
        %get3A_1262 = arith.constant 16 : index
        %get3A_1263 = tpu.vector_load %arg17[%get3A_1261, %get3A_1262] {strides = array<i32>} : memref<128x64xf32, #tpu.memory_space<vmem>>, vector<1x16xf32>,
        %get3A_1264 = vector.shape_cast %get3A_1263 : vector<1x16xf32> to vector<16xf32>
        %mul3A_1265 = vector.broadcast %squeeze3A_1245 : f32 to vector<16xf32>
        %mul3A_1266 = arith.mulf %get3A_1264, %mul3A_1265 : vector<16xf32>
        %swap3A_1267 = arith.index_cast %add3A_1249 : i32 to index
        %swap3A_1268 = arith.constant 16 : index
        %swap3A_1269 = tpu.vector_load %arg19[%swap3A_1267, %swap3A_1268] {strides = array<i32>} : memref<128x64xf32, #tpu.memory_space<vmem>>, vector<1x16xf32>,
        %swap3A_1270 = vector.shape_cast %swap3A_1269 : vector<1x16xf32> to vector<16xf32>
        %swap3A_1271 = vector.shape_cast %mul3A_1266 : vector<16xf32> to vector<1x16xf32>
        tpu.vector_store %arg19[%swap3A_1267, %swap3A_1268], %swap3A_1271 {strides = array<i32>} : memref<128x64xf32, #tpu.memory_space<vmem>>, vector<1x16xf32>,
        %get3A_1272 = arith.index_cast %add3A_1249 : i32 to index
        %get3A_1273 = arith.constant 32 : index
        %get3A_1274 = tpu.vector_load %arg17[%get3A_1272, %get3A_1273] {strides = array<i32>} : memref<128x64xf32, #tpu.memory_space<vmem>>, vector<1x16xf32>,
        %get3A_1275 = vector.shape_cast %get3A_1274 : vector<1x16xf32> to vector<16xf32>
        %mul3A_1276 = vector.broadcast %squeeze3A_1245 : f32 to vector<16xf32>
        %mul3A_1277 = arith.mulf %get3A_1275, %mul3A_1276 : vector<16xf32>
        %swap3A_1278 = arith.index_cast %add3A_1249 : i32 to index
        %swap3A_1279 = arith.constant 32 : index
        %swap3A_1280 = tpu.vector_load %arg19[%swap3A_1278, %swap3A_1279] {strides = array<i32>} : memref<128x64xf32, #tpu.memory_space<vmem>>, vector<1x16xf32>,
        %swap3A_1281 = vector.shape_cast %swap3A_1280 : vector<1x16xf32> to vector<16xf32>
        %swap3A_1282 = vector.shape_cast %mul3A_1277 : vector<16xf32> to vector<1x16xf32>
        tpu.vector_store %arg19[%swap3A_1278, %swap3A_1279], %swap3A_1282 {strides = array<i32>} : memref<128x64xf32, #tpu.memory_space<vmem>>, vector<1x16xf32>,
        %get3A_1283 = arith.index_cast %add3A_1249 : i32 to index
        %get3A_1284 = arith.constant 48 : index
        %get3A_1285 = tpu.vector_load %arg17[%get3A_1283, %get3A_1284] {strides = array<i32>} : memref<128x64xf32, #tpu.memory_space<vmem>>, vector<1x16xf32>,
        %get3A_1286 = vector.shape_cast %get3A_1285 : vector<1x16xf32> to vector<16xf32>
        %mul3A_1287 = vector.broadcast %squeeze3A_1245 : f32 to vector<16xf32>
        %mul3A_1288 = arith.mulf %get3A_1286, %mul3A_1287 : vector<16xf32>
        %swap3A_1289 = arith.index_cast %add3A_1249 : i32 to index
        %swap3A_1290 = arith.constant 48 : index
        %swap3A_1291 = tpu.vector_load %arg19[%swap3A_1289, %swap3A_1290] {strides = array<i32>} : memref<128x64xf32, #tpu.memory_space<vmem>>, vector<1x16xf32>,
        %swap3A_1292 = vector.shape_cast %swap3A_1291 : vector<1x16xf32> to vector<16xf32>
        %swap3A_1293 = vector.shape_cast %mul3A_1288 : vector<16xf32> to vector<1x16xf32>
        tpu.vector_store %arg19[%swap3A_1289, %swap3A_1290], %swap3A_1293 {strides = array<i32>} : memref<128x64xf32, #tpu.memory_space<vmem>>, vector<1x16xf32>,
        %slice3A_1294 = vector.extract_strided_slice %get3A_995 {offsets = [6], sizes = [1], strides = [1]} : vector<16xf32> to vector<1xf32>
        %squeeze3A_1295 = vector.extract %slice3A_1294[0] : f32 from vector<1xf32>
        %mul3A_1296 = arith.constant 16 : i32
        %mul3A_1297 = arith.muli %scan3A_988, %mul3A_1296 : i32
        %add3A_1298 = arith.constant 6 : i32
        %add3A_1299 = arith.addi %mul3A_1297, %add3A_1298 : i32
        %get3A_1300 = arith.index_cast %add3A_1299 : i32 to index
        %get3A_1301 = arith.constant 0 : index
        %get3A_1302 = tpu.vector_load %arg17[%get3A_1300, %get3A_1301] {strides = array<i32>} : memref<128x64xf32, #tpu.memory_space<vmem>>, vector<1x16xf32>,
        %get3A_1303 = vector.shape_cast %get3A_1302 : vector<1x16xf32> to vector<16xf32>
        %mul3A_1304 = vector.broadcast %squeeze3A_1295 : f32 to vector<16xf32>
        %mul3A_1305 = arith.mulf %get3A_1303, %mul3A_1304 : vector<16xf32>
        %swap3A_1306 = arith.index_cast %add3A_1299 : i32 to index
        %swap3A_1307 = arith.constant 0 : index
        %swap3A_1308 = tpu.vector_load %arg19[%swap3A_1306, %swap3A_1307] {strides = array<i32>} : memref<128x64xf32, #tpu.memory_space<vmem>>, vector<1x16xf32>,
        %swap3A_1309 = vector.shape_cast %swap3A_1308 : vector<1x16xf32> to vector<16xf32>
        %swap3A_1310 = vector.shape_cast %mul3A_1305 : vector<16xf32> to vector<1x16xf32>
        tpu.vector_store %arg19[%swap3A_1306, %swap3A_1307], %swap3A_1310 {strides = array<i32>} : memref<128x64xf32, #tpu.memory_space<vmem>>, vector<1x16xf32>,
        %get3A_1311 = arith.index_cast %add3A_1299 : i32 to index
        %get3A_1312 = arith.constant 16 : index
        %get3A_1313 = tpu.vector_load %arg17[%get3A_1311, %get3A_1312] {strides = array<i32>} : memref<128x64xf32, #tpu.memory_space<vmem>>, vector<1x16xf32>,
        %get3A_1314 = vector.shape_cast %get3A_1313 : vector<1x16xf32> to vector<16xf32>
        %mul3A_1315 = vector.broadcast %squeeze3A_1295 : f32 to vector<16xf32>
        %mul3A_1316 = arith.mulf %get3A_1314, %mul3A_1315 : vector<16xf32>
        %swap3A_1317 = arith.index_cast %add3A_1299 : i32 to index
        %swap3A_1318 = arith.constant 16 : index
        %swap3A_1319 = tpu.vector_load %arg19[%swap3A_1317, %swap3A_1318] {strides = array<i32>} : memref<128x64xf32, #tpu.memory_space<vmem>>, vector<1x16xf32>,
        %swap3A_1320 = vector.shape_cast %swap3A_1319 : vector<1x16xf32> to vector<16xf32>
        %swap3A_1321 = vector.shape_cast %mul3A_1316 : vector<16xf32> to vector<1x16xf32>
        tpu.vector_store %arg19[%swap3A_1317, %swap3A_1318], %swap3A_1321 {strides = array<i32>} : memref<128x64xf32, #tpu.memory_space<vmem>>, vector<1x16xf32>,
        %get3A_1322 = arith.index_cast %add3A_1299 : i32 to index
        %get3A_1323 = arith.constant 32 : index
        %get3A_1324 = tpu.vector_load %arg17[%get3A_1322, %get3A_1323] {strides = array<i32>} : memref<128x64xf32, #tpu.memory_space<vmem>>, vector<1x16xf32>,
        %get3A_1325 = vector.shape_cast %get3A_1324 : vector<1x16xf32> to vector<16xf32>
        %mul3A_1326 = vector.broadcast %squeeze3A_1295 : f32 to vector<16xf32>
        %mul3A_1327 = arith.mulf %get3A_1325, %mul3A_1326 : vector<16xf32>
        %swap3A_1328 = arith.index_cast %add3A_1299 : i32 to index
        %swap3A_1329 = arith.constant 32 : index
        %swap3A_1330 = tpu.vector_load %arg19[%swap3A_1328, %swap3A_1329] {strides = array<i32>} : memref<128x64xf32, #tpu.memory_space<vmem>>, vector<1x16xf32>,
        %swap3A_1331 = vector.shape_cast %swap3A_1330 : vector<1x16xf32> to vector<16xf32>
        %swap3A_1332 = vector.shape_cast %mul3A_1327 : vector<16xf32> to vector<1x16xf32>
        tpu.vector_store %arg19[%swap3A_1328, %swap3A_1329], %swap3A_1332 {strides = array<i32>} : memref<128x64xf32, #tpu.memory_space<vmem>>, vector<1x16xf32>,
        %get3A_1333 = arith.index_cast %add3A_1299 : i32 to index
        %get3A_1334 = arith.constant 48 : index
        %get3A_1335 = tpu.vector_load %arg17[%get3A_1333, %get3A_1334] {strides = array<i32>} : memref<128x64xf32, #tpu.memory_space<vmem>>, vector<1x16xf32>,
        %get3A_1336 = vector.shape_cast %get3A_1335 : vector<1x16xf32> to vector<16xf32>
        %mul3A_1337 = vector.broadcast %squeeze3A_1295 : f32 to vector<16xf32>
        %mul3A_1338 = arith.mulf %get3A_1336, %mul3A_1337 : vector<16xf32>
        %swap3A_1339 = arith.index_cast %add3A_1299 : i32 to index
        %swap3A_1340 = arith.constant 48 : index
        %swap3A_1341 = tpu.vector_load %arg19[%swap3A_1339, %swap3A_1340] {strides = array<i32>} : memref<128x64xf32, #tpu.memory_space<vmem>>, vector<1x16xf32>,
        %swap3A_1342 = vector.shape_cast %swap3A_1341 : vector<1x16xf32> to vector<16xf32>
        %swap3A_1343 = vector.shape_cast %mul3A_1338 : vector<16xf32> to vector<1x16xf32>
        tpu.vector_store %arg19[%swap3A_1339, %swap3A_1340], %swap3A_1343 {strides = array<i32>} : memref<128x64xf32, #tpu.memory_space<vmem>>, vector<1x16xf32>,
        %slice3A_1344 = vector.extract_strided_slice %get3A_995 {offsets = [7], sizes = [1], strides = [1]} : vector<16xf32> to vector<1xf32>
        %squeeze3A_1345 = vector.extract %slice3A_1344[0] : f32 from vector<1xf32>
        %mul3A_1346 = arith.constant 16 : i32
        %mul3A_1347 = arith.muli %scan3A_988, %mul3A_1346 : i32
        %add3A_1348 = arith.constant 7 : i32
        %add3A_1349 = arith.addi %mul3A_1347, %add3A_1348 : i32
        %get3A_1350 = arith.index_cast %add3A_1349 : i32 to index
        %get3A_1351 = arith.constant 0 : index
        %get3A_1352 = tpu.vector_load %arg17[%get3A_1350, %get3A_1351] {strides = array<i32>} : memref<128x64xf32, #tpu.memory_space<vmem>>, vector<1x16xf32>,
        %get3A_1353 = vector.shape_cast %get3A_1352 : vector<1x16xf32> to vector<16xf32>
        %mul3A_1354 = vector.broadcast %squeeze3A_1345 : f32 to vector<16xf32>
        %mul3A_1355 = arith.mulf %get3A_1353, %mul3A_1354 : vector<16xf32>
        %swap3A_1356 = arith.index_cast %add3A_1349 : i32 to index
        %swap3A_1357 = arith.constant 0 : index
        %swap3A_1358 = tpu.vector_load %arg19[%swap3A_1356, %swap3A_1357] {strides = array<i32>} : memref<128x64xf32, #tpu.memory_space<vmem>>, vector<1x16xf32>,
        %swap3A_1359 = vector.shape_cast %swap3A_1358 : vector<1x16xf32> to vector<16xf32>
        %swap3A_1360 = vector.shape_cast %mul3A_1355 : vector<16xf32> to vector<1x16xf32>
        tpu.vector_store %arg19[%swap3A_1356, %swap3A_1357], %swap3A_1360 {strides = array<i32>} : memref<128x64xf32, #tpu.memory_space<vmem>>, vector<1x16xf32>,
        %get3A_1361 = arith.index_cast %add3A_1349 : i32 to index
        %get3A_1362 = arith.constant 16 : index
        %get3A_1363 = tpu.vector_load %arg17[%get3A_1361, %get3A_1362] {strides = array<i32>} : memref<128x64xf32, #tpu.memory_space<vmem>>, vector<1x16xf32>,
        %get3A_1364 = vector.shape_cast %get3A_1363 : vector<1x16xf32> to vector<16xf32>
        %mul3A_1365 = vector.broadcast %squeeze3A_1345 : f32 to vector<16xf32>
        %mul3A_1366 = arith.mulf %get3A_1364, %mul3A_1365 : vector<16xf32>
        %swap3A_1367 = arith.index_cast %add3A_1349 : i32 to index
        %swap3A_1368 = arith.constant 16 : index
        %swap3A_1369 = tpu.vector_load %arg19[%swap3A_1367, %swap3A_1368] {strides = array<i32>} : memref<128x64xf32, #tpu.memory_space<vmem>>, vector<1x16xf32>,
        %swap3A_1370 = vector.shape_cast %swap3A_1369 : vector<1x16xf32> to vector<16xf32>
        %swap3A_1371 = vector.shape_cast %mul3A_1366 : vector<16xf32> to vector<1x16xf32>
        tpu.vector_store %arg19[%swap3A_1367, %swap3A_1368], %swap3A_1371 {strides = array<i32>} : memref<128x64xf32, #tpu.memory_space<vmem>>, vector<1x16xf32>,
        %get3A_1372 = arith.index_cast %add3A_1349 : i32 to index
        %get3A_1373 = arith.constant 32 : index
        %get3A_1374 = tpu.vector_load %arg17[%get3A_1372, %get3A_1373] {strides = array<i32>} : memref<128x64xf32, #tpu.memory_space<vmem>>, vector<1x16xf32>,
        %get3A_1375 = vector.shape_cast %get3A_1374 : vector<1x16xf32> to vector<16xf32>
        %mul3A_1376 = vector.broadcast %squeeze3A_1345 : f32 to vector<16xf32>
        %mul3A_1377 = arith.mulf %get3A_1375, %mul3A_1376 : vector<16xf32>
        %swap3A_1378 = arith.index_cast %add3A_1349 : i32 to index
        %swap3A_1379 = arith.constant 32 : index
        %swap3A_1380 = tpu.vector_load %arg19[%swap3A_1378, %swap3A_1379] {strides = array<i32>} : memref<128x64xf32, #tpu.memory_space<vmem>>, vector<1x16xf32>,
        %swap3A_1381 = vector.shape_cast %swap3A_1380 : vector<1x16xf32> to vector<16xf32>
        %swap3A_1382 = vector.shape_cast %mul3A_1377 : vector<16xf32> to vector<1x16xf32>
        tpu.vector_store %arg19[%swap3A_1378, %swap3A_1379], %swap3A_1382 {strides = array<i32>} : memref<128x64xf32, #tpu.memory_space<vmem>>, vector<1x16xf32>,
        %get3A_1383 = arith.index_cast %add3A_1349 : i32 to index
        %get3A_1384 = arith.constant 48 : index
        %get3A_1385 = tpu.vector_load %arg17[%get3A_1383, %get3A_1384] {strides = array<i32>} : memref<128x64xf32, #tpu.memory_space<vmem>>, vector<1x16xf32>,
        %get3A_1386 = vector.shape_cast %get3A_1385 : vector<1x16xf32> to vector<16xf32>
        %mul3A_1387 = vector.broadcast %squeeze3A_1345 : f32 to vector<16xf32>
        %mul3A_1388 = arith.mulf %get3A_1386, %mul3A_1387 : vector<16xf32>
        %swap3A_1389 = arith.index_cast %add3A_1349 : i32 to index
        %swap3A_1390 = arith.constant 48 : index
        %swap3A_1391 = tpu.vector_load %arg19[%swap3A_1389, %swap3A_1390] {strides = array<i32>} : memref<128x64xf32, #tpu.memory_space<vmem>>, vector<1x16xf32>,
        %swap3A_1392 = vector.shape_cast %swap3A_1391 : vector<1x16xf32> to vector<16xf32>
        %swap3A_1393 = vector.shape_cast %mul3A_1388 : vector<16xf32> to vector<1x16xf32>
        tpu.vector_store %arg19[%swap3A_1389, %swap3A_1390], %swap3A_1393 {strides = array<i32>} : memref<128x64xf32, #tpu.memory_space<vmem>>, vector<1x16xf32>,
        %slice3A_1394 = vector.extract_strided_slice %get3A_995 {offsets = [8], sizes = [1], strides = [1]} : vector<16xf32> to vector<1xf32>
        %squeeze3A_1395 = vector.extract %slice3A_1394[0] : f32 from vector<1xf32>
        %mul3A_1396 = arith.constant 16 : i32
        %mul3A_1397 = arith.muli %scan3A_988, %mul3A_1396 : i32
        %add3A_1398 = arith.constant 8 : i32
        %add3A_1399 = arith.addi %mul3A_1397, %add3A_1398 : i32
        %get3A_1400 = arith.index_cast %add3A_1399 : i32 to index
        %get3A_1401 = arith.constant 0 : index
        %get3A_1402 = tpu.vector_load %arg17[%get3A_1400, %get3A_1401] {strides = array<i32>} : memref<128x64xf32, #tpu.memory_space<vmem>>, vector<1x16xf32>,
        %get3A_1403 = vector.shape_cast %get3A_1402 : vector<1x16xf32> to vector<16xf32>
        %mul3A_1404 = vector.broadcast %squeeze3A_1395 : f32 to vector<16xf32>
        %mul3A_1405 = arith.mulf %get3A_1403, %mul3A_1404 : vector<16xf32>
        %swap3A_1406 = arith.index_cast %add3A_1399 : i32 to index
        %swap3A_1407 = arith.constant 0 : index
        %swap3A_1408 = tpu.vector_load %arg19[%swap3A_1406, %swap3A_1407] {strides = array<i32>} : memref<128x64xf32, #tpu.memory_space<vmem>>, vector<1x16xf32>,
        %swap3A_1409 = vector.shape_cast %swap3A_1408 : vector<1x16xf32> to vector<16xf32>
        %swap3A_1410 = vector.shape_cast %mul3A_1405 : vector<16xf32> to vector<1x16xf32>
        tpu.vector_store %arg19[%swap3A_1406, %swap3A_1407], %swap3A_1410 {strides = array<i32>} : memref<128x64xf32, #tpu.memory_space<vmem>>, vector<1x16xf32>,
        %get3A_1411 = arith.index_cast %add3A_1399 : i32 to index
        %get3A_1412 = arith.constant 16 : index
        %get3A_1413 = tpu.vector_load %arg17[%get3A_1411, %get3A_1412] {strides = array<i32>} : memref<128x64xf32, #tpu.memory_space<vmem>>, vector<1x16xf32>,
        %get3A_1414 = vector.shape_cast %get3A_1413 : vector<1x16xf32> to vector<16xf32>
        %mul3A_1415 = vector.broadcast %squeeze3A_1395 : f32 to vector<16xf32>
        %mul3A_1416 = arith.mulf %get3A_1414, %mul3A_1415 : vector<16xf32>
        %swap3A_1417 = arith.index_cast %add3A_1399 : i32 to index
        %swap3A_1418 = arith.constant 16 : index
        %swap3A_1419 = tpu.vector_load %arg19[%swap3A_1417, %swap3A_1418] {strides = array<i32>} : memref<128x64xf32, #tpu.memory_space<vmem>>, vector<1x16xf32>,
        %swap3A_1420 = vector.shape_cast %swap3A_1419 : vector<1x16xf32> to vector<16xf32>
        %swap3A_1421 = vector.shape_cast %mul3A_1416 : vector<16xf32> to vector<1x16xf32>
        tpu.vector_store %arg19[%swap3A_1417, %swap3A_1418], %swap3A_1421 {strides = array<i32>} : memref<128x64xf32, #tpu.memory_space<vmem>>, vector<1x16xf32>,
        %get3A_1422 = arith.index_cast %add3A_1399 : i32 to index
        %get3A_1423 = arith.constant 32 : index
        %get3A_1424 = tpu.vector_load %arg17[%get3A_1422, %get3A_1423] {strides = array<i32>} : memref<128x64xf32, #tpu.memory_space<vmem>>, vector<1x16xf32>,
        %get3A_1425 = vector.shape_cast %get3A_1424 : vector<1x16xf32> to vector<16xf32>
        %mul3A_1426 = vector.broadcast %squeeze3A_1395 : f32 to vector<16xf32>
        %mul3A_1427 = arith.mulf %get3A_1425, %mul3A_1426 : vector<16xf32>
        %swap3A_1428 = arith.index_cast %add3A_1399 : i32 to index
        %swap3A_1429 = arith.constant 32 : index
        %swap3A_1430 = tpu.vector_load %arg19[%swap3A_1428, %swap3A_1429] {strides = array<i32>} : memref<128x64xf32, #tpu.memory_space<vmem>>, vector<1x16xf32>,
        %swap3A_1431 = vector.shape_cast %swap3A_1430 : vector<1x16xf32> to vector<16xf32>
        %swap3A_1432 = vector.shape_cast %mul3A_1427 : vector<16xf32> to vector<1x16xf32>
        tpu.vector_store %arg19[%swap3A_1428, %swap3A_1429], %swap3A_1432 {strides = array<i32>} : memref<128x64xf32, #tpu.memory_space<vmem>>, vector<1x16xf32>,
        %get3A_1433 = arith.index_cast %add3A_1399 : i32 to index
        %get3A_1434 = arith.constant 48 : index
        %get3A_1435 = tpu.vector_load %arg17[%get3A_1433, %get3A_1434] {strides = array<i32>} : memref<128x64xf32, #tpu.memory_space<vmem>>, vector<1x16xf32>,
        %get3A_1436 = vector.shape_cast %get3A_1435 : vector<1x16xf32> to vector<16xf32>
        %mul3A_1437 = vector.broadcast %squeeze3A_1395 : f32 to vector<16xf32>
        %mul3A_1438 = arith.mulf %get3A_1436, %mul3A_1437 : vector<16xf32>
        %swap3A_1439 = arith.index_cast %add3A_1399 : i32 to index
        %swap3A_1440 = arith.constant 48 : index
        %swap3A_1441 = tpu.vector_load %arg19[%swap3A_1439, %swap3A_1440] {strides = array<i32>} : memref<128x64xf32, #tpu.memory_space<vmem>>, vector<1x16xf32>,
        %swap3A_1442 = vector.shape_cast %swap3A_1441 : vector<1x16xf32> to vector<16xf32>
        %swap3A_1443 = vector.shape_cast %mul3A_1438 : vector<16xf32> to vector<1x16xf32>
        tpu.vector_store %arg19[%swap3A_1439, %swap3A_1440], %swap3A_1443 {strides = array<i32>} : memref<128x64xf32, #tpu.memory_space<vmem>>, vector<1x16xf32>,
        %slice3A_1444 = vector.extract_strided_slice %get3A_995 {offsets = [9], sizes = [1], strides = [1]} : vector<16xf32> to vector<1xf32>
        %squeeze3A_1445 = vector.extract %slice3A_1444[0] : f32 from vector<1xf32>
        %mul3A_1446 = arith.constant 16 : i32
        %mul3A_1447 = arith.muli %scan3A_988, %mul3A_1446 : i32
        %add3A_1448 = arith.constant 9 : i32
        %add3A_1449 = arith.addi %mul3A_1447, %add3A_1448 : i32
        %get3A_1450 = arith.index_cast %add3A_1449 : i32 to index
        %get3A_1451 = arith.constant 0 : index
        %get3A_1452 = tpu.vector_load %arg17[%get3A_1450, %get3A_1451] {strides = array<i32>} : memref<128x64xf32, #tpu.memory_space<vmem>>, vector<1x16xf32>,
        %get3A_1453 = vector.shape_cast %get3A_1452 : vector<1x16xf32> to vector<16xf32>
        %mul3A_1454 = vector.broadcast %squeeze3A_1445 : f32 to vector<16xf32>
        %mul3A_1455 = arith.mulf %get3A_1453, %mul3A_1454 : vector<16xf32>
        %swap3A_1456 = arith.index_cast %add3A_1449 : i32 to index
        %swap3A_1457 = arith.constant 0 : index
        %swap3A_1458 = tpu.vector_load %arg19[%swap3A_1456, %swap3A_1457] {strides = array<i32>} : memref<128x64xf32, #tpu.memory_space<vmem>>, vector<1x16xf32>,
        %swap3A_1459 = vector.shape_cast %swap3A_1458 : vector<1x16xf32> to vector<16xf32>
        %swap3A_1460 = vector.shape_cast %mul3A_1455 : vector<16xf32> to vector<1x16xf32>
        tpu.vector_store %arg19[%swap3A_1456, %swap3A_1457], %swap3A_1460 {strides = array<i32>} : memref<128x64xf32, #tpu.memory_space<vmem>>, vector<1x16xf32>,
        %get3A_1461 = arith.index_cast %add3A_1449 : i32 to index
        %get3A_1462 = arith.constant 16 : index
        %get3A_1463 = tpu.vector_load %arg17[%get3A_1461, %get3A_1462] {strides = array<i32>} : memref<128x64xf32, #tpu.memory_space<vmem>>, vector<1x16xf32>,
        %get3A_1464 = vector.shape_cast %get3A_1463 : vector<1x16xf32> to vector<16xf32>
        %mul3A_1465 = vector.broadcast %squeeze3A_1445 : f32 to vector<16xf32>
        %mul3A_1466 = arith.mulf %get3A_1464, %mul3A_1465 : vector<16xf32>
        %swap3A_1467 = arith.index_cast %add3A_1449 : i32 to index
        %swap3A_1468 = arith.constant 16 : index
        %swap3A_1469 = tpu.vector_load %arg19[%swap3A_1467, %swap3A_1468] {strides = array<i32>} : memref<128x64xf32, #tpu.memory_space<vmem>>, vector<1x16xf32>,
        %swap3A_1470 = vector.shape_cast %swap3A_1469 : vector<1x16xf32> to vector<16xf32>
        %swap3A_1471 = vector.shape_cast %mul3A_1466 : vector<16xf32> to vector<1x16xf32>
        tpu.vector_store %arg19[%swap3A_1467, %swap3A_1468], %swap3A_1471 {strides = array<i32>} : memref<128x64xf32, #tpu.memory_space<vmem>>, vector<1x16xf32>,
        %get3A_1472 = arith.index_cast %add3A_1449 : i32 to index
        %get3A_1473 = arith.constant 32 : index
        %get3A_1474 = tpu.vector_load %arg17[%get3A_1472, %get3A_1473] {strides = array<i32>} : memref<128x64xf32, #tpu.memory_space<vmem>>, vector<1x16xf32>,
        %get3A_1475 = vector.shape_cast %get3A_1474 : vector<1x16xf32> to vector<16xf32>
        %mul3A_1476 = vector.broadcast %squeeze3A_1445 : f32 to vector<16xf32>
        %mul3A_1477 = arith.mulf %get3A_1475, %mul3A_1476 : vector<16xf32>
        %swap3A_1478 = arith.index_cast %add3A_1449 : i32 to index
        %swap3A_1479 = arith.constant 32 : index
        %swap3A_1480 = tpu.vector_load %arg19[%swap3A_1478, %swap3A_1479] {strides = array<i32>} : memref<128x64xf32, #tpu.memory_space<vmem>>, vector<1x16xf32>,
        %swap3A_1481 = vector.shape_cast %swap3A_1480 : vector<1x16xf32> to vector<16xf32>
        %swap3A_1482 = vector.shape_cast %mul3A_1477 : vector<16xf32> to vector<1x16xf32>
        tpu.vector_store %arg19[%swap3A_1478, %swap3A_1479], %swap3A_1482 {strides = array<i32>} : memref<128x64xf32, #tpu.memory_space<vmem>>, vector<1x16xf32>,
        %get3A_1483 = arith.index_cast %add3A_1449 : i32 to index
        %get3A_1484 = arith.constant 48 : index
        %get3A_1485 = tpu.vector_load %arg17[%get3A_1483, %get3A_1484] {strides = array<i32>} : memref<128x64xf32, #tpu.memory_space<vmem>>, vector<1x16xf32>,
        %get3A_1486 = vector.shape_cast %get3A_1485 : vector<1x16xf32> to vector<16xf32>
        %mul3A_1487 = vector.broadcast %squeeze3A_1445 : f32 to vector<16xf32>
        %mul3A_1488 = arith.mulf %get3A_1486, %mul3A_1487 : vector<16xf32>
        %swap3A_1489 = arith.index_cast %add3A_1449 : i32 to index
        %swap3A_1490 = arith.constant 48 : index
        %swap3A_1491 = tpu.vector_load %arg19[%swap3A_1489, %swap3A_1490] {strides = array<i32>} : memref<128x64xf32, #tpu.memory_space<vmem>>, vector<1x16xf32>,
        %swap3A_1492 = vector.shape_cast %swap3A_1491 : vector<1x16xf32> to vector<16xf32>
        %swap3A_1493 = vector.shape_cast %mul3A_1488 : vector<16xf32> to vector<1x16xf32>
        tpu.vector_store %arg19[%swap3A_1489, %swap3A_1490], %swap3A_1493 {strides = array<i32>} : memref<128x64xf32, #tpu.memory_space<vmem>>, vector<1x16xf32>,
        %slice3A_1494 = vector.extract_strided_slice %get3A_995 {offsets = [10], sizes = [1], strides = [1]} : vector<16xf32> to vector<1xf32>
        %squeeze3A_1495 = vector.extract %slice3A_1494[0] : f32 from vector<1xf32>
        %mul3A_1496 = arith.constant 16 : i32
        %mul3A_1497 = arith.muli %scan3A_988, %mul3A_1496 : i32
        %add3A_1498 = arith.constant 10 : i32
        %add3A_1499 = arith.addi %mul3A_1497, %add3A_1498 : i32
        %get3A_1500 = arith.index_cast %add3A_1499 : i32 to index
        %get3A_1501 = arith.constant 0 : index
        %get3A_1502 = tpu.vector_load %arg17[%get3A_1500, %get3A_1501] {strides = array<i32>} : memref<128x64xf32, #tpu.memory_space<vmem>>, vector<1x16xf32>,
        %get3A_1503 = vector.shape_cast %get3A_1502 : vector<1x16xf32> to vector<16xf32>
        %mul3A_1504 = vector.broadcast %squeeze3A_1495 : f32 to vector<16xf32>
        %mul3A_1505 = arith.mulf %get3A_1503, %mul3A_1504 : vector<16xf32>
        %swap3A_1506 = arith.index_cast %add3A_1499 : i32 to index
        %swap3A_1507 = arith.constant 0 : index
        %swap3A_1508 = tpu.vector_load %arg19[%swap3A_1506, %swap3A_1507] {strides = array<i32>} : memref<128x64xf32, #tpu.memory_space<vmem>>, vector<1x16xf32>,
        %swap3A_1509 = vector.shape_cast %swap3A_1508 : vector<1x16xf32> to vector<16xf32>
        %swap3A_1510 = vector.shape_cast %mul3A_1505 : vector<16xf32> to vector<1x16xf32>
        tpu.vector_store %arg19[%swap3A_1506, %swap3A_1507], %swap3A_1510 {strides = array<i32>} : memref<128x64xf32, #tpu.memory_space<vmem>>, vector<1x16xf32>,
        %get3A_1511 = arith.index_cast %add3A_1499 : i32 to index
        %get3A_1512 = arith.constant 16 : index
        %get3A_1513 = tpu.vector_load %arg17[%get3A_1511, %get3A_1512] {strides = array<i32>} : memref<128x64xf32, #tpu.memory_space<vmem>>, vector<1x16xf32>,
        %get3A_1514 = vector.shape_cast %get3A_1513 : vector<1x16xf32> to vector<16xf32>
        %mul3A_1515 = vector.broadcast %squeeze3A_1495 : f32 to vector<16xf32>
        %mul3A_1516 = arith.mulf %get3A_1514, %mul3A_1515 : vector<16xf32>
        %swap3A_1517 = arith.index_cast %add3A_1499 : i32 to index
        %swap3A_1518 = arith.constant 16 : index
        %swap3A_1519 = tpu.vector_load %arg19[%swap3A_1517, %swap3A_1518] {strides = array<i32>} : memref<128x64xf32, #tpu.memory_space<vmem>>, vector<1x16xf32>,
        %swap3A_1520 = vector.shape_cast %swap3A_1519 : vector<1x16xf32> to vector<16xf32>
        %swap3A_1521 = vector.shape_cast %mul3A_1516 : vector<16xf32> to vector<1x16xf32>
        tpu.vector_store %arg19[%swap3A_1517, %swap3A_1518], %swap3A_1521 {strides = array<i32>} : memref<128x64xf32, #tpu.memory_space<vmem>>, vector<1x16xf32>,
        %get3A_1522 = arith.index_cast %add3A_1499 : i32 to index
        %get3A_1523 = arith.constant 32 : index
        %get3A_1524 = tpu.vector_load %arg17[%get3A_1522, %get3A_1523] {strides = array<i32>} : memref<128x64xf32, #tpu.memory_space<vmem>>, vector<1x16xf32>,
        %get3A_1525 = vector.shape_cast %get3A_1524 : vector<1x16xf32> to vector<16xf32>
        %mul3A_1526 = vector.broadcast %squeeze3A_1495 : f32 to vector<16xf32>
        %mul3A_1527 = arith.mulf %get3A_1525, %mul3A_1526 : vector<16xf32>
        %swap3A_1528 = arith.index_cast %add3A_1499 : i32 to index
        %swap3A_1529 = arith.constant 32 : index
        %swap3A_1530 = tpu.vector_load %arg19[%swap3A_1528, %swap3A_1529] {strides = array<i32>} : memref<128x64xf32, #tpu.memory_space<vmem>>, vector<1x16xf32>,
        %swap3A_1531 = vector.shape_cast %swap3A_1530 : vector<1x16xf32> to vector<16xf32>
        %swap3A_1532 = vector.shape_cast %mul3A_1527 : vector<16xf32> to vector<1x16xf32>
        tpu.vector_store %arg19[%swap3A_1528, %swap3A_1529], %swap3A_1532 {strides = array<i32>} : memref<128x64xf32, #tpu.memory_space<vmem>>, vector<1x16xf32>,
        %get3A_1533 = arith.index_cast %add3A_1499 : i32 to index
        %get3A_1534 = arith.constant 48 : index
        %get3A_1535 = tpu.vector_load %arg17[%get3A_1533, %get3A_1534] {strides = array<i32>} : memref<128x64xf32, #tpu.memory_space<vmem>>, vector<1x16xf32>,
        %get3A_1536 = vector.shape_cast %get3A_1535 : vector<1x16xf32> to vector<16xf32>
        %mul3A_1537 = vector.broadcast %squeeze3A_1495 : f32 to vector<16xf32>
        %mul3A_1538 = arith.mulf %get3A_1536, %mul3A_1537 : vector<16xf32>
        %swap3A_1539 = arith.index_cast %add3A_1499 : i32 to index
        %swap3A_1540 = arith.constant 48 : index
        %swap3A_1541 = tpu.vector_load %arg19[%swap3A_1539, %swap3A_1540] {strides = array<i32>} : memref<128x64xf32, #tpu.memory_space<vmem>>, vector<1x16xf32>,
        %swap3A_1542 = vector.shape_cast %swap3A_1541 : vector<1x16xf32> to vector<16xf32>
        %swap3A_1543 = vector.shape_cast %mul3A_1538 : vector<16xf32> to vector<1x16xf32>
        tpu.vector_store %arg19[%swap3A_1539, %swap3A_1540], %swap3A_1543 {strides = array<i32>} : memref<128x64xf32, #tpu.memory_space<vmem>>, vector<1x16xf32>,
        %slice3A_1544 = vector.extract_strided_slice %get3A_995 {offsets = [11], sizes = [1], strides = [1]} : vector<16xf32> to vector<1xf32>
        %squeeze3A_1545 = vector.extract %slice3A_1544[0] : f32 from vector<1xf32>
        %mul3A_1546 = arith.constant 16 : i32
        %mul3A_1547 = arith.muli %scan3A_988, %mul3A_1546 : i32
        %add3A_1548 = arith.constant 11 : i32
        %add3A_1549 = arith.addi %mul3A_1547, %add3A_1548 : i32
        %get3A_1550 = arith.index_cast %add3A_1549 : i32 to index
        %get3A_1551 = arith.constant 0 : index
        %get3A_1552 = tpu.vector_load %arg17[%get3A_1550, %get3A_1551] {strides = array<i32>} : memref<128x64xf32, #tpu.memory_space<vmem>>, vector<1x16xf32>,
        %get3A_1553 = vector.shape_cast %get3A_1552 : vector<1x16xf32> to vector<16xf32>
        %mul3A_1554 = vector.broadcast %squeeze3A_1545 : f32 to vector<16xf32>
        %mul3A_1555 = arith.mulf %get3A_1553, %mul3A_1554 : vector<16xf32>
        %swap3A_1556 = arith.index_cast %add3A_1549 : i32 to index
        %swap3A_1557 = arith.constant 0 : index
        %swap3A_1558 = tpu.vector_load %arg19[%swap3A_1556, %swap3A_1557] {strides = array<i32>} : memref<128x64xf32, #tpu.memory_space<vmem>>, vector<1x16xf32>,
        %swap3A_1559 = vector.shape_cast %swap3A_1558 : vector<1x16xf32> to vector<16xf32>
        %swap3A_1560 = vector.shape_cast %mul3A_1555 : vector<16xf32> to vector<1x16xf32>
        tpu.vector_store %arg19[%swap3A_1556, %swap3A_1557], %swap3A_1560 {strides = array<i32>} : memref<128x64xf32, #tpu.memory_space<vmem>>, vector<1x16xf32>,
        %get3A_1561 = arith.index_cast %add3A_1549 : i32 to index
        %get3A_1562 = arith.constant 16 : index
        %get3A_1563 = tpu.vector_load %arg17[%get3A_1561, %get3A_1562] {strides = array<i32>} : memref<128x64xf32, #tpu.memory_space<vmem>>, vector<1x16xf32>,
        %get3A_1564 = vector.shape_cast %get3A_1563 : vector<1x16xf32> to vector<16xf32>
        %mul3A_1565 = vector.broadcast %squeeze3A_1545 : f32 to vector<16xf32>
        %mul3A_1566 = arith.mulf %get3A_1564, %mul3A_1565 : vector<16xf32>
        %swap3A_1567 = arith.index_cast %add3A_1549 : i32 to index
        %swap3A_1568 = arith.constant 16 : index
        %swap3A_1569 = tpu.vector_load %arg19[%swap3A_1567, %swap3A_1568] {strides = array<i32>} : memref<128x64xf32, #tpu.memory_space<vmem>>, vector<1x16xf32>,
        %swap3A_1570 = vector.shape_cast %swap3A_1569 : vector<1x16xf32> to vector<16xf32>
        %swap3A_1571 = vector.shape_cast %mul3A_1566 : vector<16xf32> to vector<1x16xf32>
        tpu.vector_store %arg19[%swap3A_1567, %swap3A_1568], %swap3A_1571 {strides = array<i32>} : memref<128x64xf32, #tpu.memory_space<vmem>>, vector<1x16xf32>,
        %get3A_1572 = arith.index_cast %add3A_1549 : i32 to index
        %get3A_1573 = arith.constant 32 : index
        %get3A_1574 = tpu.vector_load %arg17[%get3A_1572, %get3A_1573] {strides = array<i32>} : memref<128x64xf32, #tpu.memory_space<vmem>>, vector<1x16xf32>,
        %get3A_1575 = vector.shape_cast %get3A_1574 : vector<1x16xf32> to vector<16xf32>
        %mul3A_1576 = vector.broadcast %squeeze3A_1545 : f32 to vector<16xf32>
        %mul3A_1577 = arith.mulf %get3A_1575, %mul3A_1576 : vector<16xf32>
        %swap3A_1578 = arith.index_cast %add3A_1549 : i32 to index
        %swap3A_1579 = arith.constant 32 : index
        %swap3A_1580 = tpu.vector_load %arg19[%swap3A_1578, %swap3A_1579] {strides = array<i32>} : memref<128x64xf32, #tpu.memory_space<vmem>>, vector<1x16xf32>,
        %swap3A_1581 = vector.shape_cast %swap3A_1580 : vector<1x16xf32> to vector<16xf32>
        %swap3A_1582 = vector.shape_cast %mul3A_1577 : vector<16xf32> to vector<1x16xf32>
        tpu.vector_store %arg19[%swap3A_1578, %swap3A_1579], %swap3A_1582 {strides = array<i32>} : memref<128x64xf32, #tpu.memory_space<vmem>>, vector<1x16xf32>,
        %get3A_1583 = arith.index_cast %add3A_1549 : i32 to index
        %get3A_1584 = arith.constant 48 : index
        %get3A_1585 = tpu.vector_load %arg17[%get3A_1583, %get3A_1584] {strides = array<i32>} : memref<128x64xf32, #tpu.memory_space<vmem>>, vector<1x16xf32>,
        %get3A_1586 = vector.shape_cast %get3A_1585 : vector<1x16xf32> to vector<16xf32>
        %mul3A_1587 = vector.broadcast %squeeze3A_1545 : f32 to vector<16xf32>
        %mul3A_1588 = arith.mulf %get3A_1586, %mul3A_1587 : vector<16xf32>
        %swap3A_1589 = arith.index_cast %add3A_1549 : i32 to index
        %swap3A_1590 = arith.constant 48 : index
        %swap3A_1591 = tpu.vector_load %arg19[%swap3A_1589, %swap3A_1590] {strides = array<i32>} : memref<128x64xf32, #tpu.memory_space<vmem>>, vector<1x16xf32>,
        %swap3A_1592 = vector.shape_cast %swap3A_1591 : vector<1x16xf32> to vector<16xf32>
        %swap3A_1593 = vector.shape_cast %mul3A_1588 : vector<16xf32> to vector<1x16xf32>
        tpu.vector_store %arg19[%swap3A_1589, %swap3A_1590], %swap3A_1593 {strides = array<i32>} : memref<128x64xf32, #tpu.memory_space<vmem>>, vector<1x16xf32>,
        %slice3A_1594 = vector.extract_strided_slice %get3A_995 {offsets = [12], sizes = [1], strides = [1]} : vector<16xf32> to vector<1xf32>
        %squeeze3A_1595 = vector.extract %slice3A_1594[0] : f32 from vector<1xf32>
        %mul3A_1596 = arith.constant 16 : i32
        %mul3A_1597 = arith.muli %scan3A_988, %mul3A_1596 : i32
        %add3A_1598 = arith.constant 12 : i32
        %add3A_1599 = arith.addi %mul3A_1597, %add3A_1598 : i32
        %get3A_1600 = arith.index_cast %add3A_1599 : i32 to index
        %get3A_1601 = arith.constant 0 : index
        %get3A_1602 = tpu.vector_load %arg17[%get3A_1600, %get3A_1601] {strides = array<i32>} : memref<128x64xf32, #tpu.memory_space<vmem>>, vector<1x16xf32>,
        %get3A_1603 = vector.shape_cast %get3A_1602 : vector<1x16xf32> to vector<16xf32>
        %mul3A_1604 = vector.broadcast %squeeze3A_1595 : f32 to vector<16xf32>
        %mul3A_1605 = arith.mulf %get3A_1603, %mul3A_1604 : vector<16xf32>
        %swap3A_1606 = arith.index_cast %add3A_1599 : i32 to index
        %swap3A_1607 = arith.constant 0 : index
        %swap3A_1608 = tpu.vector_load %arg19[%swap3A_1606, %swap3A_1607] {strides = array<i32>} : memref<128x64xf32, #tpu.memory_space<vmem>>, vector<1x16xf32>,
        %swap3A_1609 = vector.shape_cast %swap3A_1608 : vector<1x16xf32> to vector<16xf32>
        %swap3A_1610 = vector.shape_cast %mul3A_1605 : vector<16xf32> to vector<1x16xf32>
        tpu.vector_store %arg19[%swap3A_1606, %swap3A_1607], %swap3A_1610 {strides = array<i32>} : memref<128x64xf32, #tpu.memory_space<vmem>>, vector<1x16xf32>,
        %get3A_1611 = arith.index_cast %add3A_1599 : i32 to index
        %get3A_1612 = arith.constant 16 : index
        %get3A_1613 = tpu.vector_load %arg17[%get3A_1611, %get3A_1612] {strides = array<i32>} : memref<128x64xf32, #tpu.memory_space<vmem>>, vector<1x16xf32>,
        %get3A_1614 = vector.shape_cast %get3A_1613 : vector<1x16xf32> to vector<16xf32>
        %mul3A_1615 = vector.broadcast %squeeze3A_1595 : f32 to vector<16xf32>
        %mul3A_1616 = arith.mulf %get3A_1614, %mul3A_1615 : vector<16xf32>
        %swap3A_1617 = arith.index_cast %add3A_1599 : i32 to index
        %swap3A_1618 = arith.constant 16 : index
        %swap3A_1619 = tpu.vector_load %arg19[%swap3A_1617, %swap3A_1618] {strides = array<i32>} : memref<128x64xf32, #tpu.memory_space<vmem>>, vector<1x16xf32>,
        %swap3A_1620 = vector.shape_cast %swap3A_1619 : vector<1x16xf32> to vector<16xf32>
        %swap3A_1621 = vector.shape_cast %mul3A_1616 : vector<16xf32> to vector<1x16xf32>
        tpu.vector_store %arg19[%swap3A_1617, %swap3A_1618], %swap3A_1621 {strides = array<i32>} : memref<128x64xf32, #tpu.memory_space<vmem>>, vector<1x16xf32>,
        %get3A_1622 = arith.index_cast %add3A_1599 : i32 to index
        %get3A_1623 = arith.constant 32 : index
        %get3A_1624 = tpu.vector_load %arg17[%get3A_1622, %get3A_1623] {strides = array<i32>} : memref<128x64xf32, #tpu.memory_space<vmem>>, vector<1x16xf32>,
        %get3A_1625 = vector.shape_cast %get3A_1624 : vector<1x16xf32> to vector<16xf32>
        %mul3A_1626 = vector.broadcast %squeeze3A_1595 : f32 to vector<16xf32>
        %mul3A_1627 = arith.mulf %get3A_1625, %mul3A_1626 : vector<16xf32>
        %swap3A_1628 = arith.index_cast %add3A_1599 : i32 to index
        %swap3A_1629 = arith.constant 32 : index
        %swap3A_1630 = tpu.vector_load %arg19[%swap3A_1628, %swap3A_1629] {strides = array<i32>} : memref<128x64xf32, #tpu.memory_space<vmem>>, vector<1x16xf32>,
        %swap3A_1631 = vector.shape_cast %swap3A_1630 : vector<1x16xf32> to vector<16xf32>
        %swap3A_1632 = vector.shape_cast %mul3A_1627 : vector<16xf32> to vector<1x16xf32>
        tpu.vector_store %arg19[%swap3A_1628, %swap3A_1629], %swap3A_1632 {strides = array<i32>} : memref<128x64xf32, #tpu.memory_space<vmem>>, vector<1x16xf32>,
        %get3A_1633 = arith.index_cast %add3A_1599 : i32 to index
        %get3A_1634 = arith.constant 48 : index
        %get3A_1635 = tpu.vector_load %arg17[%get3A_1633, %get3A_1634] {strides = array<i32>} : memref<128x64xf32, #tpu.memory_space<vmem>>, vector<1x16xf32>,
        %get3A_1636 = vector.shape_cast %get3A_1635 : vector<1x16xf32> to vector<16xf32>
        %mul3A_1637 = vector.broadcast %squeeze3A_1595 : f32 to vector<16xf32>
        %mul3A_1638 = arith.mulf %get3A_1636, %mul3A_1637 : vector<16xf32>
        %swap3A_1639 = arith.index_cast %add3A_1599 : i32 to index
        %swap3A_1640 = arith.constant 48 : index
        %swap3A_1641 = tpu.vector_load %arg19[%swap3A_1639, %swap3A_1640] {strides = array<i32>} : memref<128x64xf32, #tpu.memory_space<vmem>>, vector<1x16xf32>,
        %swap3A_1642 = vector.shape_cast %swap3A_1641 : vector<1x16xf32> to vector<16xf32>
        %swap3A_1643 = vector.shape_cast %mul3A_1638 : vector<16xf32> to vector<1x16xf32>
        tpu.vector_store %arg19[%swap3A_1639, %swap3A_1640], %swap3A_1643 {strides = array<i32>} : memref<128x64xf32, #tpu.memory_space<vmem>>, vector<1x16xf32>,
        %slice3A_1644 = vector.extract_strided_slice %get3A_995 {offsets = [13], sizes = [1], strides = [1]} : vector<16xf32> to vector<1xf32>
        %squeeze3A_1645 = vector.extract %slice3A_1644[0] : f32 from vector<1xf32>
        %mul3A_1646 = arith.constant 16 : i32
        %mul3A_1647 = arith.muli %scan3A_988, %mul3A_1646 : i32
        %add3A_1648 = arith.constant 13 : i32
        %add3A_1649 = arith.addi %mul3A_1647, %add3A_1648 : i32
        %get3A_1650 = arith.index_cast %add3A_1649 : i32 to index
        %get3A_1651 = arith.constant 0 : index
        %get3A_1652 = tpu.vector_load %arg17[%get3A_1650, %get3A_1651] {strides = array<i32>} : memref<128x64xf32, #tpu.memory_space<vmem>>, vector<1x16xf32>,
        %get3A_1653 = vector.shape_cast %get3A_1652 : vector<1x16xf32> to vector<16xf32>
        %mul3A_1654 = vector.broadcast %squeeze3A_1645 : f32 to vector<16xf32>
        %mul3A_1655 = arith.mulf %get3A_1653, %mul3A_1654 : vector<16xf32>
        %swap3A_1656 = arith.index_cast %add3A_1649 : i32 to index
        %swap3A_1657 = arith.constant 0 : index
        %swap3A_1658 = tpu.vector_load %arg19[%swap3A_1656, %swap3A_1657] {strides = array<i32>} : memref<128x64xf32, #tpu.memory_space<vmem>>, vector<1x16xf32>,
        %swap3A_1659 = vector.shape_cast %swap3A_1658 : vector<1x16xf32> to vector<16xf32>
        %swap3A_1660 = vector.shape_cast %mul3A_1655 : vector<16xf32> to vector<1x16xf32>
        tpu.vector_store %arg19[%swap3A_1656, %swap3A_1657], %swap3A_1660 {strides = array<i32>} : memref<128x64xf32, #tpu.memory_space<vmem>>, vector<1x16xf32>,
        %get3A_1661 = arith.index_cast %add3A_1649 : i32 to index
        %get3A_1662 = arith.constant 16 : index
        %get3A_1663 = tpu.vector_load %arg17[%get3A_1661, %get3A_1662] {strides = array<i32>} : memref<128x64xf32, #tpu.memory_space<vmem>>, vector<1x16xf32>,
        %get3A_1664 = vector.shape_cast %get3A_1663 : vector<1x16xf32> to vector<16xf32>
        %mul3A_1665 = vector.broadcast %squeeze3A_1645 : f32 to vector<16xf32>
        %mul3A_1666 = arith.mulf %get3A_1664, %mul3A_1665 : vector<16xf32>
        %swap3A_1667 = arith.index_cast %add3A_1649 : i32 to index
        %swap3A_1668 = arith.constant 16 : index
        %swap3A_1669 = tpu.vector_load %arg19[%swap3A_1667, %swap3A_1668] {strides = array<i32>} : memref<128x64xf32, #tpu.memory_space<vmem>>, vector<1x16xf32>,
        %swap3A_1670 = vector.shape_cast %swap3A_1669 : vector<1x16xf32> to vector<16xf32>
        %swap3A_1671 = vector.shape_cast %mul3A_1666 : vector<16xf32> to vector<1x16xf32>
        tpu.vector_store %arg19[%swap3A_1667, %swap3A_1668], %swap3A_1671 {strides = array<i32>} : memref<128x64xf32, #tpu.memory_space<vmem>>, vector<1x16xf32>,
        %get3A_1672 = arith.index_cast %add3A_1649 : i32 to index
        %get3A_1673 = arith.constant 32 : index
        %get3A_1674 = tpu.vector_load %arg17[%get3A_1672, %get3A_1673] {strides = array<i32>} : memref<128x64xf32, #tpu.memory_space<vmem>>, vector<1x16xf32>,
        %get3A_1675 = vector.shape_cast %get3A_1674 : vector<1x16xf32> to vector<16xf32>
        %mul3A_1676 = vector.broadcast %squeeze3A_1645 : f32 to vector<16xf32>
        %mul3A_1677 = arith.mulf %get3A_1675, %mul3A_1676 : vector<16xf32>
        %swap3A_1678 = arith.index_cast %add3A_1649 : i32 to index
        %swap3A_1679 = arith.constant 32 : index
        %swap3A_1680 = tpu.vector_load %arg19[%swap3A_1678, %swap3A_1679] {strides = array<i32>} : memref<128x64xf32, #tpu.memory_space<vmem>>, vector<1x16xf32>,
        %swap3A_1681 = vector.shape_cast %swap3A_1680 : vector<1x16xf32> to vector<16xf32>
        %swap3A_1682 = vector.shape_cast %mul3A_1677 : vector<16xf32> to vector<1x16xf32>
        tpu.vector_store %arg19[%swap3A_1678, %swap3A_1679], %swap3A_1682 {strides = array<i32>} : memref<128x64xf32, #tpu.memory_space<vmem>>, vector<1x16xf32>,
        %get3A_1683 = arith.index_cast %add3A_1649 : i32 to index
        %get3A_1684 = arith.constant 48 : index
        %get3A_1685 = tpu.vector_load %arg17[%get3A_1683, %get3A_1684] {strides = array<i32>} : memref<128x64xf32, #tpu.memory_space<vmem>>, vector<1x16xf32>,
        %get3A_1686 = vector.shape_cast %get3A_1685 : vector<1x16xf32> to vector<16xf32>
        %mul3A_1687 = vector.broadcast %squeeze3A_1645 : f32 to vector<16xf32>
        %mul3A_1688 = arith.mulf %get3A_1686, %mul3A_1687 : vector<16xf32>
        %swap3A_1689 = arith.index_cast %add3A_1649 : i32 to index
        %swap3A_1690 = arith.constant 48 : index
        %swap3A_1691 = tpu.vector_load %arg19[%swap3A_1689, %swap3A_1690] {strides = array<i32>} : memref<128x64xf32, #tpu.memory_space<vmem>>, vector<1x16xf32>,
        %swap3A_1692 = vector.shape_cast %swap3A_1691 : vector<1x16xf32> to vector<16xf32>
        %swap3A_1693 = vector.shape_cast %mul3A_1688 : vector<16xf32> to vector<1x16xf32>
        tpu.vector_store %arg19[%swap3A_1689, %swap3A_1690], %swap3A_1693 {strides = array<i32>} : memref<128x64xf32, #tpu.memory_space<vmem>>, vector<1x16xf32>,
        %slice3A_1694 = vector.extract_strided_slice %get3A_995 {offsets = [14], sizes = [1], strides = [1]} : vector<16xf32> to vector<1xf32>
        %squeeze3A_1695 = vector.extract %slice3A_1694[0] : f32 from vector<1xf32>
        %mul3A_1696 = arith.constant 16 : i32
        %mul3A_1697 = arith.muli %scan3A_988, %mul3A_1696 : i32
        %add3A_1698 = arith.constant 14 : i32
        %add3A_1699 = arith.addi %mul3A_1697, %add3A_1698 : i32
        %get3A_1700 = arith.index_cast %add3A_1699 : i32 to index
        %get3A_1701 = arith.constant 0 : index
        %get3A_1702 = tpu.vector_load %arg17[%get3A_1700, %get3A_1701] {strides = array<i32>} : memref<128x64xf32, #tpu.memory_space<vmem>>, vector<1x16xf32>,
        %get3A_1703 = vector.shape_cast %get3A_1702 : vector<1x16xf32> to vector<16xf32>
        %mul3A_1704 = vector.broadcast %squeeze3A_1695 : f32 to vector<16xf32>
        %mul3A_1705 = arith.mulf %get3A_1703, %mul3A_1704 : vector<16xf32>
        %swap3A_1706 = arith.index_cast %add3A_1699 : i32 to index
        %swap3A_1707 = arith.constant 0 : index
        %swap3A_1708 = tpu.vector_load %arg19[%swap3A_1706, %swap3A_1707] {strides = array<i32>} : memref<128x64xf32, #tpu.memory_space<vmem>>, vector<1x16xf32>,
        %swap3A_1709 = vector.shape_cast %swap3A_1708 : vector<1x16xf32> to vector<16xf32>
        %swap3A_1710 = vector.shape_cast %mul3A_1705 : vector<16xf32> to vector<1x16xf32>
        tpu.vector_store %arg19[%swap3A_1706, %swap3A_1707], %swap3A_1710 {strides = array<i32>} : memref<128x64xf32, #tpu.memory_space<vmem>>, vector<1x16xf32>,
        %get3A_1711 = arith.index_cast %add3A_1699 : i32 to index
        %get3A_1712 = arith.constant 16 : index
        %get3A_1713 = tpu.vector_load %arg17[%get3A_1711, %get3A_1712] {strides = array<i32>} : memref<128x64xf32, #tpu.memory_space<vmem>>, vector<1x16xf32>,
        %get3A_1714 = vector.shape_cast %get3A_1713 : vector<1x16xf32> to vector<16xf32>
        %mul3A_1715 = vector.broadcast %squeeze3A_1695 : f32 to vector<16xf32>
        %mul3A_1716 = arith.mulf %get3A_1714, %mul3A_1715 : vector<16xf32>
        %swap3A_1717 = arith.index_cast %add3A_1699 : i32 to index
        %swap3A_1718 = arith.constant 16 : index
        %swap3A_1719 = tpu.vector_load %arg19[%swap3A_1717, %swap3A_1718] {strides = array<i32>} : memref<128x64xf32, #tpu.memory_space<vmem>>, vector<1x16xf32>,
        %swap3A_1720 = vector.shape_cast %swap3A_1719 : vector<1x16xf32> to vector<16xf32>
        %swap3A_1721 = vector.shape_cast %mul3A_1716 : vector<16xf32> to vector<1x16xf32>
        tpu.vector_store %arg19[%swap3A_1717, %swap3A_1718], %swap3A_1721 {strides = array<i32>} : memref<128x64xf32, #tpu.memory_space<vmem>>, vector<1x16xf32>,
        %get3A_1722 = arith.index_cast %add3A_1699 : i32 to index
        %get3A_1723 = arith.constant 32 : index
        %get3A_1724 = tpu.vector_load %arg17[%get3A_1722, %get3A_1723] {strides = array<i32>} : memref<128x64xf32, #tpu.memory_space<vmem>>, vector<1x16xf32>,
        %get3A_1725 = vector.shape_cast %get3A_1724 : vector<1x16xf32> to vector<16xf32>
        %mul3A_1726 = vector.broadcast %squeeze3A_1695 : f32 to vector<16xf32>
        %mul3A_1727 = arith.mulf %get3A_1725, %mul3A_1726 : vector<16xf32>
        %swap3A_1728 = arith.index_cast %add3A_1699 : i32 to index
        %swap3A_1729 = arith.constant 32 : index
        %swap3A_1730 = tpu.vector_load %arg19[%swap3A_1728, %swap3A_1729] {strides = array<i32>} : memref<128x64xf32, #tpu.memory_space<vmem>>, vector<1x16xf32>,
        %swap3A_1731 = vector.shape_cast %swap3A_1730 : vector<1x16xf32> to vector<16xf32>
        %swap3A_1732 = vector.shape_cast %mul3A_1727 : vector<16xf32> to vector<1x16xf32>
        tpu.vector_store %arg19[%swap3A_1728, %swap3A_1729], %swap3A_1732 {strides = array<i32>} : memref<128x64xf32, #tpu.memory_space<vmem>>, vector<1x16xf32>,
        %get3A_1733 = arith.index_cast %add3A_1699 : i32 to index
        %get3A_1734 = arith.constant 48 : index
        %get3A_1735 = tpu.vector_load %arg17[%get3A_1733, %get3A_1734] {strides = array<i32>} : memref<128x64xf32, #tpu.memory_space<vmem>>, vector<1x16xf32>,
        %get3A_1736 = vector.shape_cast %get3A_1735 : vector<1x16xf32> to vector<16xf32>
        %mul3A_1737 = vector.broadcast %squeeze3A_1695 : f32 to vector<16xf32>
        %mul3A_1738 = arith.mulf %get3A_1736, %mul3A_1737 : vector<16xf32>
        %swap3A_1739 = arith.index_cast %add3A_1699 : i32 to index
        %swap3A_1740 = arith.constant 48 : index
        %swap3A_1741 = tpu.vector_load %arg19[%swap3A_1739, %swap3A_1740] {strides = array<i32>} : memref<128x64xf32, #tpu.memory_space<vmem>>, vector<1x16xf32>,
        %swap3A_1742 = vector.shape_cast %swap3A_1741 : vector<1x16xf32> to vector<16xf32>
        %swap3A_1743 = vector.shape_cast %mul3A_1738 : vector<16xf32> to vector<1x16xf32>
        tpu.vector_store %arg19[%swap3A_1739, %swap3A_1740], %swap3A_1743 {strides = array<i32>} : memref<128x64xf32, #tpu.memory_space<vmem>>, vector<1x16xf32>,
        %slice3A_1744 = vector.extract_strided_slice %get3A_995 {offsets = [15], sizes = [1], strides = [1]} : vector<16xf32> to vector<1xf32>
        %squeeze3A_1745 = vector.extract %slice3A_1744[0] : f32 from vector<1xf32>
        %mul3A_1746 = arith.constant 16 : i32
        %mul3A_1747 = arith.muli %scan3A_988, %mul3A_1746 : i32
        %add3A_1748 = arith.constant 15 : i32
        %add3A_1749 = arith.addi %mul3A_1747, %add3A_1748 : i32
        %get3A_1750 = arith.index_cast %add3A_1749 : i32 to index
        %get3A_1751 = arith.constant 0 : index
        %get3A_1752 = tpu.vector_load %arg17[%get3A_1750, %get3A_1751] {strides = array<i32>} : memref<128x64xf32, #tpu.memory_space<vmem>>, vector<1x16xf32>,
        %get3A_1753 = vector.shape_cast %get3A_1752 : vector<1x16xf32> to vector<16xf32>
        %mul3A_1754 = vector.broadcast %squeeze3A_1745 : f32 to vector<16xf32>
        %mul3A_1755 = arith.mulf %get3A_1753, %mul3A_1754 : vector<16xf32>
        %swap3A_1756 = arith.index_cast %add3A_1749 : i32 to index
        %swap3A_1757 = arith.constant 0 : index
        %swap3A_1758 = tpu.vector_load %arg19[%swap3A_1756, %swap3A_1757] {strides = array<i32>} : memref<128x64xf32, #tpu.memory_space<vmem>>, vector<1x16xf32>,
        %swap3A_1759 = vector.shape_cast %swap3A_1758 : vector<1x16xf32> to vector<16xf32>
        %swap3A_1760 = vector.shape_cast %mul3A_1755 : vector<16xf32> to vector<1x16xf32>
        tpu.vector_store %arg19[%swap3A_1756, %swap3A_1757], %swap3A_1760 {strides = array<i32>} : memref<128x64xf32, #tpu.memory_space<vmem>>, vector<1x16xf32>,
        %get3A_1761 = arith.index_cast %add3A_1749 : i32 to index
        %get3A_1762 = arith.constant 16 : index
        %get3A_1763 = tpu.vector_load %arg17[%get3A_1761, %get3A_1762] {strides = array<i32>} : memref<128x64xf32, #tpu.memory_space<vmem>>, vector<1x16xf32>,
        %get3A_1764 = vector.shape_cast %get3A_1763 : vector<1x16xf32> to vector<16xf32>
        %mul3A_1765 = vector.broadcast %squeeze3A_1745 : f32 to vector<16xf32>
        %mul3A_1766 = arith.mulf %get3A_1764, %mul3A_1765 : vector<16xf32>
        %swap3A_1767 = arith.index_cast %add3A_1749 : i32 to index
        %swap3A_1768 = arith.constant 16 : index
        %swap3A_1769 = tpu.vector_load %arg19[%swap3A_1767, %swap3A_1768] {strides = array<i32>} : memref<128x64xf32, #tpu.memory_space<vmem>>, vector<1x16xf32>,
        %swap3A_1770 = vector.shape_cast %swap3A_1769 : vector<1x16xf32> to vector<16xf32>
        %swap3A_1771 = vector.shape_cast %mul3A_1766 : vector<16xf32> to vector<1x16xf32>
        tpu.vector_store %arg19[%swap3A_1767, %swap3A_1768], %swap3A_1771 {strides = array<i32>} : memref<128x64xf32, #tpu.memory_space<vmem>>, vector<1x16xf32>,
        %get3A_1772 = arith.index_cast %add3A_1749 : i32 to index
        %get3A_1773 = arith.constant 32 : index
        %get3A_1774 = tpu.vector_load %arg17[%get3A_1772, %get3A_1773] {strides = array<i32>} : memref<128x64xf32, #tpu.memory_space<vmem>>, vector<1x16xf32>,
        %get3A_1775 = vector.shape_cast %get3A_1774 : vector<1x16xf32> to vector<16xf32>
        %mul3A_1776 = vector.broadcast %squeeze3A_1745 : f32 to vector<16xf32>
        %mul3A_1777 = arith.mulf %get3A_1775, %mul3A_1776 : vector<16xf32>
        %swap3A_1778 = arith.index_cast %add3A_1749 : i32 to index
        %swap3A_1779 = arith.constant 32 : index
        %swap3A_1780 = tpu.vector_load %arg19[%swap3A_1778, %swap3A_1779] {strides = array<i32>} : memref<128x64xf32, #tpu.memory_space<vmem>>, vector<1x16xf32>,
        %swap3A_1781 = vector.shape_cast %swap3A_1780 : vector<1x16xf32> to vector<16xf32>
        %swap3A_1782 = vector.shape_cast %mul3A_1777 : vector<16xf32> to vector<1x16xf32>
        tpu.vector_store %arg19[%swap3A_1778, %swap3A_1779], %swap3A_1782 {strides = array<i32>} : memref<128x64xf32, #tpu.memory_space<vmem>>, vector<1x16xf32>,
        %get3A_1783 = arith.index_cast %add3A_1749 : i32 to index
        %get3A_1784 = arith.constant 48 : index
        %get3A_1785 = tpu.vector_load %arg17[%get3A_1783, %get3A_1784] {strides = array<i32>} : memref<128x64xf32, #tpu.memory_space<vmem>>, vector<1x16xf32>,
        %get3A_1786 = vector.shape_cast %get3A_1785 : vector<1x16xf32> to vector<16xf32>
        %mul3A_1787 = vector.broadcast %squeeze3A_1745 : f32 to vector<16xf32>
        %mul3A_1788 = arith.mulf %get3A_1786, %mul3A_1787 : vector<16xf32>
        %swap3A_1789 = arith.index_cast %add3A_1749 : i32 to index
        %swap3A_1790 = arith.constant 48 : index
        %swap3A_1791 = tpu.vector_load %arg19[%swap3A_1789, %swap3A_1790] {strides = array<i32>} : memref<128x64xf32, #tpu.memory_space<vmem>>, vector<1x16xf32>,
        %swap3A_1792 = vector.shape_cast %swap3A_1791 : vector<1x16xf32> to vector<16xf32>
        %swap3A_1793 = vector.shape_cast %mul3A_1788 : vector<16xf32> to vector<1x16xf32>
        tpu.vector_store %arg19[%swap3A_1789, %swap3A_1790], %swap3A_1793 {strides = array<i32>} : memref<128x64xf32, #tpu.memory_space<vmem>>, vector<1x16xf32>,
      }
      %scan3A_980 = arith.constant 8 : i32
      %dma_start3A_981 = arith.constant 1 : i32
      %dma_start3A_982 = arith.constant 0 : i32
      %dma_start3A_983 = tpu.memref_slice %arg12[%dma_start3A_981, %dma_start3A_982] : memref<2x128xi32, #tpu.memory_space<vmem>> -> memref<1x128xi32, #tpu.memory_space<vmem>>
      %dma_start3A_984 = tpu.memref_squeeze %dma_start3A_983 : memref<1x128xi32, #tpu.memory_space<vmem>> -> memref<128xi32, #tpu.memory_space<vmem>>
      %dma_start3A_985 = arith.constant 0 : i32
      %dma_start3A_986 = arith.constant 0 : i32
      %dma_start3A_987 = tpu.memref_slice %arg22[%dma_start3A_985, %dma_start3A_986] : memref<10240x64xf32, #tpu.memory_space<vmem_shared>> -> memref<10240x64xf32, #tpu.memory_space<vmem_shared>>
      tpu.enqueue_indirect_dma source(%arg19 : memref<128x64xf32, #tpu.memory_space<vmem>>) target(%dma_start3A_987 : memref<10240x64xf32, #tpu.memory_space<vmem_shared>>) offsets(%dma_start3A_984 : memref<128xi32, #tpu.memory_space<vmem>>) semaphore(%arg35 : memref<!tpu.dma_semaphore, #tpu.memory_space<semaphore_mem>>) {add = true}
    }
    %scan3A_193 = arith.constant 80 : i32
    %eq3A = arith.constant 1 : i32
    %eq3A_194 = arith.cmpi eq, %arg0, %eq3A : i32
    %convert_element_type3A = arith.extui %eq3A_194 : i1 to i32
    %cond3A = arith.constant 0 : i32
    %cond3A_195 = arith.cmpi ne, %convert_element_type3A, %cond3A : i32
    scf.if %cond3A_195 {
      %dma_wait3A_216 = arith.constant 0 : i32
      %dma_wait3A_217 = arith.constant 0 : i32
      %dma_wait3A_218 = arith.constant 0 : i32
      %dma_wait3A_219 = tpu.memref_slice %arg15[%dma_wait3A_216, %dma_wait3A_218] : memref<2x128xf32, #tpu.memory_space<vmem>> -> memref<1x128xf32, #tpu.memory_space<vmem>>
      %dma_wait3A_220 = tpu.memref_squeeze %dma_wait3A_219 : memref<1x128xf32, #tpu.memory_space<vmem>> -> memref<128xf32, #tpu.memory_space<vmem>>
      %dma_wait3A_221 = arith.constant 0 : i32
      %dma_wait3A_222 = tpu.memref_slice %arg12[%dma_wait3A_217, %dma_wait3A_221] : memref<2x128xi32, #tpu.memory_space<vmem>> -> memref<1x128xi32, #tpu.memory_space<vmem>>
      %dma_wait3A_223 = tpu.memref_squeeze %dma_wait3A_222 : memref<1x128xi32, #tpu.memory_space<vmem>> -> memref<128xi32, #tpu.memory_space<vmem>>
      %dma_wait3A_224 = arith.constant 0 : i32
      %dma_wait3A_225 = tpu.memref_slice %arg25[%dma_wait3A_224] : memref<10240xf32, #tpu.memory_space<vmem_shared>> -> memref<10240xf32, #tpu.memory_space<vmem_shared>>
      tpu.wait_indirect_dma semaphore(%arg36 : memref<!tpu.dma_semaphore, #tpu.memory_space<semaphore_mem>>) src(%dma_wait3A_220 : memref<128xf32, #tpu.memory_space<vmem>>) dst(%dma_wait3A_225 : memref<10240xf32, #tpu.memory_space<vmem_shared>>)
    } else {
    }
    %dma_wait3A_196 = arith.constant 0 : i32
    %dma_wait3A_197 = arith.constant 0 : i32
    %dma_wait3A_198 = tpu.memref_slice %arg12[%dma_wait3A_196, %dma_wait3A_197] : memref<2x128xi32, #tpu.memory_space<vmem>> -> memref<1x128xi32, #tpu.memory_space<vmem>>
    %dma_wait3A_199 = tpu.memref_squeeze %dma_wait3A_198 : memref<1x128xi32, #tpu.memory_space<vmem>> -> memref<128xi32, #tpu.memory_space<vmem>>
    %dma_wait3A_200 = arith.constant 0 : i32
    %dma_wait3A_201 = arith.constant 0 : i32
    %dma_wait3A_202 = tpu.memref_slice %arg22[%dma_wait3A_200, %dma_wait3A_201] : memref<10240x64xf32, #tpu.memory_space<vmem_shared>> -> memref<10240x64xf32, #tpu.memory_space<vmem_shared>>
    tpu.wait_indirect_dma semaphore(%arg34 : memref<!tpu.dma_semaphore, #tpu.memory_space<semaphore_mem>>) src(%arg18 : memref<128x64xf32, #tpu.memory_space<vmem>>) dst(%dma_wait3A_202 : memref<10240x64xf32, #tpu.memory_space<vmem_shared>>)
    %eq3A_203 = arith.constant 1 : i32
    %eq3A_204 = arith.cmpi eq, %arg0, %eq3A_203 : i32
    %convert_element_type3A_205 = arith.extui %eq3A_204 : i1 to i32
    %cond3A_206 = arith.constant 0 : i32
    %cond3A_207 = arith.cmpi ne, %convert_element_type3A_205, %cond3A_206 : i32
    scf.if %cond3A_207 {
      %dma_wait3A_216 = arith.constant 1 : i32
      %dma_wait3A_217 = arith.constant 0 : i32
      %dma_wait3A_218 = arith.constant 0 : i32
      %dma_wait3A_219 = tpu.memref_slice %arg15[%dma_wait3A_216, %dma_wait3A_218] : memref<2x128xf32, #tpu.memory_space<vmem>> -> memref<1x128xf32, #tpu.memory_space<vmem>>
      %dma_wait3A_220 = tpu.memref_squeeze %dma_wait3A_219 : memref<1x128xf32, #tpu.memory_space<vmem>> -> memref<128xf32, #tpu.memory_space<vmem>>
      %dma_wait3A_221 = arith.constant 0 : i32
      %dma_wait3A_222 = tpu.memref_slice %arg12[%dma_wait3A_217, %dma_wait3A_221] : memref<2x128xi32, #tpu.memory_space<vmem>> -> memref<1x128xi32, #tpu.memory_space<vmem>>
      %dma_wait3A_223 = tpu.memref_squeeze %dma_wait3A_222 : memref<1x128xi32, #tpu.memory_space<vmem>> -> memref<128xi32, #tpu.memory_space<vmem>>
      %dma_wait3A_224 = arith.constant 0 : i32
      %dma_wait3A_225 = tpu.memref_slice %arg25[%dma_wait3A_224] : memref<10240xf32, #tpu.memory_space<vmem_shared>> -> memref<10240xf32, #tpu.memory_space<vmem_shared>>
      tpu.wait_indirect_dma semaphore(%arg37 : memref<!tpu.dma_semaphore, #tpu.memory_space<semaphore_mem>>) src(%dma_wait3A_220 : memref<128xf32, #tpu.memory_space<vmem>>) dst(%dma_wait3A_225 : memref<10240xf32, #tpu.memory_space<vmem_shared>>)
    } else {
    }
    %dma_wait3A_208 = arith.constant 0 : i32
    %dma_wait3A_209 = arith.constant 0 : i32
    %dma_wait3A_210 = tpu.memref_slice %arg12[%dma_wait3A_208, %dma_wait3A_209] : memref<2x128xi32, #tpu.memory_space<vmem>> -> memref<1x128xi32, #tpu.memory_space<vmem>>
    %dma_wait3A_211 = tpu.memref_squeeze %dma_wait3A_210 : memref<1x128xi32, #tpu.memory_space<vmem>> -> memref<128xi32, #tpu.memory_space<vmem>>
    %dma_wait3A_212 = arith.constant 0 : i32
    %dma_wait3A_213 = arith.constant 0 : i32
    %dma_wait3A_214 = tpu.memref_slice %arg22[%dma_wait3A_212, %dma_wait3A_213] : memref<10240x64xf32, #tpu.memory_space<vmem_shared>> -> memref<10240x64xf32, #tpu.memory_space<vmem_shared>>
    tpu.wait_indirect_dma semaphore(%arg35 : memref<!tpu.dma_semaphore, #tpu.memory_space<semaphore_mem>>) src(%arg19 : memref<128x64xf32, #tpu.memory_space<vmem>>) dst(%dma_wait3A_214 : memref<10240x64xf32, #tpu.memory_space<vmem_shared>>)
    %barrier3A_215 = arith.constant 0 : index
    tpu.barrier barrier_id(%barrier3A_215)
    "tpu.region"() ({
      %run_scoped3A_216 = tpu.sem_alloc : memref<!tpu.dma_semaphore, #tpu.memory_space<semaphore_mem>>
      %dma_start3A_217 = arith.constant 0 : i32
      %dma_start3A_218 = tpu.memref_slice %arg8[%arg0, %mul3A_0, %dma_start3A_217] : memref<2x10240x64xf32, #tpu.memory_space<hbm>> -> memref<1x640x64xf32, #tpu.memory_space<hbm>>
      %dma_start3A_219 = tpu.memref_squeeze %dma_start3A_218 : memref<1x640x64xf32, #tpu.memory_space<hbm>> -> memref<640x64xf32, #tpu.memory_space<hbm>>
      %dma_start3A_220 = arith.constant 0 : i32
      %dma_start3A_221 = tpu.memref_slice %arg22[%mul3A_0, %dma_start3A_220] : memref<10240x64xf32, #tpu.memory_space<vmem_shared>> -> memref<640x64xf32, #tpu.memory_space<vmem_shared>>
      tpu.enqueue_dma source(%dma_start3A_221 : memref<640x64xf32, #tpu.memory_space<vmem_shared>>) target(%dma_start3A_219 : memref<640x64xf32, #tpu.memory_space<hbm>>) target_semaphore(%run_scoped3A_216 : memref<!tpu.dma_semaphore, #tpu.memory_space<semaphore_mem>>)
      %dma_wait3A_222 = arith.constant 0 : i32
      %dma_wait3A_223 = tpu.memref_slice %arg8[%arg0, %mul3A_0, %dma_wait3A_222] : memref<2x10240x64xf32, #tpu.memory_space<hbm>> -> memref<1x640x64xf32, #tpu.memory_space<hbm>>
      %dma_wait3A_224 = tpu.memref_squeeze %dma_wait3A_223 : memref<1x640x64xf32, #tpu.memory_space<hbm>> -> memref<640x64xf32, #tpu.memory_space<hbm>>
      %dma_wait3A_225 = arith.constant 0 : i32
      %dma_wait3A_226 = tpu.memref_slice %arg22[%mul3A_0, %dma_wait3A_225] : memref<10240x64xf32, #tpu.memory_space<vmem_shared>> -> memref<640x64xf32, #tpu.memory_space<vmem_shared>>
      tpu.wait_dma2 semaphore(%run_scoped3A_216 : memref<!tpu.dma_semaphore, #tpu.memory_space<semaphore_mem>>) src(%dma_wait3A_226 : memref<640x64xf32, #tpu.memory_space<vmem_shared>>) dst(%dma_wait3A_224 : memref<640x64xf32, #tpu.memory_space<hbm>>)
      tpu.yield
    }) : () -> ()
    "tpu.region"() ({
      %run_scoped3A_216 = tpu.sem_alloc : memref<!tpu.dma_semaphore, #tpu.memory_space<semaphore_mem>>
      %dma_start3A_217 = tpu.memref_slice %arg9[%arg0, %mul3A_0] : memref<2x10240xf32, #tpu.memory_space<hbm>> -> memref<1x640xf32, #tpu.memory_space<hbm>>
      %dma_start3A_218 = tpu.memref_squeeze %dma_start3A_217 : memref<1x640xf32, #tpu.memory_space<hbm>> -> memref<640xf32, #tpu.memory_space<hbm>>
      %dma_start3A_219 = tpu.memref_slice %arg25[%mul3A_0] : memref<10240xf32, #tpu.memory_space<vmem_shared>> -> memref<640xf32, #tpu.memory_space<vmem_shared>>
      tpu.enqueue_dma source(%dma_start3A_219 : memref<640xf32, #tpu.memory_space<vmem_shared>>) target(%dma_start3A_218 : memref<640xf32, #tpu.memory_space<hbm>>) target_semaphore(%run_scoped3A_216 : memref<!tpu.dma_semaphore, #tpu.memory_space<semaphore_mem>>)
      %dma_wait3A_220 = tpu.memref_slice %arg9[%arg0, %mul3A_0] : memref<2x10240xf32, #tpu.memory_space<hbm>> -> memref<1x640xf32, #tpu.memory_space<hbm>>
      %dma_wait3A_221 = tpu.memref_squeeze %dma_wait3A_220 : memref<1x640xf32, #tpu.memory_space<hbm>> -> memref<640xf32, #tpu.memory_space<hbm>>
      %dma_wait3A_222 = tpu.memref_slice %arg25[%mul3A_0] : memref<10240xf32, #tpu.memory_space<vmem_shared>> -> memref<640xf32, #tpu.memory_space<vmem_shared>>
      tpu.wait_dma2 semaphore(%run_scoped3A_216 : memref<!tpu.dma_semaphore, #tpu.memory_space<semaphore_mem>>) src(%dma_wait3A_222 : memref<640xf32, #tpu.memory_space<vmem_shared>>) dst(%dma_wait3A_221 : memref<640xf32, #tpu.memory_space<hbm>>)
      tpu.yield
    }) : () -> ()
    return
  }
}

module attributes {stable_mosaic.version = 14 : i64} {
  func.func @body(%arg0: i32, %arg1: memref<640x128xf32, #tpu.memory_space<vmem>>, %arg2: memref<128x128xf32, #tpu.memory_space<vmem>>, %arg3: memref<1x256xf32, #tpu.memory_space<vmem>>, %arg4: memref<2x640x64xf32, #tpu.memory_space<vmem>>, %arg5: memref<640x1xf32, #tpu.memory_space<vmem>>, %arg6: memref<640x1xf32, #tpu.memory_space<vmem>>) attributes {dimension_semantics = [#tpu.dimension_semantics<arbitrary>], iteration_bounds = array<i64: 16>, scalar_prefetch = 0 : i64, scratch_operands = 0 : i64, tpu.core_type = #tpu.core_type<tc>, window_params = [{transform_indices = @transform_0, window_bounds = array<i64: 640, 128>}, {pipeline_mode = #tpu.pipeline_mode<synchronous>, transform_indices = @transform_1, window_bounds = array<i64: 128, 128>}, {pipeline_mode = #tpu.pipeline_mode<synchronous>, transform_indices = @transform_2, window_bounds = array<i64: 1, 256>}, {transform_indices = @transform_3, window_bounds = array<i64: 2, 640, 64>}, {transform_indices = @transform_4, window_bounds = array<i64: 640, 1>}, {transform_indices = @transform_5, window_bounds = array<i64: 640, 1>}]} {
    %get3A = arith.constant 0 : index
    %get3A_0 = arith.constant 0 : index
    %get3A_1 = vector.load %arg1[%get3A, %get3A_0] : memref<640x128xf32, #tpu.memory_space<vmem>>, vector<640x128xf32>
    %get3A_2 = arith.constant 0 : index
    %get3A_3 = arith.constant 0 : index
    %get3A_4 = vector.load %arg2[%get3A_2, %get3A_3] : memref<128x128xf32, #tpu.memory_space<vmem>>, vector<128x128xf32>
    %dot_general3A = arith.constant dense<0.000000e+00> : vector<640x128xf32>
    %dot_general3A_5 = tpu.matmul %get3A_1, %get3A_4, %dot_general3A {dimension_numbers = #tpu.dot_dimension_numbers<[1], [1], [0], [0], [0, 0, 1, 0], [], []>, transpose_lhs_hint = false} : vector<640x128xf32>, vector<128x128xf32>, vector<640x128xf32> -> vector<640x128xf32>
    %slice3A = vector.extract_strided_slice %dot_general3A_5 {offsets = [0, 0], sizes = [640, 64], strides = [1, 1]} : vector<640x128xf32> to vector<640x64xf32>
    %swap3A = arith.constant 0 : index
    %swap3A_6 = arith.constant 0 : index
    %swap3A_7 = arith.constant 0 : index
    %swap3A_8 = vector.load %arg4[%swap3A, %swap3A_6, %swap3A_7] : memref<2x640x64xf32, #tpu.memory_space<vmem>>, vector<1x640x64xf32>
    %swap3A_9 = vector.shape_cast %swap3A_8 : vector<1x640x64xf32> to vector<640x64xf32>
    %swap3A_10 = vector.shape_cast %slice3A : vector<640x64xf32> to vector<1x640x64xf32>
    tpu.vector_store %arg4[%swap3A, %swap3A_6, %swap3A_7], %swap3A_10 {strides = array<i32>} : memref<2x640x64xf32, #tpu.memory_space<vmem>>, vector<1x640x64xf32>,
    %slice3A_11 = vector.extract_strided_slice %dot_general3A_5 {offsets = [0, 64], sizes = [640, 64], strides = [1, 1]} : vector<640x128xf32> to vector<640x64xf32>
    %swap3A_12 = arith.constant 1 : index
    %swap3A_13 = arith.constant 0 : index
    %swap3A_14 = arith.constant 0 : index
    %swap3A_15 = vector.load %arg4[%swap3A_12, %swap3A_13, %swap3A_14] : memref<2x640x64xf32, #tpu.memory_space<vmem>>, vector<1x640x64xf32>
    %swap3A_16 = vector.shape_cast %swap3A_15 : vector<1x640x64xf32> to vector<640x64xf32>
    %swap3A_17 = vector.shape_cast %slice3A_11 : vector<640x64xf32> to vector<1x640x64xf32>
    tpu.vector_store %arg4[%swap3A_12, %swap3A_13, %swap3A_14], %swap3A_17 {strides = array<i32>} : memref<2x640x64xf32, #tpu.memory_space<vmem>>, vector<1x640x64xf32>,
    %get3A_18 = arith.constant 0 : index
    %get3A_19 = arith.constant 0 : index
    %get3A_20 = vector.load %arg3[%get3A_18, %get3A_19] : memref<1x256xf32, #tpu.memory_space<vmem>>, vector<1x256xf32>
    %slice3A_21 = vector.extract_strided_slice %get3A_20 {offsets = [0, 0], sizes = [1, 128], strides = [1, 1]} : vector<1x256xf32> to vector<1x128xf32>
    %dot_general3A_22 = arith.constant dense<0.000000e+00> : vector<640x1xf32>
    %dot_general3A_23 = tpu.matmul %dot_general3A_5, %slice3A_21, %dot_general3A_22 {dimension_numbers = #tpu.dot_dimension_numbers<[1], [1], [0], [0], [0, 0, 1, 0], [], []>, transpose_lhs_hint = false} : vector<640x128xf32>, vector<1x128xf32>, vector<640x1xf32> -> vector<640x1xf32>
    %swap3A_24 = arith.constant 0 : index
    %swap3A_25 = arith.constant 0 : index
    %swap3A_26 = vector.load %arg5[%swap3A_24, %swap3A_25] : memref<640x1xf32, #tpu.memory_space<vmem>>, vector<640x1xf32>
    tpu.vector_store %arg5[%swap3A_24, %swap3A_25], %dot_general3A_23 {strides = array<i32>} : memref<640x1xf32, #tpu.memory_space<vmem>>, vector<640x1xf32>,
    %slice3A_27 = vector.extract_strided_slice %get3A_20 {offsets = [0, 128], sizes = [1, 128], strides = [1, 1]} : vector<1x256xf32> to vector<1x128xf32>
    %dot_general3A_28 = arith.constant dense<0.000000e+00> : vector<640x1xf32>
    %dot_general3A_29 = tpu.matmul %dot_general3A_5, %slice3A_27, %dot_general3A_28 {dimension_numbers = #tpu.dot_dimension_numbers<[1], [1], [0], [0], [0, 0, 1, 0], [], []>, transpose_lhs_hint = false} : vector<640x128xf32>, vector<1x128xf32>, vector<640x1xf32> -> vector<640x1xf32>
    %swap3A_30 = arith.constant 0 : index
    %swap3A_31 = arith.constant 0 : index
    %swap3A_32 = vector.load %arg6[%swap3A_30, %swap3A_31] : memref<640x1xf32, #tpu.memory_space<vmem>>, vector<640x1xf32>
    tpu.vector_store %arg6[%swap3A_30, %swap3A_31], %dot_general3A_29 {strides = array<i32>} : memref<640x1xf32, #tpu.memory_space<vmem>>, vector<640x1xf32>,
    return
  }
  func.func @transform_0(%arg0: i32) -> (i32, i32) {
    %c0_i32 = arith.constant 0 : i32
    %c0_i32_0 = arith.constant 0 : i32
    return %arg0, %c0_i32 : i32, i32
  }
  func.func @transform_1(%arg0: i32) -> (i32, i32) {
    %c0_i32 = arith.constant 0 : i32
    %c0_i32_0 = arith.constant 0 : i32
    %c0_i32_1 = arith.constant 0 : i32
    return %c0_i32, %c0_i32_0 : i32, i32
  }
  func.func @transform_2(%arg0: i32) -> (i32, i32) {
    %c0_i32 = arith.constant 0 : i32
    %c0_i32_0 = arith.constant 0 : i32
    %c0_i32_1 = arith.constant 0 : i32
    return %c0_i32, %c0_i32_0 : i32, i32
  }
  func.func @transform_3(%arg0: i32) -> (i32, i32, i32) {
    %c0_i32 = arith.constant 0 : i32
    %c0_i32_0 = arith.constant 0 : i32
    %c0_i32_1 = arith.constant 0 : i32
    return %c0_i32, %arg0, %c0_i32_0 : i32, i32, i32
  }
  func.func @transform_4(%arg0: i32) -> (i32, i32) {
    %c0_i32 = arith.constant 0 : i32
    %c0_i32_0 = arith.constant 0 : i32
    return %arg0, %c0_i32 : i32, i32
  }
  func.func @transform_5(%arg0: i32) -> (i32, i32) {
    %c0_i32 = arith.constant 0 : i32
    %c0_i32_0 = arith.constant 0 : i32
    return %arg0, %c0_i32 : i32, i32
  }
}

module attributes {stable_mosaic.version = 14 : i64} {
  func.func @body(%arg0: i32, %arg1: memref<2x400x64xf32, #tpu.memory_space<vmem>>, %arg2: memref<400x1xf32, #tpu.memory_space<vmem>>, %arg3: memref<400x128xf32, #tpu.memory_space<vmem>>) attributes {dimension_semantics = [#tpu.dimension_semantics<arbitrary>], iteration_bounds = array<i64: 25>, scalar_prefetch = 0 : i64, scratch_operands = 0 : i64, tpu.core_type = #tpu.core_type<tc>, window_params = [{transform_indices = @transform_0, window_bounds = array<i64: 2, 400, 64>}, {transform_indices = @transform_1, window_bounds = array<i64: 400, 1>}, {transform_indices = @transform_2, window_bounds = array<i64: 400, 128>}]} {
    %get3A = arith.constant 0 : index
    %get3A_0 = arith.constant 0 : index
    %get3A_1 = arith.constant 0 : index
    %get3A_2 = vector.load %arg1[%get3A, %get3A_0, %get3A_1] : memref<2x400x64xf32, #tpu.memory_space<vmem>>, vector<1x400x64xf32>
    %get3A_3 = vector.shape_cast %get3A_2 : vector<1x400x64xf32> to vector<400x64xf32>
    %get3A_4 = arith.constant 1 : index
    %get3A_5 = arith.constant 0 : index
    %get3A_6 = arith.constant 0 : index
    %get3A_7 = vector.load %arg1[%get3A_4, %get3A_5, %get3A_6] : memref<2x400x64xf32, #tpu.memory_space<vmem>>, vector<1x400x64xf32>
    %get3A_8 = vector.shape_cast %get3A_7 : vector<1x400x64xf32> to vector<400x64xf32>
    %concatenate3A = tpu.concatenate %get3A_3, %get3A_8 in 1 : vector<400x64xf32>, vector<400x64xf32> -> vector<400x128xf32>
    %get3A_9 = arith.constant 0 : index
    %get3A_10 = arith.constant 0 : index
    %get3A_11 = vector.load %arg2[%get3A_9, %get3A_10] : memref<400x1xf32, #tpu.memory_space<vmem>>, vector<400x1xf32>
    %div3A = vector.broadcast %get3A_11 : vector<400x1xf32> to vector<400x128xf32>
    %div3A_12 = arith.divf %concatenate3A, %div3A : vector<400x128xf32>
    %swap3A = arith.constant 0 : index
    %swap3A_13 = arith.constant 0 : index
    %swap3A_14 = vector.load %arg3[%swap3A, %swap3A_13] : memref<400x128xf32, #tpu.memory_space<vmem>>, vector<400x128xf32>
    tpu.vector_store %arg3[%swap3A, %swap3A_13], %div3A_12 {strides = array<i32>} : memref<400x128xf32, #tpu.memory_space<vmem>>, vector<400x128xf32>,
    return
  }
  func.func @transform_0(%arg0: i32) -> (i32, i32, i32) {
    %c0_i32 = arith.constant 0 : i32
    %c0_i32_0 = arith.constant 0 : i32
    %c0_i32_1 = arith.constant 0 : i32
    return %c0_i32, %arg0, %c0_i32_0 : i32, i32, i32
  }
  func.func @transform_1(%arg0: i32) -> (i32, i32) {
    %c0_i32 = arith.constant 0 : i32
    %c0_i32_0 = arith.constant 0 : i32
    return %arg0, %c0_i32 : i32, i32
  }
  func.func @transform_2(%arg0: i32) -> (i32, i32) {
    %c0_i32 = arith.constant 0 : i32
    %c0_i32_0 = arith.constant 0 : i32
    return %arg0, %c0_i32 : i32, i32
  }
}

</mosaic_0001>

<sc_bundles>
// kernel: kernel.5.cloned.1.call-start
scs
__scs_entry_jumppad:
0x0: {  	(pc) =	sbr.rel $0x88, $3  }
0x1: {  	(tag) =	ssettag $0x0;
	lr =	simm.s32 $0x1  }
0x2: {  	[smem:$0x3F9D] =	sst lr;
	_ =	strace $0xD0000000  }
0x3: {  	_ = 	snop  }
0x4: {  	_ = 	snop  }
0x5: {  	_ = 	snop  }
0x6: {  	_ = 	snop  }
0x7: {  	_ = 	snop  }
__scs_overlays_trampoline_lowered:
0x8: {  	[smem:$0x3FAC] =	sst s0  }
0x9: {  	[smem:$0x3FAD] =	sst s1  }
0xa: {  	[smem:$0x3FAE] =	sst s2  }
0xb: {  	[smem:$0x3FAF] =	sst s3  }
0xc: {  	[smem:$0x3FB0] =	sst s4  }
0xd: {  	[smem:$0x3FB1] =	sst s5  }
0xe: {  	[smem:$0x3FB2] =	sst s6  }
0xf: {  	[smem:$0x3FB3] =	sst s7  }
0x10: {  	[smem:$0x3FB4] =	sst s8  }
0x11: {  	[smem:$0x3FB5] =	sst s9;
	s0 =	simm.s32 @!p0 $0x0  }
0x12: {  	s1 =	sld [smem:$0x3F9B];
	s0 =	simm.s32 @p0 $0x1  }
0x13: {  	[smem:$0x3FB6] =	sst s0;
	s0 =	simm.s32 @!p1 $0x0  }
0x14: {  	s2 =	sld [smem:$0x3F9A];
	s0 =	simm.s32 @p1 $0x1  }
0x15: {  	[smem:$0x3FB7] =	sst s0;
	s0 =	simm.s32 @!p2 $0x0  }
0x16: {  	s3 =	sld [smem:$0x3FDB];
	s0 =	simm.s32 @p2 $0x1  }
0x17: {  	s4 =	simm.s32 $0x1BF5;
	[smem:$0x3FB9] =	sst s0  }
0x18: {  	s0 =	sld [smem:$0x3F9C];
	_ =	swait.ge [sflag:s4], $0x0  }
0x19: {  	s7 =	sld [smem:$0x3F9D]  }
0x1a: {  	s8 =	sadd.s32 $0xFFFFE003, lr  }
0x1b: {  	s9 =	sadd.s32 $0xFFFFFEF7, lr;
	s5 =	simm.s32 $0xFFFFFFFF;
	p2 =	slt.u32 s8, $0xFFFFF086  }
0x1c: {  	p1 =	slt.u32 s9, $0xF7A;
	s5 =	simm.s32 @!p2 $0x0  }
0x1d: {  	s5 =	simm.s32 @p1 $0x1;
	p0 =	seq.s32 s7, s2  }
0x1e: {  	s7 =	smul.u32 @!p0 $0xF7A, s2;
	p2 =	seq.s32 @!p0 s5, $0x0  }
0x1f: {  	s9 =	smul.u32 $0xF7A, s1;
	s8 =	simm.s32 @!p0 $0x1BF5;
	p2 =	por !p2, p0  }
0x20: {  	[sflag:s8] =	ssyncset.s32 @!p0 $0xFFFFF086;
	s6 =	sadd.s32 @!p0 s3, s7;
	s7 =	simm.s32 @!p0 $0x108  }
0x21: {  	s3 =	sadd.s32 s3, s9;
	s6 =	sadd.s32 @!p0 $0x88, s6;
	s7 =	simm.s32 @p2 $0x1082  }
0x22: {  	[simem:s7], [sflag:s8] =	dma.local @!p0 [hbm:s6], $0xF7A  }
0x23: {  	s9 =	sor.u32 $0xD0000000, s2;
	s6 =	simm.s32 $0x108;
	_ =	swait.ge @!p0 [sflag:s8], $0x0  }
0x24: {  	s3 =	sadd.s32 $0x88, s3;
	s6 =	simm.s32 @!p1 $0x1082;
	[sflag:s4] =	ssyncset.s32 $0xFFFFF086  }
0x25: {  	[simem:s6], [sflag:s4] =	dma.local [hbm:s3], $0xF7A  }
0x26: {  	[smem:$0x3F9D] =	sst s1;
	(tag) =	ssettag s2;
	_ =	strace s9  }
0x27: {  	s1 =	sld [smem:$0x3FAD]  }
0x28: {  	s2 =	sld [smem:$0x3FAE]  }
0x29: {  	s4 =	sld [smem:$0x3FB0]  }
0x2a: {  	p0 =	seq.s32 s5, $0x0;
	s5 =	sld [smem:$0x3FB1]  }
0x2b: {  	s6 =	sld [smem:$0x3FB2]  }
0x2c: {  	s7 =	sld [smem:$0x3FB3]  }
0x2d: {  	s3 =	simm.s32 $0x108;
	s8 =	sld [smem:$0x3FB4]  }
0x2e: {  	s3 =	simm.s32 @!p0 $0x1082;
	s9 =	sld [smem:$0x3FB5]  }
0x2f: {  	lr =	sadd.s32 s0, s3;
	s0 =	sld [smem:$0x3FAC]  }
0x30: {  	s3 =	sld [smem:$0x3FAF]  }
0x31: {  	[smem:$0x3FB8] =	sst s10  }
0x32: {  	s10 =	sld [smem:$0x3FB6];
	_ =	sdelay $0x3  }
0x33: {  	p0 =	seq.s32 s10, $0x1;
	s10 =	sld [smem:$0x3FB8];
	_ =	sdelay $0x3  }
0x34: {  	[smem:$0x3FB8] =	sst s10  }
0x35: {  	s10 =	sld [smem:$0x3FB7];
	_ =	sdelay $0x3  }
0x36: {  	p1 =	seq.s32 s10, $0x1;
	s10 =	sld [smem:$0x3FB8];
	_ =	sdelay $0x3  }
0x37: {  	[smem:$0x3FB8] =	sst s10  }
0x38: {  	s10 =	sld [smem:$0x3FB9]  }
0x39: {  	_ = 	snop;
	(pc) =	sbr.ind lr, $3  }
0x3a: {  	_ = 	snop  }
0x3b: {  	_ = 	snop  }
0x3c: {  	p2 =	seq.s32 s10, $0x1;
	s10 =	sld [smem:$0x3FB8]  }
0x3d: {  	_ =	shalt  }
0x3e: {  	_ =	shalt  }
0x3f: {  	_ =	shalt  }
0x40: {  	_ =	shalt  }
0x41: {  	_ =	shalt  }
0x42: {  	_ =	shalt  }
0x43: {  	_ =	shalt  }
0x44: {  	_ =	shalt  }
0x45: {  	_ =	shalt  }
0x46: {  	_ =	shalt  }
0x47: {  	_ =	shalt  }
0x48: {  	_ =	shalt  }
0x49: {  	_ =	shalt  }
0x4a: {  	_ =	shalt  }
0x4b: {  	_ =	shalt  }
0x4c: {  	_ =	shalt  }
0x4d: {  	_ =	shalt  }
0x4e: {  	_ =	shalt  }
0x4f: {  	_ =	shalt  }
0x50: {  	_ =	shalt  }
0x51: {  	_ =	shalt  }
0x52: {  	_ =	shalt  }
0x53: {  	_ =	shalt  }
0x54: {  	_ =	shalt  }
0x55: {  	_ =	shalt  }
0x56: {  	_ =	shalt  }
0x57: {  	_ =	shalt  }
0x58: {  	_ =	shalt  }
0x59: {  	_ =	shalt  }
0x5a: {  	_ =	shalt  }
0x5b: {  	_ =	shalt  }
0x5c: {  	_ =	shalt  }
0x5d: {  	_ =	shalt  }
0x5e: {  	_ =	shalt  }
0x5f: {  	_ =	shalt  }
0x60: {  	_ =	shalt  }
0x61: {  	_ =	shalt  }
0x62: {  	_ =	shalt  }
0x63: {  	_ =	shalt  }
0x64: {  	_ =	shalt  }
0x65: {  	_ =	shalt  }
0x66: {  	_ =	shalt  }
0x67: {  	_ =	shalt  }
0x68: {  	_ =	shalt  }
0x69: {  	_ =	shalt  }
0x6a: {  	_ =	shalt  }
0x6b: {  	_ =	shalt  }
0x6c: {  	_ =	shalt  }
0x6d: {  	_ =	shalt  }
0x6e: {  	_ =	shalt  }
0x6f: {  	_ =	shalt  }
0x70: {  	_ =	shalt  }
0x71: {  	_ =	shalt  }
0x72: {  	_ =	shalt  }
0x73: {  	_ =	shalt  }
0x74: {  	_ =	shalt  }
0x75: {  	_ =	shalt  }
0x76: {  	_ =	shalt  }
0x77: {  	_ =	shalt  }
0x78: {  	_ =	shalt  }
0x79: {  	_ =	shalt  }
0x7a: {  	_ =	shalt  }
0x7b: {  	_ =	shalt  }
0x7c: {  	_ =	shalt  }
0x7d: {  	_ =	shalt  }
0x7e: {  	_ =	shalt  }
0x7f: {  	_ =	shalt  }
0x80: {  	_ =	shalt  }
0x81: {  	_ =	shalt  }
0x82: {  	_ =	shalt  }
0x83: {  	_ =	shalt  }
0x84: {  	_ =	shalt  }
0x85: {  	_ =	shalt  }
0x86: {  	_ =	shalt  }
0x87: {  	_ =	shalt  }
.Lfunc_end0:
.L_simem_size_0:
called_computation_lowered:
.L_overlay_start_0:
0x88: {  	s2 =	sld [smem:$0x3FD9]  }
0x89: {  	s3 =	sld [smem:$0x3FFE];
	_ =	sdelay $0x1  }
0x8a: {  	s1 =	srdreg.scid  }
0x8b: {  	s0 =	sand.u32 $0x1, s1  }
0x8c: {  	s17 =	sshll.u32 s0, $0xA;
	s2 =	sadd.s32 s3, s2  }
0x8d: {  	s2 =	sadd.s32 s2, s17  }
0x8e: {  	[smem:$0x3FC4] =	sst s2  }
0x8f: {  	_ = 	snop  }
0x90: {  	s2 =	sld [smem:$0x3FD0];
	(tm) =	ssettm $0x1  }
0x91: {  	s18 =	sld [smem:$0x3FFB];
	_ =	sdelay $0x3  }
0x92: {  	_ =	strace s18  }
0x93: {  	s3 =	sld [smem:$0x3FFC];
	_ =	sdelay $0x3  }
0x94: {  	_ =	strace s3  }
0x95: {  	s3 =	sld [smem:$0x3FFD];
	_ =	sdelay $0x3  }
0x96: {  	_ =	strace s3  }
0x97: {  	_ =	strace $0x8FFFFFFF  }
0x98: {  	s19 =	sld [smem:$0x3FDB];
	_ =	sdelay $0x1  }
0x99: {  	s4 =	simm.s32 $_scs_section_size  }
0x9a: {  	s5 =	simm.s32 $_size__tile_overlayer_lowered;
	s6 =	simm.s32 $_tile_overlayer_lowered  }
0x9b: {  	s22 =	simm.s32 $0x1BFF;
	s21 =	sshll.u32 s6, $0x1;
	s3 =	sadd.s32 s4, s19  }
0x9c: {  	s7 =	simm.s32 $0x0;
	s20 =	sshll.u32 s5, $0x1;
	s5 =	sadd.s32 s21, s3  }
0x9d: {  	[timem:s7], [sflag:s22] =	dma.local [hbm:s5], s20  }
0x9e: {  	_ =	swait.ge [sflag:s22], s20  }
0x9f: {  	s4 =	ssub.s32 $0x0, s20;
	[sflag:s22] =	ssyncset.done $0x0  }
0xa0: {  	[sflag:s22] =	ssyncadd.s32 s4;
	_ =	sdelay $0x1  }
0xa1: {  	s23 =	simm.s32 $0x1B8B  }
0xa2: {  	_ =	swait.ge [sflag:s23], $0x1  }
0xa3: {  	[sflag:s23] =	ssyncset.done $0x0  }
0xa4: {  	s25 =	simm.s32 $0x1B8E;
	s24 =	sld [smem:$0x3FFE];
	[sflag:s23] =	ssyncadd.s32 $0xFFFFFFFF  }
0xa5: {  	s26 =	simm.s32 $execute0_lowered;
	[smem:$0x3FD2] =	sst s25  }
0xa6: {  	s5 =	sshll.u32 s26, $0x1;
	_ =	strace $0x80000046;
	[dreg:$0x1] =	wrdreg $0xFFFFFFFF  }
0xa7: {  	s28 =	simm.s32 $_size_execute0_lowered;
	s3 =	sadd.s32 s3, s5;
	[dreg:$0x0] =	wrdreg $0x0  }
0xa8: {  	s5 =	sshll.u32 s28, $0x1;
	[dreg:$0x2] =	wrdreg s3  }
0xa9: {  	[dreg:$0x3] =	wrdreg s5  }
0xaa: {  	[dreg:$0x4] =	wrdreg $0xC0  }
0xab: {  	_ =	task [dreg:s7], $0x5FFFF  }
0xac: {  	[dreg:$0x1] =	wrdreg $0xFFFFFFFF  }
0xad: {  	[dreg:$0x0] =	wrdreg $0x60  }
0xae: {  	[dreg:$0x2] =	wrdreg s24  }
0xaf: {  	[dreg:$0x3] =	wrdreg s2  }
0xb0: {  	[dreg:$0x4] =	wrdreg $0x86100  }
0xb1: {  	[dreg:$0x5] =	wrdreg $0x1C6100  }
0xb2: {  	[dreg:$0x6] =	wrdreg $0x1C8900  }
0xb3: {  	[dreg:$0x7] =	wrdreg $0x126100  }
0xb4: {  	[dreg:$0x8] =	wrdreg $0x1CB100  }
0xb5: {  	[dreg:$0x9] =	wrdreg $0x9  }
0xb6: {  	_ =	task.clear_ibuf [dreg:s7], $0xAFFFF;
	_ =	strace $0x90000046  }
0xb7: {  	s29 =	simm.s32 $0x9;
	_ =	strace $0x80000048  }
0xb8: {  	_ =	swait.ge [sflag:s29], $0x1  }
0xb9: {  	[sflag:s29] =	ssyncadd.s32 $0xFFFFFFFF  }
0xba: {  	_ =	strace $0x90000048  }
0xbb: {  	_ =	sfence  }
0xbc: {  	s30 =	sld [smem:$0x0];
	_ =	sdelay $0x2  }
0xbd: {  	s31 =	sshll.u32 s1, $0xD;
	s1 =	sshrl.u32 s1, $0x2  }
0xbe: {  	s3 =	sand.u32 $0x4000, s31;
	s1 =	sadd.s32 s1, s30  }
0xbf: {  	s0 =	sor.u32 s3, s0;
	s1 =	sshll.u32 s1, $0x11  }
0xc0: {  	s0 =	sor.u32 s1, s0  }
0xc1: {  	s0 =	sadd.s32 $0x8F2B, s0  }
0xc2: {  	[sflag:s0] =	ssyncadd.remote.s32 $0x1  }
0xc3: {  	_ =	sfence.sel $0xFFFF  }
0xc4: {  	[dreg:$0x0] =	wrdreg $0xFFFFFFFF;
	(pc) =	sbr.abs _section_cstart, $3  }
0xc5: {  	[dreg:$0x1] =	wrdreg $0xFFFFFFFF  }
0xc6: {  	_ =	task.clear_ibuf [dreg:s7], $0x2FFFF;
	_ =	strace $0x9FFFFFFF  }
0xc7: {  	(tm) =	ssettm $0x7FFFFFFF  }
tec
execute0_lowered:
.L_overlay_start_1:
0x0: {  	(tag) =	ssettag $0x1  }
0x1: {  	s1 =	rddreg [dreg:$0x0]  }
0x2: {  	s0 =	rddreg [dreg:$0x1]  }
0x3: {  	s2 =	rddreg [dreg:$0x2]  }
0x4: {  	s3 =	rddreg [dreg:$0x3]  }
0x5: {  	s4 =	rddreg [dreg:$0x4]  }
0x6: {  	s5 =	rddreg [dreg:$0x5];
	s18 =	stileid.u32  }
0x7: {  	s8 =	srdreg.scid;
	s7 =	rddreg [dreg:$0x6];
	s10 =	simm.s32 $0x0  }
0x8: {  	s28 =	simm.s32 $0x5;
	s6 =	smul.u32 $0x280, s18;
	s8 =	sand.u32 $0x1, s8  }
0x9: {  	s9 =	smul.u32 $0xA000, s18;
	[smem:$0x7FF] =	sst s10;
	s20 =	sadd.s32 $0x32200, s1  }
0xa: {  	s10 =	sadd.s32 $0x28200, s1;
	s15 =	sshll.u32 s18, $0x6;
	s11 =	smul.u32 $0xA0000, s8  }
0xb: {  	s12 =	smul.u32 $0x2800, s8;
	_ =	strace $0x80000047;
	[dreg:$0x8] =	wrdreg s20  }
0xc: {  	s14 =	ssub.s32 $0x2, s8;
	p0 =	seq.s32 s8, $0x0;
	s19 =	sshrl.u32 s6, $0x3  }
0xd: {  	s21 =	sshrl.u32 s14, $0x1;
	s16 =	sadd.s32 $0x100, s6;
	s26 =	sadd.s32 $0x200, s6  }
0xe: {  	s13 =	sadd.s32 s19, s1;
	s11 =	sadd.s32 s9, s11;
	s12 =	sadd.s32 s6, s12  }
0xf: {  	s19 =	sor.u32 $0x1C0D, s15;
	s15 =	sadd.s32 $0x80, s6;
	s17 =	sshll.u32 s26, $0x6  }
0x10: {  	s8 =	sadd.s32 s26, s7;
	s11 =	sshrl.u32 s11, $0x3;
	s12 =	sshrl.u32 s12, $0x3  }
0x11: {  	s22 =	sadd.s32 $0x50A00, s13;
	s13 =	sadd.s32 $0x50400, s13;
	s23 =	sshll.u32 s15, $0x6  }
0x12: {  	[dreg:$0x15] =	wrdreg s8;
	s11 =	sadd.s32 s11, s1;
	s1 =	sadd.s32 s12, s1  }
0x13: {  	s12 =	ssub.s32 s14, s21;
	s14 =	sadd.s32 s9, s2;
	[dreg:$0xa] =	wrdreg s22  }
0x14: {  	[dreg:$0xb] =	wrdreg s13;
	s9 =	sadd.s32 s9, s5;
	s24 =	sadd.s32 s23, s5  }
0x15: {  	s13 =	sadd.s32 $0x180, s6;
	s21 =	sadd.s32 s17, s5;
	[dreg:$0xc] =	wrdreg s9  }
0x16: {  	s22 =	smul.u32 $0x5000, s18;
	s17 =	sadd.s32 s6, s3;
	[dreg:$0xd] =	wrdreg s24  }
0x17: {  	s18 =	sadd.s32 s6, s4;
	s6 =	sadd.s32 s6, s7;
	[dreg:$0x10] =	wrdreg s21  }
0x18: {  	s25 =	sshll.u32 s16, $0x6;
	s23 =	sadd.s32 s15, s7;
	[dreg:$0x11] =	wrdreg s6  }
0x19: {  	s31 =	simm.s32 $0x7;
	s9 =	sadd.s32 s25, s5;
	[dreg:$0x12] =	wrdreg s23  }
0x1a: {  	s20 =	sshll.u32 s13, $0x6;
	s24 =	sadd.s32 s16, s7;
	[dreg:$0xe] =	wrdreg s9  }
0x1b: {  	s13 =	sadd.s32 s13, s7;
	s21 =	sadd.s32 $0x200, s11;
	[dreg:$0x13] =	wrdreg s24  }
0x1c: {  	s1 =	sadd.s32 $0x32400, s1;
	s23 =	smax.u32 s12, $0x1;
	[dreg:$0x14] =	wrdreg s13  }
0x1d: {  	s12 =	simm.s32 $0x6;
	s9 =	sadd.s32 s20, s5;
	[dreg:$0x1a] =	wrdreg s21  }
0x1e: {  	s25 =	sshrl.u32 s22, $0x3;
	s29 =	sor.u32 $0x100, s22;
	[dreg:$0x1c] =	wrdreg s1  }
0x1f: {  	s30 =	sor.u32 $0x180, s22;
	s22 =	sadd.s32 $0x51000, s11;
	[dreg:$0x1d] =	wrdreg s23  }
0x20: {  	s11 =	smov.u32 s19;
	s24 =	sshrl.u32 s14, $0x3;
	[dreg:$0xf] =	wrdreg s9  }
0x21: {  	s1 =	simm.s32 $0x9;
	s13 =	simm.s32 $0x8;
	[dreg:$0x1b] =	wrdreg s22  }
0x22: {  	s14 =	simm.s32 $0xC;
	s19 =	simm.s32 $0xA;
	[dreg:$0x1e] =	wrdreg s24  }
0x23: {  	s21 =	simm.s32 $0x6600;
	s15 =	sadd.s32 s0, s25;
	[dreg:$0x9] =	wrdreg s11  }
0x24: {  	s26 =	sor.u32 $0x10, s25;
	s6 =	sadd.s32 s10, s25;
	[dreg:$0x16] =	wrdreg s15  }
0x25: {  	s25 =	sshrl.u32 s17, $0x3;
	s22 =	simm.s32 $0x2;
	[dreg:$0x17] =	wrdreg s6  }
0x26: {  	s9 =	simm.s32 $0x4;
	s16 =	sadd.s32 s0, s26;
	[dreg:$0x1f] =	wrdreg s25  }
0x27: {  	s17 =	simm.s32 $0x0;
	s20 =	sadd.s32 s10, s26;
	[dreg:$0x18] =	wrdreg s16  }
0x28: {  	s26 =	sshrl.u32 s18, $0x3;
	s15 =	simm.s32 $0xD;
	[dreg:$0x19] =	wrdreg s20  }
0x29: {  	s18 =	simm.s32 $0x80;
	s6 =	simm.s32 $0xB;
	[smem:$0x7FD] =	sst s26  }
0x2a: {  	v0 =	vimm.f32 $0.0e+00;
	s16 =	simm.s32 $0x4600;
	s20 =	simm.s32 $0x180;
	s26 =	simm.s32 $0x3  }
.LBB2_1:
0x2b: {  	[smem:$0x7FC] =	sst s17  }
0x2c: {  	s8 =	rddreg [dreg:$0x1a]  }
0x2d: {  	s25 =	rddreg [dreg:$0x1e]  }
0x2e: {  	[spmem:s25], [sflag:s11] =	dma.local [hbm:s8], $0x1400  }
0x2f: {  	_ =	swait.ge [sflag:s15], $0x1400  }
0x30: {  	[sflag:s15] =	ssyncset.done $0x0;
	s17 =	rddreg [dreg:$0xa]  }
0x31: {  	s23 =	rddreg [dreg:$0x1f];
	[sflag:s15] =	ssyncadd.s32 $0xFFFFEC00  }
0x32: {  	[spmem:s23], [sflag:s11] =	dma.local [hbm:s17], $0x50  }
0x33: {  	_ =	swait.ge [sflag:s15], $0x50  }
0x34: {  	s25 =	sld [smem:$0x7FD]  }
0x35: {  	[sflag:s15] =	ssyncset.done $0x0  }
0x36: {  	s24 =	rddreg [dreg:$0xb];
	[sflag:s15] =	ssyncadd.s32 $0xFFFFFFB0  }
0x37: {  	[spmem:s25], [sflag:s11] =	dma.local [hbm:s24], $0x50  }
0x38: {  	_ =	swait.ge [sflag:s15], $0x50  }
0x39: {  	s23 =	simm.s32 $0x0;
	[sflag:s15] =	ssyncset.done $0x0  }
0x3a: {  	s25 =	simm.s32 $0x8600;
	s24 =	rddreg [dreg:$0x8];
	[sflag:s15] =	ssyncadd.s32 $0xFFFFFFB0  }
0x3b: {  	[tilespmem:s25], [sflag:$0xD] =	stream.linear.gather [hbm4b:s24+s23], $0x10, $0x38;
	[tilespmem:$0x1CD90] =	vst v63  }
0x3c: {  	_ =	swait.ge [sflag:s15], $0x10  }
0x3d: {  	[sflag:s15] =	ssyncset.done $0x0  }
0x3e: {  	s8 =	simm.s32 $0x0;
	s11 =	simm.s32 $0x100;
	[sflag:s15] =	ssyncadd.s32 $0xFFFFFFF0  }
.LBB2_2:
0x3f: {  	p1 =	sne.s32 s11, $0x7F00;
	[tilespmem:s8+$0x4630] =	vst v0;
	s17 =	smov.u32 s11;
	s11 =	sadd.s32 $0x100, s11  }
.Ltmp0:
0x40: {  	[tilespmem:s8+$0x4620] =	vst v0;
	(pc) =	sbr.rel @p1 .LBB2_2-.Ltmp0, $3  }
0x41: {  	[tilespmem:s8+$0x4600] =	vst v0  }
0x42: {  	[tilespmem:s8+$0x4610] =	vst v0;
	_ =	sdelay $0x1  }
0x43: {  	s8 =	sshra.s32 s17, $0x2  }
0x44: {  	[tilespmem:s8+$0x4630] =	vst v0  }
0x45: {  	[tilespmem:s8+$0x4620] =	vst v0  }
0x46: {  	[tilespmem:s8+$0x4600] =	vst v0  }
0x47: {  	[tilespmem:s8+$0x4610] =	vst v0  }
0x48: {  	[tilespmem:$0x500] =	vst v0  }
0x49: {  	[tilespmem:$0x510] =	vst v0  }
0x4a: {  	[tilespmem:$0x520] =	vst v0  }
0x4b: {  	[tilespmem:$0x530] =	vst v0  }
0x4c: {  	[tilespmem:$0x540] =	vst v0  }
0x4d: {  	[tilespmem:$0x550] =	vst v0  }
0x4e: {  	[tilespmem:$0x560] =	vst v0  }
0x4f: {  	s23 =	rddreg [dreg:$0xc];
	[tilespmem:$0x570] =	vst v0  }
0x50: {  	[spmem:s23] =	stream.linear.scatter [tilespmem:s16], [sflag:$0xD], $0x2000, $0x38;
	[tilespmem:$0x1CD90] =	vst v63  }
0x51: {  	_ =	swait.ge [sflag:s15], $0x2000  }
0x52: {  	[sflag:s15] =	ssyncset.done $0x0  }
0x53: {  	s24 =	rddreg [dreg:$0xd];
	[sflag:s15] =	ssyncadd.s32 $0xFFFFE000  }
0x54: {  	[spmem:s24] =	stream.linear.scatter [tilespmem:s16], [sflag:$0xD], $0x2000, $0x38;
	[tilespmem:$0x1CD90] =	vst v63  }
0x55: {  	_ =	swait.ge [sflag:s15], $0x2000  }
0x56: {  	[sflag:s15] =	ssyncset.done $0x0  }
0x57: {  	s25 =	rddreg [dreg:$0xe];
	[sflag:s15] =	ssyncadd.s32 $0xFFFFE000  }
0x58: {  	[spmem:s25] =	stream.linear.scatter [tilespmem:s16], [sflag:$0xD], $0x2000, $0x38;
	[tilespmem:$0x1CD90] =	vst v63  }
0x59: {  	_ =	swait.ge [sflag:s15], $0x2000  }
0x5a: {  	[sflag:s15] =	ssyncset.done $0x0  }
0x5b: {  	s11 =	rddreg [dreg:$0xf];
	[sflag:s15] =	ssyncadd.s32 $0xFFFFE000  }
0x5c: {  	[spmem:s11] =	stream.linear.scatter [tilespmem:s16], [sflag:$0xD], $0x2000, $0x38;
	[tilespmem:$0x1CD90] =	vst v63  }
0x5d: {  	_ =	swait.ge [sflag:s15], $0x2000  }
0x5e: {  	[sflag:s15] =	ssyncset.done $0x0  }
0x5f: {  	s17 =	rddreg [dreg:$0x10];
	[sflag:s15] =	ssyncadd.s32 $0xFFFFE000  }
0x60: {  	[spmem:s17] =	stream.linear.scatter [tilespmem:s16], [sflag:$0xD], $0x2000, $0x38;
	[tilespmem:$0x1CD90] =	vst v63  }
0x61: {  	_ =	swait.ge [sflag:s15], $0x2000  }
0x62: {  	[sflag:s15] =	ssyncset.done $0x0  }
0x63: {  	s11 =	simm.s32 $0x500;
	s23 =	rddreg [dreg:$0x11];
	[sflag:s15] =	ssyncadd.s32 $0xFFFFE000  }
0x64: {  	[spmem:s23] =	stream.linear.scatter [tilespmem:s11], [sflag:$0xD], $0x80, $0x38;
	[tilespmem:$0x1CD90] =	vst v63  }
0x65: {  	_ =	swait.ge [sflag:s15], $0x80  }
0x66: {  	[sflag:s15] =	ssyncset.done $0x0  }
0x67: {  	s24 =	rddreg [dreg:$0x12];
	[sflag:s15] =	ssyncadd.s32 $0xFFFFFF80  }
0x68: {  	[spmem:s24] =	stream.linear.scatter [tilespmem:s11], [sflag:$0xD], $0x80, $0x38;
	[tilespmem:$0x1CD90] =	vst v63  }
0x69: {  	_ =	swait.ge [sflag:s15], $0x80  }
0x6a: {  	[sflag:s15] =	ssyncset.done $0x0  }
0x6b: {  	s25 =	rddreg [dreg:$0x13];
	[sflag:s15] =	ssyncadd.s32 $0xFFFFFF80  }
0x6c: {  	[spmem:s25] =	stream.linear.scatter [tilespmem:s11], [sflag:$0xD], $0x80, $0x38;
	[tilespmem:$0x1CD90] =	vst v63  }
0x6d: {  	_ =	swait.ge [sflag:s15], $0x80  }
0x6e: {  	[sflag:s15] =	ssyncset.done $0x0  }
0x6f: {  	s17 =	rddreg [dreg:$0x14];
	[sflag:s15] =	ssyncadd.s32 $0xFFFFFF80  }
0x70: {  	[spmem:s17] =	stream.linear.scatter [tilespmem:s11], [sflag:$0xD], $0x80, $0x38;
	[tilespmem:$0x1CD90] =	vst v63  }
0x71: {  	_ =	swait.ge [sflag:s15], $0x80  }
0x72: {  	[sflag:s15] =	ssyncset.done $0x0  }
0x73: {  	s23 =	rddreg [dreg:$0x15];
	[sflag:s15] =	ssyncadd.s32 $0xFFFFFF80  }
0x74: {  	[spmem:s23] =	stream.linear.scatter [tilespmem:s11], [sflag:$0xD], $0x80, $0x38;
	[tilespmem:$0x1CD90] =	vst v63  }
0x75: {  	_ =	swait.ge [sflag:s15], $0x80  }
0x76: {  	[sflag:s15] =	ssyncset.done $0x0  }
0x77: {  	[sflag:s15] =	ssyncadd.s32 $0xFFFFFF80  }
0x78: {  	[bflag:$0x0] =	sbarrier.arrive $0xFFFF  }
0x79: {  	s11 =	simm.s32 $0x0;
	s24 =	rddreg [dreg:$0x16]  }
0x7a: {  	v1 =	vld [tilespmem:$0x8600];
	[tilespmem:s11], [sflag:$0x1] =	stream.linear.gather [hbm4b:s24+s11], $0x80, $0x38  }
0x7b: {  	s17 =	simm.s32 $0x100;
	s25 =	rddreg [dreg:$0x17]  }
0x7c: {  	[tilespmem:s17], [sflag:$0x1] =	stream.linear.gather [hbm4b:s25+s11], $0x80, $0x38;
	[tilespmem:$0x1CD90] =	vst v63  }
0x7d: {  	s23 =	rddreg [dreg:$0x18]  }
0x7e: {  	[tilespmem:s18], [sflag:$0x2] =	stream.linear.gather [hbm4b:s23+s11], $0x80, $0x38;
	[tilespmem:$0x1CD90] =	vst v63  }
0x7f: {  	s24 =	rddreg [dreg:$0x19];
	s25 =	simm.s32 $0x1  }
0x80: {  	[tilespmem:s20], [sflag:$0x2] =	stream.linear.gather [hbm4b:s24+s11], $0x80, $0x38;
	[tilespmem:$0x1CD90] =	vst v63  }
0x81: {  	_ =	swait.ge [sflag:s25], $0x80  }
0x82: {  	[sflag:s25] =	ssyncset.done $0x0  }
0x83: {  	[sflag:s25] =	ssyncadd.s32 $0xFFFFFF80  }
0x84: {  	_ =	swait.ge [sflag:s25], $0x80  }
0x85: {  	[sflag:s25] =	ssyncset.done $0x0  }
0x86: {  	s23 =	simm.s32 $0x300;
	[sflag:s25] =	ssyncadd.s32 $0xFFFFFF80  }
0x87: {  	[tilespmem:s23], [sflag:$0x3] =	stream.indirect.gather [spmem:s3], $0x1, s11, s18, $0xb8;
	[tilespmem:$0x1CD90] =	vst v63  }
0x88: {  	s24 =	simm.s32 $0x400  }
0x89: {  	[tilespmem:s24], [sflag:$0x5] =	stream.indirect.gather [spmem:s4], $0x1, s17, s18, $0xb8;
	[tilespmem:$0x1CD90] =	vst v63  }
0x8a: {  	s25 =	simm.s32 $0x600  }
0x8b: {  	[tilespmem:s25], [sflag:$0x7] =	stream.indirect.gather [spmem:s2], $0x40, s11, s18, $0xb8;
	[tilespmem:$0x1CD90] =	vst v63  }
.LBB2_4:
0x8c: {  	_ =	swait.ge [sflag:s22], $0x80  }
0x8d: {  	[sflag:s22] =	ssyncset.done $0x0  }
0x8e: {  	[sflag:s22] =	ssyncadd.s32 $0xFFFFFF80  }
0x8f: {  	_ =	swait.ge [sflag:s22], $0x80  }
0x90: {  	[sflag:s22] =	ssyncset.done $0x0  }
0x91: {  	s8 =	simm.s32 $0x380;
	[sflag:s22] =	ssyncadd.s32 $0xFFFFFF80  }
0x92: {  	[tilespmem:s8], [sflag:$0x4] =	stream.indirect.gather [spmem:s3], $0x1, s18, s18, $0xb8;
	[tilespmem:$0x1CD90] =	vst v63  }
0x93: {  	s24 =	simm.s32 $0x480  }
0x94: {  	[tilespmem:s24], [sflag:$0x6] =	stream.indirect.gather [spmem:s4], $0x1, s20, s18, $0xb8;
	[tilespmem:$0x1CD90] =	vst v63  }
0x95: {  	s25 =	simm.s32 $0x2600;
	p1 =	sgt.u32 s11, $0x28  }
0x96: {  	[tilespmem:s25], [sflag:$0x8] =	stream.indirect.gather [spmem:s2], $0x40, s18, s18, $0xb8;
	[tilespmem:$0x1CD90] =	vst v63  }
0x97: {  	p2 =	por !p1, !p1;
	_ =	swait.ge [sflag:s26], $0x80  }
0x98: {  	p6 =	sne.s32 s11, $0x0;
	p2 =	por @!p0 p1, p1;
	[sflag:s26] =	ssyncset.done $0x0  }
0x99: {  	p1 =	por !p6, !p2;
	[sflag:s26] =	ssyncadd.s32 $0xFFFFFF80  }
0x9a: {  	p3 =	por !p1, !p1;
	_ =	swait.ge [sflag:s28], $0x80  }
.Ltmp1:
0x9b: {  	[sflag:s28] =	ssyncset.done $0x0;
	(pc) =	sbr.rel @!p3 .LBB2_6-.Ltmp1, $4  }
0x9c: {  	[sflag:s28] =	ssyncadd.s32 $0xFFFFFF80  }
0x9d: {  	_ =	swait.ge [sflag:s31], $0x2000  }
0x9e: {  	[sflag:s31] =	ssyncset.done $0x0  }
0x9f: {  	[sflag:s31] =	ssyncadd.s32 $0xFFFFE000  }
.Ltmp2:
0xa0: {  	(pc) =	sbr.rel .LBB2_7-.Ltmp2, $4  }
0xa1: {  	_ = 	snop  }
0xa2: {  	_ =	swait.ge [sflag:s6], $0x80  }
0xa3: {  	[sflag:s6] =	ssyncset.done $0x0  }
0xa4: {  	[sflag:s6] =	ssyncadd.s32 $0xFFFFFF80  }
.LBB2_6:
0xa5: {  	p1 =	seq.s32 s11, $0x0  }
.Ltmp3:
0xa6: {  	_ = 	snop;
	(pc) =	sbr.rel @p1 .LBB2_8-.Ltmp3, $1  }
0xa7: {  	_ =	sdelay $0x3  }
.LBB2_7:
0xa8: {  	_ =	swait.ge [sflag:s1], $0x2000  }
0xa9: {  	[sflag:s1] =	ssyncset.done $0x0  }
0xaa: {  	[sflag:s1] =	ssyncadd.s32 $0xFFFFE000  }
.LBB2_8:
0xab: {  	v2 =	vld [tilespmem:$0x100]  }
0xac: {  	v3 =	vld [tilespmem:$0x110]  }
0xad: {  	v4 =	vld [tilespmem:$0x120]  }
0xae: {  	v5 =	vld [tilespmem:$0x130]  }
0xaf: {  	v6 =	vld [tilespmem:$0x140]  }
0xb0: {  	[tilespmem:$0x200] =	vst v2;
	v2 =	vld [tilespmem:$0x150]  }
0xb1: {  	[tilespmem:$0x210] =	vst v3;
	v3 =	vld [tilespmem:$0x160]  }
0xb2: {  	[tilespmem:$0x220] =	vst v4;
	v4 =	vld [tilespmem:$0x170]  }
0xb3: {  	[tilespmem:$0x230] =	vst v5  }
0xb4: {  	s23 =	sshll.u32 s11, $0x8;
	p1 =	seq.s32 s11, $0x4F;
	[tilespmem:$0x240] =	vst v6  }
0xb5: {  	s8 =	sadd.s32 @!p1 s23, s29;
	[tilespmem:$0x250] =	vst v2  }
0xb6: {  	s8 =	sshrl.u32 @!p1 s8, $0x3;
	[tilespmem:$0x260] =	vst v3  }
0xb7: {  	s24 =	simm.s32 @!p1 $0x0;
	s17 =	sadd.s32 @!p1 s0, s8;
	[tilespmem:$0x270] =	vst v4  }
0xb8: {  	[tilespmem:s24], [sflag:$0x1] =	stream.linear.gather @!p1 [hbm4b:s17+s24], $0x80, $0x38;
	[tilespmem:$0x1CD90] =	vst v63  }
0xb9: {  	s8 =	sadd.s32 @!p1 s10, s8;
	s17 =	simm.s32 @!p1 $0x100  }
0xba: {  	[tilespmem:s17], [sflag:$0x1] =	stream.linear.gather @!p1 [hbm4b:s8+s24], $0x80, $0x38;
	[tilespmem:$0x1CD90] =	vst v63  }
0xbb: {  	v2 =	vld [tilespmem:$0x300]  }
0xbc: {  	v3 =	vld [tilespmem:$0x400]  }
0xbd: {  	v4 =	vld [tilespmem:$0x310]  }
0xbe: {  	v5 =	vld [tilespmem:$0x410]  }
0xbf: {  	v6 =	vld [tilespmem:$0x320]  }
0xc0: {  	v7 =	vld [tilespmem:$0x420];
	_ =	sdelay $0x1  }
0xc1: {  	v8 =	vld [tilespmem:$0x430];
	v2 =	vadd.f32 v3, v2  }
0xc2: {  	v3 =	vld [tilespmem:$0x330]  }
0xc3: {  	v10 =	vld [tilespmem:$0x350];
	v4 =	vadd.f32 v5, v4;
	v9 =	vmul.f32 $2.000000030e-01, v2  }
0xc4: {  	v12 =	vld [tilespmem:$0x450];
	v6 =	vadd.f32 v7, v6;
	vm0 =	vgt.f32 v2, $0.0e+00  }
0xc5: {  	v5 =	vld [tilespmem:$0x340];
	v2 =	vsel vm0, v2, v9;
	v9 =	vmul.f32 $2.000000030e-01, v4  }
0xc6: {  	v7 =	vld [tilespmem:$0x440];
	vm9 =	vgt.f32 v4, $0.0e+00;
	v11 =	vmul.f32 $2.000000030e-01, v6;
	v2 =	vsub.f32 v2, v1  }
0xc7: {  	v13 =	vld [tilespmem:$0x370];
	vm10 =	vgt.f32 v6, $0.0e+00;
	v3 =	vadd.f32 v8, v3;
	v4 =	vsel vm9, v4, v9  }
0xc8: {  	v6 =	vsel vm10, v6, v11;
	v8 =	vld [tilespmem:$0x360];
	v2 =	vmul.f32 $1.442695020e+00, v2;
	v4 =	vsub.f32 v4, v1  }
0xc9: {  	v6 =	vsub.f32 v6, v1;
	v9 =	vld [tilespmem:$0x460];
	v11 =	vmul.f32 $2.000000030e-01, v3  }
0xca: {  	vm11 =	vgt.f32 v3, $0.0e+00;
	(erf) = vpow2.f32 v2;
	v2 =	vmul.f32 $1.442695020e+00, v4;
	v4 =	vld [tilespmem:$0x470]  }
0xcb: {  	v5 =	vadd.f32 v7, v5;
	v6 =	vmul.f32 $1.442695020e+00, v6;
	v3 =	vsel vm11, v3, v11  }
0xcc: {  	(erf) = vpow2.f32 v2;
	v2 =	vsub.f32 v3, v1  }
0xcd: {  	v3 =	vmul.f32 $2.000000030e-01, v5;
	(erf) = vpow2.f32 v6;
	v6 =	vadd.f32 v12, v10  }
0xce: {  	vm12 =	vgt.f32 v5, $0.0e+00;
	v7 =	vadd.f32 v9, v8;
	v2 =	vmul.f32 $1.442695020e+00, v2  }
0xcf: {  	v3 =	vsel vm12, v5, v3;
	v5 =	vmul.f32 $2.000000030e-01, v6;
	v4 =	vadd.f32 v4, v13  }
0xd0: {  	v8 =	vmul.f32 $2.000000030e-01, v7;
	vm14 =	vgt.f32 v7, $0.0e+00;
	vm13 =	vgt.f32 v6, $0.0e+00  }
0xd1: {  	v3 =	vsub.f32 v3, v1;
	v5 =	vsel vm13, v6, v5;
	v6 =	vmul.f32 $2.000000030e-01, v4  }
0xd2: {  	v7 =	vsel vm14, v7, v8;
	vm15 =	vgt.f32 v4, $0.0e+00;
	v5 =	vsub.f32 v5, v1  }
0xd3: {  	v3 =	vmul.f32 $1.442695020e+00, v3;
	v7 =	vsub.f32 v7, v1;
	v4 =	vsel vm15, v4, v6  }
0xd4: {  	(erf) = vpow2.f32 v2;
	v2 =	vmul.f32 $1.442695020e+00, v5;
	v4 =	vsub.f32 v4, v1  }
0xd5: {  	(erf) = vpow2.f32 v3;
	v3 =	vmul.f32 $1.442695020e+00, v7  }
0xd6: {  	(erf) = vpow2.f32 v2;
	v2 =	vmul.f32 $1.442695020e+00, v4  }
0xd7: {  	(erf) = vpow2.f32 v3  }
0xd8: {  	(erf) = vpow2.f32 v2;
	_ =	sdelay $0x1  }
0xd9: {  	v2 =	vpop (erf)  }
0xda: {  	v3 =	vpop (erf);
	[tilespmem:$0x500] =	vst v2  }
0xdb: {  	v2 =	vpop (erf);
	[tilespmem:$0x510] =	vst v3  }
0xdc: {  	v3 =	vpop (erf);
	[tilespmem:$0x520] =	vst v2  }
0xdd: {  	v2 =	vpop (erf);
	[tilespmem:$0x530] =	vst v3  }
0xde: {  	p4 =	sgt.u32 s11, $0x27;
	v3 =	vpop (erf);
	[tilespmem:$0x540] =	vst v2  }
0xdf: {  	p2 =	por !p4, !p4;
	v2 =	vpop (erf);
	[tilespmem:$0x550] =	vst v3  }
0xe0: {  	p2 =	por @!p0 p4, p4;
	[tilespmem:$0x560] =	vst v2;
	v2 =	vpop (erf)  }
0xe1: {  	s8 =	simm.s32 @p2 $0x80;
	s17 =	simm.s32 @p2 $0x200;
	s24 =	simm.s32 @p2 $0x500;
	[tilespmem:$0x570] =	vst v2  }
0xe2: {  	[spmem:s7] =	stream.indirect.scatter.add.f32 @p2 [tilespmem:s24], [sflag:$0xB], $0x1, s17, s8, $0xb8;
	[tilespmem:$0x1CD90] =	vst v63  }
0xe3: {  	s24 =	simm.s32 $0x0  }
0xe4: {  	v26 =	vld [tilespmem:s24+$0x600]  }
0xe5: {  	v27 =	vld [tilespmem:s24+$0x610]  }
0xe6: {  	v25 =	vld [tilespmem:s24+$0x620]  }
0xe7: {  	v24 =	vld [tilespmem:s24+$0x630]  }
0xe8: {  	v22 =	vld [tilespmem:s24+$0x640]  }
0xe9: {  	v23 =	vld [tilespmem:s24+$0x650]  }
0xea: {  	v21 =	vld [tilespmem:s24+$0x660]  }
0xeb: {  	v20 =	vld [tilespmem:s24+$0x670]  }
0xec: {  	v18 =	vld [tilespmem:s24+$0x680]  }
0xed: {  	v19 =	vld [tilespmem:s24+$0x690]  }
0xee: {  	v17 =	vld [tilespmem:s24+$0x6A0]  }
0xef: {  	v16 =	vld [tilespmem:s24+$0x6B0]  }
0xf0: {  	v14 =	vld [tilespmem:s24+$0x6C0]  }
0xf1: {  	v15 =	vld [tilespmem:s24+$0x6D0]  }
0xf2: {  	v12 =	vld [tilespmem:s24+$0x6E0]  }
0xf3: {  	v13 =	vld [tilespmem:s24+$0x6F0]  }
0xf4: {  	v10 =	vld [tilespmem:s24+$0x700]  }
0xf5: {  	v11 =	vld [tilespmem:s24+$0x710]  }
0xf6: {  	v9 =	vld [tilespmem:s24+$0x720]  }
0xf7: {  	v8 =	vld [tilespmem:s24+$0x730]  }
0xf8: {  	v6 =	vld [tilespmem:s24+$0x740]  }
0xf9: {  	v7 =	vld [tilespmem:s24+$0x750]  }
0xfa: {  	v5 =	vld [tilespmem:s24+$0x760]  }
0xfb: {  	v4 =	vld [tilespmem:s24+$0x770]  }
0xfc: {  	s25 =	simm.s32 $0x500;
	v3 =	vld [tilespmem:s24+$0x780]  }
0xfd: {  	s8 =	simm.s32 $0x1000;
	v2 =	vld [tilespmem:s25+$0x0]  }
.LBB2_9:
0xfe: {  	p4 =	sne.s32 s8, $0x7000;
	v28 =	vld [tilespmem:s24+$0x790]  }
0xff: {  	v29 =	vld [tilespmem:s24+$0x7A0]  }
0x100: {  	v30 =	vld [tilespmem:s24+$0x7B0]  }
0x101: {  	v31 =	vld [tilespmem:s24+$0x7C0]  }
0x102: {  	v32 =	vbroadcast v2, $0x0;
	v33 =	vbroadcast v2, $0x1;
	v34 =	vld [tilespmem:s24+$0x7D0]  }
0x103: {  	v35 =	vbroadcast v2, $0x2;
	v36 =	vbroadcast v2, $0x3;
	v37 =	vld [tilespmem:s24+$0x7E0]  }
0x104: {  	v26 =	vmul.f32 v32, v26;
	v27 =	vmul.f32 v27, v32;
	v38 =	vld [tilespmem:s24+$0x7F0]  }
0x105: {  	v25 =	vmul.f32 v25, v32;
	v24 =	vmul.f32 v24, v32;
	v32 =	vld [tilespmem:s24+$0x800]  }
0x106: {  	v22 =	vmul.f32 v22, v33;
	v23 =	vmul.f32 v23, v33;
	[tilespmem:s24+$0x4600] =	vst v26;
	v26 =	vld [tilespmem:s24+$0x810]  }
0x107: {  	v21 =	vmul.f32 v21, v33;
	v20 =	vmul.f32 v20, v33;
	[tilespmem:s24+$0x4610] =	vst v27;
	v27 =	vld [tilespmem:s24+$0x820]  }
0x108: {  	v18 =	vmul.f32 v18, v35;
	v19 =	vmul.f32 v19, v35;
	[tilespmem:s24+$0x4620] =	vst v25;
	v25 =	vld [tilespmem:s24+$0x830]  }
0x109: {  	v17 =	vmul.f32 v17, v35;
	v16 =	vmul.f32 v16, v35;
	[tilespmem:s24+$0x4630] =	vst v24;
	v24 =	vld [tilespmem:s24+$0x840]  }
0x10a: {  	v14 =	vmul.f32 v14, v36;
	v15 =	vmul.f32 v15, v36;
	[tilespmem:s24+$0x4640] =	vst v22;
	v22 =	vld [tilespmem:s24+$0x850]  }
0x10b: {  	v12 =	vmul.f32 v12, v36;
	v13 =	vmul.f32 v13, v36;
	[tilespmem:s24+$0x4650] =	vst v23;
	v23 =	vld [tilespmem:s24+$0x860]  }
0x10c: {  	v33 =	vbroadcast v2, $0x5;
	[tilespmem:s24+$0x4660] =	vst v21;
	v21 =	vbroadcast v2, $0x4;
	v35 =	vld [tilespmem:s24+$0x870]  }
0x10d: {  	v36 =	vbroadcast v2, $0x7;
	[tilespmem:s24+$0x4670] =	vst v20;
	v20 =	vbroadcast v2, $0x6;
	v39 =	vld [tilespmem:s24+$0x880]  }
0x10e: {  	[tilespmem:s24+$0x4680] =	vst v18;
	v10 =	vmul.f32 v10, v21;
	v11 =	vmul.f32 v11, v21;
	v18 =	vld [tilespmem:s24+$0x890]  }
0x10f: {  	v9 =	vmul.f32 v9, v21;
	v8 =	vmul.f32 v8, v21;
	[tilespmem:s24+$0x4690] =	vst v19;
	v19 =	vld [tilespmem:s24+$0x8A0]  }
0x110: {  	v6 =	vmul.f32 v6, v33;
	v7 =	vmul.f32 v7, v33;
	[tilespmem:s24+$0x46A0] =	vst v17;
	v17 =	vld [tilespmem:s24+$0x8B0]  }
0x111: {  	v5 =	vmul.f32 v5, v33;
	v4 =	vmul.f32 v4, v33;
	[tilespmem:s24+$0x46B0] =	vst v16;
	v16 =	vld [tilespmem:s24+$0x8C0]  }
0x112: {  	v3 =	vmul.f32 v3, v20;
	[tilespmem:s24+$0x46C0] =	vst v14;
	v14 =	vmul.f32 v28, v20;
	v21 =	vld [tilespmem:s24+$0x8D0]  }
0x113: {  	[tilespmem:s24+$0x46D0] =	vst v15;
	v15 =	vmul.f32 v29, v20;
	v20 =	vmul.f32 v30, v20;
	v28 =	vld [tilespmem:s24+$0x8E0]  }
0x114: {  	v29 =	vmul.f32 v34, v36;
	[tilespmem:s24+$0x46E0] =	vst v12;
	v12 =	vmul.f32 v31, v36;
	v30 =	vld [tilespmem:s24+$0x8F0]  }
0x115: {  	v31 =	vmul.f32 v38, v36;
	[tilespmem:s24+$0x46F0] =	vst v13;
	v13 =	vmul.f32 v37, v36;
	v33 =	vld [tilespmem:s24+$0x900]  }
0x116: {  	v34 =	vbroadcast v2, $0x9;
	[tilespmem:s24+$0x4700] =	vst v10;
	v10 =	vbroadcast v2, $0x8;
	v36 =	vld [tilespmem:s24+$0x910]  }
0x117: {  	v37 =	vbroadcast v2, $0xB;
	[tilespmem:s24+$0x4710] =	vst v11;
	v11 =	vbroadcast v2, $0xA;
	v38 =	vld [tilespmem:s24+$0x920]  }
0x118: {  	[tilespmem:s24+$0x4720] =	vst v9;
	v9 =	vmul.f32 v32, v10;
	v26 =	vmul.f32 v26, v10;
	v32 =	vld [tilespmem:s24+$0x930]  }
0x119: {  	[tilespmem:s24+$0x4730] =	vst v8;
	v8 =	vmul.f32 v27, v10;
	v10 =	vmul.f32 v25, v10;
	v25 =	vld [tilespmem:s24+$0x940]  }
0x11a: {  	v22 =	vmul.f32 v22, v34;
	[tilespmem:s24+$0x4740] =	vst v6;
	v6 =	vmul.f32 v24, v34;
	v24 =	vld [tilespmem:s24+$0x950]  }
0x11b: {  	[tilespmem:s24+$0x4750] =	vst v7;
	v7 =	vmul.f32 v23, v34;
	v23 =	vmul.f32 v35, v34;
	v27 =	vld [tilespmem:s24+$0x960]  }
0x11c: {  	v18 =	vmul.f32 v18, v11;
	[tilespmem:s24+$0x4760] =	vst v5;
	v5 =	vmul.f32 v39, v11;
	v34 =	vld [tilespmem:s24+$0x970]  }
0x11d: {  	[tilespmem:s24+$0x4770] =	vst v4;
	v4 =	vmul.f32 v19, v11;
	v11 =	vmul.f32 v17, v11;
	v17 =	vld [tilespmem:s24+$0x980]  }
0x11e: {  	[tilespmem:s24+$0x4780] =	vst v3;
	v3 =	vmul.f32 v16, v37;
	v16 =	vmul.f32 v21, v37;
	v19 =	vld [tilespmem:s24+$0x990]  }
0x11f: {  	[tilespmem:s24+$0x4790] =	vst v14;
	v14 =	vmul.f32 v28, v37;
	v28 =	vmul.f32 v30, v37;
	v21 =	vld [tilespmem:s24+$0x9A0]  }
0x120: {  	v30 =	vbroadcast v2, $0xD;
	[tilespmem:s24+$0x47A0] =	vst v15;
	v15 =	vbroadcast v2, $0xC;
	v35 =	vld [tilespmem:s24+$0x9B0]  }
0x121: {  	[tilespmem:s24+$0x47B0] =	vst v20;
	v20 =	vbroadcast v2, $0xE;
	v37 =	vld [tilespmem:s24+$0x9C0];
	v2 =	vbroadcast v2, $0xF  }
0x122: {  	[tilespmem:s24+$0x47C0] =	vst v12;
	v12 =	vmul.f32 v33, v15;
	v33 =	vmul.f32 v36, v15;
	v36 =	vld [tilespmem:s24+$0x9D0]  }
0x123: {  	[tilespmem:s24+$0x47D0] =	vst v29;
	v29 =	vmul.f32 v38, v15;
	v15 =	vmul.f32 v32, v15;
	v32 =	vld [tilespmem:s24+$0x9E0]  }
0x124: {  	v38 =	vmul.f32 v24, v30;
	[tilespmem:s24+$0x47E0] =	vst v13;
	v13 =	vmul.f32 v25, v30;
	v24 =	vld [tilespmem:s24+$0x9F0]  }
0x125: {  	[tilespmem:s24+$0x47F0] =	vst v31;
	v31 =	vmul.f32 v27, v30;
	v30 =	vmul.f32 v34, v30  }
0x126: {  	v34 =	vmul.f32 v19, v20;
	[tilespmem:s24+$0x4800] =	vst v9;
	v9 =	vmul.f32 v17, v20  }
0x127: {  	v39 =	vmul.f32 v21, v20;
	v35 =	vmul.f32 v35, v20;
	[tilespmem:s24+$0x4810] =	vst v26  }
0x128: {  	v37 =	vmul.f32 v37, v2;
	v36 =	vmul.f32 v36, v2;
	[tilespmem:s24+$0x4820] =	vst v8  }
0x129: {  	v32 =	vmul.f32 v32, v2;
	[tilespmem:s24+$0x4830] =	vst v10;
	v2 =	vmul.f32 v24, v2  }
0x12a: {  	[tilespmem:s24+$0x4840] =	vst v6  }
0x12b: {  	[tilespmem:s24+$0x4850] =	vst v22  }
0x12c: {  	s17 =	sshra.s32 s8, $0x2;
	[tilespmem:s24+$0x4860] =	vst v7  }
0x12d: {  	v26 =	vld [tilespmem:s17+$0x600];
	[tilespmem:s24+$0x4870] =	vst v23  }
0x12e: {  	v27 =	vld [tilespmem:s17+$0x610];
	[tilespmem:s24+$0x4880] =	vst v5  }
0x12f: {  	v25 =	vld [tilespmem:s17+$0x620];
	[tilespmem:s24+$0x4890] =	vst v18  }
0x130: {  	v24 =	vld [tilespmem:s17+$0x630];
	[tilespmem:s24+$0x48A0] =	vst v4  }
0x131: {  	v22 =	vld [tilespmem:s17+$0x640];
	[tilespmem:s24+$0x48B0] =	vst v11  }
0x132: {  	v23 =	vld [tilespmem:s17+$0x650];
	[tilespmem:s24+$0x48C0] =	vst v3  }
0x133: {  	v21 =	vld [tilespmem:s17+$0x660];
	[tilespmem:s24+$0x48D0] =	vst v16  }
0x134: {  	v20 =	vld [tilespmem:s17+$0x670];
	[tilespmem:s24+$0x48E0] =	vst v14  }
0x135: {  	v18 =	vld [tilespmem:s17+$0x680];
	[tilespmem:s24+$0x48F0] =	vst v28  }
0x136: {  	v19 =	vld [tilespmem:s17+$0x690];
	[tilespmem:s24+$0x4900] =	vst v12  }
0x137: {  	v17 =	vld [tilespmem:s17+$0x6A0];
	[tilespmem:s24+$0x4910] =	vst v33  }
0x138: {  	v16 =	vld [tilespmem:s17+$0x6B0];
	[tilespmem:s24+$0x4920] =	vst v29  }
0x139: {  	v14 =	vld [tilespmem:s17+$0x6C0];
	[tilespmem:s24+$0x4930] =	vst v15  }
0x13a: {  	v15 =	vld [tilespmem:s17+$0x6D0];
	[tilespmem:s24+$0x4940] =	vst v13  }
0x13b: {  	v12 =	vld [tilespmem:s17+$0x6E0];
	[tilespmem:s24+$0x4950] =	vst v38  }
0x13c: {  	v13 =	vld [tilespmem:s17+$0x6F0];
	[tilespmem:s24+$0x4960] =	vst v31  }
0x13d: {  	v10 =	vld [tilespmem:s17+$0x700];
	[tilespmem:s24+$0x4970] =	vst v30  }
0x13e: {  	v11 =	vld [tilespmem:s17+$0x710];
	[tilespmem:s24+$0x4980] =	vst v9  }
0x13f: {  	v9 =	vld [tilespmem:s17+$0x720];
	[tilespmem:s24+$0x4990] =	vst v34  }
0x140: {  	v8 =	vld [tilespmem:s17+$0x730];
	[tilespmem:s24+$0x49A0] =	vst v39  }
0x141: {  	v6 =	vld [tilespmem:s17+$0x740];
	[tilespmem:s24+$0x49B0] =	vst v35  }
.Ltmp4:
0x142: {  	v7 =	vld [tilespmem:s17+$0x750];
	[tilespmem:s24+$0x49C0] =	vst v37;
	(pc) =	sbr.rel @p4 .LBB2_9-.Ltmp4, $4  }
0x143: {  	v5 =	vld [tilespmem:s17+$0x760];
	[tilespmem:s24+$0x49D0] =	vst v36  }
0x144: {  	v4 =	vld [tilespmem:s17+$0x770];
	[tilespmem:s24+$0x49E0] =	vst v32  }
0x145: {  	s25 =	sadd.s32 $0x10, s25;
	v3 =	vld [tilespmem:s17+$0x780];
	[tilespmem:s24+$0x49F0] =	vst v2;
	s24 =	smov.u32 s17  }
0x146: {  	s8 =	sadd.s32 $0x1000, s8;
	v2 =	vld [tilespmem:s25+$0x0]  }
0x147: {  	_ =	sdelay $0x3  }
0x148: {  	v32 =	vbroadcast v2, $0x0;
	_ =	sdelay $0x1  }
0x149: {  	v26 =	vmul.f32 v32, v26  }
0x14a: {  	v27 =	vmul.f32 v27, v32  }
0x14b: {  	v37 =	vbroadcast v2, $0x1;
	v25 =	vmul.f32 v25, v32;
	[tilespmem:s24+$0x4600] =	vst v26  }
0x14c: {  	v24 =	vmul.f32 v24, v32;
	[tilespmem:s24+$0x4610] =	vst v27  }
0x14d: {  	v22 =	vmul.f32 v22, v37;
	[tilespmem:s24+$0x4620] =	vst v25  }
0x14e: {  	v23 =	vmul.f32 v23, v37;
	[tilespmem:s24+$0x4630] =	vst v24  }
0x14f: {  	v55 =	vbroadcast v2, $0x2;
	v21 =	vmul.f32 v21, v37;
	[tilespmem:s24+$0x4640] =	vst v22  }
0x150: {  	v20 =	vmul.f32 v20, v37;
	[tilespmem:s24+$0x4650] =	vst v23  }
0x151: {  	v18 =	vmul.f32 v18, v55;
	[tilespmem:s24+$0x4660] =	vst v21  }
0x152: {  	v19 =	vmul.f32 v19, v55;
	[tilespmem:s24+$0x4670] =	vst v20  }
0x153: {  	v56 =	vbroadcast v2, $0x3;
	v17 =	vmul.f32 v17, v55;
	[tilespmem:s24+$0x4680] =	vst v18  }
0x154: {  	v16 =	vmul.f32 v16, v55;
	[tilespmem:s24+$0x4690] =	vst v19  }
0x155: {  	v14 =	vmul.f32 v14, v56;
	[tilespmem:s24+$0x46A0] =	vst v17  }
0x156: {  	v15 =	vmul.f32 v15, v56;
	[tilespmem:s24+$0x46B0] =	vst v16  }
0x157: {  	v57 =	vbroadcast v2, $0x4;
	v12 =	vmul.f32 v12, v56;
	[tilespmem:s24+$0x46C0] =	vst v14  }
0x158: {  	v13 =	vmul.f32 v13, v56;
	[tilespmem:s24+$0x46D0] =	vst v15  }
0x159: {  	v10 =	vmul.f32 v10, v57;
	[tilespmem:s24+$0x46E0] =	vst v12  }
0x15a: {  	v11 =	vmul.f32 v11, v57;
	[tilespmem:s24+$0x46F0] =	vst v13  }
0x15b: {  	v59 =	vbroadcast v2, $0x5;
	v9 =	vmul.f32 v9, v57;
	[tilespmem:s24+$0x4700] =	vst v10  }
0x15c: {  	v8 =	vmul.f32 v8, v57;
	[tilespmem:s24+$0x4710] =	vst v11  }
0x15d: {  	v28 =	vld [tilespmem:s24+$0x790];
	v6 =	vmul.f32 v6, v59;
	[tilespmem:s24+$0x4720] =	vst v9  }
0x15e: {  	v29 =	vld [tilespmem:s24+$0x7A0];
	v7 =	vmul.f32 v7, v59;
	[tilespmem:s24+$0x4730] =	vst v8  }
0x15f: {  	v30 =	vld [tilespmem:s24+$0x7B0];
	v40 =	vbroadcast v2, $0x6;
	v5 =	vmul.f32 v5, v59;
	[tilespmem:s24+$0x4740] =	vst v6  }
0x160: {  	v31 =	vld [tilespmem:s24+$0x7C0];
	v4 =	vmul.f32 v4, v59;
	[tilespmem:s24+$0x4750] =	vst v7  }
0x161: {  	v33 =	vld [tilespmem:s24+$0x7D0];
	v3 =	vmul.f32 v3, v40;
	[tilespmem:s24+$0x4760] =	vst v5  }
0x162: {  	v34 =	vld [tilespmem:s24+$0x7E0];
	v28 =	vmul.f32 v28, v40;
	[tilespmem:s24+$0x4770] =	vst v4  }
0x163: {  	v35 =	vld [tilespmem:s24+$0x7F0];
	v44 =	vbroadcast v2, $0x7;
	v29 =	vmul.f32 v29, v40;
	[tilespmem:s24+$0x4780] =	vst v3  }
0x164: {  	v36 =	vld [tilespmem:s24+$0x800];
	v30 =	vmul.f32 v30, v40;
	[tilespmem:s24+$0x4790] =	vst v28  }
0x165: {  	v54 =	vld [tilespmem:s24+$0x810];
	v31 =	vmul.f32 v31, v44;
	[tilespmem:s24+$0x47A0] =	vst v29  }
0x166: {  	v58 =	vld [tilespmem:s24+$0x910];
	v47 =	vmul.f32 v33, v44;
	[tilespmem:s24+$0x47B0] =	vst v30  }
0x167: {  	v60 =	vld [tilespmem:s24+$0x930];
	v50 =	vbroadcast v2, $0x8;
	v49 =	vmul.f32 v34, v44;
	[tilespmem:s24+$0x47C0] =	vst v31  }
0x168: {  	v42 =	vld [tilespmem:s24+$0x980];
	v35 =	vmul.f32 v35, v44;
	[tilespmem:s24+$0x47D0] =	vst v47  }
0x169: {  	v43 =	vld [tilespmem:s24+$0x9A0];
	v52 =	vmul.f32 v36, v50;
	v57 =	vbroadcast v2, $0xC;
	[tilespmem:s24+$0x47E0] =	vst v49  }
0x16a: {  	v61 =	vld [tilespmem:s24+$0x940];
	v26 =	vmul.f32 v54, v50;
	[tilespmem:s24+$0x47F0] =	vst v35  }
0x16b: {  	v62 =	vld [tilespmem:s24+$0x950];
	v59 =	vbroadcast v2, $0xE;
	[tilespmem:s24+$0x4800] =	vst v52;
	v10 =	vmul.f32 v58, v57  }
0x16c: {  	v63 =	vld [tilespmem:s24+$0x960];
	v9 =	vmul.f32 v60, v57;
	[tilespmem:s24+$0x4810] =	vst v26  }
0x16d: {  	v41 =	vld [tilespmem:s24+$0x970];
	v58 =	vbroadcast v2, $0xD;
	v4 =	vmul.f32 v42, v59;
	[tilespmem:s24+$0x4910] =	vst v10  }
0x16e: {  	v45 =	vld [tilespmem:s24+$0x9B0];
	v60 =	vmul.f32 v43, v59;
	[tilespmem:s24+$0x4930] =	vst v9  }
0x16f: {  	v48 =	vld [tilespmem:s24+$0x9D0];
	v55 =	vbroadcast v2, $0xA;
	v8 =	vmul.f32 v61, v58;
	[tilespmem:s24+$0x4980] =	vst v4  }
0x170: {  	v51 =	vld [tilespmem:s24+$0x9E0];
	v56 =	vbroadcast v2, $0xB;
	v6 =	vmul.f32 v62, v58;
	[tilespmem:s24+$0x49A0] =	vst v60  }
0x171: {  	v27 =	vld [tilespmem:s24+$0x820];
	v54 =	vbroadcast v2, $0x9;
	v7 =	vmul.f32 v63, v58;
	[tilespmem:s24+$0x4940] =	vst v8  }
0x172: {  	v25 =	vld [tilespmem:s24+$0x830];
	v2 =	vbroadcast v2, $0xF;
	v5 =	vmul.f32 v41, v58;
	[tilespmem:s24+$0x4950] =	vst v6  }
0x173: {  	v24 =	vld [tilespmem:s24+$0x840];
	v61 =	vmul.f32 v45, v59;
	[tilespmem:s24+$0x4960] =	vst v7  }
0x174: {  	v22 =	vld [tilespmem:s24+$0x850];
	v62 =	vmul.f32 v48, v2;
	[tilespmem:s24+$0x4970] =	vst v5  }
0x175: {  	v23 =	vld [tilespmem:s24+$0x860];
	v63 =	vmul.f32 v51, v2;
	[tilespmem:s24+$0x49B0] =	vst v61  }
0x176: {  	v21 =	vld [tilespmem:s24+$0x870];
	[tilespmem:s24+$0x49D0] =	vst v62;
	v27 =	vmul.f32 v27, v50  }
0x177: {  	v20 =	vld [tilespmem:s24+$0x880];
	[tilespmem:s24+$0x49E0] =	vst v63;
	v25 =	vmul.f32 v25, v50  }
0x178: {  	v18 =	vld [tilespmem:s24+$0x890];
	v24 =	vmul.f32 v24, v54;
	[tilespmem:s24+$0x4820] =	vst v27  }
0x179: {  	v19 =	vld [tilespmem:s24+$0x8A0];
	v22 =	vmul.f32 v22, v54;
	[tilespmem:s24+$0x4830] =	vst v25  }
0x17a: {  	v17 =	vld [tilespmem:s24+$0x8B0];
	v23 =	vmul.f32 v23, v54;
	[tilespmem:s24+$0x4840] =	vst v24  }
0x17b: {  	v16 =	vld [tilespmem:s24+$0x8C0];
	v21 =	vmul.f32 v21, v54;
	[tilespmem:s24+$0x4850] =	vst v22  }
0x17c: {  	v14 =	vld [tilespmem:s24+$0x8D0];
	v20 =	vmul.f32 v20, v55;
	[tilespmem:s24+$0x4860] =	vst v23  }
0x17d: {  	v15 =	vld [tilespmem:s24+$0x8E0];
	v18 =	vmul.f32 v18, v55;
	[tilespmem:s24+$0x4870] =	vst v21  }
0x17e: {  	v12 =	vld [tilespmem:s24+$0x8F0];
	v19 =	vmul.f32 v19, v55;
	[tilespmem:s24+$0x4880] =	vst v20  }
0x17f: {  	v13 =	vld [tilespmem:s24+$0x900];
	v17 =	vmul.f32 v17, v55;
	[tilespmem:s24+$0x4890] =	vst v18  }
0x180: {  	v3 =	vld [tilespmem:s24+$0x990];
	v16 =	vmul.f32 v16, v56;
	[tilespmem:s24+$0x48A0] =	vst v19  }
0x181: {  	v11 =	vld [tilespmem:s24+$0x920];
	v14 =	vmul.f32 v14, v56;
	[tilespmem:s24+$0x48B0] =	vst v17  }
0x182: {  	v46 =	vld [tilespmem:s24+$0x9C0];
	v15 =	vmul.f32 v15, v56;
	[tilespmem:s24+$0x48C0] =	vst v16  }
0x183: {  	v53 =	vld [tilespmem:s24+$0x9F0];
	v12 =	vmul.f32 v12, v56;
	[tilespmem:s24+$0x48D0] =	vst v14  }
0x184: {  	v13 =	vmul.f32 v13, v57;
	[tilespmem:s24+$0x48E0] =	vst v15  }
0x185: {  	v3 =	vmul.f32 v3, v59;
	[tilespmem:s24+$0x48F0] =	vst v12  }
0x186: {  	v11 =	vmul.f32 v11, v57;
	[tilespmem:s24+$0x4900] =	vst v13  }
0x187: {  	[tilespmem:s24+$0x4990] =	vst v3;
	v3 =	vmul.f32 v46, v2  }
0x188: {  	[tilespmem:s24+$0x4920] =	vst v11;
	v2 =	vmul.f32 v53, v2  }
0x189: {  	[tilespmem:s24+$0x49C0] =	vst v3  }
0x18a: {  	s8 =	simm.s32 $0x200;
	[tilespmem:s24+$0x49F0] =	vst v2  }
0x18b: {  	[spmem:s5] =	stream.indirect.scatter.add.f32 [tilespmem:s16], [sflag:$0x9], $0x40, s8, s18, $0xb8;
	[tilespmem:$0x1CD90] =	vst v63  }
0x18c: {  	s8 =	simm.s32 @!p1 $0x1  }
0x18d: {  	_ =	swait.ge @!p1 [sflag:s8], $0x80  }
0x18e: {  	[sflag:s8] =	ssyncset.done @!p1 $0x0  }
0x18f: {  	[sflag:s8] =	ssyncadd.s32 @!p1 $0xFFFFFF80  }
0x190: {  	_ =	swait.ge @!p1 [sflag:s8], $0x80  }
0x191: {  	s17 =	simm.s32 @!p1 $0x0;
	[sflag:s8] =	ssyncset.done @!p1 $0x0  }
0x192: {  	s24 =	simm.s32 @!p1 $0x300;
	[sflag:s8] =	ssyncadd.s32 @!p1 $0xFFFFFF80;
	s8 =	simm.s32 @!p1 $0x80  }
0x193: {  	[tilespmem:s24], [sflag:$0x3] =	stream.indirect.gather @!p1 [spmem:s3], $0x1, s17, s8, $0xb8;
	[tilespmem:$0x1CD90] =	vst v63  }
0x194: {  	s25 =	simm.s32 @!p1 $0x400;
	s24 =	simm.s32 @!p1 $0x100  }
0x195: {  	[tilespmem:s25], [sflag:$0x5] =	stream.indirect.gather @!p1 [spmem:s4], $0x1, s24, s8, $0xb8;
	[tilespmem:$0x1CD90] =	vst v63  }
0x196: {  	s24 =	simm.s32 @!p1 $0x600  }
0x197: {  	[tilespmem:s24], [sflag:$0x7] =	stream.indirect.gather @!p1 [spmem:s2], $0x40, s17, s8, $0xb8;
	[tilespmem:$0x1CD90] =	vst v63  }
0x198: {  	_ =	swait.ge [sflag:s9], $0x80  }
0x199: {  	[sflag:s9] =	ssyncset.done $0x0  }
0x19a: {  	[sflag:s9] =	ssyncadd.s32 $0xFFFFFF80  }
0x19b: {  	_ =	swait.ge [sflag:s12], $0x80  }
.Ltmp5:
0x19c: {  	[sflag:s12] =	ssyncset.done $0x0;
	(pc) =	sbr.rel @!p3 .LBB2_12-.Ltmp5, $4  }
0x19d: {  	[sflag:s12] =	ssyncadd.s32 $0xFFFFFF80  }
0x19e: {  	_ =	swait.ge [sflag:s13], $0x2000  }
0x19f: {  	[sflag:s13] =	ssyncset.done $0x0  }
0x1a0: {  	[sflag:s13] =	ssyncadd.s32 $0xFFFFE000  }
.Ltmp6:
0x1a1: {  	(pc) =	sbr.rel .LBB2_13-.Ltmp6, $4  }
0x1a2: {  	_ = 	snop  }
0x1a3: {  	_ =	swait.ge [sflag:s14], $0x80  }
0x1a4: {  	[sflag:s14] =	ssyncset.done $0x0  }
0x1a5: {  	[sflag:s14] =	ssyncadd.s32 $0xFFFFFF80  }
.LBB2_12:
0x1a6: {  	p3 =	seq.s32 s11, $0x0  }
.Ltmp7:
0x1a7: {  	_ = 	snop;
	(pc) =	sbr.rel @p3 .LBB2_14-.Ltmp7, $1  }
0x1a8: {  	_ =	sdelay $0x3  }
.LBB2_13:
0x1a9: {  	_ =	swait.ge [sflag:s19], $0x2000  }
0x1aa: {  	[sflag:s19] =	ssyncset.done $0x0  }
0x1ab: {  	[sflag:s19] =	ssyncadd.s32 $0xFFFFE000  }
.LBB2_14:
0x1ac: {  	v2 =	vld [tilespmem:$0x180]  }
0x1ad: {  	v3 =	vld [tilespmem:$0x190]  }
0x1ae: {  	v4 =	vld [tilespmem:$0x1A0]  }
0x1af: {  	v5 =	vld [tilespmem:$0x1B0]  }
0x1b0: {  	v6 =	vld [tilespmem:$0x1C0]  }
0x1b1: {  	[tilespmem:$0x280] =	vst v2;
	v2 =	vld [tilespmem:$0x1D0]  }
0x1b2: {  	[tilespmem:$0x290] =	vst v3;
	v3 =	vld [tilespmem:$0x1E0]  }
0x1b3: {  	[tilespmem:$0x2A0] =	vst v4;
	v4 =	vld [tilespmem:$0x1F0]  }
0x1b4: {  	[tilespmem:$0x2B0] =	vst v5  }
0x1b5: {  	[tilespmem:$0x2C0] =	vst v6  }
0x1b6: {  	s8 =	sadd.s32 @!p1 s23, s30;
	[tilespmem:$0x2D0] =	vst v2  }
0x1b7: {  	s8 =	sshrl.u32 @!p1 s8, $0x3;
	[tilespmem:$0x2E0] =	vst v3  }
0x1b8: {  	s23 =	simm.s32 @!p1 $0x0;
	s24 =	simm.s32 @!p1 $0x80;
	s17 =	sadd.s32 @!p1 s0, s8;
	[tilespmem:$0x2F0] =	vst v4  }
0x1b9: {  	[tilespmem:s24], [sflag:$0x2] =	stream.linear.gather @!p1 [hbm4b:s17+s23], $0x80, $0x38;
	[tilespmem:$0x1CD90] =	vst v63  }
0x1ba: {  	s8 =	sadd.s32 @!p1 s10, s8;
	s17 =	simm.s32 @!p1 $0x180  }
0x1bb: {  	[tilespmem:s17], [sflag:$0x2] =	stream.linear.gather @!p1 [hbm4b:s8+s23], $0x80, $0x38;
	[tilespmem:$0x1CD90] =	vst v63  }
0x1bc: {  	v2 =	vld [tilespmem:$0x380]  }
0x1bd: {  	v3 =	vld [tilespmem:$0x480]  }
0x1be: {  	v4 =	vld [tilespmem:$0x390]  }
0x1bf: {  	v5 =	vld [tilespmem:$0x490]  }
0x1c0: {  	v6 =	vld [tilespmem:$0x3A0]  }
0x1c1: {  	v7 =	vld [tilespmem:$0x4A0];
	_ =	sdelay $0x1  }
0x1c2: {  	v8 =	vld [tilespmem:$0x4B0];
	v2 =	vadd.f32 v3, v2  }
0x1c3: {  	v3 =	vld [tilespmem:$0x3B0]  }
0x1c4: {  	v10 =	vld [tilespmem:$0x3D0];
	v4 =	vadd.f32 v5, v4;
	v9 =	vmul.f32 $2.000000030e-01, v2  }
0x1c5: {  	v12 =	vld [tilespmem:$0x4D0];
	v6 =	vadd.f32 v7, v6;
	vm0 =	vgt.f32 v2, $0.0e+00  }
0x1c6: {  	v5 =	vld [tilespmem:$0x3C0];
	v2 =	vsel vm0, v2, v9;
	v9 =	vmul.f32 $2.000000030e-01, v4  }
0x1c7: {  	v7 =	vld [tilespmem:$0x4C0];
	vm9 =	vgt.f32 v4, $0.0e+00;
	v11 =	vmul.f32 $2.000000030e-01, v6;
	v2 =	vsub.f32 v2, v1  }
0x1c8: {  	v13 =	vld [tilespmem:$0x3F0];
	vm10 =	vgt.f32 v6, $0.0e+00;
	v3 =	vadd.f32 v8, v3;
	v4 =	vsel vm9, v4, v9  }
0x1c9: {  	v6 =	vsel vm10, v6, v11;
	v8 =	vld [tilespmem:$0x3E0];
	v2 =	vmul.f32 $1.442695020e+00, v2;
	v4 =	vsub.f32 v4, v1  }
0x1ca: {  	v6 =	vsub.f32 v6, v1;
	v9 =	vld [tilespmem:$0x4E0];
	v11 =	vmul.f32 $2.000000030e-01, v3  }
0x1cb: {  	vm11 =	vgt.f32 v3, $0.0e+00;
	(erf) = vpow2.f32 v2;
	v2 =	vmul.f32 $1.442695020e+00, v4;
	v4 =	vld [tilespmem:$0x4F0]  }
0x1cc: {  	v5 =	vadd.f32 v7, v5;
	v6 =	vmul.f32 $1.442695020e+00, v6;
	v3 =	vsel vm11, v3, v11  }
0x1cd: {  	(erf) = vpow2.f32 v2;
	v2 =	vsub.f32 v3, v1  }
0x1ce: {  	v3 =	vmul.f32 $2.000000030e-01, v5;
	(erf) = vpow2.f32 v6;
	v6 =	vadd.f32 v12, v10  }
0x1cf: {  	vm12 =	vgt.f32 v5, $0.0e+00;
	v7 =	vadd.f32 v9, v8;
	v2 =	vmul.f32 $1.442695020e+00, v2  }
0x1d0: {  	v3 =	vsel vm12, v5, v3;
	v5 =	vmul.f32 $2.000000030e-01, v6;
	v4 =	vadd.f32 v4, v13  }
0x1d1: {  	v8 =	vmul.f32 $2.000000030e-01, v7;
	vm14 =	vgt.f32 v7, $0.0e+00;
	vm13 =	vgt.f32 v6, $0.0e+00  }
0x1d2: {  	v3 =	vsub.f32 v3, v1;
	v5 =	vsel vm13, v6, v5;
	v6 =	vmul.f32 $2.000000030e-01, v4  }
0x1d3: {  	v7 =	vsel vm14, v7, v8;
	vm15 =	vgt.f32 v4, $0.0e+00;
	v5 =	vsub.f32 v5, v1  }
0x1d4: {  	v3 =	vmul.f32 $1.442695020e+00, v3;
	v7 =	vsub.f32 v7, v1;
	v4 =	vsel vm15, v4, v6  }
0x1d5: {  	(erf) = vpow2.f32 v2;
	v2 =	vmul.f32 $1.442695020e+00, v5;
	v4 =	vsub.f32 v4, v1  }
0x1d6: {  	(erf) = vpow2.f32 v3;
	v3 =	vmul.f32 $1.442695020e+00, v7  }
0x1d7: {  	(erf) = vpow2.f32 v2;
	v2 =	vmul.f32 $1.442695020e+00, v4  }
0x1d8: {  	(erf) = vpow2.f32 v3  }
0x1d9: {  	(erf) = vpow2.f32 v2;
	_ =	sdelay $0x1  }
0x1da: {  	v2 =	vpop (erf)  }
0x1db: {  	v3 =	vpop (erf);
	[tilespmem:$0x580] =	vst v2  }
0x1dc: {  	v2 =	vpop (erf);
	[tilespmem:$0x590] =	vst v3  }
0x1dd: {  	v3 =	vpop (erf);
	[tilespmem:$0x5A0] =	vst v2  }
0x1de: {  	v2 =	vpop (erf);
	[tilespmem:$0x5B0] =	vst v3  }
0x1df: {  	v3 =	vpop (erf);
	[tilespmem:$0x5C0] =	vst v2  }
0x1e0: {  	v2 =	vpop (erf);
	[tilespmem:$0x5D0] =	vst v3  }
0x1e1: {  	[tilespmem:$0x5E0] =	vst v2;
	v2 =	vpop (erf)  }
0x1e2: {  	s8 =	simm.s32 @p2 $0x80;
	s17 =	simm.s32 @p2 $0x280;
	s23 =	simm.s32 @p2 $0x580;
	[tilespmem:$0x5F0] =	vst v2  }
0x1e3: {  	[spmem:s7] =	stream.indirect.scatter.add.f32 @p2 [tilespmem:s23], [sflag:$0xC], $0x1, s17, s8, $0xb8;
	[tilespmem:$0x1CD90] =	vst v63  }
0x1e4: {  	s23 =	simm.s32 $0x0  }
0x1e5: {  	v26 =	vld [tilespmem:s23+$0x2600]  }
0x1e6: {  	v27 =	vld [tilespmem:s23+$0x2610]  }
0x1e7: {  	v25 =	vld [tilespmem:s23+$0x2620]  }
0x1e8: {  	v24 =	vld [tilespmem:s23+$0x2630]  }
0x1e9: {  	v22 =	vld [tilespmem:s23+$0x2640]  }
0x1ea: {  	v23 =	vld [tilespmem:s23+$0x2650]  }
0x1eb: {  	v21 =	vld [tilespmem:s23+$0x2660]  }
0x1ec: {  	v20 =	vld [tilespmem:s23+$0x2670]  }
0x1ed: {  	v18 =	vld [tilespmem:s23+$0x2680]  }
0x1ee: {  	v19 =	vld [tilespmem:s23+$0x2690]  }
0x1ef: {  	v17 =	vld [tilespmem:s23+$0x26A0]  }
0x1f0: {  	v16 =	vld [tilespmem:s23+$0x26B0]  }
0x1f1: {  	v14 =	vld [tilespmem:s23+$0x26C0]  }
0x1f2: {  	v15 =	vld [tilespmem:s23+$0x26D0]  }
0x1f3: {  	v12 =	vld [tilespmem:s23+$0x26E0]  }
0x1f4: {  	v13 =	vld [tilespmem:s23+$0x26F0]  }
0x1f5: {  	v10 =	vld [tilespmem:s23+$0x2700]  }
0x1f6: {  	v11 =	vld [tilespmem:s23+$0x2710]  }
0x1f7: {  	v9 =	vld [tilespmem:s23+$0x2720]  }
0x1f8: {  	v8 =	vld [tilespmem:s23+$0x2730]  }
0x1f9: {  	v6 =	vld [tilespmem:s23+$0x2740]  }
0x1fa: {  	v7 =	vld [tilespmem:s23+$0x2750]  }
0x1fb: {  	v5 =	vld [tilespmem:s23+$0x2760]  }
0x1fc: {  	v4 =	vld [tilespmem:s23+$0x2770]  }
0x1fd: {  	s24 =	simm.s32 $0x580;
	v3 =	vld [tilespmem:s23+$0x2780]  }
0x1fe: {  	s8 =	simm.s32 $0x1000;
	v2 =	vld [tilespmem:s24+$0x0]  }
.LBB2_15:
0x1ff: {  	p1 =	sne.s32 s8, $0x7000;
	v28 =	vld [tilespmem:s23+$0x2790]  }
0x200: {  	v29 =	vld [tilespmem:s23+$0x27A0]  }
0x201: {  	v30 =	vld [tilespmem:s23+$0x27B0]  }
0x202: {  	v31 =	vld [tilespmem:s23+$0x27C0]  }
0x203: {  	v32 =	vbroadcast v2, $0x0;
	v33 =	vbroadcast v2, $0x1;
	v34 =	vld [tilespmem:s23+$0x27D0]  }
0x204: {  	v35 =	vbroadcast v2, $0x2;
	v36 =	vbroadcast v2, $0x3;
	v37 =	vld [tilespmem:s23+$0x27E0]  }
0x205: {  	v26 =	vmul.f32 v32, v26;
	v27 =	vmul.f32 v27, v32;
	v38 =	vld [tilespmem:s23+$0x27F0]  }
0x206: {  	v25 =	vmul.f32 v25, v32;
	v24 =	vmul.f32 v24, v32;
	v32 =	vld [tilespmem:s23+$0x2800]  }
0x207: {  	v22 =	vmul.f32 v22, v33;
	v23 =	vmul.f32 v23, v33;
	[tilespmem:s23+$0x6600] =	vst v26;
	v26 =	vld [tilespmem:s23+$0x2810]  }
0x208: {  	v21 =	vmul.f32 v21, v33;
	v20 =	vmul.f32 v20, v33;
	[tilespmem:s23+$0x6610] =	vst v27;
	v27 =	vld [tilespmem:s23+$0x2820]  }
0x209: {  	v18 =	vmul.f32 v18, v35;
	v19 =	vmul.f32 v19, v35;
	[tilespmem:s23+$0x6620] =	vst v25;
	v25 =	vld [tilespmem:s23+$0x2830]  }
0x20a: {  	v17 =	vmul.f32 v17, v35;
	v16 =	vmul.f32 v16, v35;
	[tilespmem:s23+$0x6630] =	vst v24;
	v24 =	vld [tilespmem:s23+$0x2840]  }
0x20b: {  	v14 =	vmul.f32 v14, v36;
	v15 =	vmul.f32 v15, v36;
	[tilespmem:s23+$0x6640] =	vst v22;
	v22 =	vld [tilespmem:s23+$0x2850]  }
0x20c: {  	v12 =	vmul.f32 v12, v36;
	v13 =	vmul.f32 v13, v36;
	[tilespmem:s23+$0x6650] =	vst v23;
	v23 =	vld [tilespmem:s23+$0x2860]  }
0x20d: {  	v33 =	vbroadcast v2, $0x5;
	[tilespmem:s23+$0x6660] =	vst v21;
	v21 =	vbroadcast v2, $0x4;
	v35 =	vld [tilespmem:s23+$0x2870]  }
0x20e: {  	v36 =	vbroadcast v2, $0x7;
	[tilespmem:s23+$0x6670] =	vst v20;
	v20 =	vbroadcast v2, $0x6;
	v39 =	vld [tilespmem:s23+$0x2880]  }
0x20f: {  	[tilespmem:s23+$0x6680] =	vst v18;
	v10 =	vmul.f32 v10, v21;
	v11 =	vmul.f32 v11, v21;
	v18 =	vld [tilespmem:s23+$0x2890]  }
0x210: {  	v9 =	vmul.f32 v9, v21;
	v8 =	vmul.f32 v8, v21;
	[tilespmem:s23+$0x6690] =	vst v19;
	v19 =	vld [tilespmem:s23+$0x28A0]  }
0x211: {  	v6 =	vmul.f32 v6, v33;
	v7 =	vmul.f32 v7, v33;
	[tilespmem:s23+$0x66A0] =	vst v17;
	v17 =	vld [tilespmem:s23+$0x28B0]  }
0x212: {  	v5 =	vmul.f32 v5, v33;
	v4 =	vmul.f32 v4, v33;
	[tilespmem:s23+$0x66B0] =	vst v16;
	v16 =	vld [tilespmem:s23+$0x28C0]  }
0x213: {  	v3 =	vmul.f32 v3, v20;
	[tilespmem:s23+$0x66C0] =	vst v14;
	v14 =	vmul.f32 v28, v20;
	v21 =	vld [tilespmem:s23+$0x28D0]  }
0x214: {  	[tilespmem:s23+$0x66D0] =	vst v15;
	v15 =	vmul.f32 v29, v20;
	v20 =	vmul.f32 v30, v20;
	v28 =	vld [tilespmem:s23+$0x28E0]  }
0x215: {  	v29 =	vmul.f32 v34, v36;
	[tilespmem:s23+$0x66E0] =	vst v12;
	v12 =	vmul.f32 v31, v36;
	v30 =	vld [tilespmem:s23+$0x28F0]  }
0x216: {  	v31 =	vmul.f32 v38, v36;
	[tilespmem:s23+$0x66F0] =	vst v13;
	v13 =	vmul.f32 v37, v36;
	v33 =	vld [tilespmem:s23+$0x2900]  }
0x217: {  	v34 =	vbroadcast v2, $0x9;
	[tilespmem:s23+$0x6700] =	vst v10;
	v10 =	vbroadcast v2, $0x8;
	v36 =	vld [tilespmem:s23+$0x2910]  }
0x218: {  	v37 =	vbroadcast v2, $0xB;
	[tilespmem:s23+$0x6710] =	vst v11;
	v11 =	vbroadcast v2, $0xA;
	v38 =	vld [tilespmem:s23+$0x2920]  }
0x219: {  	[tilespmem:s23+$0x6720] =	vst v9;
	v9 =	vmul.f32 v32, v10;
	v26 =	vmul.f32 v26, v10;
	v32 =	vld [tilespmem:s23+$0x2930]  }
0x21a: {  	[tilespmem:s23+$0x6730] =	vst v8;
	v8 =	vmul.f32 v27, v10;
	v10 =	vmul.f32 v25, v10;
	v25 =	vld [tilespmem:s23+$0x2940]  }
0x21b: {  	v22 =	vmul.f32 v22, v34;
	[tilespmem:s23+$0x6740] =	vst v6;
	v6 =	vmul.f32 v24, v34;
	v24 =	vld [tilespmem:s23+$0x2950]  }
0x21c: {  	[tilespmem:s23+$0x6750] =	vst v7;
	v7 =	vmul.f32 v23, v34;
	v23 =	vmul.f32 v35, v34;
	v27 =	vld [tilespmem:s23+$0x2960]  }
0x21d: {  	v18 =	vmul.f32 v18, v11;
	[tilespmem:s23+$0x6760] =	vst v5;
	v5 =	vmul.f32 v39, v11;
	v34 =	vld [tilespmem:s23+$0x2970]  }
0x21e: {  	[tilespmem:s23+$0x6770] =	vst v4;
	v4 =	vmul.f32 v19, v11;
	v11 =	vmul.f32 v17, v11;
	v17 =	vld [tilespmem:s23+$0x2980]  }
0x21f: {  	[tilespmem:s23+$0x6780] =	vst v3;
	v3 =	vmul.f32 v16, v37;
	v16 =	vmul.f32 v21, v37;
	v19 =	vld [tilespmem:s23+$0x2990]  }
0x220: {  	[tilespmem:s23+$0x6790] =	vst v14;
	v14 =	vmul.f32 v28, v37;
	v28 =	vmul.f32 v30, v37;
	v21 =	vld [tilespmem:s23+$0x29A0]  }
0x221: {  	v30 =	vbroadcast v2, $0xD;
	[tilespmem:s23+$0x67A0] =	vst v15;
	v15 =	vbroadcast v2, $0xC;
	v35 =	vld [tilespmem:s23+$0x29B0]  }
0x222: {  	[tilespmem:s23+$0x67B0] =	vst v20;
	v20 =	vbroadcast v2, $0xE;
	v37 =	vld [tilespmem:s23+$0x29C0];
	v2 =	vbroadcast v2, $0xF  }
0x223: {  	[tilespmem:s23+$0x67C0] =	vst v12;
	v12 =	vmul.f32 v33, v15;
	v33 =	vmul.f32 v36, v15;
	v36 =	vld [tilespmem:s23+$0x29D0]  }
0x224: {  	[tilespmem:s23+$0x67D0] =	vst v29;
	v29 =	vmul.f32 v38, v15;
	v15 =	vmul.f32 v32, v15;
	v32 =	vld [tilespmem:s23+$0x29E0]  }
0x225: {  	v38 =	vmul.f32 v24, v30;
	[tilespmem:s23+$0x67E0] =	vst v13;
	v13 =	vmul.f32 v25, v30;
	v24 =	vld [tilespmem:s23+$0x29F0]  }
0x226: {  	[tilespmem:s23+$0x67F0] =	vst v31;
	v31 =	vmul.f32 v27, v30;
	v30 =	vmul.f32 v34, v30  }
0x227: {  	v34 =	vmul.f32 v19, v20;
	[tilespmem:s23+$0x6800] =	vst v9;
	v9 =	vmul.f32 v17, v20  }
0x228: {  	v39 =	vmul.f32 v21, v20;
	v35 =	vmul.f32 v35, v20;
	[tilespmem:s23+$0x6810] =	vst v26  }
0x229: {  	v37 =	vmul.f32 v37, v2;
	v36 =	vmul.f32 v36, v2;
	[tilespmem:s23+$0x6820] =	vst v8  }
0x22a: {  	v32 =	vmul.f32 v32, v2;
	[tilespmem:s23+$0x6830] =	vst v10;
	v2 =	vmul.f32 v24, v2  }
0x22b: {  	[tilespmem:s23+$0x6840] =	vst v6  }
0x22c: {  	[tilespmem:s23+$0x6850] =	vst v22  }
0x22d: {  	s17 =	sshra.s32 s8, $0x2;
	[tilespmem:s23+$0x6860] =	vst v7  }
0x22e: {  	v26 =	vld [tilespmem:s17+$0x2600];
	[tilespmem:s23+$0x6870] =	vst v23  }
0x22f: {  	v27 =	vld [tilespmem:s17+$0x2610];
	[tilespmem:s23+$0x6880] =	vst v5  }
0x230: {  	v25 =	vld [tilespmem:s17+$0x2620];
	[tilespmem:s23+$0x6890] =	vst v18  }
0x231: {  	v24 =	vld [tilespmem:s17+$0x2630];
	[tilespmem:s23+$0x68A0] =	vst v4  }
0x232: {  	v22 =	vld [tilespmem:s17+$0x2640];
	[tilespmem:s23+$0x68B0] =	vst v11  }
0x233: {  	v23 =	vld [tilespmem:s17+$0x2650];
	[tilespmem:s23+$0x68C0] =	vst v3  }
0x234: {  	v21 =	vld [tilespmem:s17+$0x2660];
	[tilespmem:s23+$0x68D0] =	vst v16  }
0x235: {  	v20 =	vld [tilespmem:s17+$0x2670];
	[tilespmem:s23+$0x68E0] =	vst v14  }
0x236: {  	v18 =	vld [tilespmem:s17+$0x2680];
	[tilespmem:s23+$0x68F0] =	vst v28  }
0x237: {  	v19 =	vld [tilespmem:s17+$0x2690];
	[tilespmem:s23+$0x6900] =	vst v12  }
0x238: {  	v17 =	vld [tilespmem:s17+$0x26A0];
	[tilespmem:s23+$0x6910] =	vst v33  }
0x239: {  	v16 =	vld [tilespmem:s17+$0x26B0];
	[tilespmem:s23+$0x6920] =	vst v29  }
0x23a: {  	v14 =	vld [tilespmem:s17+$0x26C0];
	[tilespmem:s23+$0x6930] =	vst v15  }
0x23b: {  	v15 =	vld [tilespmem:s17+$0x26D0];
	[tilespmem:s23+$0x6940] =	vst v13  }
0x23c: {  	v12 =	vld [tilespmem:s17+$0x26E0];
	[tilespmem:s23+$0x6950] =	vst v38  }
0x23d: {  	v13 =	vld [tilespmem:s17+$0x26F0];
	[tilespmem:s23+$0x6960] =	vst v31  }
0x23e: {  	v10 =	vld [tilespmem:s17+$0x2700];
	[tilespmem:s23+$0x6970] =	vst v30  }
0x23f: {  	v11 =	vld [tilespmem:s17+$0x2710];
	[tilespmem:s23+$0x6980] =	vst v9  }
0x240: {  	v9 =	vld [tilespmem:s17+$0x2720];
	[tilespmem:s23+$0x6990] =	vst v34  }
0x241: {  	v8 =	vld [tilespmem:s17+$0x2730];
	[tilespmem:s23+$0x69A0] =	vst v39  }
0x242: {  	v6 =	vld [tilespmem:s17+$0x2740];
	[tilespmem:s23+$0x69B0] =	vst v35  }
.Ltmp8:
0x243: {  	v7 =	vld [tilespmem:s17+$0x2750];
	[tilespmem:s23+$0x69C0] =	vst v37;
	(pc) =	sbr.rel @p1 .LBB2_15-.Ltmp8, $4  }
0x244: {  	v5 =	vld [tilespmem:s17+$0x2760];
	[tilespmem:s23+$0x69D0] =	vst v36  }
0x245: {  	v4 =	vld [tilespmem:s17+$0x2770];
	[tilespmem:s23+$0x69E0] =	vst v32  }
0x246: {  	s24 =	sadd.s32 $0x10, s24;
	v3 =	vld [tilespmem:s17+$0x2780];
	[tilespmem:s23+$0x69F0] =	vst v2;
	s23 =	smov.u32 s17  }
0x247: {  	s8 =	sadd.s32 $0x1000, s8;
	v2 =	vld [tilespmem:s24+$0x0]  }
0x248: {  	_ =	sdelay $0x3  }
0x249: {  	v32 =	vbroadcast v2, $0x0;
	_ =	sdelay $0x1  }
0x24a: {  	v26 =	vmul.f32 v32, v26  }
0x24b: {  	v27 =	vmul.f32 v27, v32  }
0x24c: {  	v37 =	vbroadcast v2, $0x1;
	v25 =	vmul.f32 v25, v32;
	[tilespmem:s23+$0x6600] =	vst v26  }
0x24d: {  	v24 =	vmul.f32 v24, v32;
	[tilespmem:s23+$0x6610] =	vst v27  }
0x24e: {  	v22 =	vmul.f32 v22, v37;
	[tilespmem:s23+$0x6620] =	vst v25  }
0x24f: {  	v23 =	vmul.f32 v23, v37;
	[tilespmem:s23+$0x6630] =	vst v24  }
0x250: {  	v55 =	vbroadcast v2, $0x2;
	v21 =	vmul.f32 v21, v37;
	[tilespmem:s23+$0x6640] =	vst v22  }
0x251: {  	v20 =	vmul.f32 v20, v37;
	[tilespmem:s23+$0x6650] =	vst v23  }
0x252: {  	v18 =	vmul.f32 v18, v55;
	[tilespmem:s23+$0x6660] =	vst v21  }
0x253: {  	v19 =	vmul.f32 v19, v55;
	[tilespmem:s23+$0x6670] =	vst v20  }
0x254: {  	v56 =	vbroadcast v2, $0x3;
	v17 =	vmul.f32 v17, v55;
	[tilespmem:s23+$0x6680] =	vst v18  }
0x255: {  	v16 =	vmul.f32 v16, v55;
	[tilespmem:s23+$0x6690] =	vst v19  }
0x256: {  	v14 =	vmul.f32 v14, v56;
	[tilespmem:s23+$0x66A0] =	vst v17  }
0x257: {  	v15 =	vmul.f32 v15, v56;
	[tilespmem:s23+$0x66B0] =	vst v16  }
0x258: {  	v57 =	vbroadcast v2, $0x4;
	v12 =	vmul.f32 v12, v56;
	[tilespmem:s23+$0x66C0] =	vst v14  }
0x259: {  	v13 =	vmul.f32 v13, v56;
	[tilespmem:s23+$0x66D0] =	vst v15  }
0x25a: {  	v10 =	vmul.f32 v10, v57;
	[tilespmem:s23+$0x66E0] =	vst v12  }
0x25b: {  	v11 =	vmul.f32 v11, v57;
	[tilespmem:s23+$0x66F0] =	vst v13  }
0x25c: {  	v59 =	vbroadcast v2, $0x5;
	v9 =	vmul.f32 v9, v57;
	[tilespmem:s23+$0x6700] =	vst v10  }
0x25d: {  	v8 =	vmul.f32 v8, v57;
	[tilespmem:s23+$0x6710] =	vst v11  }
0x25e: {  	v28 =	vld [tilespmem:s23+$0x2790];
	v6 =	vmul.f32 v6, v59;
	[tilespmem:s23+$0x6720] =	vst v9  }
0x25f: {  	v29 =	vld [tilespmem:s23+$0x27A0];
	v7 =	vmul.f32 v7, v59;
	[tilespmem:s23+$0x6730] =	vst v8  }
0x260: {  	v30 =	vld [tilespmem:s23+$0x27B0];
	v40 =	vbroadcast v2, $0x6;
	v5 =	vmul.f32 v5, v59;
	[tilespmem:s23+$0x6740] =	vst v6  }
0x261: {  	v31 =	vld [tilespmem:s23+$0x27C0];
	v4 =	vmul.f32 v4, v59;
	[tilespmem:s23+$0x6750] =	vst v7  }
0x262: {  	v33 =	vld [tilespmem:s23+$0x27D0];
	v3 =	vmul.f32 v3, v40;
	[tilespmem:s23+$0x6760] =	vst v5  }
0x263: {  	v34 =	vld [tilespmem:s23+$0x27E0];
	v28 =	vmul.f32 v28, v40;
	[tilespmem:s23+$0x6770] =	vst v4  }
0x264: {  	v35 =	vld [tilespmem:s23+$0x27F0];
	v44 =	vbroadcast v2, $0x7;
	v29 =	vmul.f32 v29, v40;
	[tilespmem:s23+$0x6780] =	vst v3  }
0x265: {  	v36 =	vld [tilespmem:s23+$0x2800];
	v30 =	vmul.f32 v30, v40;
	[tilespmem:s23+$0x6790] =	vst v28  }
0x266: {  	v54 =	vld [tilespmem:s23+$0x2810];
	v31 =	vmul.f32 v31, v44;
	[tilespmem:s23+$0x67A0] =	vst v29  }
0x267: {  	v58 =	vld [tilespmem:s23+$0x2910];
	v47 =	vmul.f32 v33, v44;
	[tilespmem:s23+$0x67B0] =	vst v30  }
0x268: {  	v60 =	vld [tilespmem:s23+$0x2930];
	v50 =	vbroadcast v2, $0x8;
	v49 =	vmul.f32 v34, v44;
	[tilespmem:s23+$0x67C0] =	vst v31  }
0x269: {  	v42 =	vld [tilespmem:s23+$0x2980];
	v35 =	vmul.f32 v35, v44;
	[tilespmem:s23+$0x67D0] =	vst v47  }
0x26a: {  	v43 =	vld [tilespmem:s23+$0x29A0];
	v52 =	vmul.f32 v36, v50;
	v57 =	vbroadcast v2, $0xC;
	[tilespmem:s23+$0x67E0] =	vst v49  }
0x26b: {  	v61 =	vld [tilespmem:s23+$0x2940];
	v26 =	vmul.f32 v54, v50;
	[tilespmem:s23+$0x67F0] =	vst v35  }
0x26c: {  	v62 =	vld [tilespmem:s23+$0x2950];
	v59 =	vbroadcast v2, $0xE;
	[tilespmem:s23+$0x6800] =	vst v52;
	v10 =	vmul.f32 v58, v57  }
0x26d: {  	v63 =	vld [tilespmem:s23+$0x2960];
	v9 =	vmul.f32 v60, v57;
	[tilespmem:s23+$0x6810] =	vst v26  }
0x26e: {  	v41 =	vld [tilespmem:s23+$0x2970];
	v58 =	vbroadcast v2, $0xD;
	v4 =	vmul.f32 v42, v59;
	[tilespmem:s23+$0x6910] =	vst v10  }
0x26f: {  	v45 =	vld [tilespmem:s23+$0x29B0];
	v60 =	vmul.f32 v43, v59;
	[tilespmem:s23+$0x6930] =	vst v9  }
0x270: {  	v48 =	vld [tilespmem:s23+$0x29D0];
	v55 =	vbroadcast v2, $0xA;
	v8 =	vmul.f32 v61, v58;
	[tilespmem:s23+$0x6980] =	vst v4  }
0x271: {  	v51 =	vld [tilespmem:s23+$0x29E0];
	v56 =	vbroadcast v2, $0xB;
	v6 =	vmul.f32 v62, v58;
	[tilespmem:s23+$0x69A0] =	vst v60  }
0x272: {  	v27 =	vld [tilespmem:s23+$0x2820];
	v54 =	vbroadcast v2, $0x9;
	v7 =	vmul.f32 v63, v58;
	[tilespmem:s23+$0x6940] =	vst v8  }
0x273: {  	v25 =	vld [tilespmem:s23+$0x2830];
	v2 =	vbroadcast v2, $0xF;
	v5 =	vmul.f32 v41, v58;
	[tilespmem:s23+$0x6950] =	vst v6  }
0x274: {  	v24 =	vld [tilespmem:s23+$0x2840];
	v61 =	vmul.f32 v45, v59;
	[tilespmem:s23+$0x6960] =	vst v7  }
0x275: {  	v22 =	vld [tilespmem:s23+$0x2850];
	v62 =	vmul.f32 v48, v2;
	[tilespmem:s23+$0x6970] =	vst v5  }
0x276: {  	v23 =	vld [tilespmem:s23+$0x2860];
	v63 =	vmul.f32 v51, v2;
	[tilespmem:s23+$0x69B0] =	vst v61  }
0x277: {  	v21 =	vld [tilespmem:s23+$0x2870];
	[tilespmem:s23+$0x69D0] =	vst v62;
	v27 =	vmul.f32 v27, v50  }
0x278: {  	v20 =	vld [tilespmem:s23+$0x2880];
	[tilespmem:s23+$0x69E0] =	vst v63;
	v25 =	vmul.f32 v25, v50  }
0x279: {  	v18 =	vld [tilespmem:s23+$0x2890];
	v24 =	vmul.f32 v24, v54;
	[tilespmem:s23+$0x6820] =	vst v27  }
0x27a: {  	v19 =	vld [tilespmem:s23+$0x28A0];
	v22 =	vmul.f32 v22, v54;
	[tilespmem:s23+$0x6830] =	vst v25  }
0x27b: {  	v17 =	vld [tilespmem:s23+$0x28B0];
	v23 =	vmul.f32 v23, v54;
	[tilespmem:s23+$0x6840] =	vst v24  }
0x27c: {  	v16 =	vld [tilespmem:s23+$0x28C0];
	v21 =	vmul.f32 v21, v54;
	[tilespmem:s23+$0x6850] =	vst v22  }
0x27d: {  	v14 =	vld [tilespmem:s23+$0x28D0];
	v20 =	vmul.f32 v20, v55;
	[tilespmem:s23+$0x6860] =	vst v23  }
0x27e: {  	v15 =	vld [tilespmem:s23+$0x28E0];
	v18 =	vmul.f32 v18, v55;
	[tilespmem:s23+$0x6870] =	vst v21  }
0x27f: {  	v12 =	vld [tilespmem:s23+$0x28F0];
	v19 =	vmul.f32 v19, v55;
	[tilespmem:s23+$0x6880] =	vst v20  }
0x280: {  	v13 =	vld [tilespmem:s23+$0x2900];
	v17 =	vmul.f32 v17, v55;
	[tilespmem:s23+$0x6890] =	vst v18  }
0x281: {  	v3 =	vld [tilespmem:s23+$0x2990];
	v16 =	vmul.f32 v16, v56;
	[tilespmem:s23+$0x68A0] =	vst v19  }
0x282: {  	v11 =	vld [tilespmem:s23+$0x2920];
	v14 =	vmul.f32 v14, v56;
	[tilespmem:s23+$0x68B0] =	vst v17  }
0x283: {  	v46 =	vld [tilespmem:s23+$0x29C0];
	v15 =	vmul.f32 v15, v56;
	[tilespmem:s23+$0x68C0] =	vst v16  }
0x284: {  	v53 =	vld [tilespmem:s23+$0x29F0];
	v12 =	vmul.f32 v12, v56;
	[tilespmem:s23+$0x68D0] =	vst v14  }
0x285: {  	v13 =	vmul.f32 v13, v57;
	[tilespmem:s23+$0x68E0] =	vst v15  }
0x286: {  	s11 =	sadd.s32 $0x1, s11;
	v3 =	vmul.f32 v3, v59;
	[tilespmem:s23+$0x68F0] =	vst v12  }
0x287: {  	p1 =	sne.s32 s11, $0x50;
	v11 =	vmul.f32 v11, v57;
	[tilespmem:s23+$0x6900] =	vst v13  }
.Ltmp9:
0x288: {  	[tilespmem:s23+$0x6990] =	vst v3;
	v3 =	vmul.f32 v46, v2;
	(pc) =	sbr.rel @p1 .LBB2_4-.Ltmp9, $4  }
0x289: {  	[tilespmem:s23+$0x6920] =	vst v11;
	v2 =	vmul.f32 v53, v2  }
0x28a: {  	[tilespmem:s23+$0x69C0] =	vst v3  }
0x28b: {  	s8 =	simm.s32 $0x280;
	[tilespmem:s23+$0x69F0] =	vst v2  }
0x28c: {  	[spmem:s5] =	stream.indirect.scatter.add.f32 [tilespmem:s21], [sflag:$0xA], $0x40, s8, s18, $0xb8;
	[tilespmem:$0x1CD90] =	vst v63  }
0x28d: {  	s8 =	simm.s32 @p0 $0x9  }
0x28e: {  	_ =	swait.ge @p0 [sflag:s8], $0x2000  }
0x28f: {  	[sflag:s8] =	ssyncset.done @p0 $0x0  }
0x290: {  	[sflag:s8] =	ssyncadd.s32 @p0 $0xFFFFE000;
	s8 =	simm.s32 @!p0 $0xB  }
0x291: {  	_ =	swait.ge @!p0 [sflag:s8], $0x80  }
0x292: {  	[sflag:s8] =	ssyncset.done @!p0 $0x0  }
0x293: {  	[sflag:s8] =	ssyncadd.s32 @!p0 $0xFFFFFF80;
	s8 =	simm.s32 @!p0 $0x9  }
0x294: {  	_ =	swait.ge @!p0 [sflag:s8], $0x2000  }
0x295: {  	[sflag:s8] =	ssyncset.done @!p0 $0x0  }
0x296: {  	[sflag:s8] =	ssyncadd.s32 @!p0 $0xFFFFE000;
	s8 =	simm.s32 @!p0 $0xC  }
0x297: {  	_ =	swait.ge @!p0 [sflag:s8], $0x80  }
0x298: {  	[sflag:s8] =	ssyncset.done @!p0 $0x0  }
0x299: {  	[sflag:s8] =	ssyncadd.s32 @!p0 $0xFFFFFF80  }
0x29a: {  	_ =	swait.ge [sflag:s19], $0x2000  }
0x29b: {  	[sflag:s19] =	ssyncset.done $0x0  }
0x29c: {  	[sflag:s19] =	ssyncadd.s32 $0xFFFFE000  }
0x29d: {  	[bflag:$0x0] =	sbarrier.arrive $0xFFFF  }
0x29e: {  	s11 =	rddreg [dreg:$0xc]  }
0x29f: {  	s17 =	rddreg [dreg:$0x1b]  }
0x2a0: {  	s8 =	sshrl.u32 s11, $0x3;
	s11 =	rddreg [dreg:$0x9]  }
0x2a1: {  	[hbm:s17], [sflag:s11] =	dma.local [spmem:s8], $0x1400  }
0x2a2: {  	_ =	swait.ge [sflag:s15], $0x1400  }
0x2a3: {  	[sflag:s15] =	ssyncset.done $0x0;
	s17 =	rddreg [dreg:$0x11]  }
0x2a4: {  	s23 =	rddreg [dreg:$0x1c];
	[sflag:s15] =	ssyncadd.s32 $0xFFFFEC00;
	s8 =	sshrl.u32 s17, $0x3  }
0x2a5: {  	[hbm:s23], [sflag:s11] =	dma.local [spmem:s8], $0x50  }
0x2a6: {  	_ =	swait.ge [sflag:s15], $0x50  }
0x2a7: {  	s24 =	sld [smem:$0x7FC];
	_ =	sdelay $0x2  }
0x2a8: {  	s25 =	rddreg [dreg:$0x1d];
	s17 =	sadd.s32 $0x1, s24  }
0x2a9: {  	p1 =	sne.s32 s17, s25  }
.Ltmp10:
0x2aa: {  	_ = 	snop;
	(pc) =	sbr.rel @p1 .LBB2_1-.Ltmp10, $3  }
0x2ab: {  	_ =	sdelay $0x1  }
0x2ac: {  	[sflag:s15] =	ssyncset.done $0x0  }
0x2ad: {  	[sflag:s15] =	ssyncadd.s32 $0xFFFFFFB0  }
0x2ae: {  	_ =	sfence.sel $0x180000  }
0x2af: {  	[bflag:$0x0] =	sbarrier.arrive $0xFFFF  }
0x2b0: {  	_ =	strace $0x90000047  }
0x2b1: {  	s0 =	stileid.u32;
	[bflag:$0x2] =	sbarrier.arrive $0xFFFF  }
0x2b2: {  	p0 =	sne.s32 s0, $0x0;
	s0 =	rddreg [dreg:$0x7]  }
0x2b3: {  	s0 =	sadd.s32 @!p0 $0x100000, s0  }
0x2b4: {  	[sflag:s0] =	ssyncadd.tile.s32 @!p0 $0x1;
	_ =	shalt  }
.Lfunc_end2:
_tile_overlayer_lowered:
.L_overlay_start_2:
0x2b5: {  	(tag) =	ssettag $0x2  }
0x2b6: {  	s0 =	rddreg [dreg:$0x0];
	s2 =	stileid.u32  }
0x2b7: {  	s1 =	rddreg [dreg:$0x1];
	p0 =	sne.s32 s2, $0x0  }
0x2b8: {  	s3 =	rddreg [dreg:$0x2];
	[bflag:$0x3] =	sbarrier.arrive $0xFFFF;
	s2 =	simm.s32 @!p0 $0x1C0D  }
0x2b9: {  	[timem:s3], [sflag:s2] =	dma.local @!p0 [hbm:s0], s1  }
0x2ba: {  	s0 =	simm.s32 @!p0 $0xD  }
0x2bb: {  	_ =	swait.ge @!p0 [sflag:s0], s1  }
0x2bc: {  	s1 =	ssub.s32 @!p0 $0x0, s1;
	[sflag:s0] =	ssyncset.done @!p0 $0x0  }
0x2bd: {  	[sflag:s0] =	ssyncadd.s32 @!p0 s1  }
0x2be: {  	[bflag:$0x3] =	sbarrier.arrive $0xFFFF  }
0x2bf: {  	_ =	shalt  }

</sc_bundles>
